<compile_context>
chip_gen: v7x
topology: tpu7x:2x2x1
jax: 0.10.2.dev20260603
libtpu: 0.0.44.dev20260713+nightly
codegen_flags: <defaults>
</compile_context>

<pallas_src>
import functools

import jax
import jax.numpy as jnp
from jax import lax
from jax.experimental import pallas as pl
from jax.experimental.pallas import tpu as pltpu
from jax.experimental.pallas import tpu_sc as plsc

B = 4096
DIM = 64
TOK = 8
NC, NS, L = 2, 16, 16
NW = NC * NS
TW = B // NW
G = TW // L
MARGIN = 1.0


def _rsqrt(x):
    i = plsc.bitcast(x, jnp.int32)
    y = plsc.bitcast(jnp.int32(0x5F3759DF) - (i >> 1), jnp.float32)
    for _ in range(3):
        y = y * (1.5 - 0.5 * x * y * y)
    return y


def _sc_body(eh_f, et_f, rr_f, th_f, tt_f, tr_f, wemb,
             loss_o, pd_o, nd_o,
             ehb, etb, rrb, thb, ttb, trb,
             wrA, wrB, wiA, wiB, pbuf, dv, lv,
             semA, semB):
    wid = lax.axis_index("s") * NC + lax.axis_index("c")
    iota = lax.broadcasted_iota(jnp.int32, (L,), 0)
    zf = jnp.zeros((L,), jnp.float32)
    tok_bufs = (thb, trb, ttb)

    def build_fire(g, wi, wr, sem):
        for t, tkb in enumerate(tok_bufs):
            for j in range(TOK):
                tv = plsc.load_gather(tkb, [(g * L + iota) * TOK + j])
                wi[pl.ds((t * TOK + j) * L, L)] = tv
        for t in range(3):
            pltpu.async_copy(wemb.at[wi.at[pl.ds(t * 128, 128)]],
                             wr.at[pl.ds(t * 128, 128)], sem)

    def drain(wi, wr, sem):
        for t in range(3):
            pltpu.make_async_copy(wemb.at[wi.at[pl.ds(t * 128, 128)]],
                                  wr.at[pl.ds(t * 128, 128)], sem).wait()

    def compute(set_id, g, wr):
        rows0 = (g * L + iota) * DIM

        def main(dd, carry):
            sh, st = carry
            for u in range(2):
                d = dd * 2 + u
                sums = []
                for t in range(3):
                    s = plsc.load_gather(wr, [(t * TOK) * L + iota, lax.broadcast(d, (L,))])
                    for j in range(1, TOK):
                        s = s + plsc.load_gather(
                            wr, [(t * TOK + j) * L + iota, lax.broadcast(d, (L,))])
                    sums.append(s)
                eh = plsc.load_gather(ehb, [rows0 + d])
                et = plsc.load_gather(etb, [rows0 + d])
                rr = plsc.load_gather(rrb, [rows0 + d])
                pbuf[pl.ds(0 * DIM * L + d * L, L)] = eh * sums[0]
                pbuf[pl.ds(1 * DIM * L + d * L, L)] = rr * sums[1]
                pbuf[pl.ds(2 * DIM * L + d * L, L)] = et * sums[2]
                sh = sh + eh * eh
                st = st + et * et
            return sh, st

        sh, st = lax.fori_loop(0, DIM // 2, main, (zf, zf))
        inv_h = _rsqrt(sh) * 0.125
        inv_t = _rsqrt(st) * 0.125

        def p2(d, acc):
            a = pbuf[pl.ds(0 * DIM * L + d * L, L)]
            b = pbuf[pl.ds(1 * DIM * L + d * L, L)]
            c = pbuf[pl.ds(2 * DIM * L + d * L, L)]
            return acc + jnp.abs(a * inv_h + b * 0.125 - c * inv_t)

        dist = lax.fori_loop(0, DIM, p2, zf)
        dv[pl.ds(set_id * TW + g * L, L)] = dist

    for set_id in range(2):
        tbase = set_id * B + wid * TW
        stage = [
            pltpu.async_copy(eh_f.at[pl.ds(pl.multiple_of(tbase * DIM, 8), TW * DIM)], ehb, semA),
            pltpu.async_copy(et_f.at[pl.ds(pl.multiple_of(tbase * DIM, 8), TW * DIM)], etb, semA),
            pltpu.async_copy(rr_f.at[pl.ds(pl.multiple_of(tbase * DIM, 8), TW * DIM)], rrb, semA),
            pltpu.async_copy(th_f.at[pl.ds(pl.multiple_of(tbase * TOK, 8), TW * TOK)], thb, semA),
            pltpu.async_copy(tt_f.at[pl.ds(pl.multiple_of(tbase * TOK, 8), TW * TOK)], ttb, semA),
            pltpu.async_copy(tr_f.at[pl.ds(pl.multiple_of(tbase * TOK, 8), TW * TOK)], trb, semA),
        ]
        for cp in stage:
            cp.wait()

        build_fire(0, wiA, wrA, semA)

        def pair(gp, _):
            ga = gp * 2
            build_fire(ga + 1, wiB, wrB, semB)
            drain(wiA, wrA, semA)
            compute(set_id, ga, wrA)

            @pl.when(gp < G // 2 - 1)
            def _():
                build_fire(ga + 2, wiA, wrA, semA)

            drain(wiB, wrB, semB)
            compute(set_id, ga + 1, wrB)
            return 0

        lax.fori_loop(0, G // 2, pair, 0)

    for k in range(TW // L):
        s = pl.ds(k * L, L)
        lv[s] = jnp.maximum(dv[s] - dv[pl.ds(TW + k * L, L)] + MARGIN, 0.0)

    obase = pl.multiple_of(wid * TW, 8)
    pltpu.sync_copy(lv, loss_o.at[pl.ds(obase, TW)])
    pltpu.sync_copy(dv.at[pl.ds(0, TW)], pd_o.at[pl.ds(obase, TW)])
    pltpu.sync_copy(dv.at[pl.ds(TW, TW)], nd_o.at[pl.ds(obase, TW)])


@jax.jit
def _sc_call(eh_f, et_f, rr_f, th_f, tt_f, tr_f, wemb):
    mesh = plsc.VectorSubcoreMesh(core_axis_name="c", subcore_axis_name="s")
    f32 = jnp.float32
    i32 = jnp.int32
    run = functools.partial(
        pl.kernel,
        out_type=[jax.ShapeDtypeStruct((B,), f32)] * 3,
        mesh=mesh,
        compiler_params=pltpu.CompilerParams(
            use_tc_tiling_on_sc=False, needs_layout_passes=False,
            disable_bounds_checks=True),
        scratch_types=[
            pltpu.VMEM((TW * DIM,), f32),
            pltpu.VMEM((TW * DIM,), f32),
            pltpu.VMEM((TW * DIM,), f32),
            pltpu.VMEM((TW * TOK,), i32),
            pltpu.VMEM((TW * TOK,), i32),
            pltpu.VMEM((TW * TOK,), i32),
            pltpu.VMEM((3 * TOK * L, DIM), f32),
            pltpu.VMEM((3 * TOK * L, DIM), f32),
            pltpu.VMEM((3 * TOK * L,), i32),
            pltpu.VMEM((3 * TOK * L,), i32),
            pltpu.VMEM((3 * DIM * L,), f32),
            pltpu.VMEM((2 * TW,), f32),
            pltpu.VMEM((TW,), f32),
            pltpu.SemaphoreType.DMA,
            pltpu.SemaphoreType.DMA,
        ],
    )(_sc_body)
    return run(eh_f, et_f, rr_f, th_f, tt_f, tr_f, wemb)


def kernel(positive_triplets, negative_triplets, entities_emb, relations_emb,
           word_emb, entity_token_ids, relation_token_ids):
    hs = jnp.concatenate([positive_triplets[:, 0], negative_triplets[:, 0]])
    rs = jnp.concatenate([positive_triplets[:, 1], negative_triplets[:, 1]])
    ts = jnp.concatenate([positive_triplets[:, 2], negative_triplets[:, 2]])
    eh_f = entities_emb[hs].reshape(-1)
    et_f = entities_emb[ts].reshape(-1)
    rr_f = relations_emb[rs].reshape(-1)
    th_f = entity_token_ids[hs].reshape(-1)
    tt_f = entity_token_ids[ts].reshape(-1)
    tr_f = relation_token_ids[rs].reshape(-1)
    loss, pd, nd = _sc_call(eh_f, et_f, rr_f, th_f, tt_f, tr_f, word_emb)
    return (loss, pd, nd)

# --- scband reference (transcript-rebuilt; emitter-appended) ---
"""Pipeline reference for scband-trans-w-76338748720053 (READ-ONLY COPY).

The authoritative reference and input builder live on the scoring server;
editing this copy changes nothing except your own understanding.
"""

import jax, jax.numpy as jnp
import numpy as np

ENTITY_COUNT = 1000000
RELATION_COUNT = 1000000
DIM = 64
VOCAB = 32000
TOK_LEN = 8
B = 4096
MARGIN = 1.0


def setup_inputs(seed: int = 0) -> dict:
    key = jax.random.key(seed)
    ks = jax.random.split(key, 8)
    u = 6.0 / np.sqrt(DIM)
    # entity embedding table, uniform init (padding row also uniform, matching torch
    # since .uniform_ overwrites the zeroed padding row)
    entities_emb = jax.random.uniform(ks[0], (ENTITY_COUNT + 1, DIM), minval=-u, maxval=u, dtype=jnp.float32)
    relations_emb = jax.random.uniform(ks[1], (RELATION_COUNT + 1, DIM), minval=-u, maxval=u, dtype=jnp.float32)
    # L1-normalize all relation rows except the last (padding) row, as in _init_relation_emb
    rel_main = relations_emb[:-1]
    rel_main = rel_main / jnp.sum(jnp.abs(rel_main), axis=1, keepdims=True)
    relations_emb = jnp.concatenate([rel_main, relations_emb[-1:]], axis=0)
    # LM input-embedding table (stand-in for lm.get_input_embeddings())
    word_emb = jax.random.normal(ks[2], (VOCAB, DIM), dtype=jnp.float32) * 0.02
    # fixed tokenization: each entity/relation name maps to TOK_LEN token ids
    entity_token_ids = jax.random.randint(ks[3], (ENTITY_COUNT + 1, TOK_LEN), 0, VOCAB, dtype=jnp.int32)
    relation_token_ids = jax.random.randint(ks[4], (RELATION_COUNT + 1, TOK_LEN), 0, VOCAB, dtype=jnp.int32)
    positive_triplets = jax.random.randint(ks[5], (B, 3), 0, ENTITY_COUNT, dtype=jnp.int32)
    negative_triplets = jax.random.randint(ks[6], (B, 3), 0, ENTITY_COUNT, dtype=jnp.int32)
    return {
        'positive_triplets': positive_triplets,
        'negative_triplets': negative_triplets,
        'entities_emb': entities_emb,
        'relations_emb': relations_emb,
        'word_emb': word_emb,
        'entity_token_ids': entity_token_ids,
        'relation_token_ids': relation_token_ids,
    }


def reference(positive_triplets, negative_triplets, entities_emb, relations_emb, word_emb, entity_token_ids, relation_token_ids):
    # forward() begins by L2-normalizing all entity rows except the padding row (in-place on .data)
    ent_main = entities_emb[:-1]
    ent_main = ent_main / jnp.linalg.norm(ent_main, axis=1, keepdims=True)
    entities_emb = jnp.concatenate([ent_main, entities_emb[-1:]], axis=0)

    def text_emb(token_table, ids):
        toks = jnp.take(token_table, ids, axis=0)          # [B, TOK_LEN]
        embs = jnp.take(word_emb, toks, axis=0)            # [B, TOK_LEN, DIM]
        return embs.mean(axis=1)                           # mean over tokens

    def distance(triplets):
        heads = triplets[:, 0]
        relations = triplets[:, 1]
        tails = triplets[:, 2]
        h = jnp.take(entities_emb, heads, axis=0) * text_emb(entity_token_ids, heads)
        r = jnp.take(relations_emb, relations, axis=0) * text_emb(relation_token_ids, relations)
        t = jnp.take(entities_emb, tails, axis=0) * text_emb(entity_token_ids, tails)
        v = h + r - t
        return jnp.sum(jnp.abs(v), axis=1)                 # p=1 norm over dim

    positive_distances = distance(positive_triplets)
    negative_distances = distance(negative_triplets)
    # MarginRankingLoss(margin, reduction='none') with target = -1:
    # loss = max(0, pos - neg + margin)
    loss = jnp.maximum(0.0, positive_distances - negative_distances + MARGIN)
    return (loss, positive_distances, negative_distances)

if __name__ == "__main__":
    import jax
    _d = setup_inputs()
    print(jax.jit(kernel)(*tuple(_d.values())))

</pallas_src>

<mosaic_0001>
#map = affine_map<(d0, d1) -> (0)>
#map1 = affine_map<(d0, d1) -> (0, 0)>
module attributes {stable_mosaic.version = 14 : i64} {
  func.func @_sc_body(%arg0: i32, %arg1: i32, %arg2: memref<524288xf32, #tpu.memory_space<hbm>>, %arg3: memref<524288xf32, #tpu.memory_space<hbm>>, %arg4: memref<524288xf32, #tpu.memory_space<hbm>>, %arg5: memref<65536xi32, #tpu.memory_space<hbm>>, %arg6: memref<65536xi32, #tpu.memory_space<hbm>>, %arg7: memref<65536xi32, #tpu.memory_space<hbm>>, %arg8: memref<32000x64xf32, #tpu.memory_space<hbm>>, %arg9: memref<4096xf32, #tpu.memory_space<hbm>>, %arg10: memref<4096xf32, #tpu.memory_space<hbm>>, %arg11: memref<4096xf32, #tpu.memory_space<hbm>>, %arg12: memref<8192xf32, #tpu.memory_space<vmem>>, %arg13: memref<8192xf32, #tpu.memory_space<vmem>>, %arg14: memref<8192xf32, #tpu.memory_space<vmem>>, %arg15: memref<1024xi32, #tpu.memory_space<vmem>>, %arg16: memref<1024xi32, #tpu.memory_space<vmem>>, %arg17: memref<1024xi32, #tpu.memory_space<vmem>>, %arg18: memref<384x64xf32, #tpu.memory_space<vmem>>, %arg19: memref<384x64xf32, #tpu.memory_space<vmem>>, %arg20: memref<384xi32, #tpu.memory_space<vmem>>, %arg21: memref<384xi32, #tpu.memory_space<vmem>>, %arg22: memref<3072xf32, #tpu.memory_space<vmem>>, %arg23: memref<256xf32, #tpu.memory_space<vmem>>, %arg24: memref<128xf32, #tpu.memory_space<vmem>>, %arg25: memref<!tpu.dma_semaphore, #tpu.memory_space<semaphore_mem>>, %arg26: memref<!tpu.dma_semaphore, #tpu.memory_space<semaphore_mem>>) attributes {dimension_semantics = [#tpu.dimension_semantics<core_parallel>, #tpu.dimension_semantics<subcore_parallel>], iteration_bounds = array<i64: 2, 16>, scalar_prefetch = 0 : i64, scratch_operands = 15 : i64, tpu.core_type = #tpu.core_type<sc_vector_subcore>, window_params = [{transform_indices = #map}, {transform_indices = #map}, {transform_indices = #map}, {transform_indices = #map}, {transform_indices = #map}, {transform_indices = #map}, {transform_indices = #map1}, {transform_indices = #map}, {transform_indices = #map}, {transform_indices = #map}]} {
    %mul3A = arith.constant 2 : i32
    %mul3A_0 = arith.muli %arg1, %mul3A : i32
    %add3A = arith.addi %mul3A_0, %arg0 : i32
    %iota3A = tpu.iota {dimensions = array<i32: 0>} : vector<16xi32>
    %broadcast_in_dim3A = arith.constant 0.000000e+00 : f32
    %broadcast_in_dim3A_1 = vector.broadcast %broadcast_in_dim3A : f32 to vector<16xf32>
    %mul3A_2 = arith.constant 128 : i32
    %mul3A_3 = arith.muli %add3A, %mul3A_2 : i32
    %add3A_4 = arith.constant 0 : i32
    %add3A_5 = arith.addi %add3A_4, %mul3A_3 : i32
    %mul3A_6 = arith.constant 64 : i32
    %mul3A_7 = arith.muli %add3A_5, %mul3A_6 : i32
    %multiple_of3A = tpu.assume_multiple %mul3A_7, 8 : i32
    %dma_start3A = tpu.memref_slice %arg2[%multiple_of3A] : memref<524288xf32, #tpu.memory_space<hbm>> -> memref<8192xf32, #tpu.memory_space<hbm>>
    %dma_start3A_8 = tpu.memref_slice %arg2[%multiple_of3A] : memref<524288xf32, #tpu.memory_space<hbm>> -> memref<8192xf32, #tpu.memory_space<hbm>>
    tpu.enqueue_dma source(%dma_start3A_8 : memref<8192xf32, #tpu.memory_space<hbm>>) target(%arg12 : memref<8192xf32, #tpu.memory_space<vmem>>) target_semaphore(%arg25 : memref<!tpu.dma_semaphore, #tpu.memory_space<semaphore_mem>>)
    %mul3A_9 = arith.constant 64 : i32
    %mul3A_10 = arith.muli %add3A_5, %mul3A_9 : i32
    %multiple_of3A_11 = tpu.assume_multiple %mul3A_10, 8 : i32
    %dma_start3A_12 = tpu.memref_slice %arg3[%multiple_of3A_11] : memref<524288xf32, #tpu.memory_space<hbm>> -> memref<8192xf32, #tpu.memory_space<hbm>>
    %dma_start3A_13 = tpu.memref_slice %arg3[%multiple_of3A_11] : memref<524288xf32, #tpu.memory_space<hbm>> -> memref<8192xf32, #tpu.memory_space<hbm>>
    tpu.enqueue_dma source(%dma_start3A_13 : memref<8192xf32, #tpu.memory_space<hbm>>) target(%arg13 : memref<8192xf32, #tpu.memory_space<vmem>>) target_semaphore(%arg25 : memref<!tpu.dma_semaphore, #tpu.memory_space<semaphore_mem>>)
    %mul3A_14 = arith.constant 64 : i32
    %mul3A_15 = arith.muli %add3A_5, %mul3A_14 : i32
    %multiple_of3A_16 = tpu.assume_multiple %mul3A_15, 8 : i32
    %dma_start3A_17 = tpu.memref_slice %arg4[%multiple_of3A_16] : memref<524288xf32, #tpu.memory_space<hbm>> -> memref<8192xf32, #tpu.memory_space<hbm>>
    %dma_start3A_18 = tpu.memref_slice %arg4[%multiple_of3A_16] : memref<524288xf32, #tpu.memory_space<hbm>> -> memref<8192xf32, #tpu.memory_space<hbm>>
    tpu.enqueue_dma source(%dma_start3A_18 : memref<8192xf32, #tpu.memory_space<hbm>>) target(%arg14 : memref<8192xf32, #tpu.memory_space<vmem>>) target_semaphore(%arg25 : memref<!tpu.dma_semaphore, #tpu.memory_space<semaphore_mem>>)
    %mul3A_19 = arith.constant 8 : i32
    %mul3A_20 = arith.muli %add3A_5, %mul3A_19 : i32
    %multiple_of3A_21 = tpu.assume_multiple %mul3A_20, 8 : i32
    %dma_start3A_22 = tpu.memref_slice %arg5[%multiple_of3A_21] : memref<65536xi32, #tpu.memory_space<hbm>> -> memref<1024xi32, #tpu.memory_space<hbm>>
    %dma_start3A_23 = tpu.memref_slice %arg5[%multiple_of3A_21] : memref<65536xi32, #tpu.memory_space<hbm>> -> memref<1024xi32, #tpu.memory_space<hbm>>
    tpu.enqueue_dma source(%dma_start3A_23 : memref<1024xi32, #tpu.memory_space<hbm>>) target(%arg15 : memref<1024xi32, #tpu.memory_space<vmem>>) target_semaphore(%arg25 : memref<!tpu.dma_semaphore, #tpu.memory_space<semaphore_mem>>)
    %mul3A_24 = arith.constant 8 : i32
    %mul3A_25 = arith.muli %add3A_5, %mul3A_24 : i32
    %multiple_of3A_26 = tpu.assume_multiple %mul3A_25, 8 : i32
    %dma_start3A_27 = tpu.memref_slice %arg6[%multiple_of3A_26] : memref<65536xi32, #tpu.memory_space<hbm>> -> memref<1024xi32, #tpu.memory_space<hbm>>
    %dma_start3A_28 = tpu.memref_slice %arg6[%multiple_of3A_26] : memref<65536xi32, #tpu.memory_space<hbm>> -> memref<1024xi32, #tpu.memory_space<hbm>>
    tpu.enqueue_dma source(%dma_start3A_28 : memref<1024xi32, #tpu.memory_space<hbm>>) target(%arg16 : memref<1024xi32, #tpu.memory_space<vmem>>) target_semaphore(%arg25 : memref<!tpu.dma_semaphore, #tpu.memory_space<semaphore_mem>>)
    %mul3A_29 = arith.constant 8 : i32
    %mul3A_30 = arith.muli %add3A_5, %mul3A_29 : i32
    %multiple_of3A_31 = tpu.assume_multiple %mul3A_30, 8 : i32
    %dma_start3A_32 = tpu.memref_slice %arg7[%multiple_of3A_31] : memref<65536xi32, #tpu.memory_space<hbm>> -> memref<1024xi32, #tpu.memory_space<hbm>>
    %dma_start3A_33 = tpu.memref_slice %arg7[%multiple_of3A_31] : memref<65536xi32, #tpu.memory_space<hbm>> -> memref<1024xi32, #tpu.memory_space<hbm>>
    tpu.enqueue_dma source(%dma_start3A_33 : memref<1024xi32, #tpu.memory_space<hbm>>) target(%arg17 : memref<1024xi32, #tpu.memory_space<vmem>>) target_semaphore(%arg25 : memref<!tpu.dma_semaphore, #tpu.memory_space<semaphore_mem>>)
    %dma_wait3A = tpu.memref_slice %arg2[%multiple_of3A] : memref<524288xf32, #tpu.memory_space<hbm>> -> memref<8192xf32, #tpu.memory_space<hbm>>
    %dma_wait3A_34 = tpu.memref_slice %arg2[%multiple_of3A] : memref<524288xf32, #tpu.memory_space<hbm>> -> memref<8192xf32, #tpu.memory_space<hbm>>
    tpu.wait_dma2 semaphore(%arg25 : memref<!tpu.dma_semaphore, #tpu.memory_space<semaphore_mem>>) src(%dma_wait3A_34 : memref<8192xf32, #tpu.memory_space<hbm>>) dst(%arg12 : memref<8192xf32, #tpu.memory_space<vmem>>)
    %dma_wait3A_35 = tpu.memref_slice %arg3[%multiple_of3A_11] : memref<524288xf32, #tpu.memory_space<hbm>> -> memref<8192xf32, #tpu.memory_space<hbm>>
    %dma_wait3A_36 = tpu.memref_slice %arg3[%multiple_of3A_11] : memref<524288xf32, #tpu.memory_space<hbm>> -> memref<8192xf32, #tpu.memory_space<hbm>>
    tpu.wait_dma2 semaphore(%arg25 : memref<!tpu.dma_semaphore, #tpu.memory_space<semaphore_mem>>) src(%dma_wait3A_36 : memref<8192xf32, #tpu.memory_space<hbm>>) dst(%arg13 : memref<8192xf32, #tpu.memory_space<vmem>>)
    %dma_wait3A_37 = tpu.memref_slice %arg4[%multiple_of3A_16] : memref<524288xf32, #tpu.memory_space<hbm>> -> memref<8192xf32, #tpu.memory_space<hbm>>
    %dma_wait3A_38 = tpu.memref_slice %arg4[%multiple_of3A_16] : memref<524288xf32, #tpu.memory_space<hbm>> -> memref<8192xf32, #tpu.memory_space<hbm>>
    tpu.wait_dma2 semaphore(%arg25 : memref<!tpu.dma_semaphore, #tpu.memory_space<semaphore_mem>>) src(%dma_wait3A_38 : memref<8192xf32, #tpu.memory_space<hbm>>) dst(%arg14 : memref<8192xf32, #tpu.memory_space<vmem>>)
    %dma_wait3A_39 = tpu.memref_slice %arg5[%multiple_of3A_21] : memref<65536xi32, #tpu.memory_space<hbm>> -> memref<1024xi32, #tpu.memory_space<hbm>>
    %dma_wait3A_40 = tpu.memref_slice %arg5[%multiple_of3A_21] : memref<65536xi32, #tpu.memory_space<hbm>> -> memref<1024xi32, #tpu.memory_space<hbm>>
    tpu.wait_dma2 semaphore(%arg25 : memref<!tpu.dma_semaphore, #tpu.memory_space<semaphore_mem>>) src(%dma_wait3A_40 : memref<1024xi32, #tpu.memory_space<hbm>>) dst(%arg15 : memref<1024xi32, #tpu.memory_space<vmem>>)
    %dma_wait3A_41 = tpu.memref_slice %arg6[%multiple_of3A_26] : memref<65536xi32, #tpu.memory_space<hbm>> -> memref<1024xi32, #tpu.memory_space<hbm>>
    %dma_wait3A_42 = tpu.memref_slice %arg6[%multiple_of3A_26] : memref<65536xi32, #tpu.memory_space<hbm>> -> memref<1024xi32, #tpu.memory_space<hbm>>
    tpu.wait_dma2 semaphore(%arg25 : memref<!tpu.dma_semaphore, #tpu.memory_space<semaphore_mem>>) src(%dma_wait3A_42 : memref<1024xi32, #tpu.memory_space<hbm>>) dst(%arg16 : memref<1024xi32, #tpu.memory_space<vmem>>)
    %dma_wait3A_43 = tpu.memref_slice %arg7[%multiple_of3A_31] : memref<65536xi32, #tpu.memory_space<hbm>> -> memref<1024xi32, #tpu.memory_space<hbm>>
    %dma_wait3A_44 = tpu.memref_slice %arg7[%multiple_of3A_31] : memref<65536xi32, #tpu.memory_space<hbm>> -> memref<1024xi32, #tpu.memory_space<hbm>>
    tpu.wait_dma2 semaphore(%arg25 : memref<!tpu.dma_semaphore, #tpu.memory_space<semaphore_mem>>) src(%dma_wait3A_44 : memref<1024xi32, #tpu.memory_space<hbm>>) dst(%arg17 : memref<1024xi32, #tpu.memory_space<vmem>>)
    %add3A_45 = arith.constant 0 : i32
    %add3A_46 = vector.broadcast %add3A_45 : i32 to vector<16xi32>
    %add3A_47 = arith.addi %add3A_46, %iota3A : vector<16xi32>
    %mul3A_48 = arith.constant 8 : i32
    %mul3A_49 = vector.broadcast %mul3A_48 : i32 to vector<16xi32>
    %mul3A_50 = arith.muli %add3A_47, %mul3A_49 : vector<16xi32>
    %add3A_51 = arith.constant 0 : i32
    %add3A_52 = vector.broadcast %add3A_51 : i32 to vector<16xi32>
    %add3A_53 = arith.addi %mul3A_50, %add3A_52 : vector<16xi32>
    %gather3A = tpu.vector_load_idx %arg15[%add3A_53] : memref<1024xi32, #tpu.memory_space<vmem>>[vector<16xi32>], vector<16xi32>,
    %swap3A = arith.constant 0 : index
    %swap3A_54 = tpu.vector_load %arg20[%swap3A] {strides = array<i32>} : memref<384xi32, #tpu.memory_space<vmem>>, vector<16xi32>,
    tpu.vector_store %arg20[%swap3A], %gather3A {strides = array<i32>} : memref<384xi32, #tpu.memory_space<vmem>>, vector<16xi32>,
    %add3A_55 = arith.constant 0 : i32
    %add3A_56 = vector.broadcast %add3A_55 : i32 to vector<16xi32>
    %add3A_57 = arith.addi %add3A_56, %iota3A : vector<16xi32>
    %mul3A_58 = arith.constant 8 : i32
    %mul3A_59 = vector.broadcast %mul3A_58 : i32 to vector<16xi32>
    %mul3A_60 = arith.muli %add3A_57, %mul3A_59 : vector<16xi32>
    %add3A_61 = arith.constant 1 : i32
    %add3A_62 = vector.broadcast %add3A_61 : i32 to vector<16xi32>
    %add3A_63 = arith.addi %mul3A_60, %add3A_62 : vector<16xi32>
    %gather3A_64 = tpu.vector_load_idx %arg15[%add3A_63] : memref<1024xi32, #tpu.memory_space<vmem>>[vector<16xi32>], vector<16xi32>,
    %swap3A_65 = arith.constant 16 : index
    %swap3A_66 = tpu.vector_load %arg20[%swap3A_65] {strides = array<i32>} : memref<384xi32, #tpu.memory_space<vmem>>, vector<16xi32>,
    tpu.vector_store %arg20[%swap3A_65], %gather3A_64 {strides = array<i32>} : memref<384xi32, #tpu.memory_space<vmem>>, vector<16xi32>,
    %add3A_67 = arith.constant 0 : i32
    %add3A_68 = vector.broadcast %add3A_67 : i32 to vector<16xi32>
    %add3A_69 = arith.addi %add3A_68, %iota3A : vector<16xi32>
    %mul3A_70 = arith.constant 8 : i32
    %mul3A_71 = vector.broadcast %mul3A_70 : i32 to vector<16xi32>
    %mul3A_72 = arith.muli %add3A_69, %mul3A_71 : vector<16xi32>
    %add3A_73 = arith.constant 2 : i32
    %add3A_74 = vector.broadcast %add3A_73 : i32 to vector<16xi32>
    %add3A_75 = arith.addi %mul3A_72, %add3A_74 : vector<16xi32>
    %gather3A_76 = tpu.vector_load_idx %arg15[%add3A_75] : memref<1024xi32, #tpu.memory_space<vmem>>[vector<16xi32>], vector<16xi32>,
    %swap3A_77 = arith.constant 32 : index
    %swap3A_78 = tpu.vector_load %arg20[%swap3A_77] {strides = array<i32>} : memref<384xi32, #tpu.memory_space<vmem>>, vector<16xi32>,
    tpu.vector_store %arg20[%swap3A_77], %gather3A_76 {strides = array<i32>} : memref<384xi32, #tpu.memory_space<vmem>>, vector<16xi32>,
    %add3A_79 = arith.constant 0 : i32
    %add3A_80 = vector.broadcast %add3A_79 : i32 to vector<16xi32>
    %add3A_81 = arith.addi %add3A_80, %iota3A : vector<16xi32>
    %mul3A_82 = arith.constant 8 : i32
    %mul3A_83 = vector.broadcast %mul3A_82 : i32 to vector<16xi32>
    %mul3A_84 = arith.muli %add3A_81, %mul3A_83 : vector<16xi32>
    %add3A_85 = arith.constant 3 : i32
    %add3A_86 = vector.broadcast %add3A_85 : i32 to vector<16xi32>
    %add3A_87 = arith.addi %mul3A_84, %add3A_86 : vector<16xi32>
    %gather3A_88 = tpu.vector_load_idx %arg15[%add3A_87] : memref<1024xi32, #tpu.memory_space<vmem>>[vector<16xi32>], vector<16xi32>,
    %swap3A_89 = arith.constant 48 : index
    %swap3A_90 = tpu.vector_load %arg20[%swap3A_89] {strides = array<i32>} : memref<384xi32, #tpu.memory_space<vmem>>, vector<16xi32>,
    tpu.vector_store %arg20[%swap3A_89], %gather3A_88 {strides = array<i32>} : memref<384xi32, #tpu.memory_space<vmem>>, vector<16xi32>,
    %add3A_91 = arith.constant 0 : i32
    %add3A_92 = vector.broadcast %add3A_91 : i32 to vector<16xi32>
    %add3A_93 = arith.addi %add3A_92, %iota3A : vector<16xi32>
    %mul3A_94 = arith.constant 8 : i32
    %mul3A_95 = vector.broadcast %mul3A_94 : i32 to vector<16xi32>
    %mul3A_96 = arith.muli %add3A_93, %mul3A_95 : vector<16xi32>
    %add3A_97 = arith.constant 4 : i32
    %add3A_98 = vector.broadcast %add3A_97 : i32 to vector<16xi32>
    %add3A_99 = arith.addi %mul3A_96, %add3A_98 : vector<16xi32>
    %gather3A_100 = tpu.vector_load_idx %arg15[%add3A_99] : memref<1024xi32, #tpu.memory_space<vmem>>[vector<16xi32>], vector<16xi32>,
    %swap3A_101 = arith.constant 64 : index
    %swap3A_102 = tpu.vector_load %arg20[%swap3A_101] {strides = array<i32>} : memref<384xi32, #tpu.memory_space<vmem>>, vector<16xi32>,
    tpu.vector_store %arg20[%swap3A_101], %gather3A_100 {strides = array<i32>} : memref<384xi32, #tpu.memory_space<vmem>>, vector<16xi32>,
    %add3A_103 = arith.constant 0 : i32
    %add3A_104 = vector.broadcast %add3A_103 : i32 to vector<16xi32>
    %add3A_105 = arith.addi %add3A_104, %iota3A : vector<16xi32>
    %mul3A_106 = arith.constant 8 : i32
    %mul3A_107 = vector.broadcast %mul3A_106 : i32 to vector<16xi32>
    %mul3A_108 = arith.muli %add3A_105, %mul3A_107 : vector<16xi32>
    %add3A_109 = arith.constant 5 : i32
    %add3A_110 = vector.broadcast %add3A_109 : i32 to vector<16xi32>
    %add3A_111 = arith.addi %mul3A_108, %add3A_110 : vector<16xi32>
    %gather3A_112 = tpu.vector_load_idx %arg15[%add3A_111] : memref<1024xi32, #tpu.memory_space<vmem>>[vector<16xi32>], vector<16xi32>,
    %swap3A_113 = arith.constant 80 : index
    %swap3A_114 = tpu.vector_load %arg20[%swap3A_113] {strides = array<i32>} : memref<384xi32, #tpu.memory_space<vmem>>, vector<16xi32>,
    tpu.vector_store %arg20[%swap3A_113], %gather3A_112 {strides = array<i32>} : memref<384xi32, #tpu.memory_space<vmem>>, vector<16xi32>,
    %add3A_115 = arith.constant 0 : i32
    %add3A_116 = vector.broadcast %add3A_115 : i32 to vector<16xi32>
    %add3A_117 = arith.addi %add3A_116, %iota3A : vector<16xi32>
    %mul3A_118 = arith.constant 8 : i32
    %mul3A_119 = vector.broadcast %mul3A_118 : i32 to vector<16xi32>
    %mul3A_120 = arith.muli %add3A_117, %mul3A_119 : vector<16xi32>
    %add3A_121 = arith.constant 6 : i32
    %add3A_122 = vector.broadcast %add3A_121 : i32 to vector<16xi32>
    %add3A_123 = arith.addi %mul3A_120, %add3A_122 : vector<16xi32>
    %gather3A_124 = tpu.vector_load_idx %arg15[%add3A_123] : memref<1024xi32, #tpu.memory_space<vmem>>[vector<16xi32>], vector<16xi32>,
    %swap3A_125 = arith.constant 96 : index
    %swap3A_126 = tpu.vector_load %arg20[%swap3A_125] {strides = array<i32>} : memref<384xi32, #tpu.memory_space<vmem>>, vector<16xi32>,
    tpu.vector_store %arg20[%swap3A_125], %gather3A_124 {strides = array<i32>} : memref<384xi32, #tpu.memory_space<vmem>>, vector<16xi32>,
    %add3A_127 = arith.constant 0 : i32
    %add3A_128 = vector.broadcast %add3A_127 : i32 to vector<16xi32>
    %add3A_129 = arith.addi %add3A_128, %iota3A : vector<16xi32>
    %mul3A_130 = arith.constant 8 : i32
    %mul3A_131 = vector.broadcast %mul3A_130 : i32 to vector<16xi32>
    %mul3A_132 = arith.muli %add3A_129, %mul3A_131 : vector<16xi32>
    %add3A_133 = arith.constant 7 : i32
    %add3A_134 = vector.broadcast %add3A_133 : i32 to vector<16xi32>
    %add3A_135 = arith.addi %mul3A_132, %add3A_134 : vector<16xi32>
    %gather3A_136 = tpu.vector_load_idx %arg15[%add3A_135] : memref<1024xi32, #tpu.memory_space<vmem>>[vector<16xi32>], vector<16xi32>,
    %swap3A_137 = arith.constant 112 : index
    %swap3A_138 = tpu.vector_load %arg20[%swap3A_137] {strides = array<i32>} : memref<384xi32, #tpu.memory_space<vmem>>, vector<16xi32>,
    tpu.vector_store %arg20[%swap3A_137], %gather3A_136 {strides = array<i32>} : memref<384xi32, #tpu.memory_space<vmem>>, vector<16xi32>,
    %add3A_139 = arith.constant 0 : i32
    %add3A_140 = vector.broadcast %add3A_139 : i32 to vector<16xi32>
    %add3A_141 = arith.addi %add3A_140, %iota3A : vector<16xi32>
    %mul3A_142 = arith.constant 8 : i32
    %mul3A_143 = vector.broadcast %mul3A_142 : i32 to vector<16xi32>
    %mul3A_144 = arith.muli %add3A_141, %mul3A_143 : vector<16xi32>
    %add3A_145 = arith.constant 0 : i32
    %add3A_146 = vector.broadcast %add3A_145 : i32 to vector<16xi32>
    %add3A_147 = arith.addi %mul3A_144, %add3A_146 : vector<16xi32>
    %gather3A_148 = tpu.vector_load_idx %arg17[%add3A_147] : memref<1024xi32, #tpu.memory_space<vmem>>[vector<16xi32>], vector<16xi32>,
    %swap3A_149 = arith.constant 128 : index
    %swap3A_150 = tpu.vector_load %arg20[%swap3A_149] {strides = array<i32>} : memref<384xi32, #tpu.memory_space<vmem>>, vector<16xi32>,
    tpu.vector_store %arg20[%swap3A_149], %gather3A_148 {strides = array<i32>} : memref<384xi32, #tpu.memory_space<vmem>>, vector<16xi32>,
    %add3A_151 = arith.constant 0 : i32
    %add3A_152 = vector.broadcast %add3A_151 : i32 to vector<16xi32>
    %add3A_153 = arith.addi %add3A_152, %iota3A : vector<16xi32>
    %mul3A_154 = arith.constant 8 : i32
    %mul3A_155 = vector.broadcast %mul3A_154 : i32 to vector<16xi32>
    %mul3A_156 = arith.muli %add3A_153, %mul3A_155 : vector<16xi32>
    %add3A_157 = arith.constant 1 : i32
    %add3A_158 = vector.broadcast %add3A_157 : i32 to vector<16xi32>
    %add3A_159 = arith.addi %mul3A_156, %add3A_158 : vector<16xi32>
    %gather3A_160 = tpu.vector_load_idx %arg17[%add3A_159] : memref<1024xi32, #tpu.memory_space<vmem>>[vector<16xi32>], vector<16xi32>,
    %swap3A_161 = arith.constant 144 : index
    %swap3A_162 = tpu.vector_load %arg20[%swap3A_161] {strides = array<i32>} : memref<384xi32, #tpu.memory_space<vmem>>, vector<16xi32>,
    tpu.vector_store %arg20[%swap3A_161], %gather3A_160 {strides = array<i32>} : memref<384xi32, #tpu.memory_space<vmem>>, vector<16xi32>,
    %add3A_163 = arith.constant 0 : i32
    %add3A_164 = vector.broadcast %add3A_163 : i32 to vector<16xi32>
    %add3A_165 = arith.addi %add3A_164, %iota3A : vector<16xi32>
    %mul3A_166 = arith.constant 8 : i32
    %mul3A_167 = vector.broadcast %mul3A_166 : i32 to vector<16xi32>
    %mul3A_168 = arith.muli %add3A_165, %mul3A_167 : vector<16xi32>
    %add3A_169 = arith.constant 2 : i32
    %add3A_170 = vector.broadcast %add3A_169 : i32 to vector<16xi32>
    %add3A_171 = arith.addi %mul3A_168, %add3A_170 : vector<16xi32>
    %gather3A_172 = tpu.vector_load_idx %arg17[%add3A_171] : memref<1024xi32, #tpu.memory_space<vmem>>[vector<16xi32>], vector<16xi32>,
    %swap3A_173 = arith.constant 160 : index
    %swap3A_174 = tpu.vector_load %arg20[%swap3A_173] {strides = array<i32>} : memref<384xi32, #tpu.memory_space<vmem>>, vector<16xi32>,
    tpu.vector_store %arg20[%swap3A_173], %gather3A_172 {strides = array<i32>} : memref<384xi32, #tpu.memory_space<vmem>>, vector<16xi32>,
    %add3A_175 = arith.constant 0 : i32
    %add3A_176 = vector.broadcast %add3A_175 : i32 to vector<16xi32>
    %add3A_177 = arith.addi %add3A_176, %iota3A : vector<16xi32>
    %mul3A_178 = arith.constant 8 : i32
    %mul3A_179 = vector.broadcast %mul3A_178 : i32 to vector<16xi32>
    %mul3A_180 = arith.muli %add3A_177, %mul3A_179 : vector<16xi32>
    %add3A_181 = arith.constant 3 : i32
    %add3A_182 = vector.broadcast %add3A_181 : i32 to vector<16xi32>
    %add3A_183 = arith.addi %mul3A_180, %add3A_182 : vector<16xi32>
    %gather3A_184 = tpu.vector_load_idx %arg17[%add3A_183] : memref<1024xi32, #tpu.memory_space<vmem>>[vector<16xi32>], vector<16xi32>,
    %swap3A_185 = arith.constant 176 : index
    %swap3A_186 = tpu.vector_load %arg20[%swap3A_185] {strides = array<i32>} : memref<384xi32, #tpu.memory_space<vmem>>, vector<16xi32>,
    tpu.vector_store %arg20[%swap3A_185], %gather3A_184 {strides = array<i32>} : memref<384xi32, #tpu.memory_space<vmem>>, vector<16xi32>,
    %add3A_187 = arith.constant 0 : i32
    %add3A_188 = vector.broadcast %add3A_187 : i32 to vector<16xi32>
    %add3A_189 = arith.addi %add3A_188, %iota3A : vector<16xi32>
    %mul3A_190 = arith.constant 8 : i32
    %mul3A_191 = vector.broadcast %mul3A_190 : i32 to vector<16xi32>
    %mul3A_192 = arith.muli %add3A_189, %mul3A_191 : vector<16xi32>
    %add3A_193 = arith.constant 4 : i32
    %add3A_194 = vector.broadcast %add3A_193 : i32 to vector<16xi32>
    %add3A_195 = arith.addi %mul3A_192, %add3A_194 : vector<16xi32>
    %gather3A_196 = tpu.vector_load_idx %arg17[%add3A_195] : memref<1024xi32, #tpu.memory_space<vmem>>[vector<16xi32>], vector<16xi32>,
    %swap3A_197 = arith.constant 192 : index
    %swap3A_198 = tpu.vector_load %arg20[%swap3A_197] {strides = array<i32>} : memref<384xi32, #tpu.memory_space<vmem>>, vector<16xi32>,
    tpu.vector_store %arg20[%swap3A_197], %gather3A_196 {strides = array<i32>} : memref<384xi32, #tpu.memory_space<vmem>>, vector<16xi32>,
    %add3A_199 = arith.constant 0 : i32
    %add3A_200 = vector.broadcast %add3A_199 : i32 to vector<16xi32>
    %add3A_201 = arith.addi %add3A_200, %iota3A : vector<16xi32>
    %mul3A_202 = arith.constant 8 : i32
    %mul3A_203 = vector.broadcast %mul3A_202 : i32 to vector<16xi32>
    %mul3A_204 = arith.muli %add3A_201, %mul3A_203 : vector<16xi32>
    %add3A_205 = arith.constant 5 : i32
    %add3A_206 = vector.broadcast %add3A_205 : i32 to vector<16xi32>
    %add3A_207 = arith.addi %mul3A_204, %add3A_206 : vector<16xi32>
    %gather3A_208 = tpu.vector_load_idx %arg17[%add3A_207] : memref<1024xi32, #tpu.memory_space<vmem>>[vector<16xi32>], vector<16xi32>,
    %swap3A_209 = arith.constant 208 : index
    %swap3A_210 = tpu.vector_load %arg20[%swap3A_209] {strides = array<i32>} : memref<384xi32, #tpu.memory_space<vmem>>, vector<16xi32>,
    tpu.vector_store %arg20[%swap3A_209], %gather3A_208 {strides = array<i32>} : memref<384xi32, #tpu.memory_space<vmem>>, vector<16xi32>,
    %add3A_211 = arith.constant 0 : i32
    %add3A_212 = vector.broadcast %add3A_211 : i32 to vector<16xi32>
    %add3A_213 = arith.addi %add3A_212, %iota3A : vector<16xi32>
    %mul3A_214 = arith.constant 8 : i32
    %mul3A_215 = vector.broadcast %mul3A_214 : i32 to vector<16xi32>
    %mul3A_216 = arith.muli %add3A_213, %mul3A_215 : vector<16xi32>
    %add3A_217 = arith.constant 6 : i32
    %add3A_218 = vector.broadcast %add3A_217 : i32 to vector<16xi32>
    %add3A_219 = arith.addi %mul3A_216, %add3A_218 : vector<16xi32>
    %gather3A_220 = tpu.vector_load_idx %arg17[%add3A_219] : memref<1024xi32, #tpu.memory_space<vmem>>[vector<16xi32>], vector<16xi32>,
    %swap3A_221 = arith.constant 224 : index
    %swap3A_222 = tpu.vector_load %arg20[%swap3A_221] {strides = array<i32>} : memref<384xi32, #tpu.memory_space<vmem>>, vector<16xi32>,
    tpu.vector_store %arg20[%swap3A_221], %gather3A_220 {strides = array<i32>} : memref<384xi32, #tpu.memory_space<vmem>>, vector<16xi32>,
    %add3A_223 = arith.constant 0 : i32
    %add3A_224 = vector.broadcast %add3A_223 : i32 to vector<16xi32>
    %add3A_225 = arith.addi %add3A_224, %iota3A : vector<16xi32>
    %mul3A_226 = arith.constant 8 : i32
    %mul3A_227 = vector.broadcast %mul3A_226 : i32 to vector<16xi32>
    %mul3A_228 = arith.muli %add3A_225, %mul3A_227 : vector<16xi32>
    %add3A_229 = arith.constant 7 : i32
    %add3A_230 = vector.broadcast %add3A_229 : i32 to vector<16xi32>
    %add3A_231 = arith.addi %mul3A_228, %add3A_230 : vector<16xi32>
    %gather3A_232 = tpu.vector_load_idx %arg17[%add3A_231] : memref<1024xi32, #tpu.memory_space<vmem>>[vector<16xi32>], vector<16xi32>,
    %swap3A_233 = arith.constant 240 : index
    %swap3A_234 = tpu.vector_load %arg20[%swap3A_233] {strides = array<i32>} : memref<384xi32, #tpu.memory_space<vmem>>, vector<16xi32>,
    tpu.vector_store %arg20[%swap3A_233], %gather3A_232 {strides = array<i32>} : memref<384xi32, #tpu.memory_space<vmem>>, vector<16xi32>,
    %add3A_235 = arith.constant 0 : i32
    %add3A_236 = vector.broadcast %add3A_235 : i32 to vector<16xi32>
    %add3A_237 = arith.addi %add3A_236, %iota3A : vector<16xi32>
    %mul3A_238 = arith.constant 8 : i32
    %mul3A_239 = vector.broadcast %mul3A_238 : i32 to vector<16xi32>
    %mul3A_240 = arith.muli %add3A_237, %mul3A_239 : vector<16xi32>
    %add3A_241 = arith.constant 0 : i32
    %add3A_242 = vector.broadcast %add3A_241 : i32 to vector<16xi32>
    %add3A_243 = arith.addi %mul3A_240, %add3A_242 : vector<16xi32>
    %gather3A_244 = tpu.vector_load_idx %arg16[%add3A_243] : memref<1024xi32, #tpu.memory_space<vmem>>[vector<16xi32>], vector<16xi32>,
    %swap3A_245 = arith.constant 256 : index
    %swap3A_246 = tpu.vector_load %arg20[%swap3A_245] {strides = array<i32>} : memref<384xi32, #tpu.memory_space<vmem>>, vector<16xi32>,
    tpu.vector_store %arg20[%swap3A_245], %gather3A_244 {strides = array<i32>} : memref<384xi32, #tpu.memory_space<vmem>>, vector<16xi32>,
    %add3A_247 = arith.constant 0 : i32
    %add3A_248 = vector.broadcast %add3A_247 : i32 to vector<16xi32>
    %add3A_249 = arith.addi %add3A_248, %iota3A : vector<16xi32>
    %mul3A_250 = arith.constant 8 : i32
    %mul3A_251 = vector.broadcast %mul3A_250 : i32 to vector<16xi32>
    %mul3A_252 = arith.muli %add3A_249, %mul3A_251 : vector<16xi32>
    %add3A_253 = arith.constant 1 : i32
    %add3A_254 = vector.broadcast %add3A_253 : i32 to vector<16xi32>
    %add3A_255 = arith.addi %mul3A_252, %add3A_254 : vector<16xi32>
    %gather3A_256 = tpu.vector_load_idx %arg16[%add3A_255] : memref<1024xi32, #tpu.memory_space<vmem>>[vector<16xi32>], vector<16xi32>,
    %swap3A_257 = arith.constant 272 : index
    %swap3A_258 = tpu.vector_load %arg20[%swap3A_257] {strides = array<i32>} : memref<384xi32, #tpu.memory_space<vmem>>, vector<16xi32>,
    tpu.vector_store %arg20[%swap3A_257], %gather3A_256 {strides = array<i32>} : memref<384xi32, #tpu.memory_space<vmem>>, vector<16xi32>,
    %add3A_259 = arith.constant 0 : i32
    %add3A_260 = vector.broadcast %add3A_259 : i32 to vector<16xi32>
    %add3A_261 = arith.addi %add3A_260, %iota3A : vector<16xi32>
    %mul3A_262 = arith.constant 8 : i32
    %mul3A_263 = vector.broadcast %mul3A_262 : i32 to vector<16xi32>
    %mul3A_264 = arith.muli %add3A_261, %mul3A_263 : vector<16xi32>
    %add3A_265 = arith.constant 2 : i32
    %add3A_266 = vector.broadcast %add3A_265 : i32 to vector<16xi32>
    %add3A_267 = arith.addi %mul3A_264, %add3A_266 : vector<16xi32>
    %gather3A_268 = tpu.vector_load_idx %arg16[%add3A_267] : memref<1024xi32, #tpu.memory_space<vmem>>[vector<16xi32>], vector<16xi32>,
    %swap3A_269 = arith.constant 288 : index
    %swap3A_270 = tpu.vector_load %arg20[%swap3A_269] {strides = array<i32>} : memref<384xi32, #tpu.memory_space<vmem>>, vector<16xi32>,
    tpu.vector_store %arg20[%swap3A_269], %gather3A_268 {strides = array<i32>} : memref<384xi32, #tpu.memory_space<vmem>>, vector<16xi32>,
    %add3A_271 = arith.constant 0 : i32
    %add3A_272 = vector.broadcast %add3A_271 : i32 to vector<16xi32>
    %add3A_273 = arith.addi %add3A_272, %iota3A : vector<16xi32>
    %mul3A_274 = arith.constant 8 : i32
    %mul3A_275 = vector.broadcast %mul3A_274 : i32 to vector<16xi32>
    %mul3A_276 = arith.muli %add3A_273, %mul3A_275 : vector<16xi32>
    %add3A_277 = arith.constant 3 : i32
    %add3A_278 = vector.broadcast %add3A_277 : i32 to vector<16xi32>
    %add3A_279 = arith.addi %mul3A_276, %add3A_278 : vector<16xi32>
    %gather3A_280 = tpu.vector_load_idx %arg16[%add3A_279] : memref<1024xi32, #tpu.memory_space<vmem>>[vector<16xi32>], vector<16xi32>,
    %swap3A_281 = arith.constant 304 : index
    %swap3A_282 = tpu.vector_load %arg20[%swap3A_281] {strides = array<i32>} : memref<384xi32, #tpu.memory_space<vmem>>, vector<16xi32>,
    tpu.vector_store %arg20[%swap3A_281], %gather3A_280 {strides = array<i32>} : memref<384xi32, #tpu.memory_space<vmem>>, vector<16xi32>,
    %add3A_283 = arith.constant 0 : i32
    %add3A_284 = vector.broadcast %add3A_283 : i32 to vector<16xi32>
    %add3A_285 = arith.addi %add3A_284, %iota3A : vector<16xi32>
    %mul3A_286 = arith.constant 8 : i32
    %mul3A_287 = vector.broadcast %mul3A_286 : i32 to vector<16xi32>
    %mul3A_288 = arith.muli %add3A_285, %mul3A_287 : vector<16xi32>
    %add3A_289 = arith.constant 4 : i32
    %add3A_290 = vector.broadcast %add3A_289 : i32 to vector<16xi32>
    %add3A_291 = arith.addi %mul3A_288, %add3A_290 : vector<16xi32>
    %gather3A_292 = tpu.vector_load_idx %arg16[%add3A_291] : memref<1024xi32, #tpu.memory_space<vmem>>[vector<16xi32>], vector<16xi32>,
    %swap3A_293 = arith.constant 320 : index
    %swap3A_294 = tpu.vector_load %arg20[%swap3A_293] {strides = array<i32>} : memref<384xi32, #tpu.memory_space<vmem>>, vector<16xi32>,
    tpu.vector_store %arg20[%swap3A_293], %gather3A_292 {strides = array<i32>} : memref<384xi32, #tpu.memory_space<vmem>>, vector<16xi32>,
    %add3A_295 = arith.constant 0 : i32
    %add3A_296 = vector.broadcast %add3A_295 : i32 to vector<16xi32>
    %add3A_297 = arith.addi %add3A_296, %iota3A : vector<16xi32>
    %mul3A_298 = arith.constant 8 : i32
    %mul3A_299 = vector.broadcast %mul3A_298 : i32 to vector<16xi32>
    %mul3A_300 = arith.muli %add3A_297, %mul3A_299 : vector<16xi32>
    %add3A_301 = arith.constant 5 : i32
    %add3A_302 = vector.broadcast %add3A_301 : i32 to vector<16xi32>
    %add3A_303 = arith.addi %mul3A_300, %add3A_302 : vector<16xi32>
    %gather3A_304 = tpu.vector_load_idx %arg16[%add3A_303] : memref<1024xi32, #tpu.memory_space<vmem>>[vector<16xi32>], vector<16xi32>,
    %swap3A_305 = arith.constant 336 : index
    %swap3A_306 = tpu.vector_load %arg20[%swap3A_305] {strides = array<i32>} : memref<384xi32, #tpu.memory_space<vmem>>, vector<16xi32>,
    tpu.vector_store %arg20[%swap3A_305], %gather3A_304 {strides = array<i32>} : memref<384xi32, #tpu.memory_space<vmem>>, vector<16xi32>,
    %add3A_307 = arith.constant 0 : i32
    %add3A_308 = vector.broadcast %add3A_307 : i32 to vector<16xi32>
    %add3A_309 = arith.addi %add3A_308, %iota3A : vector<16xi32>
    %mul3A_310 = arith.constant 8 : i32
    %mul3A_311 = vector.broadcast %mul3A_310 : i32 to vector<16xi32>
    %mul3A_312 = arith.muli %add3A_309, %mul3A_311 : vector<16xi32>
    %add3A_313 = arith.constant 6 : i32
    %add3A_314 = vector.broadcast %add3A_313 : i32 to vector<16xi32>
    %add3A_315 = arith.addi %mul3A_312, %add3A_314 : vector<16xi32>
    %gather3A_316 = tpu.vector_load_idx %arg16[%add3A_315] : memref<1024xi32, #tpu.memory_space<vmem>>[vector<16xi32>], vector<16xi32>,
    %swap3A_317 = arith.constant 352 : index
    %swap3A_318 = tpu.vector_load %arg20[%swap3A_317] {strides = array<i32>} : memref<384xi32, #tpu.memory_space<vmem>>, vector<16xi32>,
    tpu.vector_store %arg20[%swap3A_317], %gather3A_316 {strides = array<i32>} : memref<384xi32, #tpu.memory_space<vmem>>, vector<16xi32>,
    %add3A_319 = arith.constant 0 : i32
    %add3A_320 = vector.broadcast %add3A_319 : i32 to vector<16xi32>
    %add3A_321 = arith.addi %add3A_320, %iota3A : vector<16xi32>
    %mul3A_322 = arith.constant 8 : i32
    %mul3A_323 = vector.broadcast %mul3A_322 : i32 to vector<16xi32>
    %mul3A_324 = arith.muli %add3A_321, %mul3A_323 : vector<16xi32>
    %add3A_325 = arith.constant 7 : i32
    %add3A_326 = vector.broadcast %add3A_325 : i32 to vector<16xi32>
    %add3A_327 = arith.addi %mul3A_324, %add3A_326 : vector<16xi32>
    %gather3A_328 = tpu.vector_load_idx %arg16[%add3A_327] : memref<1024xi32, #tpu.memory_space<vmem>>[vector<16xi32>], vector<16xi32>,
    %swap3A_329 = arith.constant 368 : index
    %swap3A_330 = tpu.vector_load %arg20[%swap3A_329] {strides = array<i32>} : memref<384xi32, #tpu.memory_space<vmem>>, vector<16xi32>,
    tpu.vector_store %arg20[%swap3A_329], %gather3A_328 {strides = array<i32>} : memref<384xi32, #tpu.memory_space<vmem>>, vector<16xi32>,
    %dma_start3A_331 = arith.constant 0 : i32
    %dma_start3A_332 = arith.constant 0 : i32
    %dma_start3A_333 = tpu.memref_slice %arg18[%dma_start3A_331, %dma_start3A_332] : memref<384x64xf32, #tpu.memory_space<vmem>> -> memref<128x64xf32, #tpu.memory_space<vmem>>
    %dma_start3A_334 = arith.constant 0 : i32
    %dma_start3A_335 = tpu.memref_slice %arg20[%dma_start3A_334] : memref<384xi32, #tpu.memory_space<vmem>> -> memref<128xi32, #tpu.memory_space<vmem>>
    %dma_start3A_336 = arith.constant 0 : i32
    %dma_start3A_337 = arith.constant 0 : i32
    %dma_start3A_338 = tpu.memref_slice %arg8[%dma_start3A_336, %dma_start3A_337] : memref<32000x64xf32, #tpu.memory_space<hbm>> -> memref<32000x64xf32, #tpu.memory_space<hbm>>
    tpu.enqueue_indirect_dma source(%dma_start3A_338 : memref<32000x64xf32, #tpu.memory_space<hbm>>) target(%dma_start3A_333 : memref<128x64xf32, #tpu.memory_space<vmem>>) offsets(%dma_start3A_335 : memref<128xi32, #tpu.memory_space<vmem>>) semaphore(%arg25 : memref<!tpu.dma_semaphore, #tpu.memory_space<semaphore_mem>>)
    %dma_start3A_339 = arith.constant 128 : i32
    %dma_start3A_340 = arith.constant 0 : i32
    %dma_start3A_341 = tpu.memref_slice %arg18[%dma_start3A_339, %dma_start3A_340] : memref<384x64xf32, #tpu.memory_space<vmem>> -> memref<128x64xf32, #tpu.memory_space<vmem>>
    %dma_start3A_342 = arith.constant 128 : i32
    %dma_start3A_343 = tpu.memref_slice %arg20[%dma_start3A_342] : memref<384xi32, #tpu.memory_space<vmem>> -> memref<128xi32, #tpu.memory_space<vmem>>
    %dma_start3A_344 = arith.constant 0 : i32
    %dma_start3A_345 = arith.constant 0 : i32
    %dma_start3A_346 = tpu.memref_slice %arg8[%dma_start3A_344, %dma_start3A_345] : memref<32000x64xf32, #tpu.memory_space<hbm>> -> memref<32000x64xf32, #tpu.memory_space<hbm>>
    tpu.enqueue_indirect_dma source(%dma_start3A_346 : memref<32000x64xf32, #tpu.memory_space<hbm>>) target(%dma_start3A_341 : memref<128x64xf32, #tpu.memory_space<vmem>>) offsets(%dma_start3A_343 : memref<128xi32, #tpu.memory_space<vmem>>) semaphore(%arg25 : memref<!tpu.dma_semaphore, #tpu.memory_space<semaphore_mem>>)
    %dma_start3A_347 = arith.constant 256 : i32
    %dma_start3A_348 = arith.constant 0 : i32
    %dma_start3A_349 = tpu.memref_slice %arg18[%dma_start3A_347, %dma_start3A_348] : memref<384x64xf32, #tpu.memory_space<vmem>> -> memref<128x64xf32, #tpu.memory_space<vmem>>
    %dma_start3A_350 = arith.constant 256 : i32
    %dma_start3A_351 = tpu.memref_slice %arg20[%dma_start3A_350] : memref<384xi32, #tpu.memory_space<vmem>> -> memref<128xi32, #tpu.memory_space<vmem>>
    %dma_start3A_352 = arith.constant 0 : i32
    %dma_start3A_353 = arith.constant 0 : i32
    %dma_start3A_354 = tpu.memref_slice %arg8[%dma_start3A_352, %dma_start3A_353] : memref<32000x64xf32, #tpu.memory_space<hbm>> -> memref<32000x64xf32, #tpu.memory_space<hbm>>
    tpu.enqueue_indirect_dma source(%dma_start3A_354 : memref<32000x64xf32, #tpu.memory_space<hbm>>) target(%dma_start3A_349 : memref<128x64xf32, #tpu.memory_space<vmem>>) offsets(%dma_start3A_351 : memref<128xi32, #tpu.memory_space<vmem>>) semaphore(%arg25 : memref<!tpu.dma_semaphore, #tpu.memory_space<semaphore_mem>>)
    %scan3A = arith.constant 0 : i32
    %scan3A_355 = arith.constant 0 : i32
    %scan3A_356 = arith.constant 4 : i32
    %scan3A_357 = arith.addi %scan3A_355, %scan3A_356 : i32
    %scan3A_358 = arith.constant 1 : i32
    %scan3A_359 = scf.for %scan3A_830 = %scan3A_355 to %scan3A_357 step %scan3A_358 iter_args(%scan3A_831 = %scan3A) -> (i32)  : i32 {
      %mul3A_832 = arith.constant 2 : i32
      %mul3A_833 = arith.muli %scan3A_830, %mul3A_832 : i32
      %add3A_834 = arith.constant 1 : i32
      %add3A_835 = arith.addi %mul3A_833, %add3A_834 : i32
      %mul3A_836 = arith.constant 16 : i32
      %mul3A_837 = arith.muli %add3A_835, %mul3A_836 : i32
      %add3A_838 = vector.broadcast %mul3A_837 : i32 to vector<16xi32>
      %add3A_839 = arith.addi %add3A_838, %iota3A : vector<16xi32>
      %mul3A_840 = arith.constant 8 : i32
      %mul3A_841 = vector.broadcast %mul3A_840 : i32 to vector<16xi32>
      %mul3A_842 = arith.muli %add3A_839, %mul3A_841 : vector<16xi32>
      %add3A_843 = arith.constant 0 : i32
      %add3A_844 = vector.broadcast %add3A_843 : i32 to vector<16xi32>
      %add3A_845 = arith.addi %mul3A_842, %add3A_844 : vector<16xi32>
      %gather3A_846 = tpu.vector_load_idx %arg15[%add3A_845] : memref<1024xi32, #tpu.memory_space<vmem>>[vector<16xi32>], vector<16xi32>,
      %swap3A_847 = arith.constant 0 : index
      %swap3A_848 = tpu.vector_load %arg21[%swap3A_847] {strides = array<i32>} : memref<384xi32, #tpu.memory_space<vmem>>, vector<16xi32>,
      tpu.vector_store %arg21[%swap3A_847], %gather3A_846 {strides = array<i32>} : memref<384xi32, #tpu.memory_space<vmem>>, vector<16xi32>,
      %mul3A_849 = arith.constant 16 : i32
      %mul3A_850 = arith.muli %add3A_835, %mul3A_849 : i32
      %add3A_851 = vector.broadcast %mul3A_850 : i32 to vector<16xi32>
      %add3A_852 = arith.addi %add3A_851, %iota3A : vector<16xi32>
      %mul3A_853 = arith.constant 8 : i32
      %mul3A_854 = vector.broadcast %mul3A_853 : i32 to vector<16xi32>
      %mul3A_855 = arith.muli %add3A_852, %mul3A_854 : vector<16xi32>
      %add3A_856 = arith.constant 1 : i32
      %add3A_857 = vector.broadcast %add3A_856 : i32 to vector<16xi32>
      %add3A_858 = arith.addi %mul3A_855, %add3A_857 : vector<16xi32>
      %gather3A_859 = tpu.vector_load_idx %arg15[%add3A_858] : memref<1024xi32, #tpu.memory_space<vmem>>[vector<16xi32>], vector<16xi32>,
      %swap3A_860 = arith.constant 16 : index
      %swap3A_861 = tpu.vector_load %arg21[%swap3A_860] {strides = array<i32>} : memref<384xi32, #tpu.memory_space<vmem>>, vector<16xi32>,
      tpu.vector_store %arg21[%swap3A_860], %gather3A_859 {strides = array<i32>} : memref<384xi32, #tpu.memory_space<vmem>>, vector<16xi32>,
      %mul3A_862 = arith.constant 16 : i32
      %mul3A_863 = arith.muli %add3A_835, %mul3A_862 : i32
      %add3A_864 = vector.broadcast %mul3A_863 : i32 to vector<16xi32>
      %add3A_865 = arith.addi %add3A_864, %iota3A : vector<16xi32>
      %mul3A_866 = arith.constant 8 : i32
      %mul3A_867 = vector.broadcast %mul3A_866 : i32 to vector<16xi32>
      %mul3A_868 = arith.muli %add3A_865, %mul3A_867 : vector<16xi32>
      %add3A_869 = arith.constant 2 : i32
      %add3A_870 = vector.broadcast %add3A_869 : i32 to vector<16xi32>
      %add3A_871 = arith.addi %mul3A_868, %add3A_870 : vector<16xi32>
      %gather3A_872 = tpu.vector_load_idx %arg15[%add3A_871] : memref<1024xi32, #tpu.memory_space<vmem>>[vector<16xi32>], vector<16xi32>,
      %swap3A_873 = arith.constant 32 : index
      %swap3A_874 = tpu.vector_load %arg21[%swap3A_873] {strides = array<i32>} : memref<384xi32, #tpu.memory_space<vmem>>, vector<16xi32>,
      tpu.vector_store %arg21[%swap3A_873], %gather3A_872 {strides = array<i32>} : memref<384xi32, #tpu.memory_space<vmem>>, vector<16xi32>,
      %mul3A_875 = arith.constant 16 : i32
      %mul3A_876 = arith.muli %add3A_835, %mul3A_875 : i32
      %add3A_877 = vector.broadcast %mul3A_876 : i32 to vector<16xi32>
      %add3A_878 = arith.addi %add3A_877, %iota3A : vector<16xi32>
      %mul3A_879 = arith.constant 8 : i32
      %mul3A_880 = vector.broadcast %mul3A_879 : i32 to vector<16xi32>
      %mul3A_881 = arith.muli %add3A_878, %mul3A_880 : vector<16xi32>
      %add3A_882 = arith.constant 3 : i32
      %add3A_883 = vector.broadcast %add3A_882 : i32 to vector<16xi32>
      %add3A_884 = arith.addi %mul3A_881, %add3A_883 : vector<16xi32>
      %gather3A_885 = tpu.vector_load_idx %arg15[%add3A_884] : memref<1024xi32, #tpu.memory_space<vmem>>[vector<16xi32>], vector<16xi32>,
      %swap3A_886 = arith.constant 48 : index
      %swap3A_887 = tpu.vector_load %arg21[%swap3A_886] {strides = array<i32>} : memref<384xi32, #tpu.memory_space<vmem>>, vector<16xi32>,
      tpu.vector_store %arg21[%swap3A_886], %gather3A_885 {strides = array<i32>} : memref<384xi32, #tpu.memory_space<vmem>>, vector<16xi32>,
      %mul3A_888 = arith.constant 16 : i32
      %mul3A_889 = arith.muli %add3A_835, %mul3A_888 : i32
      %add3A_890 = vector.broadcast %mul3A_889 : i32 to vector<16xi32>
      %add3A_891 = arith.addi %add3A_890, %iota3A : vector<16xi32>
      %mul3A_892 = arith.constant 8 : i32
      %mul3A_893 = vector.broadcast %mul3A_892 : i32 to vector<16xi32>
      %mul3A_894 = arith.muli %add3A_891, %mul3A_893 : vector<16xi32>
      %add3A_895 = arith.constant 4 : i32
      %add3A_896 = vector.broadcast %add3A_895 : i32 to vector<16xi32>
      %add3A_897 = arith.addi %mul3A_894, %add3A_896 : vector<16xi32>
      %gather3A_898 = tpu.vector_load_idx %arg15[%add3A_897] : memref<1024xi32, #tpu.memory_space<vmem>>[vector<16xi32>], vector<16xi32>,
      %swap3A_899 = arith.constant 64 : index
      %swap3A_900 = tpu.vector_load %arg21[%swap3A_899] {strides = array<i32>} : memref<384xi32, #tpu.memory_space<vmem>>, vector<16xi32>,
      tpu.vector_store %arg21[%swap3A_899], %gather3A_898 {strides = array<i32>} : memref<384xi32, #tpu.memory_space<vmem>>, vector<16xi32>,
      %mul3A_901 = arith.constant 16 : i32
      %mul3A_902 = arith.muli %add3A_835, %mul3A_901 : i32
      %add3A_903 = vector.broadcast %mul3A_902 : i32 to vector<16xi32>
      %add3A_904 = arith.addi %add3A_903, %iota3A : vector<16xi32>
      %mul3A_905 = arith.constant 8 : i32
      %mul3A_906 = vector.broadcast %mul3A_905 : i32 to vector<16xi32>
      %mul3A_907 = arith.muli %add3A_904, %mul3A_906 : vector<16xi32>
      %add3A_908 = arith.constant 5 : i32
      %add3A_909 = vector.broadcast %add3A_908 : i32 to vector<16xi32>
      %add3A_910 = arith.addi %mul3A_907, %add3A_909 : vector<16xi32>
      %gather3A_911 = tpu.vector_load_idx %arg15[%add3A_910] : memref<1024xi32, #tpu.memory_space<vmem>>[vector<16xi32>], vector<16xi32>,
      %swap3A_912 = arith.constant 80 : index
      %swap3A_913 = tpu.vector_load %arg21[%swap3A_912] {strides = array<i32>} : memref<384xi32, #tpu.memory_space<vmem>>, vector<16xi32>,
      tpu.vector_store %arg21[%swap3A_912], %gather3A_911 {strides = array<i32>} : memref<384xi32, #tpu.memory_space<vmem>>, vector<16xi32>,
      %mul3A_914 = arith.constant 16 : i32
      %mul3A_915 = arith.muli %add3A_835, %mul3A_914 : i32
      %add3A_916 = vector.broadcast %mul3A_915 : i32 to vector<16xi32>
      %add3A_917 = arith.addi %add3A_916, %iota3A : vector<16xi32>
      %mul3A_918 = arith.constant 8 : i32
      %mul3A_919 = vector.broadcast %mul3A_918 : i32 to vector<16xi32>
      %mul3A_920 = arith.muli %add3A_917, %mul3A_919 : vector<16xi32>
      %add3A_921 = arith.constant 6 : i32
      %add3A_922 = vector.broadcast %add3A_921 : i32 to vector<16xi32>
      %add3A_923 = arith.addi %mul3A_920, %add3A_922 : vector<16xi32>
      %gather3A_924 = tpu.vector_load_idx %arg15[%add3A_923] : memref<1024xi32, #tpu.memory_space<vmem>>[vector<16xi32>], vector<16xi32>,
      %swap3A_925 = arith.constant 96 : index
      %swap3A_926 = tpu.vector_load %arg21[%swap3A_925] {strides = array<i32>} : memref<384xi32, #tpu.memory_space<vmem>>, vector<16xi32>,
      tpu.vector_store %arg21[%swap3A_925], %gather3A_924 {strides = array<i32>} : memref<384xi32, #tpu.memory_space<vmem>>, vector<16xi32>,
      %mul3A_927 = arith.constant 16 : i32
      %mul3A_928 = arith.muli %add3A_835, %mul3A_927 : i32
      %add3A_929 = vector.broadcast %mul3A_928 : i32 to vector<16xi32>
      %add3A_930 = arith.addi %add3A_929, %iota3A : vector<16xi32>
      %mul3A_931 = arith.constant 8 : i32
      %mul3A_932 = vector.broadcast %mul3A_931 : i32 to vector<16xi32>
      %mul3A_933 = arith.muli %add3A_930, %mul3A_932 : vector<16xi32>
      %add3A_934 = arith.constant 7 : i32
      %add3A_935 = vector.broadcast %add3A_934 : i32 to vector<16xi32>
      %add3A_936 = arith.addi %mul3A_933, %add3A_935 : vector<16xi32>
      %gather3A_937 = tpu.vector_load_idx %arg15[%add3A_936] : memref<1024xi32, #tpu.memory_space<vmem>>[vector<16xi32>], vector<16xi32>,
      %swap3A_938 = arith.constant 112 : index
      %swap3A_939 = tpu.vector_load %arg21[%swap3A_938] {strides = array<i32>} : memref<384xi32, #tpu.memory_space<vmem>>, vector<16xi32>,
      tpu.vector_store %arg21[%swap3A_938], %gather3A_937 {strides = array<i32>} : memref<384xi32, #tpu.memory_space<vmem>>, vector<16xi32>,
      %mul3A_940 = arith.constant 16 : i32
      %mul3A_941 = arith.muli %add3A_835, %mul3A_940 : i32
      %add3A_942 = vector.broadcast %mul3A_941 : i32 to vector<16xi32>
      %add3A_943 = arith.addi %add3A_942, %iota3A : vector<16xi32>
      %mul3A_944 = arith.constant 8 : i32
      %mul3A_945 = vector.broadcast %mul3A_944 : i32 to vector<16xi32>
      %mul3A_946 = arith.muli %add3A_943, %mul3A_945 : vector<16xi32>
      %add3A_947 = arith.constant 0 : i32
      %add3A_948 = vector.broadcast %add3A_947 : i32 to vector<16xi32>
      %add3A_949 = arith.addi %mul3A_946, %add3A_948 : vector<16xi32>
      %gather3A_950 = tpu.vector_load_idx %arg17[%add3A_949] : memref<1024xi32, #tpu.memory_space<vmem>>[vector<16xi32>], vector<16xi32>,
      %swap3A_951 = arith.constant 128 : index
      %swap3A_952 = tpu.vector_load %arg21[%swap3A_951] {strides = array<i32>} : memref<384xi32, #tpu.memory_space<vmem>>, vector<16xi32>,
      tpu.vector_store %arg21[%swap3A_951], %gather3A_950 {strides = array<i32>} : memref<384xi32, #tpu.memory_space<vmem>>, vector<16xi32>,
      %mul3A_953 = arith.constant 16 : i32
      %mul3A_954 = arith.muli %add3A_835, %mul3A_953 : i32
      %add3A_955 = vector.broadcast %mul3A_954 : i32 to vector<16xi32>
      %add3A_956 = arith.addi %add3A_955, %iota3A : vector<16xi32>
      %mul3A_957 = arith.constant 8 : i32
      %mul3A_958 = vector.broadcast %mul3A_957 : i32 to vector<16xi32>
      %mul3A_959 = arith.muli %add3A_956, %mul3A_958 : vector<16xi32>
      %add3A_960 = arith.constant 1 : i32
      %add3A_961 = vector.broadcast %add3A_960 : i32 to vector<16xi32>
      %add3A_962 = arith.addi %mul3A_959, %add3A_961 : vector<16xi32>
      %gather3A_963 = tpu.vector_load_idx %arg17[%add3A_962] : memref<1024xi32, #tpu.memory_space<vmem>>[vector<16xi32>], vector<16xi32>,
      %swap3A_964 = arith.constant 144 : index
      %swap3A_965 = tpu.vector_load %arg21[%swap3A_964] {strides = array<i32>} : memref<384xi32, #tpu.memory_space<vmem>>, vector<16xi32>,
      tpu.vector_store %arg21[%swap3A_964], %gather3A_963 {strides = array<i32>} : memref<384xi32, #tpu.memory_space<vmem>>, vector<16xi32>,
      %mul3A_966 = arith.constant 16 : i32
      %mul3A_967 = arith.muli %add3A_835, %mul3A_966 : i32
      %add3A_968 = vector.broadcast %mul3A_967 : i32 to vector<16xi32>
      %add3A_969 = arith.addi %add3A_968, %iota3A : vector<16xi32>
      %mul3A_970 = arith.constant 8 : i32
      %mul3A_971 = vector.broadcast %mul3A_970 : i32 to vector<16xi32>
      %mul3A_972 = arith.muli %add3A_969, %mul3A_971 : vector<16xi32>
      %add3A_973 = arith.constant 2 : i32
      %add3A_974 = vector.broadcast %add3A_973 : i32 to vector<16xi32>
      %add3A_975 = arith.addi %mul3A_972, %add3A_974 : vector<16xi32>
      %gather3A_976 = tpu.vector_load_idx %arg17[%add3A_975] : memref<1024xi32, #tpu.memory_space<vmem>>[vector<16xi32>], vector<16xi32>,
      %swap3A_977 = arith.constant 160 : index
      %swap3A_978 = tpu.vector_load %arg21[%swap3A_977] {strides = array<i32>} : memref<384xi32, #tpu.memory_space<vmem>>, vector<16xi32>,
      tpu.vector_store %arg21[%swap3A_977], %gather3A_976 {strides = array<i32>} : memref<384xi32, #tpu.memory_space<vmem>>, vector<16xi32>,
      %mul3A_979 = arith.constant 16 : i32
      %mul3A_980 = arith.muli %add3A_835, %mul3A_979 : i32
      %add3A_981 = vector.broadcast %mul3A_980 : i32 to vector<16xi32>
      %add3A_982 = arith.addi %add3A_981, %iota3A : vector<16xi32>
      %mul3A_983 = arith.constant 8 : i32
      %mul3A_984 = vector.broadcast %mul3A_983 : i32 to vector<16xi32>
      %mul3A_985 = arith.muli %add3A_982, %mul3A_984 : vector<16xi32>
      %add3A_986 = arith.constant 3 : i32
      %add3A_987 = vector.broadcast %add3A_986 : i32 to vector<16xi32>
      %add3A_988 = arith.addi %mul3A_985, %add3A_987 : vector<16xi32>
      %gather3A_989 = tpu.vector_load_idx %arg17[%add3A_988] : memref<1024xi32, #tpu.memory_space<vmem>>[vector<16xi32>], vector<16xi32>,
      %swap3A_990 = arith.constant 176 : index
      %swap3A_991 = tpu.vector_load %arg21[%swap3A_990] {strides = array<i32>} : memref<384xi32, #tpu.memory_space<vmem>>, vector<16xi32>,
      tpu.vector_store %arg21[%swap3A_990], %gather3A_989 {strides = array<i32>} : memref<384xi32, #tpu.memory_space<vmem>>, vector<16xi32>,
      %mul3A_992 = arith.constant 16 : i32
      %mul3A_993 = arith.muli %add3A_835, %mul3A_992 : i32
      %add3A_994 = vector.broadcast %mul3A_993 : i32 to vector<16xi32>
      %add3A_995 = arith.addi %add3A_994, %iota3A : vector<16xi32>
      %mul3A_996 = arith.constant 8 : i32
      %mul3A_997 = vector.broadcast %mul3A_996 : i32 to vector<16xi32>
      %mul3A_998 = arith.muli %add3A_995, %mul3A_997 : vector<16xi32>
      %add3A_999 = arith.constant 4 : i32
      %add3A_1000 = vector.broadcast %add3A_999 : i32 to vector<16xi32>
      %add3A_1001 = arith.addi %mul3A_998, %add3A_1000 : vector<16xi32>
      %gather3A_1002 = tpu.vector_load_idx %arg17[%add3A_1001] : memref<1024xi32, #tpu.memory_space<vmem>>[vector<16xi32>], vector<16xi32>,
      %swap3A_1003 = arith.constant 192 : index
      %swap3A_1004 = tpu.vector_load %arg21[%swap3A_1003] {strides = array<i32>} : memref<384xi32, #tpu.memory_space<vmem>>, vector<16xi32>,
      tpu.vector_store %arg21[%swap3A_1003], %gather3A_1002 {strides = array<i32>} : memref<384xi32, #tpu.memory_space<vmem>>, vector<16xi32>,
      %mul3A_1005 = arith.constant 16 : i32
      %mul3A_1006 = arith.muli %add3A_835, %mul3A_1005 : i32
      %add3A_1007 = vector.broadcast %mul3A_1006 : i32 to vector<16xi32>
      %add3A_1008 = arith.addi %add3A_1007, %iota3A : vector<16xi32>
      %mul3A_1009 = arith.constant 8 : i32
      %mul3A_1010 = vector.broadcast %mul3A_1009 : i32 to vector<16xi32>
      %mul3A_1011 = arith.muli %add3A_1008, %mul3A_1010 : vector<16xi32>
      %add3A_1012 = arith.constant 5 : i32
      %add3A_1013 = vector.broadcast %add3A_1012 : i32 to vector<16xi32>
      %add3A_1014 = arith.addi %mul3A_1011, %add3A_1013 : vector<16xi32>
      %gather3A_1015 = tpu.vector_load_idx %arg17[%add3A_1014] : memref<1024xi32, #tpu.memory_space<vmem>>[vector<16xi32>], vector<16xi32>,
      %swap3A_1016 = arith.constant 208 : index
      %swap3A_1017 = tpu.vector_load %arg21[%swap3A_1016] {strides = array<i32>} : memref<384xi32, #tpu.memory_space<vmem>>, vector<16xi32>,
      tpu.vector_store %arg21[%swap3A_1016], %gather3A_1015 {strides = array<i32>} : memref<384xi32, #tpu.memory_space<vmem>>, vector<16xi32>,
      %mul3A_1018 = arith.constant 16 : i32
      %mul3A_1019 = arith.muli %add3A_835, %mul3A_1018 : i32
      %add3A_1020 = vector.broadcast %mul3A_1019 : i32 to vector<16xi32>
      %add3A_1021 = arith.addi %add3A_1020, %iota3A : vector<16xi32>
      %mul3A_1022 = arith.constant 8 : i32
      %mul3A_1023 = vector.broadcast %mul3A_1022 : i32 to vector<16xi32>
      %mul3A_1024 = arith.muli %add3A_1021, %mul3A_1023 : vector<16xi32>
      %add3A_1025 = arith.constant 6 : i32
      %add3A_1026 = vector.broadcast %add3A_1025 : i32 to vector<16xi32>
      %add3A_1027 = arith.addi %mul3A_1024, %add3A_1026 : vector<16xi32>
      %gather3A_1028 = tpu.vector_load_idx %arg17[%add3A_1027] : memref<1024xi32, #tpu.memory_space<vmem>>[vector<16xi32>], vector<16xi32>,
      %swap3A_1029 = arith.constant 224 : index
      %swap3A_1030 = tpu.vector_load %arg21[%swap3A_1029] {strides = array<i32>} : memref<384xi32, #tpu.memory_space<vmem>>, vector<16xi32>,
      tpu.vector_store %arg21[%swap3A_1029], %gather3A_1028 {strides = array<i32>} : memref<384xi32, #tpu.memory_space<vmem>>, vector<16xi32>,
      %mul3A_1031 = arith.constant 16 : i32
      %mul3A_1032 = arith.muli %add3A_835, %mul3A_1031 : i32
      %add3A_1033 = vector.broadcast %mul3A_1032 : i32 to vector<16xi32>
      %add3A_1034 = arith.addi %add3A_1033, %iota3A : vector<16xi32>
      %mul3A_1035 = arith.constant 8 : i32
      %mul3A_1036 = vector.broadcast %mul3A_1035 : i32 to vector<16xi32>
      %mul3A_1037 = arith.muli %add3A_1034, %mul3A_1036 : vector<16xi32>
      %add3A_1038 = arith.constant 7 : i32
      %add3A_1039 = vector.broadcast %add3A_1038 : i32 to vector<16xi32>
      %add3A_1040 = arith.addi %mul3A_1037, %add3A_1039 : vector<16xi32>
      %gather3A_1041 = tpu.vector_load_idx %arg17[%add3A_1040] : memref<1024xi32, #tpu.memory_space<vmem>>[vector<16xi32>], vector<16xi32>,
      %swap3A_1042 = arith.constant 240 : index
      %swap3A_1043 = tpu.vector_load %arg21[%swap3A_1042] {strides = array<i32>} : memref<384xi32, #tpu.memory_space<vmem>>, vector<16xi32>,
      tpu.vector_store %arg21[%swap3A_1042], %gather3A_1041 {strides = array<i32>} : memref<384xi32, #tpu.memory_space<vmem>>, vector<16xi32>,
      %mul3A_1044 = arith.constant 16 : i32
      %mul3A_1045 = arith.muli %add3A_835, %mul3A_1044 : i32
      %add3A_1046 = vector.broadcast %mul3A_1045 : i32 to vector<16xi32>
      %add3A_1047 = arith.addi %add3A_1046, %iota3A : vector<16xi32>
      %mul3A_1048 = arith.constant 8 : i32
      %mul3A_1049 = vector.broadcast %mul3A_1048 : i32 to vector<16xi32>
      %mul3A_1050 = arith.muli %add3A_1047, %mul3A_1049 : vector<16xi32>
      %add3A_1051 = arith.constant 0 : i32
      %add3A_1052 = vector.broadcast %add3A_1051 : i32 to vector<16xi32>
      %add3A_1053 = arith.addi %mul3A_1050, %add3A_1052 : vector<16xi32>
      %gather3A_1054 = tpu.vector_load_idx %arg16[%add3A_1053] : memref<1024xi32, #tpu.memory_space<vmem>>[vector<16xi32>], vector<16xi32>,
      %swap3A_1055 = arith.constant 256 : index
      %swap3A_1056 = tpu.vector_load %arg21[%swap3A_1055] {strides = array<i32>} : memref<384xi32, #tpu.memory_space<vmem>>, vector<16xi32>,
      tpu.vector_store %arg21[%swap3A_1055], %gather3A_1054 {strides = array<i32>} : memref<384xi32, #tpu.memory_space<vmem>>, vector<16xi32>,
      %mul3A_1057 = arith.constant 16 : i32
      %mul3A_1058 = arith.muli %add3A_835, %mul3A_1057 : i32
      %add3A_1059 = vector.broadcast %mul3A_1058 : i32 to vector<16xi32>
      %add3A_1060 = arith.addi %add3A_1059, %iota3A : vector<16xi32>
      %mul3A_1061 = arith.constant 8 : i32
      %mul3A_1062 = vector.broadcast %mul3A_1061 : i32 to vector<16xi32>
      %mul3A_1063 = arith.muli %add3A_1060, %mul3A_1062 : vector<16xi32>
      %add3A_1064 = arith.constant 1 : i32
      %add3A_1065 = vector.broadcast %add3A_1064 : i32 to vector<16xi32>
      %add3A_1066 = arith.addi %mul3A_1063, %add3A_1065 : vector<16xi32>
      %gather3A_1067 = tpu.vector_load_idx %arg16[%add3A_1066] : memref<1024xi32, #tpu.memory_space<vmem>>[vector<16xi32>], vector<16xi32>,
      %swap3A_1068 = arith.constant 272 : index
      %swap3A_1069 = tpu.vector_load %arg21[%swap3A_1068] {strides = array<i32>} : memref<384xi32, #tpu.memory_space<vmem>>, vector<16xi32>,
      tpu.vector_store %arg21[%swap3A_1068], %gather3A_1067 {strides = array<i32>} : memref<384xi32, #tpu.memory_space<vmem>>, vector<16xi32>,
      %mul3A_1070 = arith.constant 16 : i32
      %mul3A_1071 = arith.muli %add3A_835, %mul3A_1070 : i32
      %add3A_1072 = vector.broadcast %mul3A_1071 : i32 to vector<16xi32>
      %add3A_1073 = arith.addi %add3A_1072, %iota3A : vector<16xi32>
      %mul3A_1074 = arith.constant 8 : i32
      %mul3A_1075 = vector.broadcast %mul3A_1074 : i32 to vector<16xi32>
      %mul3A_1076 = arith.muli %add3A_1073, %mul3A_1075 : vector<16xi32>
      %add3A_1077 = arith.constant 2 : i32
      %add3A_1078 = vector.broadcast %add3A_1077 : i32 to vector<16xi32>
      %add3A_1079 = arith.addi %mul3A_1076, %add3A_1078 : vector<16xi32>
      %gather3A_1080 = tpu.vector_load_idx %arg16[%add3A_1079] : memref<1024xi32, #tpu.memory_space<vmem>>[vector<16xi32>], vector<16xi32>,
      %swap3A_1081 = arith.constant 288 : index
      %swap3A_1082 = tpu.vector_load %arg21[%swap3A_1081] {strides = array<i32>} : memref<384xi32, #tpu.memory_space<vmem>>, vector<16xi32>,
      tpu.vector_store %arg21[%swap3A_1081], %gather3A_1080 {strides = array<i32>} : memref<384xi32, #tpu.memory_space<vmem>>, vector<16xi32>,
      %mul3A_1083 = arith.constant 16 : i32
      %mul3A_1084 = arith.muli %add3A_835, %mul3A_1083 : i32
      %add3A_1085 = vector.broadcast %mul3A_1084 : i32 to vector<16xi32>
      %add3A_1086 = arith.addi %add3A_1085, %iota3A : vector<16xi32>
      %mul3A_1087 = arith.constant 8 : i32
      %mul3A_1088 = vector.broadcast %mul3A_1087 : i32 to vector<16xi32>
      %mul3A_1089 = arith.muli %add3A_1086, %mul3A_1088 : vector<16xi32>
      %add3A_1090 = arith.constant 3 : i32
      %add3A_1091 = vector.broadcast %add3A_1090 : i32 to vector<16xi32>
      %add3A_1092 = arith.addi %mul3A_1089, %add3A_1091 : vector<16xi32>
      %gather3A_1093 = tpu.vector_load_idx %arg16[%add3A_1092] : memref<1024xi32, #tpu.memory_space<vmem>>[vector<16xi32>], vector<16xi32>,
      %swap3A_1094 = arith.constant 304 : index
      %swap3A_1095 = tpu.vector_load %arg21[%swap3A_1094] {strides = array<i32>} : memref<384xi32, #tpu.memory_space<vmem>>, vector<16xi32>,
      tpu.vector_store %arg21[%swap3A_1094], %gather3A_1093 {strides = array<i32>} : memref<384xi32, #tpu.memory_space<vmem>>, vector<16xi32>,
      %mul3A_1096 = arith.constant 16 : i32
      %mul3A_1097 = arith.muli %add3A_835, %mul3A_1096 : i32
      %add3A_1098 = vector.broadcast %mul3A_1097 : i32 to vector<16xi32>
      %add3A_1099 = arith.addi %add3A_1098, %iota3A : vector<16xi32>
      %mul3A_1100 = arith.constant 8 : i32
      %mul3A_1101 = vector.broadcast %mul3A_1100 : i32 to vector<16xi32>
      %mul3A_1102 = arith.muli %add3A_1099, %mul3A_1101 : vector<16xi32>
      %add3A_1103 = arith.constant 4 : i32
      %add3A_1104 = vector.broadcast %add3A_1103 : i32 to vector<16xi32>
      %add3A_1105 = arith.addi %mul3A_1102, %add3A_1104 : vector<16xi32>
      %gather3A_1106 = tpu.vector_load_idx %arg16[%add3A_1105] : memref<1024xi32, #tpu.memory_space<vmem>>[vector<16xi32>], vector<16xi32>,
      %swap3A_1107 = arith.constant 320 : index
      %swap3A_1108 = tpu.vector_load %arg21[%swap3A_1107] {strides = array<i32>} : memref<384xi32, #tpu.memory_space<vmem>>, vector<16xi32>,
      tpu.vector_store %arg21[%swap3A_1107], %gather3A_1106 {strides = array<i32>} : memref<384xi32, #tpu.memory_space<vmem>>, vector<16xi32>,
      %mul3A_1109 = arith.constant 16 : i32
      %mul3A_1110 = arith.muli %add3A_835, %mul3A_1109 : i32
      %add3A_1111 = vector.broadcast %mul3A_1110 : i32 to vector<16xi32>
      %add3A_1112 = arith.addi %add3A_1111, %iota3A : vector<16xi32>
      %mul3A_1113 = arith.constant 8 : i32
      %mul3A_1114 = vector.broadcast %mul3A_1113 : i32 to vector<16xi32>
      %mul3A_1115 = arith.muli %add3A_1112, %mul3A_1114 : vector<16xi32>
      %add3A_1116 = arith.constant 5 : i32
      %add3A_1117 = vector.broadcast %add3A_1116 : i32 to vector<16xi32>
      %add3A_1118 = arith.addi %mul3A_1115, %add3A_1117 : vector<16xi32>
      %gather3A_1119 = tpu.vector_load_idx %arg16[%add3A_1118] : memref<1024xi32, #tpu.memory_space<vmem>>[vector<16xi32>], vector<16xi32>,
      %swap3A_1120 = arith.constant 336 : index
      %swap3A_1121 = tpu.vector_load %arg21[%swap3A_1120] {strides = array<i32>} : memref<384xi32, #tpu.memory_space<vmem>>, vector<16xi32>,
      tpu.vector_store %arg21[%swap3A_1120], %gather3A_1119 {strides = array<i32>} : memref<384xi32, #tpu.memory_space<vmem>>, vector<16xi32>,
      %mul3A_1122 = arith.constant 16 : i32
      %mul3A_1123 = arith.muli %add3A_835, %mul3A_1122 : i32
      %add3A_1124 = vector.broadcast %mul3A_1123 : i32 to vector<16xi32>
      %add3A_1125 = arith.addi %add3A_1124, %iota3A : vector<16xi32>
      %mul3A_1126 = arith.constant 8 : i32
      %mul3A_1127 = vector.broadcast %mul3A_1126 : i32 to vector<16xi32>
      %mul3A_1128 = arith.muli %add3A_1125, %mul3A_1127 : vector<16xi32>
      %add3A_1129 = arith.constant 6 : i32
      %add3A_1130 = vector.broadcast %add3A_1129 : i32 to vector<16xi32>
      %add3A_1131 = arith.addi %mul3A_1128, %add3A_1130 : vector<16xi32>
      %gather3A_1132 = tpu.vector_load_idx %arg16[%add3A_1131] : memref<1024xi32, #tpu.memory_space<vmem>>[vector<16xi32>], vector<16xi32>,
      %swap3A_1133 = arith.constant 352 : index
      %swap3A_1134 = tpu.vector_load %arg21[%swap3A_1133] {strides = array<i32>} : memref<384xi32, #tpu.memory_space<vmem>>, vector<16xi32>,
      tpu.vector_store %arg21[%swap3A_1133], %gather3A_1132 {strides = array<i32>} : memref<384xi32, #tpu.memory_space<vmem>>, vector<16xi32>,
      %mul3A_1135 = arith.constant 16 : i32
      %mul3A_1136 = arith.muli %add3A_835, %mul3A_1135 : i32
      %add3A_1137 = vector.broadcast %mul3A_1136 : i32 to vector<16xi32>
      %add3A_1138 = arith.addi %add3A_1137, %iota3A : vector<16xi32>
      %mul3A_1139 = arith.constant 8 : i32
      %mul3A_1140 = vector.broadcast %mul3A_1139 : i32 to vector<16xi32>
      %mul3A_1141 = arith.muli %add3A_1138, %mul3A_1140 : vector<16xi32>
      %add3A_1142 = arith.constant 7 : i32
      %add3A_1143 = vector.broadcast %add3A_1142 : i32 to vector<16xi32>
      %add3A_1144 = arith.addi %mul3A_1141, %add3A_1143 : vector<16xi32>
      %gather3A_1145 = tpu.vector_load_idx %arg16[%add3A_1144] : memref<1024xi32, #tpu.memory_space<vmem>>[vector<16xi32>], vector<16xi32>,
      %swap3A_1146 = arith.constant 368 : index
      %swap3A_1147 = tpu.vector_load %arg21[%swap3A_1146] {strides = array<i32>} : memref<384xi32, #tpu.memory_space<vmem>>, vector<16xi32>,
      tpu.vector_store %arg21[%swap3A_1146], %gather3A_1145 {strides = array<i32>} : memref<384xi32, #tpu.memory_space<vmem>>, vector<16xi32>,
      %dma_start3A_1148 = arith.constant 0 : i32
      %dma_start3A_1149 = arith.constant 0 : i32
      %dma_start3A_1150 = tpu.memref_slice %arg19[%dma_start3A_1148, %dma_start3A_1149] : memref<384x64xf32, #tpu.memory_space<vmem>> -> memref<128x64xf32, #tpu.memory_space<vmem>>
      %dma_start3A_1151 = arith.constant 0 : i32
      %dma_start3A_1152 = tpu.memref_slice %arg21[%dma_start3A_1151] : memref<384xi32, #tpu.memory_space<vmem>> -> memref<128xi32, #tpu.memory_space<vmem>>
      %dma_start3A_1153 = arith.constant 0 : i32
      %dma_start3A_1154 = arith.constant 0 : i32
      %dma_start3A_1155 = tpu.memref_slice %arg8[%dma_start3A_1153, %dma_start3A_1154] : memref<32000x64xf32, #tpu.memory_space<hbm>> -> memref<32000x64xf32, #tpu.memory_space<hbm>>
      tpu.enqueue_indirect_dma source(%dma_start3A_1155 : memref<32000x64xf32, #tpu.memory_space<hbm>>) target(%dma_start3A_1150 : memref<128x64xf32, #tpu.memory_space<vmem>>) offsets(%dma_start3A_1152 : memref<128xi32, #tpu.memory_space<vmem>>) semaphore(%arg26 : memref<!tpu.dma_semaphore, #tpu.memory_space<semaphore_mem>>)
      %dma_start3A_1156 = arith.constant 128 : i32
      %dma_start3A_1157 = arith.constant 0 : i32
      %dma_start3A_1158 = tpu.memref_slice %arg19[%dma_start3A_1156, %dma_start3A_1157] : memref<384x64xf32, #tpu.memory_space<vmem>> -> memref<128x64xf32, #tpu.memory_space<vmem>>
      %dma_start3A_1159 = arith.constant 128 : i32
      %dma_start3A_1160 = tpu.memref_slice %arg21[%dma_start3A_1159] : memref<384xi32, #tpu.memory_space<vmem>> -> memref<128xi32, #tpu.memory_space<vmem>>
      %dma_start3A_1161 = arith.constant 0 : i32
      %dma_start3A_1162 = arith.constant 0 : i32
      %dma_start3A_1163 = tpu.memref_slice %arg8[%dma_start3A_1161, %dma_start3A_1162] : memref<32000x64xf32, #tpu.memory_space<hbm>> -> memref<32000x64xf32, #tpu.memory_space<hbm>>
      tpu.enqueue_indirect_dma source(%dma_start3A_1163 : memref<32000x64xf32, #tpu.memory_space<hbm>>) target(%dma_start3A_1158 : memref<128x64xf32, #tpu.memory_space<vmem>>) offsets(%dma_start3A_1160 : memref<128xi32, #tpu.memory_space<vmem>>) semaphore(%arg26 : memref<!tpu.dma_semaphore, #tpu.memory_space<semaphore_mem>>)
      %dma_start3A_1164 = arith.constant 256 : i32
      %dma_start3A_1165 = arith.constant 0 : i32
      %dma_start3A_1166 = tpu.memref_slice %arg19[%dma_start3A_1164, %dma_start3A_1165] : memref<384x64xf32, #tpu.memory_space<vmem>> -> memref<128x64xf32, #tpu.memory_space<vmem>>
      %dma_start3A_1167 = arith.constant 256 : i32
      %dma_start3A_1168 = tpu.memref_slice %arg21[%dma_start3A_1167] : memref<384xi32, #tpu.memory_space<vmem>> -> memref<128xi32, #tpu.memory_space<vmem>>
      %dma_start3A_1169 = arith.constant 0 : i32
      %dma_start3A_1170 = arith.constant 0 : i32
      %dma_start3A_1171 = tpu.memref_slice %arg8[%dma_start3A_1169, %dma_start3A_1170] : memref<32000x64xf32, #tpu.memory_space<hbm>> -> memref<32000x64xf32, #tpu.memory_space<hbm>>
      tpu.enqueue_indirect_dma source(%dma_start3A_1171 : memref<32000x64xf32, #tpu.memory_space<hbm>>) target(%dma_start3A_1166 : memref<128x64xf32, #tpu.memory_space<vmem>>) offsets(%dma_start3A_1168 : memref<128xi32, #tpu.memory_space<vmem>>) semaphore(%arg26 : memref<!tpu.dma_semaphore, #tpu.memory_space<semaphore_mem>>)
      %dma_wait3A_1172 = arith.constant 0 : i32
      %dma_wait3A_1173 = arith.constant 0 : i32
      %dma_wait3A_1174 = tpu.memref_slice %arg18[%dma_wait3A_1172, %dma_wait3A_1173] : memref<384x64xf32, #tpu.memory_space<vmem>> -> memref<128x64xf32, #tpu.memory_space<vmem>>
      %dma_wait3A_1175 = arith.constant 0 : i32
      %dma_wait3A_1176 = tpu.memref_slice %arg20[%dma_wait3A_1175] : memref<384xi32, #tpu.memory_space<vmem>> -> memref<128xi32, #tpu.memory_space<vmem>>
      %dma_wait3A_1177 = arith.constant 0 : i32
      %dma_wait3A_1178 = arith.constant 0 : i32
      %dma_wait3A_1179 = tpu.memref_slice %arg8[%dma_wait3A_1177, %dma_wait3A_1178] : memref<32000x64xf32, #tpu.memory_space<hbm>> -> memref<32000x64xf32, #tpu.memory_space<hbm>>
      tpu.wait_indirect_dma semaphore(%arg25 : memref<!tpu.dma_semaphore, #tpu.memory_space<semaphore_mem>>) src(%dma_wait3A_1179 : memref<32000x64xf32, #tpu.memory_space<hbm>>) dst(%dma_wait3A_1174 : memref<128x64xf32, #tpu.memory_space<vmem>>)
      %dma_wait3A_1180 = arith.constant 128 : i32
      %dma_wait3A_1181 = arith.constant 0 : i32
      %dma_wait3A_1182 = tpu.memref_slice %arg18[%dma_wait3A_1180, %dma_wait3A_1181] : memref<384x64xf32, #tpu.memory_space<vmem>> -> memref<128x64xf32, #tpu.memory_space<vmem>>
      %dma_wait3A_1183 = arith.constant 128 : i32
      %dma_wait3A_1184 = tpu.memref_slice %arg20[%dma_wait3A_1183] : memref<384xi32, #tpu.memory_space<vmem>> -> memref<128xi32, #tpu.memory_space<vmem>>
      %dma_wait3A_1185 = arith.constant 0 : i32
      %dma_wait3A_1186 = arith.constant 0 : i32
      %dma_wait3A_1187 = tpu.memref_slice %arg8[%dma_wait3A_1185, %dma_wait3A_1186] : memref<32000x64xf32, #tpu.memory_space<hbm>> -> memref<32000x64xf32, #tpu.memory_space<hbm>>
      tpu.wait_indirect_dma semaphore(%arg25 : memref<!tpu.dma_semaphore, #tpu.memory_space<semaphore_mem>>) src(%dma_wait3A_1187 : memref<32000x64xf32, #tpu.memory_space<hbm>>) dst(%dma_wait3A_1182 : memref<128x64xf32, #tpu.memory_space<vmem>>)
      %dma_wait3A_1188 = arith.constant 256 : i32
      %dma_wait3A_1189 = arith.constant 0 : i32
      %dma_wait3A_1190 = tpu.memref_slice %arg18[%dma_wait3A_1188, %dma_wait3A_1189] : memref<384x64xf32, #tpu.memory_space<vmem>> -> memref<128x64xf32, #tpu.memory_space<vmem>>
      %dma_wait3A_1191 = arith.constant 256 : i32
      %dma_wait3A_1192 = tpu.memref_slice %arg20[%dma_wait3A_1191] : memref<384xi32, #tpu.memory_space<vmem>> -> memref<128xi32, #tpu.memory_space<vmem>>
      %dma_wait3A_1193 = arith.constant 0 : i32
      %dma_wait3A_1194 = arith.constant 0 : i32
      %dma_wait3A_1195 = tpu.memref_slice %arg8[%dma_wait3A_1193, %dma_wait3A_1194] : memref<32000x64xf32, #tpu.memory_space<hbm>> -> memref<32000x64xf32, #tpu.memory_space<hbm>>
      tpu.wait_indirect_dma semaphore(%arg25 : memref<!tpu.dma_semaphore, #tpu.memory_space<semaphore_mem>>) src(%dma_wait3A_1195 : memref<32000x64xf32, #tpu.memory_space<hbm>>) dst(%dma_wait3A_1190 : memref<128x64xf32, #tpu.memory_space<vmem>>)
      %mul3A_1196 = arith.constant 16 : i32
      %mul3A_1197 = arith.muli %mul3A_833, %mul3A_1196 : i32
      %add3A_1198 = vector.broadcast %mul3A_1197 : i32 to vector<16xi32>
      %add3A_1199 = arith.addi %add3A_1198, %iota3A : vector<16xi32>
      %mul3A_1200 = arith.constant 64 : i32
      %mul3A_1201 = vector.broadcast %mul3A_1200 : i32 to vector<16xi32>
      %mul3A_1202 = arith.muli %add3A_1199, %mul3A_1201 : vector<16xi32>
      %scan3A_1203 = arith.constant 0 : i32
      %scan3A_1204 = arith.constant 32 : i32
      %scan3A_1205 = arith.addi %scan3A_1203, %scan3A_1204 : i32
      %scan3A_1206 = arith.constant 1 : i32
      %scan3A_1207:2 = scf.for %scan3A_1425 = %scan3A_1203 to %scan3A_1205 step %scan3A_1206 iter_args(%scan3A_1426 = %broadcast_in_dim3A_1, %scan3A_1427 = %broadcast_in_dim3A_1) -> (vector<16xf32>, vector<16xf32>)  : i32 {
        %mul3A_1428 = arith.constant 2 : i32
        %mul3A_1429 = arith.muli %scan3A_1425, %mul3A_1428 : i32
        %add3A_1430 = arith.constant 0 : i32
        %add3A_1431 = arith.addi %mul3A_1429, %add3A_1430 : i32
        %add3A_1432 = arith.constant 0 : i32
        %add3A_1433 = vector.broadcast %add3A_1432 : i32 to vector<16xi32>
        %add3A_1434 = arith.addi %add3A_1433, %iota3A : vector<16xi32>
        %broadcast_in_dim3A_1435 = vector.broadcast %add3A_1431 : i32 to vector<16xi32>
        %gather3A_1436 = tpu.vector_load_idx %arg18[%add3A_1434, %broadcast_in_dim3A_1435] : memref<384x64xf32, #tpu.memory_space<vmem>>[vector<16xi32>, vector<16xi32>], vector<16xf32>,
        %add3A_1437 = arith.constant 16 : i32
        %add3A_1438 = vector.broadcast %add3A_1437 : i32 to vector<16xi32>
        %add3A_1439 = arith.addi %add3A_1438, %iota3A : vector<16xi32>
        %broadcast_in_dim3A_1440 = vector.broadcast %add3A_1431 : i32 to vector<16xi32>
        %gather3A_1441 = tpu.vector_load_idx %arg18[%add3A_1439, %broadcast_in_dim3A_1440] : memref<384x64xf32, #tpu.memory_space<vmem>>[vector<16xi32>, vector<16xi32>], vector<16xf32>,
        %add3A_1442 = arith.addf %gather3A_1436, %gather3A_1441 : vector<16xf32>
        %add3A_1443 = arith.constant 32 : i32
        %add3A_1444 = vector.broadcast %add3A_1443 : i32 to vector<16xi32>
        %add3A_1445 = arith.addi %add3A_1444, %iota3A : vector<16xi32>
        %broadcast_in_dim3A_1446 = vector.broadcast %add3A_1431 : i32 to vector<16xi32>
        %gather3A_1447 = tpu.vector_load_idx %arg18[%add3A_1445, %broadcast_in_dim3A_1446] : memref<384x64xf32, #tpu.memory_space<vmem>>[vector<16xi32>, vector<16xi32>], vector<16xf32>,
        %add3A_1448 = arith.addf %add3A_1442, %gather3A_1447 : vector<16xf32>
        %add3A_1449 = arith.constant 48 : i32
        %add3A_1450 = vector.broadcast %add3A_1449 : i32 to vector<16xi32>
        %add3A_1451 = arith.addi %add3A_1450, %iota3A : vector<16xi32>
        %broadcast_in_dim3A_1452 = vector.broadcast %add3A_1431 : i32 to vector<16xi32>
        %gather3A_1453 = tpu.vector_load_idx %arg18[%add3A_1451, %broadcast_in_dim3A_1452] : memref<384x64xf32, #tpu.memory_space<vmem>>[vector<16xi32>, vector<16xi32>], vector<16xf32>,
        %add3A_1454 = arith.addf %add3A_1448, %gather3A_1453 : vector<16xf32>
        %add3A_1455 = arith.constant 64 : i32
        %add3A_1456 = vector.broadcast %add3A_1455 : i32 to vector<16xi32>
        %add3A_1457 = arith.addi %add3A_1456, %iota3A : vector<16xi32>
        %broadcast_in_dim3A_1458 = vector.broadcast %add3A_1431 : i32 to vector<16xi32>
        %gather3A_1459 = tpu.vector_load_idx %arg18[%add3A_1457, %broadcast_in_dim3A_1458] : memref<384x64xf32, #tpu.memory_space<vmem>>[vector<16xi32>, vector<16xi32>], vector<16xf32>,
        %add3A_1460 = arith.addf %add3A_1454, %gather3A_1459 : vector<16xf32>
        %add3A_1461 = arith.constant 80 : i32
        %add3A_1462 = vector.broadcast %add3A_1461 : i32 to vector<16xi32>
        %add3A_1463 = arith.addi %add3A_1462, %iota3A : vector<16xi32>
        %broadcast_in_dim3A_1464 = vector.broadcast %add3A_1431 : i32 to vector<16xi32>
        %gather3A_1465 = tpu.vector_load_idx %arg18[%add3A_1463, %broadcast_in_dim3A_1464] : memref<384x64xf32, #tpu.memory_space<vmem>>[vector<16xi32>, vector<16xi32>], vector<16xf32>,
        %add3A_1466 = arith.addf %add3A_1460, %gather3A_1465 : vector<16xf32>
        %add3A_1467 = arith.constant 96 : i32
        %add3A_1468 = vector.broadcast %add3A_1467 : i32 to vector<16xi32>
        %add3A_1469 = arith.addi %add3A_1468, %iota3A : vector<16xi32>
        %broadcast_in_dim3A_1470 = vector.broadcast %add3A_1431 : i32 to vector<16xi32>
        %gather3A_1471 = tpu.vector_load_idx %arg18[%add3A_1469, %broadcast_in_dim3A_1470] : memref<384x64xf32, #tpu.memory_space<vmem>>[vector<16xi32>, vector<16xi32>], vector<16xf32>,
        %add3A_1472 = arith.addf %add3A_1466, %gather3A_1471 : vector<16xf32>
        %add3A_1473 = arith.constant 112 : i32
        %add3A_1474 = vector.broadcast %add3A_1473 : i32 to vector<16xi32>
        %add3A_1475 = arith.addi %add3A_1474, %iota3A : vector<16xi32>
        %broadcast_in_dim3A_1476 = vector.broadcast %add3A_1431 : i32 to vector<16xi32>
        %gather3A_1477 = tpu.vector_load_idx %arg18[%add3A_1475, %broadcast_in_dim3A_1476] : memref<384x64xf32, #tpu.memory_space<vmem>>[vector<16xi32>, vector<16xi32>], vector<16xf32>,
        %add3A_1478 = arith.addf %add3A_1472, %gather3A_1477 : vector<16xf32>
        %add3A_1479 = arith.constant 128 : i32
        %add3A_1480 = vector.broadcast %add3A_1479 : i32 to vector<16xi32>
        %add3A_1481 = arith.addi %add3A_1480, %iota3A : vector<16xi32>
        %broadcast_in_dim3A_1482 = vector.broadcast %add3A_1431 : i32 to vector<16xi32>
        %gather3A_1483 = tpu.vector_load_idx %arg18[%add3A_1481, %broadcast_in_dim3A_1482] : memref<384x64xf32, #tpu.memory_space<vmem>>[vector<16xi32>, vector<16xi32>], vector<16xf32>,
        %add3A_1484 = arith.constant 144 : i32
        %add3A_1485 = vector.broadcast %add3A_1484 : i32 to vector<16xi32>
        %add3A_1486 = arith.addi %add3A_1485, %iota3A : vector<16xi32>
        %broadcast_in_dim3A_1487 = vector.broadcast %add3A_1431 : i32 to vector<16xi32>
        %gather3A_1488 = tpu.vector_load_idx %arg18[%add3A_1486, %broadcast_in_dim3A_1487] : memref<384x64xf32, #tpu.memory_space<vmem>>[vector<16xi32>, vector<16xi32>], vector<16xf32>,
        %add3A_1489 = arith.addf %gather3A_1483, %gather3A_1488 : vector<16xf32>
        %add3A_1490 = arith.constant 160 : i32
        %add3A_1491 = vector.broadcast %add3A_1490 : i32 to vector<16xi32>
        %add3A_1492 = arith.addi %add3A_1491, %iota3A : vector<16xi32>
        %broadcast_in_dim3A_1493 = vector.broadcast %add3A_1431 : i32 to vector<16xi32>
        %gather3A_1494 = tpu.vector_load_idx %arg18[%add3A_1492, %broadcast_in_dim3A_1493] : memref<384x64xf32, #tpu.memory_space<vmem>>[vector<16xi32>, vector<16xi32>], vector<16xf32>,
        %add3A_1495 = arith.addf %add3A_1489, %gather3A_1494 : vector<16xf32>
        %add3A_1496 = arith.constant 176 : i32
        %add3A_1497 = vector.broadcast %add3A_1496 : i32 to vector<16xi32>
        %add3A_1498 = arith.addi %add3A_1497, %iota3A : vector<16xi32>
        %broadcast_in_dim3A_1499 = vector.broadcast %add3A_1431 : i32 to vector<16xi32>
        %gather3A_1500 = tpu.vector_load_idx %arg18[%add3A_1498, %broadcast_in_dim3A_1499] : memref<384x64xf32, #tpu.memory_space<vmem>>[vector<16xi32>, vector<16xi32>], vector<16xf32>,
        %add3A_1501 = arith.addf %add3A_1495, %gather3A_1500 : vector<16xf32>
        %add3A_1502 = arith.constant 192 : i32
        %add3A_1503 = vector.broadcast %add3A_1502 : i32 to vector<16xi32>
        %add3A_1504 = arith.addi %add3A_1503, %iota3A : vector<16xi32>
        %broadcast_in_dim3A_1505 = vector.broadcast %add3A_1431 : i32 to vector<16xi32>
        %gather3A_1506 = tpu.vector_load_idx %arg18[%add3A_1504, %broadcast_in_dim3A_1505] : memref<384x64xf32, #tpu.memory_space<vmem>>[vector<16xi32>, vector<16xi32>], vector<16xf32>,
        %add3A_1507 = arith.addf %add3A_1501, %gather3A_1506 : vector<16xf32>
        %add3A_1508 = arith.constant 208 : i32
        %add3A_1509 = vector.broadcast %add3A_1508 : i32 to vector<16xi32>
        %add3A_1510 = arith.addi %add3A_1509, %iota3A : vector<16xi32>
        %broadcast_in_dim3A_1511 = vector.broadcast %add3A_1431 : i32 to vector<16xi32>
        %gather3A_1512 = tpu.vector_load_idx %arg18[%add3A_1510, %broadcast_in_dim3A_1511] : memref<384x64xf32, #tpu.memory_space<vmem>>[vector<16xi32>, vector<16xi32>], vector<16xf32>,
        %add3A_1513 = arith.addf %add3A_1507, %gather3A_1512 : vector<16xf32>
        %add3A_1514 = arith.constant 224 : i32
        %add3A_1515 = vector.broadcast %add3A_1514 : i32 to vector<16xi32>
        %add3A_1516 = arith.addi %add3A_1515, %iota3A : vector<16xi32>
        %broadcast_in_dim3A_1517 = vector.broadcast %add3A_1431 : i32 to vector<16xi32>
        %gather3A_1518 = tpu.vector_load_idx %arg18[%add3A_1516, %broadcast_in_dim3A_1517] : memref<384x64xf32, #tpu.memory_space<vmem>>[vector<16xi32>, vector<16xi32>], vector<16xf32>,
        %add3A_1519 = arith.addf %add3A_1513, %gather3A_1518 : vector<16xf32>
        %add3A_1520 = arith.constant 240 : i32
        %add3A_1521 = vector.broadcast %add3A_1520 : i32 to vector<16xi32>
        %add3A_1522 = arith.addi %add3A_1521, %iota3A : vector<16xi32>
        %broadcast_in_dim3A_1523 = vector.broadcast %add3A_1431 : i32 to vector<16xi32>
        %gather3A_1524 = tpu.vector_load_idx %arg18[%add3A_1522, %broadcast_in_dim3A_1523] : memref<384x64xf32, #tpu.memory_space<vmem>>[vector<16xi32>, vector<16xi32>], vector<16xf32>,
        %add3A_1525 = arith.addf %add3A_1519, %gather3A_1524 : vector<16xf32>
        %add3A_1526 = arith.constant 256 : i32
        %add3A_1527 = vector.broadcast %add3A_1526 : i32 to vector<16xi32>
        %add3A_1528 = arith.addi %add3A_1527, %iota3A : vector<16xi32>
        %broadcast_in_dim3A_1529 = vector.broadcast %add3A_1431 : i32 to vector<16xi32>
        %gather3A_1530 = tpu.vector_load_idx %arg18[%add3A_1528, %broadcast_in_dim3A_1529] : memref<384x64xf32, #tpu.memory_space<vmem>>[vector<16xi32>, vector<16xi32>], vector<16xf32>,
        %add3A_1531 = arith.constant 272 : i32
        %add3A_1532 = vector.broadcast %add3A_1531 : i32 to vector<16xi32>
        %add3A_1533 = arith.addi %add3A_1532, %iota3A : vector<16xi32>
        %broadcast_in_dim3A_1534 = vector.broadcast %add3A_1431 : i32 to vector<16xi32>
        %gather3A_1535 = tpu.vector_load_idx %arg18[%add3A_1533, %broadcast_in_dim3A_1534] : memref<384x64xf32, #tpu.memory_space<vmem>>[vector<16xi32>, vector<16xi32>], vector<16xf32>,
        %add3A_1536 = arith.addf %gather3A_1530, %gather3A_1535 : vector<16xf32>
        %add3A_1537 = arith.constant 288 : i32
        %add3A_1538 = vector.broadcast %add3A_1537 : i32 to vector<16xi32>
        %add3A_1539 = arith.addi %add3A_1538, %iota3A : vector<16xi32>
        %broadcast_in_dim3A_1540 = vector.broadcast %add3A_1431 : i32 to vector<16xi32>
        %gather3A_1541 = tpu.vector_load_idx %arg18[%add3A_1539, %broadcast_in_dim3A_1540] : memref<384x64xf32, #tpu.memory_space<vmem>>[vector<16xi32>, vector<16xi32>], vector<16xf32>,
        %add3A_1542 = arith.addf %add3A_1536, %gather3A_1541 : vector<16xf32>
        %add3A_1543 = arith.constant 304 : i32
        %add3A_1544 = vector.broadcast %add3A_1543 : i32 to vector<16xi32>
        %add3A_1545 = arith.addi %add3A_1544, %iota3A : vector<16xi32>
        %broadcast_in_dim3A_1546 = vector.broadcast %add3A_1431 : i32 to vector<16xi32>
        %gather3A_1547 = tpu.vector_load_idx %arg18[%add3A_1545, %broadcast_in_dim3A_1546] : memref<384x64xf32, #tpu.memory_space<vmem>>[vector<16xi32>, vector<16xi32>], vector<16xf32>,
        %add3A_1548 = arith.addf %add3A_1542, %gather3A_1547 : vector<16xf32>
        %add3A_1549 = arith.constant 320 : i32
        %add3A_1550 = vector.broadcast %add3A_1549 : i32 to vector<16xi32>
        %add3A_1551 = arith.addi %add3A_1550, %iota3A : vector<16xi32>
        %broadcast_in_dim3A_1552 = vector.broadcast %add3A_1431 : i32 to vector<16xi32>
        %gather3A_1553 = tpu.vector_load_idx %arg18[%add3A_1551, %broadcast_in_dim3A_1552] : memref<384x64xf32, #tpu.memory_space<vmem>>[vector<16xi32>, vector<16xi32>], vector<16xf32>,
        %add3A_1554 = arith.addf %add3A_1548, %gather3A_1553 : vector<16xf32>
        %add3A_1555 = arith.constant 336 : i32
        %add3A_1556 = vector.broadcast %add3A_1555 : i32 to vector<16xi32>
        %add3A_1557 = arith.addi %add3A_1556, %iota3A : vector<16xi32>
        %broadcast_in_dim3A_1558 = vector.broadcast %add3A_1431 : i32 to vector<16xi32>
        %gather3A_1559 = tpu.vector_load_idx %arg18[%add3A_1557, %broadcast_in_dim3A_1558] : memref<384x64xf32, #tpu.memory_space<vmem>>[vector<16xi32>, vector<16xi32>], vector<16xf32>,
        %add3A_1560 = arith.addf %add3A_1554, %gather3A_1559 : vector<16xf32>
        %add3A_1561 = arith.constant 352 : i32
        %add3A_1562 = vector.broadcast %add3A_1561 : i32 to vector<16xi32>
        %add3A_1563 = arith.addi %add3A_1562, %iota3A : vector<16xi32>
        %broadcast_in_dim3A_1564 = vector.broadcast %add3A_1431 : i32 to vector<16xi32>
        %gather3A_1565 = tpu.vector_load_idx %arg18[%add3A_1563, %broadcast_in_dim3A_1564] : memref<384x64xf32, #tpu.memory_space<vmem>>[vector<16xi32>, vector<16xi32>], vector<16xf32>,
        %add3A_1566 = arith.addf %add3A_1560, %gather3A_1565 : vector<16xf32>
        %add3A_1567 = arith.constant 368 : i32
        %add3A_1568 = vector.broadcast %add3A_1567 : i32 to vector<16xi32>
        %add3A_1569 = arith.addi %add3A_1568, %iota3A : vector<16xi32>
        %broadcast_in_dim3A_1570 = vector.broadcast %add3A_1431 : i32 to vector<16xi32>
        %gather3A_1571 = tpu.vector_load_idx %arg18[%add3A_1569, %broadcast_in_dim3A_1570] : memref<384x64xf32, #tpu.memory_space<vmem>>[vector<16xi32>, vector<16xi32>], vector<16xf32>,
        %add3A_1572 = arith.addf %add3A_1566, %gather3A_1571 : vector<16xf32>
        %add3A_1573 = vector.broadcast %add3A_1431 : i32 to vector<16xi32>
        %add3A_1574 = arith.addi %mul3A_1202, %add3A_1573 : vector<16xi32>
        %gather3A_1575 = tpu.vector_load_idx %arg12[%add3A_1574] : memref<8192xf32, #tpu.memory_space<vmem>>[vector<16xi32>], vector<16xf32>,
        %add3A_1576 = vector.broadcast %add3A_1431 : i32 to vector<16xi32>
        %add3A_1577 = arith.addi %mul3A_1202, %add3A_1576 : vector<16xi32>
        %gather3A_1578 = tpu.vector_load_idx %arg13[%add3A_1577] : memref<8192xf32, #tpu.memory_space<vmem>>[vector<16xi32>], vector<16xf32>,
        %add3A_1579 = vector.broadcast %add3A_1431 : i32 to vector<16xi32>
        %add3A_1580 = arith.addi %mul3A_1202, %add3A_1579 : vector<16xi32>
        %gather3A_1581 = tpu.vector_load_idx %arg14[%add3A_1580] : memref<8192xf32, #tpu.memory_space<vmem>>[vector<16xi32>], vector<16xf32>,
        %mul3A_1582 = arith.mulf %gather3A_1575, %add3A_1478 : vector<16xf32>
        %mul3A_1583 = arith.constant 16 : i32
        %mul3A_1584 = arith.muli %add3A_1431, %mul3A_1583 : i32
        %add3A_1585 = arith.constant 0 : i32
        %add3A_1586 = arith.addi %add3A_1585, %mul3A_1584 : i32
        %swap3A_1587 = arith.index_cast %add3A_1586 : i32 to index
        %swap3A_1588 = tpu.vector_load %arg22[%swap3A_1587] {strides = array<i32>} : memref<3072xf32, #tpu.memory_space<vmem>>, vector<16xf32>,
        tpu.vector_store %arg22[%swap3A_1587], %mul3A_1582 {strides = array<i32>} : memref<3072xf32, #tpu.memory_space<vmem>>, vector<16xf32>,
        %mul3A_1589 = arith.mulf %gather3A_1581, %add3A_1525 : vector<16xf32>
        %mul3A_1590 = arith.constant 16 : i32
        %mul3A_1591 = arith.muli %add3A_1431, %mul3A_1590 : i32
        %add3A_1592 = arith.constant 1024 : i32
        %add3A_1593 = arith.addi %add3A_1592, %mul3A_1591 : i32
        %swap3A_1594 = arith.index_cast %add3A_1593 : i32 to index
        %swap3A_1595 = tpu.vector_load %arg22[%swap3A_1594] {strides = array<i32>} : memref<3072xf32, #tpu.memory_space<vmem>>, vector<16xf32>,
        tpu.vector_store %arg22[%swap3A_1594], %mul3A_1589 {strides = array<i32>} : memref<3072xf32, #tpu.memory_space<vmem>>, vector<16xf32>,
        %mul3A_1596 = arith.mulf %gather3A_1578, %add3A_1572 : vector<16xf32>
        %mul3A_1597 = arith.constant 16 : i32
        %mul3A_1598 = arith.muli %add3A_1431, %mul3A_1597 : i32
        %add3A_1599 = arith.constant 2048 : i32
        %add3A_1600 = arith.addi %add3A_1599, %mul3A_1598 : i32
        %swap3A_1601 = arith.index_cast %add3A_1600 : i32 to index
        %swap3A_1602 = tpu.vector_load %arg22[%swap3A_1601] {strides = array<i32>} : memref<3072xf32, #tpu.memory_space<vmem>>, vector<16xf32>,
        tpu.vector_store %arg22[%swap3A_1601], %mul3A_1596 {strides = array<i32>} : memref<3072xf32, #tpu.memory_space<vmem>>, vector<16xf32>,
        %mul3A_1603 = arith.mulf %gather3A_1575, %gather3A_1575 : vector<16xf32>
        %add3A_1604 = arith.addf %scan3A_1426, %mul3A_1603 : vector<16xf32>
        %mul3A_1605 = arith.mulf %gather3A_1578, %gather3A_1578 : vector<16xf32>
        %add3A_1606 = arith.addf %scan3A_1427, %mul3A_1605 : vector<16xf32>
        %mul3A_1607 = arith.constant 2 : i32
        %mul3A_1608 = arith.muli %scan3A_1425, %mul3A_1607 : i32
        %add3A_1609 = arith.constant 1 : i32
        %add3A_1610 = arith.addi %mul3A_1608, %add3A_1609 : i32
        %add3A_1611 = arith.constant 0 : i32
        %add3A_1612 = vector.broadcast %add3A_1611 : i32 to vector<16xi32>
        %add3A_1613 = arith.addi %add3A_1612, %iota3A : vector<16xi32>
        %broadcast_in_dim3A_1614 = vector.broadcast %add3A_1610 : i32 to vector<16xi32>
        %gather3A_1615 = tpu.vector_load_idx %arg18[%add3A_1613, %broadcast_in_dim3A_1614] : memref<384x64xf32, #tpu.memory_space<vmem>>[vector<16xi32>, vector<16xi32>], vector<16xf32>,
        %add3A_1616 = arith.constant 16 : i32
        %add3A_1617 = vector.broadcast %add3A_1616 : i32 to vector<16xi32>
        %add3A_1618 = arith.addi %add3A_1617, %iota3A : vector<16xi32>
        %broadcast_in_dim3A_1619 = vector.broadcast %add3A_1610 : i32 to vector<16xi32>
        %gather3A_1620 = tpu.vector_load_idx %arg18[%add3A_1618, %broadcast_in_dim3A_1619] : memref<384x64xf32, #tpu.memory_space<vmem>>[vector<16xi32>, vector<16xi32>], vector<16xf32>,
        %add3A_1621 = arith.addf %gather3A_1615, %gather3A_1620 : vector<16xf32>
        %add3A_1622 = arith.constant 32 : i32
        %add3A_1623 = vector.broadcast %add3A_1622 : i32 to vector<16xi32>
        %add3A_1624 = arith.addi %add3A_1623, %iota3A : vector<16xi32>
        %broadcast_in_dim3A_1625 = vector.broadcast %add3A_1610 : i32 to vector<16xi32>
        %gather3A_1626 = tpu.vector_load_idx %arg18[%add3A_1624, %broadcast_in_dim3A_1625] : memref<384x64xf32, #tpu.memory_space<vmem>>[vector<16xi32>, vector<16xi32>], vector<16xf32>,
        %add3A_1627 = arith.addf %add3A_1621, %gather3A_1626 : vector<16xf32>
        %add3A_1628 = arith.constant 48 : i32
        %add3A_1629 = vector.broadcast %add3A_1628 : i32 to vector<16xi32>
        %add3A_1630 = arith.addi %add3A_1629, %iota3A : vector<16xi32>
        %broadcast_in_dim3A_1631 = vector.broadcast %add3A_1610 : i32 to vector<16xi32>
        %gather3A_1632 = tpu.vector_load_idx %arg18[%add3A_1630, %broadcast_in_dim3A_1631] : memref<384x64xf32, #tpu.memory_space<vmem>>[vector<16xi32>, vector<16xi32>], vector<16xf32>,
        %add3A_1633 = arith.addf %add3A_1627, %gather3A_1632 : vector<16xf32>
        %add3A_1634 = arith.constant 64 : i32
        %add3A_1635 = vector.broadcast %add3A_1634 : i32 to vector<16xi32>
        %add3A_1636 = arith.addi %add3A_1635, %iota3A : vector<16xi32>
        %broadcast_in_dim3A_1637 = vector.broadcast %add3A_1610 : i32 to vector<16xi32>
        %gather3A_1638 = tpu.vector_load_idx %arg18[%add3A_1636, %broadcast_in_dim3A_1637] : memref<384x64xf32, #tpu.memory_space<vmem>>[vector<16xi32>, vector<16xi32>], vector<16xf32>,
        %add3A_1639 = arith.addf %add3A_1633, %gather3A_1638 : vector<16xf32>
        %add3A_1640 = arith.constant 80 : i32
        %add3A_1641 = vector.broadcast %add3A_1640 : i32 to vector<16xi32>
        %add3A_1642 = arith.addi %add3A_1641, %iota3A : vector<16xi32>
        %broadcast_in_dim3A_1643 = vector.broadcast %add3A_1610 : i32 to vector<16xi32>
        %gather3A_1644 = tpu.vector_load_idx %arg18[%add3A_1642, %broadcast_in_dim3A_1643] : memref<384x64xf32, #tpu.memory_space<vmem>>[vector<16xi32>, vector<16xi32>], vector<16xf32>,
        %add3A_1645 = arith.addf %add3A_1639, %gather3A_1644 : vector<16xf32>
        %add3A_1646 = arith.constant 96 : i32
        %add3A_1647 = vector.broadcast %add3A_1646 : i32 to vector<16xi32>
        %add3A_1648 = arith.addi %add3A_1647, %iota3A : vector<16xi32>
        %broadcast_in_dim3A_1649 = vector.broadcast %add3A_1610 : i32 to vector<16xi32>
        %gather3A_1650 = tpu.vector_load_idx %arg18[%add3A_1648, %broadcast_in_dim3A_1649] : memref<384x64xf32, #tpu.memory_space<vmem>>[vector<16xi32>, vector<16xi32>], vector<16xf32>,
        %add3A_1651 = arith.addf %add3A_1645, %gather3A_1650 : vector<16xf32>
        %add3A_1652 = arith.constant 112 : i32
        %add3A_1653 = vector.broadcast %add3A_1652 : i32 to vector<16xi32>
        %add3A_1654 = arith.addi %add3A_1653, %iota3A : vector<16xi32>
        %broadcast_in_dim3A_1655 = vector.broadcast %add3A_1610 : i32 to vector<16xi32>
        %gather3A_1656 = tpu.vector_load_idx %arg18[%add3A_1654, %broadcast_in_dim3A_1655] : memref<384x64xf32, #tpu.memory_space<vmem>>[vector<16xi32>, vector<16xi32>], vector<16xf32>,
        %add3A_1657 = arith.addf %add3A_1651, %gather3A_1656 : vector<16xf32>
        %add3A_1658 = arith.constant 128 : i32
        %add3A_1659 = vector.broadcast %add3A_1658 : i32 to vector<16xi32>
        %add3A_1660 = arith.addi %add3A_1659, %iota3A : vector<16xi32>
        %broadcast_in_dim3A_1661 = vector.broadcast %add3A_1610 : i32 to vector<16xi32>
        %gather3A_1662 = tpu.vector_load_idx %arg18[%add3A_1660, %broadcast_in_dim3A_1661] : memref<384x64xf32, #tpu.memory_space<vmem>>[vector<16xi32>, vector<16xi32>], vector<16xf32>,
        %add3A_1663 = arith.constant 144 : i32
        %add3A_1664 = vector.broadcast %add3A_1663 : i32 to vector<16xi32>
        %add3A_1665 = arith.addi %add3A_1664, %iota3A : vector<16xi32>
        %broadcast_in_dim3A_1666 = vector.broadcast %add3A_1610 : i32 to vector<16xi32>
        %gather3A_1667 = tpu.vector_load_idx %arg18[%add3A_1665, %broadcast_in_dim3A_1666] : memref<384x64xf32, #tpu.memory_space<vmem>>[vector<16xi32>, vector<16xi32>], vector<16xf32>,
        %add3A_1668 = arith.addf %gather3A_1662, %gather3A_1667 : vector<16xf32>
        %add3A_1669 = arith.constant 160 : i32
        %add3A_1670 = vector.broadcast %add3A_1669 : i32 to vector<16xi32>
        %add3A_1671 = arith.addi %add3A_1670, %iota3A : vector<16xi32>
        %broadcast_in_dim3A_1672 = vector.broadcast %add3A_1610 : i32 to vector<16xi32>
        %gather3A_1673 = tpu.vector_load_idx %arg18[%add3A_1671, %broadcast_in_dim3A_1672] : memref<384x64xf32, #tpu.memory_space<vmem>>[vector<16xi32>, vector<16xi32>], vector<16xf32>,
        %add3A_1674 = arith.addf %add3A_1668, %gather3A_1673 : vector<16xf32>
        %add3A_1675 = arith.constant 176 : i32
        %add3A_1676 = vector.broadcast %add3A_1675 : i32 to vector<16xi32>
        %add3A_1677 = arith.addi %add3A_1676, %iota3A : vector<16xi32>
        %broadcast_in_dim3A_1678 = vector.broadcast %add3A_1610 : i32 to vector<16xi32>
        %gather3A_1679 = tpu.vector_load_idx %arg18[%add3A_1677, %broadcast_in_dim3A_1678] : memref<384x64xf32, #tpu.memory_space<vmem>>[vector<16xi32>, vector<16xi32>], vector<16xf32>,
        %add3A_1680 = arith.addf %add3A_1674, %gather3A_1679 : vector<16xf32>
        %add3A_1681 = arith.constant 192 : i32
        %add3A_1682 = vector.broadcast %add3A_1681 : i32 to vector<16xi32>
        %add3A_1683 = arith.addi %add3A_1682, %iota3A : vector<16xi32>
        %broadcast_in_dim3A_1684 = vector.broadcast %add3A_1610 : i32 to vector<16xi32>
        %gather3A_1685 = tpu.vector_load_idx %arg18[%add3A_1683, %broadcast_in_dim3A_1684] : memref<384x64xf32, #tpu.memory_space<vmem>>[vector<16xi32>, vector<16xi32>], vector<16xf32>,
        %add3A_1686 = arith.addf %add3A_1680, %gather3A_1685 : vector<16xf32>
        %add3A_1687 = arith.constant 208 : i32
        %add3A_1688 = vector.broadcast %add3A_1687 : i32 to vector<16xi32>
        %add3A_1689 = arith.addi %add3A_1688, %iota3A : vector<16xi32>
        %broadcast_in_dim3A_1690 = vector.broadcast %add3A_1610 : i32 to vector<16xi32>
        %gather3A_1691 = tpu.vector_load_idx %arg18[%add3A_1689, %broadcast_in_dim3A_1690] : memref<384x64xf32, #tpu.memory_space<vmem>>[vector<16xi32>, vector<16xi32>], vector<16xf32>,
        %add3A_1692 = arith.addf %add3A_1686, %gather3A_1691 : vector<16xf32>
        %add3A_1693 = arith.constant 224 : i32
        %add3A_1694 = vector.broadcast %add3A_1693 : i32 to vector<16xi32>
        %add3A_1695 = arith.addi %add3A_1694, %iota3A : vector<16xi32>
        %broadcast_in_dim3A_1696 = vector.broadcast %add3A_1610 : i32 to vector<16xi32>
        %gather3A_1697 = tpu.vector_load_idx %arg18[%add3A_1695, %broadcast_in_dim3A_1696] : memref<384x64xf32, #tpu.memory_space<vmem>>[vector<16xi32>, vector<16xi32>], vector<16xf32>,
        %add3A_1698 = arith.addf %add3A_1692, %gather3A_1697 : vector<16xf32>
        %add3A_1699 = arith.constant 240 : i32
        %add3A_1700 = vector.broadcast %add3A_1699 : i32 to vector<16xi32>
        %add3A_1701 = arith.addi %add3A_1700, %iota3A : vector<16xi32>
        %broadcast_in_dim3A_1702 = vector.broadcast %add3A_1610 : i32 to vector<16xi32>
        %gather3A_1703 = tpu.vector_load_idx %arg18[%add3A_1701, %broadcast_in_dim3A_1702] : memref<384x64xf32, #tpu.memory_space<vmem>>[vector<16xi32>, vector<16xi32>], vector<16xf32>,
        %add3A_1704 = arith.addf %add3A_1698, %gather3A_1703 : vector<16xf32>
        %add3A_1705 = arith.constant 256 : i32
        %add3A_1706 = vector.broadcast %add3A_1705 : i32 to vector<16xi32>
        %add3A_1707 = arith.addi %add3A_1706, %iota3A : vector<16xi32>
        %broadcast_in_dim3A_1708 = vector.broadcast %add3A_1610 : i32 to vector<16xi32>
        %gather3A_1709 = tpu.vector_load_idx %arg18[%add3A_1707, %broadcast_in_dim3A_1708] : memref<384x64xf32, #tpu.memory_space<vmem>>[vector<16xi32>, vector<16xi32>], vector<16xf32>,
        %add3A_1710 = arith.constant 272 : i32
        %add3A_1711 = vector.broadcast %add3A_1710 : i32 to vector<16xi32>
        %add3A_1712 = arith.addi %add3A_1711, %iota3A : vector<16xi32>
        %broadcast_in_dim3A_1713 = vector.broadcast %add3A_1610 : i32 to vector<16xi32>
        %gather3A_1714 = tpu.vector_load_idx %arg18[%add3A_1712, %broadcast_in_dim3A_1713] : memref<384x64xf32, #tpu.memory_space<vmem>>[vector<16xi32>, vector<16xi32>], vector<16xf32>,
        %add3A_1715 = arith.addf %gather3A_1709, %gather3A_1714 : vector<16xf32>
        %add3A_1716 = arith.constant 288 : i32
        %add3A_1717 = vector.broadcast %add3A_1716 : i32 to vector<16xi32>
        %add3A_1718 = arith.addi %add3A_1717, %iota3A : vector<16xi32>
        %broadcast_in_dim3A_1719 = vector.broadcast %add3A_1610 : i32 to vector<16xi32>
        %gather3A_1720 = tpu.vector_load_idx %arg18[%add3A_1718, %broadcast_in_dim3A_1719] : memref<384x64xf32, #tpu.memory_space<vmem>>[vector<16xi32>, vector<16xi32>], vector<16xf32>,
        %add3A_1721 = arith.addf %add3A_1715, %gather3A_1720 : vector<16xf32>
        %add3A_1722 = arith.constant 304 : i32
        %add3A_1723 = vector.broadcast %add3A_1722 : i32 to vector<16xi32>
        %add3A_1724 = arith.addi %add3A_1723, %iota3A : vector<16xi32>
        %broadcast_in_dim3A_1725 = vector.broadcast %add3A_1610 : i32 to vector<16xi32>
        %gather3A_1726 = tpu.vector_load_idx %arg18[%add3A_1724, %broadcast_in_dim3A_1725] : memref<384x64xf32, #tpu.memory_space<vmem>>[vector<16xi32>, vector<16xi32>], vector<16xf32>,
        %add3A_1727 = arith.addf %add3A_1721, %gather3A_1726 : vector<16xf32>
        %add3A_1728 = arith.constant 320 : i32
        %add3A_1729 = vector.broadcast %add3A_1728 : i32 to vector<16xi32>
        %add3A_1730 = arith.addi %add3A_1729, %iota3A : vector<16xi32>
        %broadcast_in_dim3A_1731 = vector.broadcast %add3A_1610 : i32 to vector<16xi32>
        %gather3A_1732 = tpu.vector_load_idx %arg18[%add3A_1730, %broadcast_in_dim3A_1731] : memref<384x64xf32, #tpu.memory_space<vmem>>[vector<16xi32>, vector<16xi32>], vector<16xf32>,
        %add3A_1733 = arith.addf %add3A_1727, %gather3A_1732 : vector<16xf32>
        %add3A_1734 = arith.constant 336 : i32
        %add3A_1735 = vector.broadcast %add3A_1734 : i32 to vector<16xi32>
        %add3A_1736 = arith.addi %add3A_1735, %iota3A : vector<16xi32>
        %broadcast_in_dim3A_1737 = vector.broadcast %add3A_1610 : i32 to vector<16xi32>
        %gather3A_1738 = tpu.vector_load_idx %arg18[%add3A_1736, %broadcast_in_dim3A_1737] : memref<384x64xf32, #tpu.memory_space<vmem>>[vector<16xi32>, vector<16xi32>], vector<16xf32>,
        %add3A_1739 = arith.addf %add3A_1733, %gather3A_1738 : vector<16xf32>
        %add3A_1740 = arith.constant 352 : i32
        %add3A_1741 = vector.broadcast %add3A_1740 : i32 to vector<16xi32>
        %add3A_1742 = arith.addi %add3A_1741, %iota3A : vector<16xi32>
        %broadcast_in_dim3A_1743 = vector.broadcast %add3A_1610 : i32 to vector<16xi32>
        %gather3A_1744 = tpu.vector_load_idx %arg18[%add3A_1742, %broadcast_in_dim3A_1743] : memref<384x64xf32, #tpu.memory_space<vmem>>[vector<16xi32>, vector<16xi32>], vector<16xf32>,
        %add3A_1745 = arith.addf %add3A_1739, %gather3A_1744 : vector<16xf32>
        %add3A_1746 = arith.constant 368 : i32
        %add3A_1747 = vector.broadcast %add3A_1746 : i32 to vector<16xi32>
        %add3A_1748 = arith.addi %add3A_1747, %iota3A : vector<16xi32>
        %broadcast_in_dim3A_1749 = vector.broadcast %add3A_1610 : i32 to vector<16xi32>
        %gather3A_1750 = tpu.vector_load_idx %arg18[%add3A_1748, %broadcast_in_dim3A_1749] : memref<384x64xf32, #tpu.memory_space<vmem>>[vector<16xi32>, vector<16xi32>], vector<16xf32>,
        %add3A_1751 = arith.addf %add3A_1745, %gather3A_1750 : vector<16xf32>
        %add3A_1752 = vector.broadcast %add3A_1610 : i32 to vector<16xi32>
        %add3A_1753 = arith.addi %mul3A_1202, %add3A_1752 : vector<16xi32>
        %gather3A_1754 = tpu.vector_load_idx %arg12[%add3A_1753] : memref<8192xf32, #tpu.memory_space<vmem>>[vector<16xi32>], vector<16xf32>,
        %add3A_1755 = vector.broadcast %add3A_1610 : i32 to vector<16xi32>
        %add3A_1756 = arith.addi %mul3A_1202, %add3A_1755 : vector<16xi32>
        %gather3A_1757 = tpu.vector_load_idx %arg13[%add3A_1756] : memref<8192xf32, #tpu.memory_space<vmem>>[vector<16xi32>], vector<16xf32>,
        %add3A_1758 = vector.broadcast %add3A_1610 : i32 to vector<16xi32>
        %add3A_1759 = arith.addi %mul3A_1202, %add3A_1758 : vector<16xi32>
        %gather3A_1760 = tpu.vector_load_idx %arg14[%add3A_1759] : memref<8192xf32, #tpu.memory_space<vmem>>[vector<16xi32>], vector<16xf32>,
        %mul3A_1761 = arith.mulf %gather3A_1754, %add3A_1657 : vector<16xf32>
        %mul3A_1762 = arith.constant 16 : i32
        %mul3A_1763 = arith.muli %add3A_1610, %mul3A_1762 : i32
        %add3A_1764 = arith.constant 0 : i32
        %add3A_1765 = arith.addi %add3A_1764, %mul3A_1763 : i32
        %swap3A_1766 = arith.index_cast %add3A_1765 : i32 to index
        %swap3A_1767 = tpu.vector_load %arg22[%swap3A_1766] {strides = array<i32>} : memref<3072xf32, #tpu.memory_space<vmem>>, vector<16xf32>,
        tpu.vector_store %arg22[%swap3A_1766], %mul3A_1761 {strides = array<i32>} : memref<3072xf32, #tpu.memory_space<vmem>>, vector<16xf32>,
        %mul3A_1768 = arith.mulf %gather3A_1760, %add3A_1704 : vector<16xf32>
        %mul3A_1769 = arith.constant 16 : i32
        %mul3A_1770 = arith.muli %add3A_1610, %mul3A_1769 : i32
        %add3A_1771 = arith.constant 1024 : i32
        %add3A_1772 = arith.addi %add3A_1771, %mul3A_1770 : i32
        %swap3A_1773 = arith.index_cast %add3A_1772 : i32 to index
        %swap3A_1774 = tpu.vector_load %arg22[%swap3A_1773] {strides = array<i32>} : memref<3072xf32, #tpu.memory_space<vmem>>, vector<16xf32>,
        tpu.vector_store %arg22[%swap3A_1773], %mul3A_1768 {strides = array<i32>} : memref<3072xf32, #tpu.memory_space<vmem>>, vector<16xf32>,
        %mul3A_1775 = arith.mulf %gather3A_1757, %add3A_1751 : vector<16xf32>
        %mul3A_1776 = arith.constant 16 : i32
        %mul3A_1777 = arith.muli %add3A_1610, %mul3A_1776 : i32
        %add3A_1778 = arith.constant 2048 : i32
        %add3A_1779 = arith.addi %add3A_1778, %mul3A_1777 : i32
        %swap3A_1780 = arith.index_cast %add3A_1779 : i32 to index
        %swap3A_1781 = tpu.vector_load %arg22[%swap3A_1780] {strides = array<i32>} : memref<3072xf32, #tpu.memory_space<vmem>>, vector<16xf32>,
        tpu.vector_store %arg22[%swap3A_1780], %mul3A_1775 {strides = array<i32>} : memref<3072xf32, #tpu.memory_space<vmem>>, vector<16xf32>,
        %mul3A_1782 = arith.mulf %gather3A_1754, %gather3A_1754 : vector<16xf32>
        %add3A_1783 = arith.addf %add3A_1604, %mul3A_1782 : vector<16xf32>
        %mul3A_1784 = arith.mulf %gather3A_1757, %gather3A_1757 : vector<16xf32>
        %add3A_1785 = arith.addf %add3A_1606, %mul3A_1784 : vector<16xf32>
        scf.yield %add3A_1783, %add3A_1785 : vector<16xf32>, vector<16xf32>
      }
      %scan3A_1208 = arith.constant 32 : i32
      %bitcast3A = vector.bitcast %scan3A_1207#0 : vector<16xf32> to vector<16xi32>
      %shift_right_arithmetic3A = arith.constant 1 : i32
      %shift_right_arithmetic3A_1209 = vector.broadcast %shift_right_arithmetic3A : i32 to vector<16xi32>
      %shift_right_arithmetic3A_1210 = arith.shrsi %bitcast3A, %shift_right_arithmetic3A_1209 : vector<16xi32>
      %sub3A_1211 = arith.constant 1597463007 : i32
      %sub3A_1212 = vector.broadcast %sub3A_1211 : i32 to vector<16xi32>
      %sub3A_1213 = arith.subi %sub3A_1212, %shift_right_arithmetic3A_1210 : vector<16xi32>
      %bitcast3A_1214 = vector.bitcast %sub3A_1213 : vector<16xi32> to vector<16xf32>
      %mul3A_1215 = arith.constant 5.000000e-01 : f32
      %mul3A_1216 = vector.broadcast %mul3A_1215 : f32 to vector<16xf32>
      %mul3A_1217 = arith.mulf %mul3A_1216, %scan3A_1207#0 : vector<16xf32>
      %mul3A_1218 = arith.mulf %mul3A_1217, %bitcast3A_1214 : vector<16xf32>
      %mul3A_1219 = arith.mulf %mul3A_1218, %bitcast3A_1214 : vector<16xf32>
      %sub3A_1220 = arith.constant 1.500000e+00 : f32
      %sub3A_1221 = vector.broadcast %sub3A_1220 : f32 to vector<16xf32>
      %sub3A_1222 = arith.subf %sub3A_1221, %mul3A_1219 : vector<16xf32>
      %mul3A_1223 = arith.mulf %bitcast3A_1214, %sub3A_1222 : vector<16xf32>
      %mul3A_1224 = arith.constant 5.000000e-01 : f32
      %mul3A_1225 = vector.broadcast %mul3A_1224 : f32 to vector<16xf32>
      %mul3A_1226 = arith.mulf %mul3A_1225, %scan3A_1207#0 : vector<16xf32>
      %mul3A_1227 = arith.mulf %mul3A_1226, %mul3A_1223 : vector<16xf32>
      %mul3A_1228 = arith.mulf %mul3A_1227, %mul3A_1223 : vector<16xf32>
      %sub3A_1229 = arith.constant 1.500000e+00 : f32
      %sub3A_1230 = vector.broadcast %sub3A_1229 : f32 to vector<16xf32>
      %sub3A_1231 = arith.subf %sub3A_1230, %mul3A_1228 : vector<16xf32>
      %mul3A_1232 = arith.mulf %mul3A_1223, %sub3A_1231 : vector<16xf32>
      %mul3A_1233 = arith.constant 5.000000e-01 : f32
      %mul3A_1234 = vector.broadcast %mul3A_1233 : f32 to vector<16xf32>
      %mul3A_1235 = arith.mulf %mul3A_1234, %scan3A_1207#0 : vector<16xf32>
      %mul3A_1236 = arith.mulf %mul3A_1235, %mul3A_1232 : vector<16xf32>
      %mul3A_1237 = arith.mulf %mul3A_1236, %mul3A_1232 : vector<16xf32>
      %sub3A_1238 = arith.constant 1.500000e+00 : f32
      %sub3A_1239 = vector.broadcast %sub3A_1238 : f32 to vector<16xf32>
      %sub3A_1240 = arith.subf %sub3A_1239, %mul3A_1237 : vector<16xf32>
      %mul3A_1241 = arith.mulf %mul3A_1232, %sub3A_1240 : vector<16xf32>
      %mul3A_1242 = arith.constant 1.250000e-01 : f32
      %mul3A_1243 = vector.broadcast %mul3A_1242 : f32 to vector<16xf32>
      %mul3A_1244 = arith.mulf %mul3A_1241, %mul3A_1243 : vector<16xf32>
      %bitcast3A_1245 = vector.bitcast %scan3A_1207#1 : vector<16xf32> to vector<16xi32>
      %shift_right_arithmetic3A_1246 = arith.constant 1 : i32
      %shift_right_arithmetic3A_1247 = vector.broadcast %shift_right_arithmetic3A_1246 : i32 to vector<16xi32>
      %shift_right_arithmetic3A_1248 = arith.shrsi %bitcast3A_1245, %shift_right_arithmetic3A_1247 : vector<16xi32>
      %sub3A_1249 = arith.constant 1597463007 : i32
      %sub3A_1250 = vector.broadcast %sub3A_1249 : i32 to vector<16xi32>
      %sub3A_1251 = arith.subi %sub3A_1250, %shift_right_arithmetic3A_1248 : vector<16xi32>
      %bitcast3A_1252 = vector.bitcast %sub3A_1251 : vector<16xi32> to vector<16xf32>
      %mul3A_1253 = arith.constant 5.000000e-01 : f32
      %mul3A_1254 = vector.broadcast %mul3A_1253 : f32 to vector<16xf32>
      %mul3A_1255 = arith.mulf %mul3A_1254, %scan3A_1207#1 : vector<16xf32>
      %mul3A_1256 = arith.mulf %mul3A_1255, %bitcast3A_1252 : vector<16xf32>
      %mul3A_1257 = arith.mulf %mul3A_1256, %bitcast3A_1252 : vector<16xf32>
      %sub3A_1258 = arith.constant 1.500000e+00 : f32
      %sub3A_1259 = vector.broadcast %sub3A_1258 : f32 to vector<16xf32>
      %sub3A_1260 = arith.subf %sub3A_1259, %mul3A_1257 : vector<16xf32>
      %mul3A_1261 = arith.mulf %bitcast3A_1252, %sub3A_1260 : vector<16xf32>
      %mul3A_1262 = arith.constant 5.000000e-01 : f32
      %mul3A_1263 = vector.broadcast %mul3A_1262 : f32 to vector<16xf32>
      %mul3A_1264 = arith.mulf %mul3A_1263, %scan3A_1207#1 : vector<16xf32>
      %mul3A_1265 = arith.mulf %mul3A_1264, %mul3A_1261 : vector<16xf32>
      %mul3A_1266 = arith.mulf %mul3A_1265, %mul3A_1261 : vector<16xf32>
      %sub3A_1267 = arith.constant 1.500000e+00 : f32
      %sub3A_1268 = vector.broadcast %sub3A_1267 : f32 to vector<16xf32>
      %sub3A_1269 = arith.subf %sub3A_1268, %mul3A_1266 : vector<16xf32>
      %mul3A_1270 = arith.mulf %mul3A_1261, %sub3A_1269 : vector<16xf32>
      %mul3A_1271 = arith.constant 5.000000e-01 : f32
      %mul3A_1272 = vector.broadcast %mul3A_1271 : f32 to vector<16xf32>
      %mul3A_1273 = arith.mulf %mul3A_1272, %scan3A_1207#1 : vector<16xf32>
      %mul3A_1274 = arith.mulf %mul3A_1273, %mul3A_1270 : vector<16xf32>
      %mul3A_1275 = arith.mulf %mul3A_1274, %mul3A_1270 : vector<16xf32>
      %sub3A_1276 = arith.constant 1.500000e+00 : f32
      %sub3A_1277 = vector.broadcast %sub3A_1276 : f32 to vector<16xf32>
      %sub3A_1278 = arith.subf %sub3A_1277, %mul3A_1275 : vector<16xf32>
      %mul3A_1279 = arith.mulf %mul3A_1270, %sub3A_1278 : vector<16xf32>
      %mul3A_1280 = arith.constant 1.250000e-01 : f32
      %mul3A_1281 = vector.broadcast %mul3A_1280 : f32 to vector<16xf32>
      %mul3A_1282 = arith.mulf %mul3A_1279, %mul3A_1281 : vector<16xf32>
      %scan3A_1283 = arith.constant 0 : i32
      %scan3A_1284 = arith.constant 64 : i32
      %scan3A_1285 = arith.addi %scan3A_1283, %scan3A_1284 : i32
      %scan3A_1286 = arith.constant 1 : i32
      %scan3A_1287 = scf.for %scan3A_1425 = %scan3A_1283 to %scan3A_1285 step %scan3A_1286 iter_args(%scan3A_1426 = %broadcast_in_dim3A_1) -> (vector<16xf32>)  : i32 {
        %mul3A_1427 = arith.constant 16 : i32
        %mul3A_1428 = arith.muli %scan3A_1425, %mul3A_1427 : i32
        %add3A_1429 = arith.constant 0 : i32
        %add3A_1430 = arith.addi %add3A_1429, %mul3A_1428 : i32
        %get3A_1431 = arith.index_cast %add3A_1430 : i32 to index
        %get3A_1432 = tpu.vector_load %arg22[%get3A_1431] {strides = array<i32>} : memref<3072xf32, #tpu.memory_space<vmem>>, vector<16xf32>,
        %mul3A_1433 = arith.constant 16 : i32
        %mul3A_1434 = arith.muli %scan3A_1425, %mul3A_1433 : i32
        %add3A_1435 = arith.constant 1024 : i32
        %add3A_1436 = arith.addi %add3A_1435, %mul3A_1434 : i32
        %get3A_1437 = arith.index_cast %add3A_1436 : i32 to index
        %get3A_1438 = tpu.vector_load %arg22[%get3A_1437] {strides = array<i32>} : memref<3072xf32, #tpu.memory_space<vmem>>, vector<16xf32>,
        %mul3A_1439 = arith.constant 16 : i32
        %mul3A_1440 = arith.muli %scan3A_1425, %mul3A_1439 : i32
        %add3A_1441 = arith.constant 2048 : i32
        %add3A_1442 = arith.addi %add3A_1441, %mul3A_1440 : i32
        %get3A_1443 = arith.index_cast %add3A_1442 : i32 to index
        %get3A_1444 = tpu.vector_load %arg22[%get3A_1443] {strides = array<i32>} : memref<3072xf32, #tpu.memory_space<vmem>>, vector<16xf32>,
        %mul3A_1445 = arith.mulf %get3A_1432, %mul3A_1244 : vector<16xf32>
        %mul3A_1446 = arith.constant 1.250000e-01 : f32
        %mul3A_1447 = vector.broadcast %mul3A_1446 : f32 to vector<16xf32>
        %mul3A_1448 = arith.mulf %get3A_1438, %mul3A_1447 : vector<16xf32>
        %add3A_1449 = arith.addf %mul3A_1445, %mul3A_1448 : vector<16xf32>
        %mul3A_1450 = arith.mulf %get3A_1444, %mul3A_1282 : vector<16xf32>
        %sub3A_1451 = arith.subf %add3A_1449, %mul3A_1450 : vector<16xf32>
        %abs3A = math.absf %sub3A_1451 : vector<16xf32>
        %add3A_1452 = arith.addf %scan3A_1426, %abs3A : vector<16xf32>
        scf.yield %add3A_1452 : vector<16xf32>
      }
      %scan3A_1288 = arith.constant 64 : i32
      %mul3A_1289 = arith.constant 16 : i32
      %mul3A_1290 = arith.muli %mul3A_833, %mul3A_1289 : i32
      %add3A_1291 = arith.constant 0 : i32
      %add3A_1292 = arith.addi %add3A_1291, %mul3A_1290 : i32
      %swap3A_1293 = arith.index_cast %add3A_1292 : i32 to index
      %swap3A_1294 = tpu.vector_load %arg23[%swap3A_1293] {strides = array<i32>} : memref<256xf32, #tpu.memory_space<vmem>>, vector<16xf32>,
      tpu.vector_store %arg23[%swap3A_1293], %scan3A_1287 {strides = array<i32>} : memref<256xf32, #tpu.memory_space<vmem>>, vector<16xf32>,
      %lt3A = arith.constant 3 : i32
      %lt3A_1295 = arith.cmpi slt, %scan3A_830, %lt3A : i32
      %convert_element_type3A = arith.extui %lt3A_1295 : i1 to i32
      %cond3A = arith.constant 0 : i32
      %cond3A_1296 = arith.cmpi ne, %convert_element_type3A, %cond3A : i32
      scf.if %cond3A_1296 {
        %add3A_1425 = arith.constant 2 : i32
        %add3A_1426 = arith.addi %mul3A_833, %add3A_1425 : i32
        %mul3A_1427 = arith.constant 16 : i32
        %mul3A_1428 = arith.muli %add3A_1426, %mul3A_1427 : i32
        %add3A_1429 = vector.broadcast %mul3A_1428 : i32 to vector<16xi32>
        %add3A_1430 = arith.addi %add3A_1429, %iota3A : vector<16xi32>
        %mul3A_1431 = arith.constant 8 : i32
        %mul3A_1432 = vector.broadcast %mul3A_1431 : i32 to vector<16xi32>
        %mul3A_1433 = arith.muli %add3A_1430, %mul3A_1432 : vector<16xi32>
        %add3A_1434 = arith.constant 0 : i32
        %add3A_1435 = vector.broadcast %add3A_1434 : i32 to vector<16xi32>
        %add3A_1436 = arith.addi %mul3A_1433, %add3A_1435 : vector<16xi32>
        %gather3A_1437 = tpu.vector_load_idx %arg15[%add3A_1436] : memref<1024xi32, #tpu.memory_space<vmem>>[vector<16xi32>], vector<16xi32>,
        %swap3A_1438 = arith.constant 0 : index
        %swap3A_1439 = tpu.vector_load %arg20[%swap3A_1438] {strides = array<i32>} : memref<384xi32, #tpu.memory_space<vmem>>, vector<16xi32>,
        tpu.vector_store %arg20[%swap3A_1438], %gather3A_1437 {strides = array<i32>} : memref<384xi32, #tpu.memory_space<vmem>>, vector<16xi32>,
        %mul3A_1440 = arith.constant 16 : i32
        %mul3A_1441 = arith.muli %add3A_1426, %mul3A_1440 : i32
        %add3A_1442 = vector.broadcast %mul3A_1441 : i32 to vector<16xi32>
        %add3A_1443 = arith.addi %add3A_1442, %iota3A : vector<16xi32>
        %mul3A_1444 = arith.constant 8 : i32
        %mul3A_1445 = vector.broadcast %mul3A_1444 : i32 to vector<16xi32>
        %mul3A_1446 = arith.muli %add3A_1443, %mul3A_1445 : vector<16xi32>
        %add3A_1447 = arith.constant 1 : i32
        %add3A_1448 = vector.broadcast %add3A_1447 : i32 to vector<16xi32>
        %add3A_1449 = arith.addi %mul3A_1446, %add3A_1448 : vector<16xi32>
        %gather3A_1450 = tpu.vector_load_idx %arg15[%add3A_1449] : memref<1024xi32, #tpu.memory_space<vmem>>[vector<16xi32>], vector<16xi32>,
        %swap3A_1451 = arith.constant 16 : index
        %swap3A_1452 = tpu.vector_load %arg20[%swap3A_1451] {strides = array<i32>} : memref<384xi32, #tpu.memory_space<vmem>>, vector<16xi32>,
        tpu.vector_store %arg20[%swap3A_1451], %gather3A_1450 {strides = array<i32>} : memref<384xi32, #tpu.memory_space<vmem>>, vector<16xi32>,
        %mul3A_1453 = arith.constant 16 : i32
        %mul3A_1454 = arith.muli %add3A_1426, %mul3A_1453 : i32
        %add3A_1455 = vector.broadcast %mul3A_1454 : i32 to vector<16xi32>
        %add3A_1456 = arith.addi %add3A_1455, %iota3A : vector<16xi32>
        %mul3A_1457 = arith.constant 8 : i32
        %mul3A_1458 = vector.broadcast %mul3A_1457 : i32 to vector<16xi32>
        %mul3A_1459 = arith.muli %add3A_1456, %mul3A_1458 : vector<16xi32>
        %add3A_1460 = arith.constant 2 : i32
        %add3A_1461 = vector.broadcast %add3A_1460 : i32 to vector<16xi32>
        %add3A_1462 = arith.addi %mul3A_1459, %add3A_1461 : vector<16xi32>
        %gather3A_1463 = tpu.vector_load_idx %arg15[%add3A_1462] : memref<1024xi32, #tpu.memory_space<vmem>>[vector<16xi32>], vector<16xi32>,
        %swap3A_1464 = arith.constant 32 : index
        %swap3A_1465 = tpu.vector_load %arg20[%swap3A_1464] {strides = array<i32>} : memref<384xi32, #tpu.memory_space<vmem>>, vector<16xi32>,
        tpu.vector_store %arg20[%swap3A_1464], %gather3A_1463 {strides = array<i32>} : memref<384xi32, #tpu.memory_space<vmem>>, vector<16xi32>,
        %mul3A_1466 = arith.constant 16 : i32
        %mul3A_1467 = arith.muli %add3A_1426, %mul3A_1466 : i32
        %add3A_1468 = vector.broadcast %mul3A_1467 : i32 to vector<16xi32>
        %add3A_1469 = arith.addi %add3A_1468, %iota3A : vector<16xi32>
        %mul3A_1470 = arith.constant 8 : i32
        %mul3A_1471 = vector.broadcast %mul3A_1470 : i32 to vector<16xi32>
        %mul3A_1472 = arith.muli %add3A_1469, %mul3A_1471 : vector<16xi32>
        %add3A_1473 = arith.constant 3 : i32
        %add3A_1474 = vector.broadcast %add3A_1473 : i32 to vector<16xi32>
        %add3A_1475 = arith.addi %mul3A_1472, %add3A_1474 : vector<16xi32>
        %gather3A_1476 = tpu.vector_load_idx %arg15[%add3A_1475] : memref<1024xi32, #tpu.memory_space<vmem>>[vector<16xi32>], vector<16xi32>,
        %swap3A_1477 = arith.constant 48 : index
        %swap3A_1478 = tpu.vector_load %arg20[%swap3A_1477] {strides = array<i32>} : memref<384xi32, #tpu.memory_space<vmem>>, vector<16xi32>,
        tpu.vector_store %arg20[%swap3A_1477], %gather3A_1476 {strides = array<i32>} : memref<384xi32, #tpu.memory_space<vmem>>, vector<16xi32>,
        %mul3A_1479 = arith.constant 16 : i32
        %mul3A_1480 = arith.muli %add3A_1426, %mul3A_1479 : i32
        %add3A_1481 = vector.broadcast %mul3A_1480 : i32 to vector<16xi32>
        %add3A_1482 = arith.addi %add3A_1481, %iota3A : vector<16xi32>
        %mul3A_1483 = arith.constant 8 : i32
        %mul3A_1484 = vector.broadcast %mul3A_1483 : i32 to vector<16xi32>
        %mul3A_1485 = arith.muli %add3A_1482, %mul3A_1484 : vector<16xi32>
        %add3A_1486 = arith.constant 4 : i32
        %add3A_1487 = vector.broadcast %add3A_1486 : i32 to vector<16xi32>
        %add3A_1488 = arith.addi %mul3A_1485, %add3A_1487 : vector<16xi32>
        %gather3A_1489 = tpu.vector_load_idx %arg15[%add3A_1488] : memref<1024xi32, #tpu.memory_space<vmem>>[vector<16xi32>], vector<16xi32>,
        %swap3A_1490 = arith.constant 64 : index
        %swap3A_1491 = tpu.vector_load %arg20[%swap3A_1490] {strides = array<i32>} : memref<384xi32, #tpu.memory_space<vmem>>, vector<16xi32>,
        tpu.vector_store %arg20[%swap3A_1490], %gather3A_1489 {strides = array<i32>} : memref<384xi32, #tpu.memory_space<vmem>>, vector<16xi32>,
        %mul3A_1492 = arith.constant 16 : i32
        %mul3A_1493 = arith.muli %add3A_1426, %mul3A_1492 : i32
        %add3A_1494 = vector.broadcast %mul3A_1493 : i32 to vector<16xi32>
        %add3A_1495 = arith.addi %add3A_1494, %iota3A : vector<16xi32>
        %mul3A_1496 = arith.constant 8 : i32
        %mul3A_1497 = vector.broadcast %mul3A_1496 : i32 to vector<16xi32>
        %mul3A_1498 = arith.muli %add3A_1495, %mul3A_1497 : vector<16xi32>
        %add3A_1499 = arith.constant 5 : i32
        %add3A_1500 = vector.broadcast %add3A_1499 : i32 to vector<16xi32>
        %add3A_1501 = arith.addi %mul3A_1498, %add3A_1500 : vector<16xi32>
        %gather3A_1502 = tpu.vector_load_idx %arg15[%add3A_1501] : memref<1024xi32, #tpu.memory_space<vmem>>[vector<16xi32>], vector<16xi32>,
        %swap3A_1503 = arith.constant 80 : index
        %swap3A_1504 = tpu.vector_load %arg20[%swap3A_1503] {strides = array<i32>} : memref<384xi32, #tpu.memory_space<vmem>>, vector<16xi32>,
        tpu.vector_store %arg20[%swap3A_1503], %gather3A_1502 {strides = array<i32>} : memref<384xi32, #tpu.memory_space<vmem>>, vector<16xi32>,
        %mul3A_1505 = arith.constant 16 : i32
        %mul3A_1506 = arith.muli %add3A_1426, %mul3A_1505 : i32
        %add3A_1507 = vector.broadcast %mul3A_1506 : i32 to vector<16xi32>
        %add3A_1508 = arith.addi %add3A_1507, %iota3A : vector<16xi32>
        %mul3A_1509 = arith.constant 8 : i32
        %mul3A_1510 = vector.broadcast %mul3A_1509 : i32 to vector<16xi32>
        %mul3A_1511 = arith.muli %add3A_1508, %mul3A_1510 : vector<16xi32>
        %add3A_1512 = arith.constant 6 : i32
        %add3A_1513 = vector.broadcast %add3A_1512 : i32 to vector<16xi32>
        %add3A_1514 = arith.addi %mul3A_1511, %add3A_1513 : vector<16xi32>
        %gather3A_1515 = tpu.vector_load_idx %arg15[%add3A_1514] : memref<1024xi32, #tpu.memory_space<vmem>>[vector<16xi32>], vector<16xi32>,
        %swap3A_1516 = arith.constant 96 : index
        %swap3A_1517 = tpu.vector_load %arg20[%swap3A_1516] {strides = array<i32>} : memref<384xi32, #tpu.memory_space<vmem>>, vector<16xi32>,
        tpu.vector_store %arg20[%swap3A_1516], %gather3A_1515 {strides = array<i32>} : memref<384xi32, #tpu.memory_space<vmem>>, vector<16xi32>,
        %mul3A_1518 = arith.constant 16 : i32
        %mul3A_1519 = arith.muli %add3A_1426, %mul3A_1518 : i32
        %add3A_1520 = vector.broadcast %mul3A_1519 : i32 to vector<16xi32>
        %add3A_1521 = arith.addi %add3A_1520, %iota3A : vector<16xi32>
        %mul3A_1522 = arith.constant 8 : i32
        %mul3A_1523 = vector.broadcast %mul3A_1522 : i32 to vector<16xi32>
        %mul3A_1524 = arith.muli %add3A_1521, %mul3A_1523 : vector<16xi32>
        %add3A_1525 = arith.constant 7 : i32
        %add3A_1526 = vector.broadcast %add3A_1525 : i32 to vector<16xi32>
        %add3A_1527 = arith.addi %mul3A_1524, %add3A_1526 : vector<16xi32>
        %gather3A_1528 = tpu.vector_load_idx %arg15[%add3A_1527] : memref<1024xi32, #tpu.memory_space<vmem>>[vector<16xi32>], vector<16xi32>,
        %swap3A_1529 = arith.constant 112 : index
        %swap3A_1530 = tpu.vector_load %arg20[%swap3A_1529] {strides = array<i32>} : memref<384xi32, #tpu.memory_space<vmem>>, vector<16xi32>,
        tpu.vector_store %arg20[%swap3A_1529], %gather3A_1528 {strides = array<i32>} : memref<384xi32, #tpu.memory_space<vmem>>, vector<16xi32>,
        %mul3A_1531 = arith.constant 16 : i32
        %mul3A_1532 = arith.muli %add3A_1426, %mul3A_1531 : i32
        %add3A_1533 = vector.broadcast %mul3A_1532 : i32 to vector<16xi32>
        %add3A_1534 = arith.addi %add3A_1533, %iota3A : vector<16xi32>
        %mul3A_1535 = arith.constant 8 : i32
        %mul3A_1536 = vector.broadcast %mul3A_1535 : i32 to vector<16xi32>
        %mul3A_1537 = arith.muli %add3A_1534, %mul3A_1536 : vector<16xi32>
        %add3A_1538 = arith.constant 0 : i32
        %add3A_1539 = vector.broadcast %add3A_1538 : i32 to vector<16xi32>
        %add3A_1540 = arith.addi %mul3A_1537, %add3A_1539 : vector<16xi32>
        %gather3A_1541 = tpu.vector_load_idx %arg17[%add3A_1540] : memref<1024xi32, #tpu.memory_space<vmem>>[vector<16xi32>], vector<16xi32>,
        %swap3A_1542 = arith.constant 128 : index
        %swap3A_1543 = tpu.vector_load %arg20[%swap3A_1542] {strides = array<i32>} : memref<384xi32, #tpu.memory_space<vmem>>, vector<16xi32>,
        tpu.vector_store %arg20[%swap3A_1542], %gather3A_1541 {strides = array<i32>} : memref<384xi32, #tpu.memory_space<vmem>>, vector<16xi32>,
        %mul3A_1544 = arith.constant 16 : i32
        %mul3A_1545 = arith.muli %add3A_1426, %mul3A_1544 : i32
        %add3A_1546 = vector.broadcast %mul3A_1545 : i32 to vector<16xi32>
        %add3A_1547 = arith.addi %add3A_1546, %iota3A : vector<16xi32>
        %mul3A_1548 = arith.constant 8 : i32
        %mul3A_1549 = vector.broadcast %mul3A_1548 : i32 to vector<16xi32>
        %mul3A_1550 = arith.muli %add3A_1547, %mul3A_1549 : vector<16xi32>
        %add3A_1551 = arith.constant 1 : i32
        %add3A_1552 = vector.broadcast %add3A_1551 : i32 to vector<16xi32>
        %add3A_1553 = arith.addi %mul3A_1550, %add3A_1552 : vector<16xi32>
        %gather3A_1554 = tpu.vector_load_idx %arg17[%add3A_1553] : memref<1024xi32, #tpu.memory_space<vmem>>[vector<16xi32>], vector<16xi32>,
        %swap3A_1555 = arith.constant 144 : index
        %swap3A_1556 = tpu.vector_load %arg20[%swap3A_1555] {strides = array<i32>} : memref<384xi32, #tpu.memory_space<vmem>>, vector<16xi32>,
        tpu.vector_store %arg20[%swap3A_1555], %gather3A_1554 {strides = array<i32>} : memref<384xi32, #tpu.memory_space<vmem>>, vector<16xi32>,
        %mul3A_1557 = arith.constant 16 : i32
        %mul3A_1558 = arith.muli %add3A_1426, %mul3A_1557 : i32
        %add3A_1559 = vector.broadcast %mul3A_1558 : i32 to vector<16xi32>
        %add3A_1560 = arith.addi %add3A_1559, %iota3A : vector<16xi32>
        %mul3A_1561 = arith.constant 8 : i32
        %mul3A_1562 = vector.broadcast %mul3A_1561 : i32 to vector<16xi32>
        %mul3A_1563 = arith.muli %add3A_1560, %mul3A_1562 : vector<16xi32>
        %add3A_1564 = arith.constant 2 : i32
        %add3A_1565 = vector.broadcast %add3A_1564 : i32 to vector<16xi32>
        %add3A_1566 = arith.addi %mul3A_1563, %add3A_1565 : vector<16xi32>
        %gather3A_1567 = tpu.vector_load_idx %arg17[%add3A_1566] : memref<1024xi32, #tpu.memory_space<vmem>>[vector<16xi32>], vector<16xi32>,
        %swap3A_1568 = arith.constant 160 : index
        %swap3A_1569 = tpu.vector_load %arg20[%swap3A_1568] {strides = array<i32>} : memref<384xi32, #tpu.memory_space<vmem>>, vector<16xi32>,
        tpu.vector_store %arg20[%swap3A_1568], %gather3A_1567 {strides = array<i32>} : memref<384xi32, #tpu.memory_space<vmem>>, vector<16xi32>,
        %mul3A_1570 = arith.constant 16 : i32
        %mul3A_1571 = arith.muli %add3A_1426, %mul3A_1570 : i32
        %add3A_1572 = vector.broadcast %mul3A_1571 : i32 to vector<16xi32>
        %add3A_1573 = arith.addi %add3A_1572, %iota3A : vector<16xi32>
        %mul3A_1574 = arith.constant 8 : i32
        %mul3A_1575 = vector.broadcast %mul3A_1574 : i32 to vector<16xi32>
        %mul3A_1576 = arith.muli %add3A_1573, %mul3A_1575 : vector<16xi32>
        %add3A_1577 = arith.constant 3 : i32
        %add3A_1578 = vector.broadcast %add3A_1577 : i32 to vector<16xi32>
        %add3A_1579 = arith.addi %mul3A_1576, %add3A_1578 : vector<16xi32>
        %gather3A_1580 = tpu.vector_load_idx %arg17[%add3A_1579] : memref<1024xi32, #tpu.memory_space<vmem>>[vector<16xi32>], vector<16xi32>,
        %swap3A_1581 = arith.constant 176 : index
        %swap3A_1582 = tpu.vector_load %arg20[%swap3A_1581] {strides = array<i32>} : memref<384xi32, #tpu.memory_space<vmem>>, vector<16xi32>,
        tpu.vector_store %arg20[%swap3A_1581], %gather3A_1580 {strides = array<i32>} : memref<384xi32, #tpu.memory_space<vmem>>, vector<16xi32>,
        %mul3A_1583 = arith.constant 16 : i32
        %mul3A_1584 = arith.muli %add3A_1426, %mul3A_1583 : i32
        %add3A_1585 = vector.broadcast %mul3A_1584 : i32 to vector<16xi32>
        %add3A_1586 = arith.addi %add3A_1585, %iota3A : vector<16xi32>
        %mul3A_1587 = arith.constant 8 : i32
        %mul3A_1588 = vector.broadcast %mul3A_1587 : i32 to vector<16xi32>
        %mul3A_1589 = arith.muli %add3A_1586, %mul3A_1588 : vector<16xi32>
        %add3A_1590 = arith.constant 4 : i32
        %add3A_1591 = vector.broadcast %add3A_1590 : i32 to vector<16xi32>
        %add3A_1592 = arith.addi %mul3A_1589, %add3A_1591 : vector<16xi32>
        %gather3A_1593 = tpu.vector_load_idx %arg17[%add3A_1592] : memref<1024xi32, #tpu.memory_space<vmem>>[vector<16xi32>], vector<16xi32>,
        %swap3A_1594 = arith.constant 192 : index
        %swap3A_1595 = tpu.vector_load %arg20[%swap3A_1594] {strides = array<i32>} : memref<384xi32, #tpu.memory_space<vmem>>, vector<16xi32>,
        tpu.vector_store %arg20[%swap3A_1594], %gather3A_1593 {strides = array<i32>} : memref<384xi32, #tpu.memory_space<vmem>>, vector<16xi32>,
        %mul3A_1596 = arith.constant 16 : i32
        %mul3A_1597 = arith.muli %add3A_1426, %mul3A_1596 : i32
        %add3A_1598 = vector.broadcast %mul3A_1597 : i32 to vector<16xi32>
        %add3A_1599 = arith.addi %add3A_1598, %iota3A : vector<16xi32>
        %mul3A_1600 = arith.constant 8 : i32
        %mul3A_1601 = vector.broadcast %mul3A_1600 : i32 to vector<16xi32>
        %mul3A_1602 = arith.muli %add3A_1599, %mul3A_1601 : vector<16xi32>
        %add3A_1603 = arith.constant 5 : i32
        %add3A_1604 = vector.broadcast %add3A_1603 : i32 to vector<16xi32>
        %add3A_1605 = arith.addi %mul3A_1602, %add3A_1604 : vector<16xi32>
        %gather3A_1606 = tpu.vector_load_idx %arg17[%add3A_1605] : memref<1024xi32, #tpu.memory_space<vmem>>[vector<16xi32>], vector<16xi32>,
        %swap3A_1607 = arith.constant 208 : index
        %swap3A_1608 = tpu.vector_load %arg20[%swap3A_1607] {strides = array<i32>} : memref<384xi32, #tpu.memory_space<vmem>>, vector<16xi32>,
        tpu.vector_store %arg20[%swap3A_1607], %gather3A_1606 {strides = array<i32>} : memref<384xi32, #tpu.memory_space<vmem>>, vector<16xi32>,
        %mul3A_1609 = arith.constant 16 : i32
        %mul3A_1610 = arith.muli %add3A_1426, %mul3A_1609 : i32
        %add3A_1611 = vector.broadcast %mul3A_1610 : i32 to vector<16xi32>
        %add3A_1612 = arith.addi %add3A_1611, %iota3A : vector<16xi32>
        %mul3A_1613 = arith.constant 8 : i32
        %mul3A_1614 = vector.broadcast %mul3A_1613 : i32 to vector<16xi32>
        %mul3A_1615 = arith.muli %add3A_1612, %mul3A_1614 : vector<16xi32>
        %add3A_1616 = arith.constant 6 : i32
        %add3A_1617 = vector.broadcast %add3A_1616 : i32 to vector<16xi32>
        %add3A_1618 = arith.addi %mul3A_1615, %add3A_1617 : vector<16xi32>
        %gather3A_1619 = tpu.vector_load_idx %arg17[%add3A_1618] : memref<1024xi32, #tpu.memory_space<vmem>>[vector<16xi32>], vector<16xi32>,
        %swap3A_1620 = arith.constant 224 : index
        %swap3A_1621 = tpu.vector_load %arg20[%swap3A_1620] {strides = array<i32>} : memref<384xi32, #tpu.memory_space<vmem>>, vector<16xi32>,
        tpu.vector_store %arg20[%swap3A_1620], %gather3A_1619 {strides = array<i32>} : memref<384xi32, #tpu.memory_space<vmem>>, vector<16xi32>,
        %mul3A_1622 = arith.constant 16 : i32
        %mul3A_1623 = arith.muli %add3A_1426, %mul3A_1622 : i32
        %add3A_1624 = vector.broadcast %mul3A_1623 : i32 to vector<16xi32>
        %add3A_1625 = arith.addi %add3A_1624, %iota3A : vector<16xi32>
        %mul3A_1626 = arith.constant 8 : i32
        %mul3A_1627 = vector.broadcast %mul3A_1626 : i32 to vector<16xi32>
        %mul3A_1628 = arith.muli %add3A_1625, %mul3A_1627 : vector<16xi32>
        %add3A_1629 = arith.constant 7 : i32
        %add3A_1630 = vector.broadcast %add3A_1629 : i32 to vector<16xi32>
        %add3A_1631 = arith.addi %mul3A_1628, %add3A_1630 : vector<16xi32>
        %gather3A_1632 = tpu.vector_load_idx %arg17[%add3A_1631] : memref<1024xi32, #tpu.memory_space<vmem>>[vector<16xi32>], vector<16xi32>,
        %swap3A_1633 = arith.constant 240 : index
        %swap3A_1634 = tpu.vector_load %arg20[%swap3A_1633] {strides = array<i32>} : memref<384xi32, #tpu.memory_space<vmem>>, vector<16xi32>,
        tpu.vector_store %arg20[%swap3A_1633], %gather3A_1632 {strides = array<i32>} : memref<384xi32, #tpu.memory_space<vmem>>, vector<16xi32>,
        %mul3A_1635 = arith.constant 16 : i32
        %mul3A_1636 = arith.muli %add3A_1426, %mul3A_1635 : i32
        %add3A_1637 = vector.broadcast %mul3A_1636 : i32 to vector<16xi32>
        %add3A_1638 = arith.addi %add3A_1637, %iota3A : vector<16xi32>
        %mul3A_1639 = arith.constant 8 : i32
        %mul3A_1640 = vector.broadcast %mul3A_1639 : i32 to vector<16xi32>
        %mul3A_1641 = arith.muli %add3A_1638, %mul3A_1640 : vector<16xi32>
        %add3A_1642 = arith.constant 0 : i32
        %add3A_1643 = vector.broadcast %add3A_1642 : i32 to vector<16xi32>
        %add3A_1644 = arith.addi %mul3A_1641, %add3A_1643 : vector<16xi32>
        %gather3A_1645 = tpu.vector_load_idx %arg16[%add3A_1644] : memref<1024xi32, #tpu.memory_space<vmem>>[vector<16xi32>], vector<16xi32>,
        %swap3A_1646 = arith.constant 256 : index
        %swap3A_1647 = tpu.vector_load %arg20[%swap3A_1646] {strides = array<i32>} : memref<384xi32, #tpu.memory_space<vmem>>, vector<16xi32>,
        tpu.vector_store %arg20[%swap3A_1646], %gather3A_1645 {strides = array<i32>} : memref<384xi32, #tpu.memory_space<vmem>>, vector<16xi32>,
        %mul3A_1648 = arith.constant 16 : i32
        %mul3A_1649 = arith.muli %add3A_1426, %mul3A_1648 : i32
        %add3A_1650 = vector.broadcast %mul3A_1649 : i32 to vector<16xi32>
        %add3A_1651 = arith.addi %add3A_1650, %iota3A : vector<16xi32>
        %mul3A_1652 = arith.constant 8 : i32
        %mul3A_1653 = vector.broadcast %mul3A_1652 : i32 to vector<16xi32>
        %mul3A_1654 = arith.muli %add3A_1651, %mul3A_1653 : vector<16xi32>
        %add3A_1655 = arith.constant 1 : i32
        %add3A_1656 = vector.broadcast %add3A_1655 : i32 to vector<16xi32>
        %add3A_1657 = arith.addi %mul3A_1654, %add3A_1656 : vector<16xi32>
        %gather3A_1658 = tpu.vector_load_idx %arg16[%add3A_1657] : memref<1024xi32, #tpu.memory_space<vmem>>[vector<16xi32>], vector<16xi32>,
        %swap3A_1659 = arith.constant 272 : index
        %swap3A_1660 = tpu.vector_load %arg20[%swap3A_1659] {strides = array<i32>} : memref<384xi32, #tpu.memory_space<vmem>>, vector<16xi32>,
        tpu.vector_store %arg20[%swap3A_1659], %gather3A_1658 {strides = array<i32>} : memref<384xi32, #tpu.memory_space<vmem>>, vector<16xi32>,
        %mul3A_1661 = arith.constant 16 : i32
        %mul3A_1662 = arith.muli %add3A_1426, %mul3A_1661 : i32
        %add3A_1663 = vector.broadcast %mul3A_1662 : i32 to vector<16xi32>
        %add3A_1664 = arith.addi %add3A_1663, %iota3A : vector<16xi32>
        %mul3A_1665 = arith.constant 8 : i32
        %mul3A_1666 = vector.broadcast %mul3A_1665 : i32 to vector<16xi32>
        %mul3A_1667 = arith.muli %add3A_1664, %mul3A_1666 : vector<16xi32>
        %add3A_1668 = arith.constant 2 : i32
        %add3A_1669 = vector.broadcast %add3A_1668 : i32 to vector<16xi32>
        %add3A_1670 = arith.addi %mul3A_1667, %add3A_1669 : vector<16xi32>
        %gather3A_1671 = tpu.vector_load_idx %arg16[%add3A_1670] : memref<1024xi32, #tpu.memory_space<vmem>>[vector<16xi32>], vector<16xi32>,
        %swap3A_1672 = arith.constant 288 : index
        %swap3A_1673 = tpu.vector_load %arg20[%swap3A_1672] {strides = array<i32>} : memref<384xi32, #tpu.memory_space<vmem>>, vector<16xi32>,
        tpu.vector_store %arg20[%swap3A_1672], %gather3A_1671 {strides = array<i32>} : memref<384xi32, #tpu.memory_space<vmem>>, vector<16xi32>,
        %mul3A_1674 = arith.constant 16 : i32
        %mul3A_1675 = arith.muli %add3A_1426, %mul3A_1674 : i32
        %add3A_1676 = vector.broadcast %mul3A_1675 : i32 to vector<16xi32>
        %add3A_1677 = arith.addi %add3A_1676, %iota3A : vector<16xi32>
        %mul3A_1678 = arith.constant 8 : i32
        %mul3A_1679 = vector.broadcast %mul3A_1678 : i32 to vector<16xi32>
        %mul3A_1680 = arith.muli %add3A_1677, %mul3A_1679 : vector<16xi32>
        %add3A_1681 = arith.constant 3 : i32
        %add3A_1682 = vector.broadcast %add3A_1681 : i32 to vector<16xi32>
        %add3A_1683 = arith.addi %mul3A_1680, %add3A_1682 : vector<16xi32>
        %gather3A_1684 = tpu.vector_load_idx %arg16[%add3A_1683] : memref<1024xi32, #tpu.memory_space<vmem>>[vector<16xi32>], vector<16xi32>,
        %swap3A_1685 = arith.constant 304 : index
        %swap3A_1686 = tpu.vector_load %arg20[%swap3A_1685] {strides = array<i32>} : memref<384xi32, #tpu.memory_space<vmem>>, vector<16xi32>,
        tpu.vector_store %arg20[%swap3A_1685], %gather3A_1684 {strides = array<i32>} : memref<384xi32, #tpu.memory_space<vmem>>, vector<16xi32>,
        %mul3A_1687 = arith.constant 16 : i32
        %mul3A_1688 = arith.muli %add3A_1426, %mul3A_1687 : i32
        %add3A_1689 = vector.broadcast %mul3A_1688 : i32 to vector<16xi32>
        %add3A_1690 = arith.addi %add3A_1689, %iota3A : vector<16xi32>
        %mul3A_1691 = arith.constant 8 : i32
        %mul3A_1692 = vector.broadcast %mul3A_1691 : i32 to vector<16xi32>
        %mul3A_1693 = arith.muli %add3A_1690, %mul3A_1692 : vector<16xi32>
        %add3A_1694 = arith.constant 4 : i32
        %add3A_1695 = vector.broadcast %add3A_1694 : i32 to vector<16xi32>
        %add3A_1696 = arith.addi %mul3A_1693, %add3A_1695 : vector<16xi32>
        %gather3A_1697 = tpu.vector_load_idx %arg16[%add3A_1696] : memref<1024xi32, #tpu.memory_space<vmem>>[vector<16xi32>], vector<16xi32>,
        %swap3A_1698 = arith.constant 320 : index
        %swap3A_1699 = tpu.vector_load %arg20[%swap3A_1698] {strides = array<i32>} : memref<384xi32, #tpu.memory_space<vmem>>, vector<16xi32>,
        tpu.vector_store %arg20[%swap3A_1698], %gather3A_1697 {strides = array<i32>} : memref<384xi32, #tpu.memory_space<vmem>>, vector<16xi32>,
        %mul3A_1700 = arith.constant 16 : i32
        %mul3A_1701 = arith.muli %add3A_1426, %mul3A_1700 : i32
        %add3A_1702 = vector.broadcast %mul3A_1701 : i32 to vector<16xi32>
        %add3A_1703 = arith.addi %add3A_1702, %iota3A : vector<16xi32>
        %mul3A_1704 = arith.constant 8 : i32
        %mul3A_1705 = vector.broadcast %mul3A_1704 : i32 to vector<16xi32>
        %mul3A_1706 = arith.muli %add3A_1703, %mul3A_1705 : vector<16xi32>
        %add3A_1707 = arith.constant 5 : i32
        %add3A_1708 = vector.broadcast %add3A_1707 : i32 to vector<16xi32>
        %add3A_1709 = arith.addi %mul3A_1706, %add3A_1708 : vector<16xi32>
        %gather3A_1710 = tpu.vector_load_idx %arg16[%add3A_1709] : memref<1024xi32, #tpu.memory_space<vmem>>[vector<16xi32>], vector<16xi32>,
        %swap3A_1711 = arith.constant 336 : index
        %swap3A_1712 = tpu.vector_load %arg20[%swap3A_1711] {strides = array<i32>} : memref<384xi32, #tpu.memory_space<vmem>>, vector<16xi32>,
        tpu.vector_store %arg20[%swap3A_1711], %gather3A_1710 {strides = array<i32>} : memref<384xi32, #tpu.memory_space<vmem>>, vector<16xi32>,
        %mul3A_1713 = arith.constant 16 : i32
        %mul3A_1714 = arith.muli %add3A_1426, %mul3A_1713 : i32
        %add3A_1715 = vector.broadcast %mul3A_1714 : i32 to vector<16xi32>
        %add3A_1716 = arith.addi %add3A_1715, %iota3A : vector<16xi32>
        %mul3A_1717 = arith.constant 8 : i32
        %mul3A_1718 = vector.broadcast %mul3A_1717 : i32 to vector<16xi32>
        %mul3A_1719 = arith.muli %add3A_1716, %mul3A_1718 : vector<16xi32>
        %add3A_1720 = arith.constant 6 : i32
        %add3A_1721 = vector.broadcast %add3A_1720 : i32 to vector<16xi32>
        %add3A_1722 = arith.addi %mul3A_1719, %add3A_1721 : vector<16xi32>
        %gather3A_1723 = tpu.vector_load_idx %arg16[%add3A_1722] : memref<1024xi32, #tpu.memory_space<vmem>>[vector<16xi32>], vector<16xi32>,
        %swap3A_1724 = arith.constant 352 : index
        %swap3A_1725 = tpu.vector_load %arg20[%swap3A_1724] {strides = array<i32>} : memref<384xi32, #tpu.memory_space<vmem>>, vector<16xi32>,
        tpu.vector_store %arg20[%swap3A_1724], %gather3A_1723 {strides = array<i32>} : memref<384xi32, #tpu.memory_space<vmem>>, vector<16xi32>,
        %mul3A_1726 = arith.constant 16 : i32
        %mul3A_1727 = arith.muli %add3A_1426, %mul3A_1726 : i32
        %add3A_1728 = vector.broadcast %mul3A_1727 : i32 to vector<16xi32>
        %add3A_1729 = arith.addi %add3A_1728, %iota3A : vector<16xi32>
        %mul3A_1730 = arith.constant 8 : i32
        %mul3A_1731 = vector.broadcast %mul3A_1730 : i32 to vector<16xi32>
        %mul3A_1732 = arith.muli %add3A_1729, %mul3A_1731 : vector<16xi32>
        %add3A_1733 = arith.constant 7 : i32
        %add3A_1734 = vector.broadcast %add3A_1733 : i32 to vector<16xi32>
        %add3A_1735 = arith.addi %mul3A_1732, %add3A_1734 : vector<16xi32>
        %gather3A_1736 = tpu.vector_load_idx %arg16[%add3A_1735] : memref<1024xi32, #tpu.memory_space<vmem>>[vector<16xi32>], vector<16xi32>,
        %swap3A_1737 = arith.constant 368 : index
        %swap3A_1738 = tpu.vector_load %arg20[%swap3A_1737] {strides = array<i32>} : memref<384xi32, #tpu.memory_space<vmem>>, vector<16xi32>,
        tpu.vector_store %arg20[%swap3A_1737], %gather3A_1736 {strides = array<i32>} : memref<384xi32, #tpu.memory_space<vmem>>, vector<16xi32>,
        %dma_start3A_1739 = arith.constant 0 : i32
        %dma_start3A_1740 = arith.constant 0 : i32
        %dma_start3A_1741 = tpu.memref_slice %arg18[%dma_start3A_1739, %dma_start3A_1740] : memref<384x64xf32, #tpu.memory_space<vmem>> -> memref<128x64xf32, #tpu.memory_space<vmem>>
        %dma_start3A_1742 = arith.constant 0 : i32
        %dma_start3A_1743 = tpu.memref_slice %arg20[%dma_start3A_1742] : memref<384xi32, #tpu.memory_space<vmem>> -> memref<128xi32, #tpu.memory_space<vmem>>
        %dma_start3A_1744 = arith.constant 0 : i32
        %dma_start3A_1745 = arith.constant 0 : i32
        %dma_start3A_1746 = tpu.memref_slice %arg8[%dma_start3A_1744, %dma_start3A_1745] : memref<32000x64xf32, #tpu.memory_space<hbm>> -> memref<32000x64xf32, #tpu.memory_space<hbm>>
        tpu.enqueue_indirect_dma source(%dma_start3A_1746 : memref<32000x64xf32, #tpu.memory_space<hbm>>) target(%dma_start3A_1741 : memref<128x64xf32, #tpu.memory_space<vmem>>) offsets(%dma_start3A_1743 : memref<128xi32, #tpu.memory_space<vmem>>) semaphore(%arg25 : memref<!tpu.dma_semaphore, #tpu.memory_space<semaphore_mem>>)
        %dma_start3A_1747 = arith.constant 128 : i32
        %dma_start3A_1748 = arith.constant 0 : i32
        %dma_start3A_1749 = tpu.memref_slice %arg18[%dma_start3A_1747, %dma_start3A_1748] : memref<384x64xf32, #tpu.memory_space<vmem>> -> memref<128x64xf32, #tpu.memory_space<vmem>>
        %dma_start3A_1750 = arith.constant 128 : i32
        %dma_start3A_1751 = tpu.memref_slice %arg20[%dma_start3A_1750] : memref<384xi32, #tpu.memory_space<vmem>> -> memref<128xi32, #tpu.memory_space<vmem>>
        %dma_start3A_1752 = arith.constant 0 : i32
        %dma_start3A_1753 = arith.constant 0 : i32
        %dma_start3A_1754 = tpu.memref_slice %arg8[%dma_start3A_1752, %dma_start3A_1753] : memref<32000x64xf32, #tpu.memory_space<hbm>> -> memref<32000x64xf32, #tpu.memory_space<hbm>>
        tpu.enqueue_indirect_dma source(%dma_start3A_1754 : memref<32000x64xf32, #tpu.memory_space<hbm>>) target(%dma_start3A_1749 : memref<128x64xf32, #tpu.memory_space<vmem>>) offsets(%dma_start3A_1751 : memref<128xi32, #tpu.memory_space<vmem>>) semaphore(%arg25 : memref<!tpu.dma_semaphore, #tpu.memory_space<semaphore_mem>>)
        %dma_start3A_1755 = arith.constant 256 : i32
        %dma_start3A_1756 = arith.constant 0 : i32
        %dma_start3A_1757 = tpu.memref_slice %arg18[%dma_start3A_1755, %dma_start3A_1756] : memref<384x64xf32, #tpu.memory_space<vmem>> -> memref<128x64xf32, #tpu.memory_space<vmem>>
        %dma_start3A_1758 = arith.constant 256 : i32
        %dma_start3A_1759 = tpu.memref_slice %arg20[%dma_start3A_1758] : memref<384xi32, #tpu.memory_space<vmem>> -> memref<128xi32, #tpu.memory_space<vmem>>
        %dma_start3A_1760 = arith.constant 0 : i32
        %dma_start3A_1761 = arith.constant 0 : i32
        %dma_start3A_1762 = tpu.memref_slice %arg8[%dma_start3A_1760, %dma_start3A_1761] : memref<32000x64xf32, #tpu.memory_space<hbm>> -> memref<32000x64xf32, #tpu.memory_space<hbm>>
        tpu.enqueue_indirect_dma source(%dma_start3A_1762 : memref<32000x64xf32, #tpu.memory_space<hbm>>) target(%dma_start3A_1757 : memref<128x64xf32, #tpu.memory_space<vmem>>) offsets(%dma_start3A_1759 : memref<128xi32, #tpu.memory_space<vmem>>) semaphore(%arg25 : memref<!tpu.dma_semaphore, #tpu.memory_space<semaphore_mem>>)
      } else {
      }
      %dma_wait3A_1297 = arith.constant 0 : i32
      %dma_wait3A_1298 = arith.constant 0 : i32
      %dma_wait3A_1299 = tpu.memref_slice %arg19[%dma_wait3A_1297, %dma_wait3A_1298] : memref<384x64xf32, #tpu.memory_space<vmem>> -> memref<128x64xf32, #tpu.memory_space<vmem>>
      %dma_wait3A_1300 = arith.constant 0 : i32
      %dma_wait3A_1301 = tpu.memref_slice %arg21[%dma_wait3A_1300] : memref<384xi32, #tpu.memory_space<vmem>> -> memref<128xi32, #tpu.memory_space<vmem>>
      %dma_wait3A_1302 = arith.constant 0 : i32
      %dma_wait3A_1303 = arith.constant 0 : i32
      %dma_wait3A_1304 = tpu.memref_slice %arg8[%dma_wait3A_1302, %dma_wait3A_1303] : memref<32000x64xf32, #tpu.memory_space<hbm>> -> memref<32000x64xf32, #tpu.memory_space<hbm>>
      tpu.wait_indirect_dma semaphore(%arg26 : memref<!tpu.dma_semaphore, #tpu.memory_space<semaphore_mem>>) src(%dma_wait3A_1304 : memref<32000x64xf32, #tpu.memory_space<hbm>>) dst(%dma_wait3A_1299 : memref<128x64xf32, #tpu.memory_space<vmem>>)
      %dma_wait3A_1305 = arith.constant 128 : i32
      %dma_wait3A_1306 = arith.constant 0 : i32
      %dma_wait3A_1307 = tpu.memref_slice %arg19[%dma_wait3A_1305, %dma_wait3A_1306] : memref<384x64xf32, #tpu.memory_space<vmem>> -> memref<128x64xf32, #tpu.memory_space<vmem>>
      %dma_wait3A_1308 = arith.constant 128 : i32
      %dma_wait3A_1309 = tpu.memref_slice %arg21[%dma_wait3A_1308] : memref<384xi32, #tpu.memory_space<vmem>> -> memref<128xi32, #tpu.memory_space<vmem>>
      %dma_wait3A_1310 = arith.constant 0 : i32
      %dma_wait3A_1311 = arith.constant 0 : i32
      %dma_wait3A_1312 = tpu.memref_slice %arg8[%dma_wait3A_1310, %dma_wait3A_1311] : memref<32000x64xf32, #tpu.memory_space<hbm>> -> memref<32000x64xf32, #tpu.memory_space<hbm>>
      tpu.wait_indirect_dma semaphore(%arg26 : memref<!tpu.dma_semaphore, #tpu.memory_space<semaphore_mem>>) src(%dma_wait3A_1312 : memref<32000x64xf32, #tpu.memory_space<hbm>>) dst(%dma_wait3A_1307 : memref<128x64xf32, #tpu.memory_space<vmem>>)
      %dma_wait3A_1313 = arith.constant 256 : i32
      %dma_wait3A_1314 = arith.constant 0 : i32
      %dma_wait3A_1315 = tpu.memref_slice %arg19[%dma_wait3A_1313, %dma_wait3A_1314] : memref<384x64xf32, #tpu.memory_space<vmem>> -> memref<128x64xf32, #tpu.memory_space<vmem>>
      %dma_wait3A_1316 = arith.constant 256 : i32
      %dma_wait3A_1317 = tpu.memref_slice %arg21[%dma_wait3A_1316] : memref<384xi32, #tpu.memory_space<vmem>> -> memref<128xi32, #tpu.memory_space<vmem>>
      %dma_wait3A_1318 = arith.constant 0 : i32
      %dma_wait3A_1319 = arith.constant 0 : i32
      %dma_wait3A_1320 = tpu.memref_slice %arg8[%dma_wait3A_1318, %dma_wait3A_1319] : memref<32000x64xf32, #tpu.memory_space<hbm>> -> memref<32000x64xf32, #tpu.memory_space<hbm>>
      tpu.wait_indirect_dma semaphore(%arg26 : memref<!tpu.dma_semaphore, #tpu.memory_space<semaphore_mem>>) src(%dma_wait3A_1320 : memref<32000x64xf32, #tpu.memory_space<hbm>>) dst(%dma_wait3A_1315 : memref<128x64xf32, #tpu.memory_space<vmem>>)
      %add3A_1321 = arith.constant 1 : i32
      %add3A_1322 = arith.addi %mul3A_833, %add3A_1321 : i32
      %mul3A_1323 = arith.constant 16 : i32
      %mul3A_1324 = arith.muli %add3A_1322, %mul3A_1323 : i32
      %add3A_1325 = vector.broadcast %mul3A_1324 : i32 to vector<16xi32>
      %add3A_1326 = arith.addi %add3A_1325, %iota3A : vector<16xi32>
      %mul3A_1327 = arith.constant 64 : i32
      %mul3A_1328 = vector.broadcast %mul3A_1327 : i32 to vector<16xi32>
      %mul3A_1329 = arith.muli %add3A_1326, %mul3A_1328 : vector<16xi32>
      %scan3A_1330 = arith.constant 0 : i32
      %scan3A_1331 = arith.constant 32 : i32
      %scan3A_1332 = arith.addi %scan3A_1330, %scan3A_1331 : i32
      %scan3A_1333 = arith.constant 1 : i32
      %scan3A_1334:2 = scf.for %scan3A_1425 = %scan3A_1330 to %scan3A_1332 step %scan3A_1333 iter_args(%scan3A_1426 = %broadcast_in_dim3A_1, %scan3A_1427 = %broadcast_in_dim3A_1) -> (vector<16xf32>, vector<16xf32>)  : i32 {
        %mul3A_1428 = arith.constant 2 : i32
        %mul3A_1429 = arith.muli %scan3A_1425, %mul3A_1428 : i32
        %add3A_1430 = arith.constant 0 : i32
        %add3A_1431 = arith.addi %mul3A_1429, %add3A_1430 : i32
        %add3A_1432 = arith.constant 0 : i32
        %add3A_1433 = vector.broadcast %add3A_1432 : i32 to vector<16xi32>
        %add3A_1434 = arith.addi %add3A_1433, %iota3A : vector<16xi32>
        %broadcast_in_dim3A_1435 = vector.broadcast %add3A_1431 : i32 to vector<16xi32>
        %gather3A_1436 = tpu.vector_load_idx %arg19[%add3A_1434, %broadcast_in_dim3A_1435] : memref<384x64xf32, #tpu.memory_space<vmem>>[vector<16xi32>, vector<16xi32>], vector<16xf32>,
        %add3A_1437 = arith.constant 16 : i32
        %add3A_1438 = vector.broadcast %add3A_1437 : i32 to vector<16xi32>
        %add3A_1439 = arith.addi %add3A_1438, %iota3A : vector<16xi32>
        %broadcast_in_dim3A_1440 = vector.broadcast %add3A_1431 : i32 to vector<16xi32>
        %gather3A_1441 = tpu.vector_load_idx %arg19[%add3A_1439, %broadcast_in_dim3A_1440] : memref<384x64xf32, #tpu.memory_space<vmem>>[vector<16xi32>, vector<16xi32>], vector<16xf32>,
        %add3A_1442 = arith.addf %gather3A_1436, %gather3A_1441 : vector<16xf32>
        %add3A_1443 = arith.constant 32 : i32
        %add3A_1444 = vector.broadcast %add3A_1443 : i32 to vector<16xi32>
        %add3A_1445 = arith.addi %add3A_1444, %iota3A : vector<16xi32>
        %broadcast_in_dim3A_1446 = vector.broadcast %add3A_1431 : i32 to vector<16xi32>
        %gather3A_1447 = tpu.vector_load_idx %arg19[%add3A_1445, %broadcast_in_dim3A_1446] : memref<384x64xf32, #tpu.memory_space<vmem>>[vector<16xi32>, vector<16xi32>], vector<16xf32>,
        %add3A_1448 = arith.addf %add3A_1442, %gather3A_1447 : vector<16xf32>
        %add3A_1449 = arith.constant 48 : i32
        %add3A_1450 = vector.broadcast %add3A_1449 : i32 to vector<16xi32>
        %add3A_1451 = arith.addi %add3A_1450, %iota3A : vector<16xi32>
        %broadcast_in_dim3A_1452 = vector.broadcast %add3A_1431 : i32 to vector<16xi32>
        %gather3A_1453 = tpu.vector_load_idx %arg19[%add3A_1451, %broadcast_in_dim3A_1452] : memref<384x64xf32, #tpu.memory_space<vmem>>[vector<16xi32>, vector<16xi32>], vector<16xf32>,
        %add3A_1454 = arith.addf %add3A_1448, %gather3A_1453 : vector<16xf32>
        %add3A_1455 = arith.constant 64 : i32
        %add3A_1456 = vector.broadcast %add3A_1455 : i32 to vector<16xi32>
        %add3A_1457 = arith.addi %add3A_1456, %iota3A : vector<16xi32>
        %broadcast_in_dim3A_1458 = vector.broadcast %add3A_1431 : i32 to vector<16xi32>
        %gather3A_1459 = tpu.vector_load_idx %arg19[%add3A_1457, %broadcast_in_dim3A_1458] : memref<384x64xf32, #tpu.memory_space<vmem>>[vector<16xi32>, vector<16xi32>], vector<16xf32>,
        %add3A_1460 = arith.addf %add3A_1454, %gather3A_1459 : vector<16xf32>
        %add3A_1461 = arith.constant 80 : i32
        %add3A_1462 = vector.broadcast %add3A_1461 : i32 to vector<16xi32>
        %add3A_1463 = arith.addi %add3A_1462, %iota3A : vector<16xi32>
        %broadcast_in_dim3A_1464 = vector.broadcast %add3A_1431 : i32 to vector<16xi32>
        %gather3A_1465 = tpu.vector_load_idx %arg19[%add3A_1463, %broadcast_in_dim3A_1464] : memref<384x64xf32, #tpu.memory_space<vmem>>[vector<16xi32>, vector<16xi32>], vector<16xf32>,
        %add3A_1466 = arith.addf %add3A_1460, %gather3A_1465 : vector<16xf32>
        %add3A_1467 = arith.constant 96 : i32
        %add3A_1468 = vector.broadcast %add3A_1467 : i32 to vector<16xi32>
        %add3A_1469 = arith.addi %add3A_1468, %iota3A : vector<16xi32>
        %broadcast_in_dim3A_1470 = vector.broadcast %add3A_1431 : i32 to vector<16xi32>
        %gather3A_1471 = tpu.vector_load_idx %arg19[%add3A_1469, %broadcast_in_dim3A_1470] : memref<384x64xf32, #tpu.memory_space<vmem>>[vector<16xi32>, vector<16xi32>], vector<16xf32>,
        %add3A_1472 = arith.addf %add3A_1466, %gather3A_1471 : vector<16xf32>
        %add3A_1473 = arith.constant 112 : i32
        %add3A_1474 = vector.broadcast %add3A_1473 : i32 to vector<16xi32>
        %add3A_1475 = arith.addi %add3A_1474, %iota3A : vector<16xi32>
        %broadcast_in_dim3A_1476 = vector.broadcast %add3A_1431 : i32 to vector<16xi32>
        %gather3A_1477 = tpu.vector_load_idx %arg19[%add3A_1475, %broadcast_in_dim3A_1476] : memref<384x64xf32, #tpu.memory_space<vmem>>[vector<16xi32>, vector<16xi32>], vector<16xf32>,
        %add3A_1478 = arith.addf %add3A_1472, %gather3A_1477 : vector<16xf32>
        %add3A_1479 = arith.constant 128 : i32
        %add3A_1480 = vector.broadcast %add3A_1479 : i32 to vector<16xi32>
        %add3A_1481 = arith.addi %add3A_1480, %iota3A : vector<16xi32>
        %broadcast_in_dim3A_1482 = vector.broadcast %add3A_1431 : i32 to vector<16xi32>
        %gather3A_1483 = tpu.vector_load_idx %arg19[%add3A_1481, %broadcast_in_dim3A_1482] : memref<384x64xf32, #tpu.memory_space<vmem>>[vector<16xi32>, vector<16xi32>], vector<16xf32>,
        %add3A_1484 = arith.constant 144 : i32
        %add3A_1485 = vector.broadcast %add3A_1484 : i32 to vector<16xi32>
        %add3A_1486 = arith.addi %add3A_1485, %iota3A : vector<16xi32>
        %broadcast_in_dim3A_1487 = vector.broadcast %add3A_1431 : i32 to vector<16xi32>
        %gather3A_1488 = tpu.vector_load_idx %arg19[%add3A_1486, %broadcast_in_dim3A_1487] : memref<384x64xf32, #tpu.memory_space<vmem>>[vector<16xi32>, vector<16xi32>], vector<16xf32>,
        %add3A_1489 = arith.addf %gather3A_1483, %gather3A_1488 : vector<16xf32>
        %add3A_1490 = arith.constant 160 : i32
        %add3A_1491 = vector.broadcast %add3A_1490 : i32 to vector<16xi32>
        %add3A_1492 = arith.addi %add3A_1491, %iota3A : vector<16xi32>
        %broadcast_in_dim3A_1493 = vector.broadcast %add3A_1431 : i32 to vector<16xi32>
        %gather3A_1494 = tpu.vector_load_idx %arg19[%add3A_1492, %broadcast_in_dim3A_1493] : memref<384x64xf32, #tpu.memory_space<vmem>>[vector<16xi32>, vector<16xi32>], vector<16xf32>,
        %add3A_1495 = arith.addf %add3A_1489, %gather3A_1494 : vector<16xf32>
        %add3A_1496 = arith.constant 176 : i32
        %add3A_1497 = vector.broadcast %add3A_1496 : i32 to vector<16xi32>
        %add3A_1498 = arith.addi %add3A_1497, %iota3A : vector<16xi32>
        %broadcast_in_dim3A_1499 = vector.broadcast %add3A_1431 : i32 to vector<16xi32>
        %gather3A_1500 = tpu.vector_load_idx %arg19[%add3A_1498, %broadcast_in_dim3A_1499] : memref<384x64xf32, #tpu.memory_space<vmem>>[vector<16xi32>, vector<16xi32>], vector<16xf32>,
        %add3A_1501 = arith.addf %add3A_1495, %gather3A_1500 : vector<16xf32>
        %add3A_1502 = arith.constant 192 : i32
        %add3A_1503 = vector.broadcast %add3A_1502 : i32 to vector<16xi32>
        %add3A_1504 = arith.addi %add3A_1503, %iota3A : vector<16xi32>
        %broadcast_in_dim3A_1505 = vector.broadcast %add3A_1431 : i32 to vector<16xi32>
        %gather3A_1506 = tpu.vector_load_idx %arg19[%add3A_1504, %broadcast_in_dim3A_1505] : memref<384x64xf32, #tpu.memory_space<vmem>>[vector<16xi32>, vector<16xi32>], vector<16xf32>,
        %add3A_1507 = arith.addf %add3A_1501, %gather3A_1506 : vector<16xf32>
        %add3A_1508 = arith.constant 208 : i32
        %add3A_1509 = vector.broadcast %add3A_1508 : i32 to vector<16xi32>
        %add3A_1510 = arith.addi %add3A_1509, %iota3A : vector<16xi32>
        %broadcast_in_dim3A_1511 = vector.broadcast %add3A_1431 : i32 to vector<16xi32>
        %gather3A_1512 = tpu.vector_load_idx %arg19[%add3A_1510, %broadcast_in_dim3A_1511] : memref<384x64xf32, #tpu.memory_space<vmem>>[vector<16xi32>, vector<16xi32>], vector<16xf32>,
        %add3A_1513 = arith.addf %add3A_1507, %gather3A_1512 : vector<16xf32>
        %add3A_1514 = arith.constant 224 : i32
        %add3A_1515 = vector.broadcast %add3A_1514 : i32 to vector<16xi32>
        %add3A_1516 = arith.addi %add3A_1515, %iota3A : vector<16xi32>
        %broadcast_in_dim3A_1517 = vector.broadcast %add3A_1431 : i32 to vector<16xi32>
        %gather3A_1518 = tpu.vector_load_idx %arg19[%add3A_1516, %broadcast_in_dim3A_1517] : memref<384x64xf32, #tpu.memory_space<vmem>>[vector<16xi32>, vector<16xi32>], vector<16xf32>,
        %add3A_1519 = arith.addf %add3A_1513, %gather3A_1518 : vector<16xf32>
        %add3A_1520 = arith.constant 240 : i32
        %add3A_1521 = vector.broadcast %add3A_1520 : i32 to vector<16xi32>
        %add3A_1522 = arith.addi %add3A_1521, %iota3A : vector<16xi32>
        %broadcast_in_dim3A_1523 = vector.broadcast %add3A_1431 : i32 to vector<16xi32>
        %gather3A_1524 = tpu.vector_load_idx %arg19[%add3A_1522, %broadcast_in_dim3A_1523] : memref<384x64xf32, #tpu.memory_space<vmem>>[vector<16xi32>, vector<16xi32>], vector<16xf32>,
        %add3A_1525 = arith.addf %add3A_1519, %gather3A_1524 : vector<16xf32>
        %add3A_1526 = arith.constant 256 : i32
        %add3A_1527 = vector.broadcast %add3A_1526 : i32 to vector<16xi32>
        %add3A_1528 = arith.addi %add3A_1527, %iota3A : vector<16xi32>
        %broadcast_in_dim3A_1529 = vector.broadcast %add3A_1431 : i32 to vector<16xi32>
        %gather3A_1530 = tpu.vector_load_idx %arg19[%add3A_1528, %broadcast_in_dim3A_1529] : memref<384x64xf32, #tpu.memory_space<vmem>>[vector<16xi32>, vector<16xi32>], vector<16xf32>,
        %add3A_1531 = arith.constant 272 : i32
        %add3A_1532 = vector.broadcast %add3A_1531 : i32 to vector<16xi32>
        %add3A_1533 = arith.addi %add3A_1532, %iota3A : vector<16xi32>
        %broadcast_in_dim3A_1534 = vector.broadcast %add3A_1431 : i32 to vector<16xi32>
        %gather3A_1535 = tpu.vector_load_idx %arg19[%add3A_1533, %broadcast_in_dim3A_1534] : memref<384x64xf32, #tpu.memory_space<vmem>>[vector<16xi32>, vector<16xi32>], vector<16xf32>,
        %add3A_1536 = arith.addf %gather3A_1530, %gather3A_1535 : vector<16xf32>
        %add3A_1537 = arith.constant 288 : i32
        %add3A_1538 = vector.broadcast %add3A_1537 : i32 to vector<16xi32>
        %add3A_1539 = arith.addi %add3A_1538, %iota3A : vector<16xi32>
        %broadcast_in_dim3A_1540 = vector.broadcast %add3A_1431 : i32 to vector<16xi32>
        %gather3A_1541 = tpu.vector_load_idx %arg19[%add3A_1539, %broadcast_in_dim3A_1540] : memref<384x64xf32, #tpu.memory_space<vmem>>[vector<16xi32>, vector<16xi32>], vector<16xf32>,
        %add3A_1542 = arith.addf %add3A_1536, %gather3A_1541 : vector<16xf32>
        %add3A_1543 = arith.constant 304 : i32
        %add3A_1544 = vector.broadcast %add3A_1543 : i32 to vector<16xi32>
        %add3A_1545 = arith.addi %add3A_1544, %iota3A : vector<16xi32>
        %broadcast_in_dim3A_1546 = vector.broadcast %add3A_1431 : i32 to vector<16xi32>
        %gather3A_1547 = tpu.vector_load_idx %arg19[%add3A_1545, %broadcast_in_dim3A_1546] : memref<384x64xf32, #tpu.memory_space<vmem>>[vector<16xi32>, vector<16xi32>], vector<16xf32>,
        %add3A_1548 = arith.addf %add3A_1542, %gather3A_1547 : vector<16xf32>
        %add3A_1549 = arith.constant 320 : i32
        %add3A_1550 = vector.broadcast %add3A_1549 : i32 to vector<16xi32>
        %add3A_1551 = arith.addi %add3A_1550, %iota3A : vector<16xi32>
        %broadcast_in_dim3A_1552 = vector.broadcast %add3A_1431 : i32 to vector<16xi32>
        %gather3A_1553 = tpu.vector_load_idx %arg19[%add3A_1551, %broadcast_in_dim3A_1552] : memref<384x64xf32, #tpu.memory_space<vmem>>[vector<16xi32>, vector<16xi32>], vector<16xf32>,
        %add3A_1554 = arith.addf %add3A_1548, %gather3A_1553 : vector<16xf32>
        %add3A_1555 = arith.constant 336 : i32
        %add3A_1556 = vector.broadcast %add3A_1555 : i32 to vector<16xi32>
        %add3A_1557 = arith.addi %add3A_1556, %iota3A : vector<16xi32>
        %broadcast_in_dim3A_1558 = vector.broadcast %add3A_1431 : i32 to vector<16xi32>
        %gather3A_1559 = tpu.vector_load_idx %arg19[%add3A_1557, %broadcast_in_dim3A_1558] : memref<384x64xf32, #tpu.memory_space<vmem>>[vector<16xi32>, vector<16xi32>], vector<16xf32>,
        %add3A_1560 = arith.addf %add3A_1554, %gather3A_1559 : vector<16xf32>
        %add3A_1561 = arith.constant 352 : i32
        %add3A_1562 = vector.broadcast %add3A_1561 : i32 to vector<16xi32>
        %add3A_1563 = arith.addi %add3A_1562, %iota3A : vector<16xi32>
        %broadcast_in_dim3A_1564 = vector.broadcast %add3A_1431 : i32 to vector<16xi32>
        %gather3A_1565 = tpu.vector_load_idx %arg19[%add3A_1563, %broadcast_in_dim3A_1564] : memref<384x64xf32, #tpu.memory_space<vmem>>[vector<16xi32>, vector<16xi32>], vector<16xf32>,
        %add3A_1566 = arith.addf %add3A_1560, %gather3A_1565 : vector<16xf32>
        %add3A_1567 = arith.constant 368 : i32
        %add3A_1568 = vector.broadcast %add3A_1567 : i32 to vector<16xi32>
        %add3A_1569 = arith.addi %add3A_1568, %iota3A : vector<16xi32>
        %broadcast_in_dim3A_1570 = vector.broadcast %add3A_1431 : i32 to vector<16xi32>
        %gather3A_1571 = tpu.vector_load_idx %arg19[%add3A_1569, %broadcast_in_dim3A_1570] : memref<384x64xf32, #tpu.memory_space<vmem>>[vector<16xi32>, vector<16xi32>], vector<16xf32>,
        %add3A_1572 = arith.addf %add3A_1566, %gather3A_1571 : vector<16xf32>
        %add3A_1573 = vector.broadcast %add3A_1431 : i32 to vector<16xi32>
        %add3A_1574 = arith.addi %mul3A_1329, %add3A_1573 : vector<16xi32>
        %gather3A_1575 = tpu.vector_load_idx %arg12[%add3A_1574] : memref<8192xf32, #tpu.memory_space<vmem>>[vector<16xi32>], vector<16xf32>,
        %add3A_1576 = vector.broadcast %add3A_1431 : i32 to vector<16xi32>
        %add3A_1577 = arith.addi %mul3A_1329, %add3A_1576 : vector<16xi32>
        %gather3A_1578 = tpu.vector_load_idx %arg13[%add3A_1577] : memref<8192xf32, #tpu.memory_space<vmem>>[vector<16xi32>], vector<16xf32>,
        %add3A_1579 = vector.broadcast %add3A_1431 : i32 to vector<16xi32>
        %add3A_1580 = arith.addi %mul3A_1329, %add3A_1579 : vector<16xi32>
        %gather3A_1581 = tpu.vector_load_idx %arg14[%add3A_1580] : memref<8192xf32, #tpu.memory_space<vmem>>[vector<16xi32>], vector<16xf32>,
        %mul3A_1582 = arith.mulf %gather3A_1575, %add3A_1478 : vector<16xf32>
        %mul3A_1583 = arith.constant 16 : i32
        %mul3A_1584 = arith.muli %add3A_1431, %mul3A_1583 : i32
        %add3A_1585 = arith.constant 0 : i32
        %add3A_1586 = arith.addi %add3A_1585, %mul3A_1584 : i32
        %swap3A_1587 = arith.index_cast %add3A_1586 : i32 to index
        %swap3A_1588 = tpu.vector_load %arg22[%swap3A_1587] {strides = array<i32>} : memref<3072xf32, #tpu.memory_space<vmem>>, vector<16xf32>,
        tpu.vector_store %arg22[%swap3A_1587], %mul3A_1582 {strides = array<i32>} : memref<3072xf32, #tpu.memory_space<vmem>>, vector<16xf32>,
        %mul3A_1589 = arith.mulf %gather3A_1581, %add3A_1525 : vector<16xf32>
        %mul3A_1590 = arith.constant 16 : i32
        %mul3A_1591 = arith.muli %add3A_1431, %mul3A_1590 : i32
        %add3A_1592 = arith.constant 1024 : i32
        %add3A_1593 = arith.addi %add3A_1592, %mul3A_1591 : i32
        %swap3A_1594 = arith.index_cast %add3A_1593 : i32 to index
        %swap3A_1595 = tpu.vector_load %arg22[%swap3A_1594] {strides = array<i32>} : memref<3072xf32, #tpu.memory_space<vmem>>, vector<16xf32>,
        tpu.vector_store %arg22[%swap3A_1594], %mul3A_1589 {strides = array<i32>} : memref<3072xf32, #tpu.memory_space<vmem>>, vector<16xf32>,
        %mul3A_1596 = arith.mulf %gather3A_1578, %add3A_1572 : vector<16xf32>
        %mul3A_1597 = arith.constant 16 : i32
        %mul3A_1598 = arith.muli %add3A_1431, %mul3A_1597 : i32
        %add3A_1599 = arith.constant 2048 : i32
        %add3A_1600 = arith.addi %add3A_1599, %mul3A_1598 : i32
        %swap3A_1601 = arith.index_cast %add3A_1600 : i32 to index
        %swap3A_1602 = tpu.vector_load %arg22[%swap3A_1601] {strides = array<i32>} : memref<3072xf32, #tpu.memory_space<vmem>>, vector<16xf32>,
        tpu.vector_store %arg22[%swap3A_1601], %mul3A_1596 {strides = array<i32>} : memref<3072xf32, #tpu.memory_space<vmem>>, vector<16xf32>,
        %mul3A_1603 = arith.mulf %gather3A_1575, %gather3A_1575 : vector<16xf32>
        %add3A_1604 = arith.addf %scan3A_1426, %mul3A_1603 : vector<16xf32>
        %mul3A_1605 = arith.mulf %gather3A_1578, %gather3A_1578 : vector<16xf32>
        %add3A_1606 = arith.addf %scan3A_1427, %mul3A_1605 : vector<16xf32>
        %mul3A_1607 = arith.constant 2 : i32
        %mul3A_1608 = arith.muli %scan3A_1425, %mul3A_1607 : i32
        %add3A_1609 = arith.constant 1 : i32
        %add3A_1610 = arith.addi %mul3A_1608, %add3A_1609 : i32
        %add3A_1611 = arith.constant 0 : i32
        %add3A_1612 = vector.broadcast %add3A_1611 : i32 to vector<16xi32>
        %add3A_1613 = arith.addi %add3A_1612, %iota3A : vector<16xi32>
        %broadcast_in_dim3A_1614 = vector.broadcast %add3A_1610 : i32 to vector<16xi32>
        %gather3A_1615 = tpu.vector_load_idx %arg19[%add3A_1613, %broadcast_in_dim3A_1614] : memref<384x64xf32, #tpu.memory_space<vmem>>[vector<16xi32>, vector<16xi32>], vector<16xf32>,
        %add3A_1616 = arith.constant 16 : i32
        %add3A_1617 = vector.broadcast %add3A_1616 : i32 to vector<16xi32>
        %add3A_1618 = arith.addi %add3A_1617, %iota3A : vector<16xi32>
        %broadcast_in_dim3A_1619 = vector.broadcast %add3A_1610 : i32 to vector<16xi32>
        %gather3A_1620 = tpu.vector_load_idx %arg19[%add3A_1618, %broadcast_in_dim3A_1619] : memref<384x64xf32, #tpu.memory_space<vmem>>[vector<16xi32>, vector<16xi32>], vector<16xf32>,
        %add3A_1621 = arith.addf %gather3A_1615, %gather3A_1620 : vector<16xf32>
        %add3A_1622 = arith.constant 32 : i32
        %add3A_1623 = vector.broadcast %add3A_1622 : i32 to vector<16xi32>
        %add3A_1624 = arith.addi %add3A_1623, %iota3A : vector<16xi32>
        %broadcast_in_dim3A_1625 = vector.broadcast %add3A_1610 : i32 to vector<16xi32>
        %gather3A_1626 = tpu.vector_load_idx %arg19[%add3A_1624, %broadcast_in_dim3A_1625] : memref<384x64xf32, #tpu.memory_space<vmem>>[vector<16xi32>, vector<16xi32>], vector<16xf32>,
        %add3A_1627 = arith.addf %add3A_1621, %gather3A_1626 : vector<16xf32>
        %add3A_1628 = arith.constant 48 : i32
        %add3A_1629 = vector.broadcast %add3A_1628 : i32 to vector<16xi32>
        %add3A_1630 = arith.addi %add3A_1629, %iota3A : vector<16xi32>
        %broadcast_in_dim3A_1631 = vector.broadcast %add3A_1610 : i32 to vector<16xi32>
        %gather3A_1632 = tpu.vector_load_idx %arg19[%add3A_1630, %broadcast_in_dim3A_1631] : memref<384x64xf32, #tpu.memory_space<vmem>>[vector<16xi32>, vector<16xi32>], vector<16xf32>,
        %add3A_1633 = arith.addf %add3A_1627, %gather3A_1632 : vector<16xf32>
        %add3A_1634 = arith.constant 64 : i32
        %add3A_1635 = vector.broadcast %add3A_1634 : i32 to vector<16xi32>
        %add3A_1636 = arith.addi %add3A_1635, %iota3A : vector<16xi32>
        %broadcast_in_dim3A_1637 = vector.broadcast %add3A_1610 : i32 to vector<16xi32>
        %gather3A_1638 = tpu.vector_load_idx %arg19[%add3A_1636, %broadcast_in_dim3A_1637] : memref<384x64xf32, #tpu.memory_space<vmem>>[vector<16xi32>, vector<16xi32>], vector<16xf32>,
        %add3A_1639 = arith.addf %add3A_1633, %gather3A_1638 : vector<16xf32>
        %add3A_1640 = arith.constant 80 : i32
        %add3A_1641 = vector.broadcast %add3A_1640 : i32 to vector<16xi32>
        %add3A_1642 = arith.addi %add3A_1641, %iota3A : vector<16xi32>
        %broadcast_in_dim3A_1643 = vector.broadcast %add3A_1610 : i32 to vector<16xi32>
        %gather3A_1644 = tpu.vector_load_idx %arg19[%add3A_1642, %broadcast_in_dim3A_1643] : memref<384x64xf32, #tpu.memory_space<vmem>>[vector<16xi32>, vector<16xi32>], vector<16xf32>,
        %add3A_1645 = arith.addf %add3A_1639, %gather3A_1644 : vector<16xf32>
        %add3A_1646 = arith.constant 96 : i32
        %add3A_1647 = vector.broadcast %add3A_1646 : i32 to vector<16xi32>
        %add3A_1648 = arith.addi %add3A_1647, %iota3A : vector<16xi32>
        %broadcast_in_dim3A_1649 = vector.broadcast %add3A_1610 : i32 to vector<16xi32>
        %gather3A_1650 = tpu.vector_load_idx %arg19[%add3A_1648, %broadcast_in_dim3A_1649] : memref<384x64xf32, #tpu.memory_space<vmem>>[vector<16xi32>, vector<16xi32>], vector<16xf32>,
        %add3A_1651 = arith.addf %add3A_1645, %gather3A_1650 : vector<16xf32>
        %add3A_1652 = arith.constant 112 : i32
        %add3A_1653 = vector.broadcast %add3A_1652 : i32 to vector<16xi32>
        %add3A_1654 = arith.addi %add3A_1653, %iota3A : vector<16xi32>
        %broadcast_in_dim3A_1655 = vector.broadcast %add3A_1610 : i32 to vector<16xi32>
        %gather3A_1656 = tpu.vector_load_idx %arg19[%add3A_1654, %broadcast_in_dim3A_1655] : memref<384x64xf32, #tpu.memory_space<vmem>>[vector<16xi32>, vector<16xi32>], vector<16xf32>,
        %add3A_1657 = arith.addf %add3A_1651, %gather3A_1656 : vector<16xf32>
        %add3A_1658 = arith.constant 128 : i32
        %add3A_1659 = vector.broadcast %add3A_1658 : i32 to vector<16xi32>
        %add3A_1660 = arith.addi %add3A_1659, %iota3A : vector<16xi32>
        %broadcast_in_dim3A_1661 = vector.broadcast %add3A_1610 : i32 to vector<16xi32>
        %gather3A_1662 = tpu.vector_load_idx %arg19[%add3A_1660, %broadcast_in_dim3A_1661] : memref<384x64xf32, #tpu.memory_space<vmem>>[vector<16xi32>, vector<16xi32>], vector<16xf32>,
        %add3A_1663 = arith.constant 144 : i32
        %add3A_1664 = vector.broadcast %add3A_1663 : i32 to vector<16xi32>
        %add3A_1665 = arith.addi %add3A_1664, %iota3A : vector<16xi32>
        %broadcast_in_dim3A_1666 = vector.broadcast %add3A_1610 : i32 to vector<16xi32>
        %gather3A_1667 = tpu.vector_load_idx %arg19[%add3A_1665, %broadcast_in_dim3A_1666] : memref<384x64xf32, #tpu.memory_space<vmem>>[vector<16xi32>, vector<16xi32>], vector<16xf32>,
        %add3A_1668 = arith.addf %gather3A_1662, %gather3A_1667 : vector<16xf32>
        %add3A_1669 = arith.constant 160 : i32
        %add3A_1670 = vector.broadcast %add3A_1669 : i32 to vector<16xi32>
        %add3A_1671 = arith.addi %add3A_1670, %iota3A : vector<16xi32>
        %broadcast_in_dim3A_1672 = vector.broadcast %add3A_1610 : i32 to vector<16xi32>
        %gather3A_1673 = tpu.vector_load_idx %arg19[%add3A_1671, %broadcast_in_dim3A_1672] : memref<384x64xf32, #tpu.memory_space<vmem>>[vector<16xi32>, vector<16xi32>], vector<16xf32>,
        %add3A_1674 = arith.addf %add3A_1668, %gather3A_1673 : vector<16xf32>
        %add3A_1675 = arith.constant 176 : i32
        %add3A_1676 = vector.broadcast %add3A_1675 : i32 to vector<16xi32>
        %add3A_1677 = arith.addi %add3A_1676, %iota3A : vector<16xi32>
        %broadcast_in_dim3A_1678 = vector.broadcast %add3A_1610 : i32 to vector<16xi32>
        %gather3A_1679 = tpu.vector_load_idx %arg19[%add3A_1677, %broadcast_in_dim3A_1678] : memref<384x64xf32, #tpu.memory_space<vmem>>[vector<16xi32>, vector<16xi32>], vector<16xf32>,
        %add3A_1680 = arith.addf %add3A_1674, %gather3A_1679 : vector<16xf32>
        %add3A_1681 = arith.constant 192 : i32
        %add3A_1682 = vector.broadcast %add3A_1681 : i32 to vector<16xi32>
        %add3A_1683 = arith.addi %add3A_1682, %iota3A : vector<16xi32>
        %broadcast_in_dim3A_1684 = vector.broadcast %add3A_1610 : i32 to vector<16xi32>
        %gather3A_1685 = tpu.vector_load_idx %arg19[%add3A_1683, %broadcast_in_dim3A_1684] : memref<384x64xf32, #tpu.memory_space<vmem>>[vector<16xi32>, vector<16xi32>], vector<16xf32>,
        %add3A_1686 = arith.addf %add3A_1680, %gather3A_1685 : vector<16xf32>
        %add3A_1687 = arith.constant 208 : i32
        %add3A_1688 = vector.broadcast %add3A_1687 : i32 to vector<16xi32>
        %add3A_1689 = arith.addi %add3A_1688, %iota3A : vector<16xi32>
        %broadcast_in_dim3A_1690 = vector.broadcast %add3A_1610 : i32 to vector<16xi32>
        %gather3A_1691 = tpu.vector_load_idx %arg19[%add3A_1689, %broadcast_in_dim3A_1690] : memref<384x64xf32, #tpu.memory_space<vmem>>[vector<16xi32>, vector<16xi32>], vector<16xf32>,
        %add3A_1692 = arith.addf %add3A_1686, %gather3A_1691 : vector<16xf32>
        %add3A_1693 = arith.constant 224 : i32
        %add3A_1694 = vector.broadcast %add3A_1693 : i32 to vector<16xi32>
        %add3A_1695 = arith.addi %add3A_1694, %iota3A : vector<16xi32>
        %broadcast_in_dim3A_1696 = vector.broadcast %add3A_1610 : i32 to vector<16xi32>
        %gather3A_1697 = tpu.vector_load_idx %arg19[%add3A_1695, %broadcast_in_dim3A_1696] : memref<384x64xf32, #tpu.memory_space<vmem>>[vector<16xi32>, vector<16xi32>], vector<16xf32>,
        %add3A_1698 = arith.addf %add3A_1692, %gather3A_1697 : vector<16xf32>
        %add3A_1699 = arith.constant 240 : i32
        %add3A_1700 = vector.broadcast %add3A_1699 : i32 to vector<16xi32>
        %add3A_1701 = arith.addi %add3A_1700, %iota3A : vector<16xi32>
        %broadcast_in_dim3A_1702 = vector.broadcast %add3A_1610 : i32 to vector<16xi32>
        %gather3A_1703 = tpu.vector_load_idx %arg19[%add3A_1701, %broadcast_in_dim3A_1702] : memref<384x64xf32, #tpu.memory_space<vmem>>[vector<16xi32>, vector<16xi32>], vector<16xf32>,
        %add3A_1704 = arith.addf %add3A_1698, %gather3A_1703 : vector<16xf32>
        %add3A_1705 = arith.constant 256 : i32
        %add3A_1706 = vector.broadcast %add3A_1705 : i32 to vector<16xi32>
        %add3A_1707 = arith.addi %add3A_1706, %iota3A : vector<16xi32>
        %broadcast_in_dim3A_1708 = vector.broadcast %add3A_1610 : i32 to vector<16xi32>
        %gather3A_1709 = tpu.vector_load_idx %arg19[%add3A_1707, %broadcast_in_dim3A_1708] : memref<384x64xf32, #tpu.memory_space<vmem>>[vector<16xi32>, vector<16xi32>], vector<16xf32>,
        %add3A_1710 = arith.constant 272 : i32
        %add3A_1711 = vector.broadcast %add3A_1710 : i32 to vector<16xi32>
        %add3A_1712 = arith.addi %add3A_1711, %iota3A : vector<16xi32>
        %broadcast_in_dim3A_1713 = vector.broadcast %add3A_1610 : i32 to vector<16xi32>
        %gather3A_1714 = tpu.vector_load_idx %arg19[%add3A_1712, %broadcast_in_dim3A_1713] : memref<384x64xf32, #tpu.memory_space<vmem>>[vector<16xi32>, vector<16xi32>], vector<16xf32>,
        %add3A_1715 = arith.addf %gather3A_1709, %gather3A_1714 : vector<16xf32>
        %add3A_1716 = arith.constant 288 : i32
        %add3A_1717 = vector.broadcast %add3A_1716 : i32 to vector<16xi32>
        %add3A_1718 = arith.addi %add3A_1717, %iota3A : vector<16xi32>
        %broadcast_in_dim3A_1719 = vector.broadcast %add3A_1610 : i32 to vector<16xi32>
        %gather3A_1720 = tpu.vector_load_idx %arg19[%add3A_1718, %broadcast_in_dim3A_1719] : memref<384x64xf32, #tpu.memory_space<vmem>>[vector<16xi32>, vector<16xi32>], vector<16xf32>,
        %add3A_1721 = arith.addf %add3A_1715, %gather3A_1720 : vector<16xf32>
        %add3A_1722 = arith.constant 304 : i32
        %add3A_1723 = vector.broadcast %add3A_1722 : i32 to vector<16xi32>
        %add3A_1724 = arith.addi %add3A_1723, %iota3A : vector<16xi32>
        %broadcast_in_dim3A_1725 = vector.broadcast %add3A_1610 : i32 to vector<16xi32>
        %gather3A_1726 = tpu.vector_load_idx %arg19[%add3A_1724, %broadcast_in_dim3A_1725] : memref<384x64xf32, #tpu.memory_space<vmem>>[vector<16xi32>, vector<16xi32>], vector<16xf32>,
        %add3A_1727 = arith.addf %add3A_1721, %gather3A_1726 : vector<16xf32>
        %add3A_1728 = arith.constant 320 : i32
        %add3A_1729 = vector.broadcast %add3A_1728 : i32 to vector<16xi32>
        %add3A_1730 = arith.addi %add3A_1729, %iota3A : vector<16xi32>
        %broadcast_in_dim3A_1731 = vector.broadcast %add3A_1610 : i32 to vector<16xi32>
        %gather3A_1732 = tpu.vector_load_idx %arg19[%add3A_1730, %broadcast_in_dim3A_1731] : memref<384x64xf32, #tpu.memory_space<vmem>>[vector<16xi32>, vector<16xi32>], vector<16xf32>,
        %add3A_1733 = arith.addf %add3A_1727, %gather3A_1732 : vector<16xf32>
        %add3A_1734 = arith.constant 336 : i32
        %add3A_1735 = vector.broadcast %add3A_1734 : i32 to vector<16xi32>
        %add3A_1736 = arith.addi %add3A_1735, %iota3A : vector<16xi32>
        %broadcast_in_dim3A_1737 = vector.broadcast %add3A_1610 : i32 to vector<16xi32>
        %gather3A_1738 = tpu.vector_load_idx %arg19[%add3A_1736, %broadcast_in_dim3A_1737] : memref<384x64xf32, #tpu.memory_space<vmem>>[vector<16xi32>, vector<16xi32>], vector<16xf32>,
        %add3A_1739 = arith.addf %add3A_1733, %gather3A_1738 : vector<16xf32>
        %add3A_1740 = arith.constant 352 : i32
        %add3A_1741 = vector.broadcast %add3A_1740 : i32 to vector<16xi32>
        %add3A_1742 = arith.addi %add3A_1741, %iota3A : vector<16xi32>
        %broadcast_in_dim3A_1743 = vector.broadcast %add3A_1610 : i32 to vector<16xi32>
        %gather3A_1744 = tpu.vector_load_idx %arg19[%add3A_1742, %broadcast_in_dim3A_1743] : memref<384x64xf32, #tpu.memory_space<vmem>>[vector<16xi32>, vector<16xi32>], vector<16xf32>,
        %add3A_1745 = arith.addf %add3A_1739, %gather3A_1744 : vector<16xf32>
        %add3A_1746 = arith.constant 368 : i32
        %add3A_1747 = vector.broadcast %add3A_1746 : i32 to vector<16xi32>
        %add3A_1748 = arith.addi %add3A_1747, %iota3A : vector<16xi32>
        %broadcast_in_dim3A_1749 = vector.broadcast %add3A_1610 : i32 to vector<16xi32>
        %gather3A_1750 = tpu.vector_load_idx %arg19[%add3A_1748, %broadcast_in_dim3A_1749] : memref<384x64xf32, #tpu.memory_space<vmem>>[vector<16xi32>, vector<16xi32>], vector<16xf32>,
        %add3A_1751 = arith.addf %add3A_1745, %gather3A_1750 : vector<16xf32>
        %add3A_1752 = vector.broadcast %add3A_1610 : i32 to vector<16xi32>
        %add3A_1753 = arith.addi %mul3A_1329, %add3A_1752 : vector<16xi32>
        %gather3A_1754 = tpu.vector_load_idx %arg12[%add3A_1753] : memref<8192xf32, #tpu.memory_space<vmem>>[vector<16xi32>], vector<16xf32>,
        %add3A_1755 = vector.broadcast %add3A_1610 : i32 to vector<16xi32>
        %add3A_1756 = arith.addi %mul3A_1329, %add3A_1755 : vector<16xi32>
        %gather3A_1757 = tpu.vector_load_idx %arg13[%add3A_1756] : memref<8192xf32, #tpu.memory_space<vmem>>[vector<16xi32>], vector<16xf32>,
        %add3A_1758 = vector.broadcast %add3A_1610 : i32 to vector<16xi32>
        %add3A_1759 = arith.addi %mul3A_1329, %add3A_1758 : vector<16xi32>
        %gather3A_1760 = tpu.vector_load_idx %arg14[%add3A_1759] : memref<8192xf32, #tpu.memory_space<vmem>>[vector<16xi32>], vector<16xf32>,
        %mul3A_1761 = arith.mulf %gather3A_1754, %add3A_1657 : vector<16xf32>
        %mul3A_1762 = arith.constant 16 : i32
        %mul3A_1763 = arith.muli %add3A_1610, %mul3A_1762 : i32
        %add3A_1764 = arith.constant 0 : i32
        %add3A_1765 = arith.addi %add3A_1764, %mul3A_1763 : i32
        %swap3A_1766 = arith.index_cast %add3A_1765 : i32 to index
        %swap3A_1767 = tpu.vector_load %arg22[%swap3A_1766] {strides = array<i32>} : memref<3072xf32, #tpu.memory_space<vmem>>, vector<16xf32>,
        tpu.vector_store %arg22[%swap3A_1766], %mul3A_1761 {strides = array<i32>} : memref<3072xf32, #tpu.memory_space<vmem>>, vector<16xf32>,
        %mul3A_1768 = arith.mulf %gather3A_1760, %add3A_1704 : vector<16xf32>
        %mul3A_1769 = arith.constant 16 : i32
        %mul3A_1770 = arith.muli %add3A_1610, %mul3A_1769 : i32
        %add3A_1771 = arith.constant 1024 : i32
        %add3A_1772 = arith.addi %add3A_1771, %mul3A_1770 : i32
        %swap3A_1773 = arith.index_cast %add3A_1772 : i32 to index
        %swap3A_1774 = tpu.vector_load %arg22[%swap3A_1773] {strides = array<i32>} : memref<3072xf32, #tpu.memory_space<vmem>>, vector<16xf32>,
        tpu.vector_store %arg22[%swap3A_1773], %mul3A_1768 {strides = array<i32>} : memref<3072xf32, #tpu.memory_space<vmem>>, vector<16xf32>,
        %mul3A_1775 = arith.mulf %gather3A_1757, %add3A_1751 : vector<16xf32>
        %mul3A_1776 = arith.constant 16 : i32
        %mul3A_1777 = arith.muli %add3A_1610, %mul3A_1776 : i32
        %add3A_1778 = arith.constant 2048 : i32
        %add3A_1779 = arith.addi %add3A_1778, %mul3A_1777 : i32
        %swap3A_1780 = arith.index_cast %add3A_1779 : i32 to index
        %swap3A_1781 = tpu.vector_load %arg22[%swap3A_1780] {strides = array<i32>} : memref<3072xf32, #tpu.memory_space<vmem>>, vector<16xf32>,
        tpu.vector_store %arg22[%swap3A_1780], %mul3A_1775 {strides = array<i32>} : memref<3072xf32, #tpu.memory_space<vmem>>, vector<16xf32>,
        %mul3A_1782 = arith.mulf %gather3A_1754, %gather3A_1754 : vector<16xf32>
        %add3A_1783 = arith.addf %add3A_1604, %mul3A_1782 : vector<16xf32>
        %mul3A_1784 = arith.mulf %gather3A_1757, %gather3A_1757 : vector<16xf32>
        %add3A_1785 = arith.addf %add3A_1606, %mul3A_1784 : vector<16xf32>
        scf.yield %add3A_1783, %add3A_1785 : vector<16xf32>, vector<16xf32>
      }
      %scan3A_1335 = arith.constant 32 : i32
      %bitcast3A_1336 = vector.bitcast %scan3A_1334#0 : vector<16xf32> to vector<16xi32>
      %shift_right_arithmetic3A_1337 = arith.constant 1 : i32
      %shift_right_arithmetic3A_1338 = vector.broadcast %shift_right_arithmetic3A_1337 : i32 to vector<16xi32>
      %shift_right_arithmetic3A_1339 = arith.shrsi %bitcast3A_1336, %shift_right_arithmetic3A_1338 : vector<16xi32>
      %sub3A_1340 = arith.constant 1597463007 : i32
      %sub3A_1341 = vector.broadcast %sub3A_1340 : i32 to vector<16xi32>
      %sub3A_1342 = arith.subi %sub3A_1341, %shift_right_arithmetic3A_1339 : vector<16xi32>
      %bitcast3A_1343 = vector.bitcast %sub3A_1342 : vector<16xi32> to vector<16xf32>
      %mul3A_1344 = arith.constant 5.000000e-01 : f32
      %mul3A_1345 = vector.broadcast %mul3A_1344 : f32 to vector<16xf32>
      %mul3A_1346 = arith.mulf %mul3A_1345, %scan3A_1334#0 : vector<16xf32>
      %mul3A_1347 = arith.mulf %mul3A_1346, %bitcast3A_1343 : vector<16xf32>
      %mul3A_1348 = arith.mulf %mul3A_1347, %bitcast3A_1343 : vector<16xf32>
      %sub3A_1349 = arith.constant 1.500000e+00 : f32
      %sub3A_1350 = vector.broadcast %sub3A_1349 : f32 to vector<16xf32>
      %sub3A_1351 = arith.subf %sub3A_1350, %mul3A_1348 : vector<16xf32>
      %mul3A_1352 = arith.mulf %bitcast3A_1343, %sub3A_1351 : vector<16xf32>
      %mul3A_1353 = arith.constant 5.000000e-01 : f32
      %mul3A_1354 = vector.broadcast %mul3A_1353 : f32 to vector<16xf32>
      %mul3A_1355 = arith.mulf %mul3A_1354, %scan3A_1334#0 : vector<16xf32>
      %mul3A_1356 = arith.mulf %mul3A_1355, %mul3A_1352 : vector<16xf32>
      %mul3A_1357 = arith.mulf %mul3A_1356, %mul3A_1352 : vector<16xf32>
      %sub3A_1358 = arith.constant 1.500000e+00 : f32
      %sub3A_1359 = vector.broadcast %sub3A_1358 : f32 to vector<16xf32>
      %sub3A_1360 = arith.subf %sub3A_1359, %mul3A_1357 : vector<16xf32>
      %mul3A_1361 = arith.mulf %mul3A_1352, %sub3A_1360 : vector<16xf32>
      %mul3A_1362 = arith.constant 5.000000e-01 : f32
      %mul3A_1363 = vector.broadcast %mul3A_1362 : f32 to vector<16xf32>
      %mul3A_1364 = arith.mulf %mul3A_1363, %scan3A_1334#0 : vector<16xf32>
      %mul3A_1365 = arith.mulf %mul3A_1364, %mul3A_1361 : vector<16xf32>
      %mul3A_1366 = arith.mulf %mul3A_1365, %mul3A_1361 : vector<16xf32>
      %sub3A_1367 = arith.constant 1.500000e+00 : f32
      %sub3A_1368 = vector.broadcast %sub3A_1367 : f32 to vector<16xf32>
      %sub3A_1369 = arith.subf %sub3A_1368, %mul3A_1366 : vector<16xf32>
      %mul3A_1370 = arith.mulf %mul3A_1361, %sub3A_1369 : vector<16xf32>
      %mul3A_1371 = arith.constant 1.250000e-01 : f32
      %mul3A_1372 = vector.broadcast %mul3A_1371 : f32 to vector<16xf32>
      %mul3A_1373 = arith.mulf %mul3A_1370, %mul3A_1372 : vector<16xf32>
      %bitcast3A_1374 = vector.bitcast %scan3A_1334#1 : vector<16xf32> to vector<16xi32>
      %shift_right_arithmetic3A_1375 = arith.constant 1 : i32
      %shift_right_arithmetic3A_1376 = vector.broadcast %shift_right_arithmetic3A_1375 : i32 to vector<16xi32>
      %shift_right_arithmetic3A_1377 = arith.shrsi %bitcast3A_1374, %shift_right_arithmetic3A_1376 : vector<16xi32>
      %sub3A_1378 = arith.constant 1597463007 : i32
      %sub3A_1379 = vector.broadcast %sub3A_1378 : i32 to vector<16xi32>
      %sub3A_1380 = arith.subi %sub3A_1379, %shift_right_arithmetic3A_1377 : vector<16xi32>
      %bitcast3A_1381 = vector.bitcast %sub3A_1380 : vector<16xi32> to vector<16xf32>
      %mul3A_1382 = arith.constant 5.000000e-01 : f32
      %mul3A_1383 = vector.broadcast %mul3A_1382 : f32 to vector<16xf32>
      %mul3A_1384 = arith.mulf %mul3A_1383, %scan3A_1334#1 : vector<16xf32>
      %mul3A_1385 = arith.mulf %mul3A_1384, %bitcast3A_1381 : vector<16xf32>
      %mul3A_1386 = arith.mulf %mul3A_1385, %bitcast3A_1381 : vector<16xf32>
      %sub3A_1387 = arith.constant 1.500000e+00 : f32
      %sub3A_1388 = vector.broadcast %sub3A_1387 : f32 to vector<16xf32>
      %sub3A_1389 = arith.subf %sub3A_1388, %mul3A_1386 : vector<16xf32>
      %mul3A_1390 = arith.mulf %bitcast3A_1381, %sub3A_1389 : vector<16xf32>
      %mul3A_1391 = arith.constant 5.000000e-01 : f32
      %mul3A_1392 = vector.broadcast %mul3A_1391 : f32 to vector<16xf32>
      %mul3A_1393 = arith.mulf %mul3A_1392, %scan3A_1334#1 : vector<16xf32>
      %mul3A_1394 = arith.mulf %mul3A_1393, %mul3A_1390 : vector<16xf32>
      %mul3A_1395 = arith.mulf %mul3A_1394, %mul3A_1390 : vector<16xf32>
      %sub3A_1396 = arith.constant 1.500000e+00 : f32
      %sub3A_1397 = vector.broadcast %sub3A_1396 : f32 to vector<16xf32>
      %sub3A_1398 = arith.subf %sub3A_1397, %mul3A_1395 : vector<16xf32>
      %mul3A_1399 = arith.mulf %mul3A_1390, %sub3A_1398 : vector<16xf32>
      %mul3A_1400 = arith.constant 5.000000e-01 : f32
      %mul3A_1401 = vector.broadcast %mul3A_1400 : f32 to vector<16xf32>
      %mul3A_1402 = arith.mulf %mul3A_1401, %scan3A_1334#1 : vector<16xf32>
      %mul3A_1403 = arith.mulf %mul3A_1402, %mul3A_1399 : vector<16xf32>
      %mul3A_1404 = arith.mulf %mul3A_1403, %mul3A_1399 : vector<16xf32>
      %sub3A_1405 = arith.constant 1.500000e+00 : f32
      %sub3A_1406 = vector.broadcast %sub3A_1405 : f32 to vector<16xf32>
      %sub3A_1407 = arith.subf %sub3A_1406, %mul3A_1404 : vector<16xf32>
      %mul3A_1408 = arith.mulf %mul3A_1399, %sub3A_1407 : vector<16xf32>
      %mul3A_1409 = arith.constant 1.250000e-01 : f32
      %mul3A_1410 = vector.broadcast %mul3A_1409 : f32 to vector<16xf32>
      %mul3A_1411 = arith.mulf %mul3A_1408, %mul3A_1410 : vector<16xf32>
      %scan3A_1412 = arith.constant 0 : i32
      %scan3A_1413 = arith.constant 64 : i32
      %scan3A_1414 = arith.addi %scan3A_1412, %scan3A_1413 : i32
      %scan3A_1415 = arith.constant 1 : i32
      %scan3A_1416 = scf.for %scan3A_1425 = %scan3A_1412 to %scan3A_1414 step %scan3A_1415 iter_args(%scan3A_1426 = %broadcast_in_dim3A_1) -> (vector<16xf32>)  : i32 {
        %mul3A_1427 = arith.constant 16 : i32
        %mul3A_1428 = arith.muli %scan3A_1425, %mul3A_1427 : i32
        %add3A_1429 = arith.constant 0 : i32
        %add3A_1430 = arith.addi %add3A_1429, %mul3A_1428 : i32
        %get3A_1431 = arith.index_cast %add3A_1430 : i32 to index
        %get3A_1432 = tpu.vector_load %arg22[%get3A_1431] {strides = array<i32>} : memref<3072xf32, #tpu.memory_space<vmem>>, vector<16xf32>,
        %mul3A_1433 = arith.constant 16 : i32
        %mul3A_1434 = arith.muli %scan3A_1425, %mul3A_1433 : i32
        %add3A_1435 = arith.constant 1024 : i32
        %add3A_1436 = arith.addi %add3A_1435, %mul3A_1434 : i32
        %get3A_1437 = arith.index_cast %add3A_1436 : i32 to index
        %get3A_1438 = tpu.vector_load %arg22[%get3A_1437] {strides = array<i32>} : memref<3072xf32, #tpu.memory_space<vmem>>, vector<16xf32>,
        %mul3A_1439 = arith.constant 16 : i32
        %mul3A_1440 = arith.muli %scan3A_1425, %mul3A_1439 : i32
        %add3A_1441 = arith.constant 2048 : i32
        %add3A_1442 = arith.addi %add3A_1441, %mul3A_1440 : i32
        %get3A_1443 = arith.index_cast %add3A_1442 : i32 to index
        %get3A_1444 = tpu.vector_load %arg22[%get3A_1443] {strides = array<i32>} : memref<3072xf32, #tpu.memory_space<vmem>>, vector<16xf32>,
        %mul3A_1445 = arith.mulf %get3A_1432, %mul3A_1373 : vector<16xf32>
        %mul3A_1446 = arith.constant 1.250000e-01 : f32
        %mul3A_1447 = vector.broadcast %mul3A_1446 : f32 to vector<16xf32>
        %mul3A_1448 = arith.mulf %get3A_1438, %mul3A_1447 : vector<16xf32>
        %add3A_1449 = arith.addf %mul3A_1445, %mul3A_1448 : vector<16xf32>
        %mul3A_1450 = arith.mulf %get3A_1444, %mul3A_1411 : vector<16xf32>
        %sub3A_1451 = arith.subf %add3A_1449, %mul3A_1450 : vector<16xf32>
        %abs3A = math.absf %sub3A_1451 : vector<16xf32>
        %add3A_1452 = arith.addf %scan3A_1426, %abs3A : vector<16xf32>
        scf.yield %add3A_1452 : vector<16xf32>
      }
      %scan3A_1417 = arith.constant 64 : i32
      %mul3A_1418 = arith.constant 16 : i32
      %mul3A_1419 = arith.muli %add3A_1322, %mul3A_1418 : i32
      %add3A_1420 = arith.constant 0 : i32
      %add3A_1421 = arith.addi %add3A_1420, %mul3A_1419 : i32
      %swap3A_1422 = arith.index_cast %add3A_1421 : i32 to index
      %swap3A_1423 = tpu.vector_load %arg23[%swap3A_1422] {strides = array<i32>} : memref<256xf32, #tpu.memory_space<vmem>>, vector<16xf32>,
      tpu.vector_store %arg23[%swap3A_1422], %scan3A_1416 {strides = array<i32>} : memref<256xf32, #tpu.memory_space<vmem>>, vector<16xf32>,
      %scan3A_1424 = arith.constant 0 : i32
      scf.yield %scan3A_1424 : i32
    }
    %scan3A_360 = arith.constant 4 : i32
    %mul3A_361 = arith.constant 128 : i32
    %mul3A_362 = arith.muli %add3A, %mul3A_361 : i32
    %add3A_363 = arith.constant 4096 : i32
    %add3A_364 = arith.addi %add3A_363, %mul3A_362 : i32
    %mul3A_365 = arith.constant 64 : i32
    %mul3A_366 = arith.muli %add3A_364, %mul3A_365 : i32
    %multiple_of3A_367 = tpu.assume_multiple %mul3A_366, 8 : i32
    %dma_start3A_368 = tpu.memref_slice %arg2[%multiple_of3A_367] : memref<524288xf32, #tpu.memory_space<hbm>> -> memref<8192xf32, #tpu.memory_space<hbm>>
    %dma_start3A_369 = tpu.memref_slice %arg2[%multiple_of3A_367] : memref<524288xf32, #tpu.memory_space<hbm>> -> memref<8192xf32, #tpu.memory_space<hbm>>
    tpu.enqueue_dma source(%dma_start3A_369 : memref<8192xf32, #tpu.memory_space<hbm>>) target(%arg12 : memref<8192xf32, #tpu.memory_space<vmem>>) target_semaphore(%arg25 : memref<!tpu.dma_semaphore, #tpu.memory_space<semaphore_mem>>)
    %mul3A_370 = arith.constant 64 : i32
    %mul3A_371 = arith.muli %add3A_364, %mul3A_370 : i32
    %multiple_of3A_372 = tpu.assume_multiple %mul3A_371, 8 : i32
    %dma_start3A_373 = tpu.memref_slice %arg3[%multiple_of3A_372] : memref<524288xf32, #tpu.memory_space<hbm>> -> memref<8192xf32, #tpu.memory_space<hbm>>
    %dma_start3A_374 = tpu.memref_slice %arg3[%multiple_of3A_372] : memref<524288xf32, #tpu.memory_space<hbm>> -> memref<8192xf32, #tpu.memory_space<hbm>>
    tpu.enqueue_dma source(%dma_start3A_374 : memref<8192xf32, #tpu.memory_space<hbm>>) target(%arg13 : memref<8192xf32, #tpu.memory_space<vmem>>) target_semaphore(%arg25 : memref<!tpu.dma_semaphore, #tpu.memory_space<semaphore_mem>>)
    %mul3A_375 = arith.constant 64 : i32
    %mul3A_376 = arith.muli %add3A_364, %mul3A_375 : i32
    %multiple_of3A_377 = tpu.assume_multiple %mul3A_376, 8 : i32
    %dma_start3A_378 = tpu.memref_slice %arg4[%multiple_of3A_377] : memref<524288xf32, #tpu.memory_space<hbm>> -> memref<8192xf32, #tpu.memory_space<hbm>>
    %dma_start3A_379 = tpu.memref_slice %arg4[%multiple_of3A_377] : memref<524288xf32, #tpu.memory_space<hbm>> -> memref<8192xf32, #tpu.memory_space<hbm>>
    tpu.enqueue_dma source(%dma_start3A_379 : memref<8192xf32, #tpu.memory_space<hbm>>) target(%arg14 : memref<8192xf32, #tpu.memory_space<vmem>>) target_semaphore(%arg25 : memref<!tpu.dma_semaphore, #tpu.memory_space<semaphore_mem>>)
    %mul3A_380 = arith.constant 8 : i32
    %mul3A_381 = arith.muli %add3A_364, %mul3A_380 : i32
    %multiple_of3A_382 = tpu.assume_multiple %mul3A_381, 8 : i32
    %dma_start3A_383 = tpu.memref_slice %arg5[%multiple_of3A_382] : memref<65536xi32, #tpu.memory_space<hbm>> -> memref<1024xi32, #tpu.memory_space<hbm>>
    %dma_start3A_384 = tpu.memref_slice %arg5[%multiple_of3A_382] : memref<65536xi32, #tpu.memory_space<hbm>> -> memref<1024xi32, #tpu.memory_space<hbm>>
    tpu.enqueue_dma source(%dma_start3A_384 : memref<1024xi32, #tpu.memory_space<hbm>>) target(%arg15 : memref<1024xi32, #tpu.memory_space<vmem>>) target_semaphore(%arg25 : memref<!tpu.dma_semaphore, #tpu.memory_space<semaphore_mem>>)
    %mul3A_385 = arith.constant 8 : i32
    %mul3A_386 = arith.muli %add3A_364, %mul3A_385 : i32
    %multiple_of3A_387 = tpu.assume_multiple %mul3A_386, 8 : i32
    %dma_start3A_388 = tpu.memref_slice %arg6[%multiple_of3A_387] : memref<65536xi32, #tpu.memory_space<hbm>> -> memref<1024xi32, #tpu.memory_space<hbm>>
    %dma_start3A_389 = tpu.memref_slice %arg6[%multiple_of3A_387] : memref<65536xi32, #tpu.memory_space<hbm>> -> memref<1024xi32, #tpu.memory_space<hbm>>
    tpu.enqueue_dma source(%dma_start3A_389 : memref<1024xi32, #tpu.memory_space<hbm>>) target(%arg16 : memref<1024xi32, #tpu.memory_space<vmem>>) target_semaphore(%arg25 : memref<!tpu.dma_semaphore, #tpu.memory_space<semaphore_mem>>)
    %mul3A_390 = arith.constant 8 : i32
    %mul3A_391 = arith.muli %add3A_364, %mul3A_390 : i32
    %multiple_of3A_392 = tpu.assume_multiple %mul3A_391, 8 : i32
    %dma_start3A_393 = tpu.memref_slice %arg7[%multiple_of3A_392] : memref<65536xi32, #tpu.memory_space<hbm>> -> memref<1024xi32, #tpu.memory_space<hbm>>
    %dma_start3A_394 = tpu.memref_slice %arg7[%multiple_of3A_392] : memref<65536xi32, #tpu.memory_space<hbm>> -> memref<1024xi32, #tpu.memory_space<hbm>>
    tpu.enqueue_dma source(%dma_start3A_394 : memref<1024xi32, #tpu.memory_space<hbm>>) target(%arg17 : memref<1024xi32, #tpu.memory_space<vmem>>) target_semaphore(%arg25 : memref<!tpu.dma_semaphore, #tpu.memory_space<semaphore_mem>>)
    %dma_wait3A_395 = tpu.memref_slice %arg2[%multiple_of3A_367] : memref<524288xf32, #tpu.memory_space<hbm>> -> memref<8192xf32, #tpu.memory_space<hbm>>
    %dma_wait3A_396 = tpu.memref_slice %arg2[%multiple_of3A_367] : memref<524288xf32, #tpu.memory_space<hbm>> -> memref<8192xf32, #tpu.memory_space<hbm>>
    tpu.wait_dma2 semaphore(%arg25 : memref<!tpu.dma_semaphore, #tpu.memory_space<semaphore_mem>>) src(%dma_wait3A_396 : memref<8192xf32, #tpu.memory_space<hbm>>) dst(%arg12 : memref<8192xf32, #tpu.memory_space<vmem>>)
    %dma_wait3A_397 = tpu.memref_slice %arg3[%multiple_of3A_372] : memref<524288xf32, #tpu.memory_space<hbm>> -> memref<8192xf32, #tpu.memory_space<hbm>>
    %dma_wait3A_398 = tpu.memref_slice %arg3[%multiple_of3A_372] : memref<524288xf32, #tpu.memory_space<hbm>> -> memref<8192xf32, #tpu.memory_space<hbm>>
    tpu.wait_dma2 semaphore(%arg25 : memref<!tpu.dma_semaphore, #tpu.memory_space<semaphore_mem>>) src(%dma_wait3A_398 : memref<8192xf32, #tpu.memory_space<hbm>>) dst(%arg13 : memref<8192xf32, #tpu.memory_space<vmem>>)
    %dma_wait3A_399 = tpu.memref_slice %arg4[%multiple_of3A_377] : memref<524288xf32, #tpu.memory_space<hbm>> -> memref<8192xf32, #tpu.memory_space<hbm>>
    %dma_wait3A_400 = tpu.memref_slice %arg4[%multiple_of3A_377] : memref<524288xf32, #tpu.memory_space<hbm>> -> memref<8192xf32, #tpu.memory_space<hbm>>
    tpu.wait_dma2 semaphore(%arg25 : memref<!tpu.dma_semaphore, #tpu.memory_space<semaphore_mem>>) src(%dma_wait3A_400 : memref<8192xf32, #tpu.memory_space<hbm>>) dst(%arg14 : memref<8192xf32, #tpu.memory_space<vmem>>)
    %dma_wait3A_401 = tpu.memref_slice %arg5[%multiple_of3A_382] : memref<65536xi32, #tpu.memory_space<hbm>> -> memref<1024xi32, #tpu.memory_space<hbm>>
    %dma_wait3A_402 = tpu.memref_slice %arg5[%multiple_of3A_382] : memref<65536xi32, #tpu.memory_space<hbm>> -> memref<1024xi32, #tpu.memory_space<hbm>>
    tpu.wait_dma2 semaphore(%arg25 : memref<!tpu.dma_semaphore, #tpu.memory_space<semaphore_mem>>) src(%dma_wait3A_402 : memref<1024xi32, #tpu.memory_space<hbm>>) dst(%arg15 : memref<1024xi32, #tpu.memory_space<vmem>>)
    %dma_wait3A_403 = tpu.memref_slice %arg6[%multiple_of3A_387] : memref<65536xi32, #tpu.memory_space<hbm>> -> memref<1024xi32, #tpu.memory_space<hbm>>
    %dma_wait3A_404 = tpu.memref_slice %arg6[%multiple_of3A_387] : memref<65536xi32, #tpu.memory_space<hbm>> -> memref<1024xi32, #tpu.memory_space<hbm>>
    tpu.wait_dma2 semaphore(%arg25 : memref<!tpu.dma_semaphore, #tpu.memory_space<semaphore_mem>>) src(%dma_wait3A_404 : memref<1024xi32, #tpu.memory_space<hbm>>) dst(%arg16 : memref<1024xi32, #tpu.memory_space<vmem>>)
    %dma_wait3A_405 = tpu.memref_slice %arg7[%multiple_of3A_392] : memref<65536xi32, #tpu.memory_space<hbm>> -> memref<1024xi32, #tpu.memory_space<hbm>>
    %dma_wait3A_406 = tpu.memref_slice %arg7[%multiple_of3A_392] : memref<65536xi32, #tpu.memory_space<hbm>> -> memref<1024xi32, #tpu.memory_space<hbm>>
    tpu.wait_dma2 semaphore(%arg25 : memref<!tpu.dma_semaphore, #tpu.memory_space<semaphore_mem>>) src(%dma_wait3A_406 : memref<1024xi32, #tpu.memory_space<hbm>>) dst(%arg17 : memref<1024xi32, #tpu.memory_space<vmem>>)
    %add3A_407 = arith.constant 0 : i32
    %add3A_408 = vector.broadcast %add3A_407 : i32 to vector<16xi32>
    %add3A_409 = arith.addi %add3A_408, %iota3A : vector<16xi32>
    %mul3A_410 = arith.constant 8 : i32
    %mul3A_411 = vector.broadcast %mul3A_410 : i32 to vector<16xi32>
    %mul3A_412 = arith.muli %add3A_409, %mul3A_411 : vector<16xi32>
    %add3A_413 = arith.constant 0 : i32
    %add3A_414 = vector.broadcast %add3A_413 : i32 to vector<16xi32>
    %add3A_415 = arith.addi %mul3A_412, %add3A_414 : vector<16xi32>
    %gather3A_416 = tpu.vector_load_idx %arg15[%add3A_415] : memref<1024xi32, #tpu.memory_space<vmem>>[vector<16xi32>], vector<16xi32>,
    %swap3A_417 = arith.constant 0 : index
    %swap3A_418 = tpu.vector_load %arg20[%swap3A_417] {strides = array<i32>} : memref<384xi32, #tpu.memory_space<vmem>>, vector<16xi32>,
    tpu.vector_store %arg20[%swap3A_417], %gather3A_416 {strides = array<i32>} : memref<384xi32, #tpu.memory_space<vmem>>, vector<16xi32>,
    %add3A_419 = arith.constant 0 : i32
    %add3A_420 = vector.broadcast %add3A_419 : i32 to vector<16xi32>
    %add3A_421 = arith.addi %add3A_420, %iota3A : vector<16xi32>
    %mul3A_422 = arith.constant 8 : i32
    %mul3A_423 = vector.broadcast %mul3A_422 : i32 to vector<16xi32>
    %mul3A_424 = arith.muli %add3A_421, %mul3A_423 : vector<16xi32>
    %add3A_425 = arith.constant 1 : i32
    %add3A_426 = vector.broadcast %add3A_425 : i32 to vector<16xi32>
    %add3A_427 = arith.addi %mul3A_424, %add3A_426 : vector<16xi32>
    %gather3A_428 = tpu.vector_load_idx %arg15[%add3A_427] : memref<1024xi32, #tpu.memory_space<vmem>>[vector<16xi32>], vector<16xi32>,
    %swap3A_429 = arith.constant 16 : index
    %swap3A_430 = tpu.vector_load %arg20[%swap3A_429] {strides = array<i32>} : memref<384xi32, #tpu.memory_space<vmem>>, vector<16xi32>,
    tpu.vector_store %arg20[%swap3A_429], %gather3A_428 {strides = array<i32>} : memref<384xi32, #tpu.memory_space<vmem>>, vector<16xi32>,
    %add3A_431 = arith.constant 0 : i32
    %add3A_432 = vector.broadcast %add3A_431 : i32 to vector<16xi32>
    %add3A_433 = arith.addi %add3A_432, %iota3A : vector<16xi32>
    %mul3A_434 = arith.constant 8 : i32
    %mul3A_435 = vector.broadcast %mul3A_434 : i32 to vector<16xi32>
    %mul3A_436 = arith.muli %add3A_433, %mul3A_435 : vector<16xi32>
    %add3A_437 = arith.constant 2 : i32
    %add3A_438 = vector.broadcast %add3A_437 : i32 to vector<16xi32>
    %add3A_439 = arith.addi %mul3A_436, %add3A_438 : vector<16xi32>
    %gather3A_440 = tpu.vector_load_idx %arg15[%add3A_439] : memref<1024xi32, #tpu.memory_space<vmem>>[vector<16xi32>], vector<16xi32>,
    %swap3A_441 = arith.constant 32 : index
    %swap3A_442 = tpu.vector_load %arg20[%swap3A_441] {strides = array<i32>} : memref<384xi32, #tpu.memory_space<vmem>>, vector<16xi32>,
    tpu.vector_store %arg20[%swap3A_441], %gather3A_440 {strides = array<i32>} : memref<384xi32, #tpu.memory_space<vmem>>, vector<16xi32>,
    %add3A_443 = arith.constant 0 : i32
    %add3A_444 = vector.broadcast %add3A_443 : i32 to vector<16xi32>
    %add3A_445 = arith.addi %add3A_444, %iota3A : vector<16xi32>
    %mul3A_446 = arith.constant 8 : i32
    %mul3A_447 = vector.broadcast %mul3A_446 : i32 to vector<16xi32>
    %mul3A_448 = arith.muli %add3A_445, %mul3A_447 : vector<16xi32>
    %add3A_449 = arith.constant 3 : i32
    %add3A_450 = vector.broadcast %add3A_449 : i32 to vector<16xi32>
    %add3A_451 = arith.addi %mul3A_448, %add3A_450 : vector<16xi32>
    %gather3A_452 = tpu.vector_load_idx %arg15[%add3A_451] : memref<1024xi32, #tpu.memory_space<vmem>>[vector<16xi32>], vector<16xi32>,
    %swap3A_453 = arith.constant 48 : index
    %swap3A_454 = tpu.vector_load %arg20[%swap3A_453] {strides = array<i32>} : memref<384xi32, #tpu.memory_space<vmem>>, vector<16xi32>,
    tpu.vector_store %arg20[%swap3A_453], %gather3A_452 {strides = array<i32>} : memref<384xi32, #tpu.memory_space<vmem>>, vector<16xi32>,
    %add3A_455 = arith.constant 0 : i32
    %add3A_456 = vector.broadcast %add3A_455 : i32 to vector<16xi32>
    %add3A_457 = arith.addi %add3A_456, %iota3A : vector<16xi32>
    %mul3A_458 = arith.constant 8 : i32
    %mul3A_459 = vector.broadcast %mul3A_458 : i32 to vector<16xi32>
    %mul3A_460 = arith.muli %add3A_457, %mul3A_459 : vector<16xi32>
    %add3A_461 = arith.constant 4 : i32
    %add3A_462 = vector.broadcast %add3A_461 : i32 to vector<16xi32>
    %add3A_463 = arith.addi %mul3A_460, %add3A_462 : vector<16xi32>
    %gather3A_464 = tpu.vector_load_idx %arg15[%add3A_463] : memref<1024xi32, #tpu.memory_space<vmem>>[vector<16xi32>], vector<16xi32>,
    %swap3A_465 = arith.constant 64 : index
    %swap3A_466 = tpu.vector_load %arg20[%swap3A_465] {strides = array<i32>} : memref<384xi32, #tpu.memory_space<vmem>>, vector<16xi32>,
    tpu.vector_store %arg20[%swap3A_465], %gather3A_464 {strides = array<i32>} : memref<384xi32, #tpu.memory_space<vmem>>, vector<16xi32>,
    %add3A_467 = arith.constant 0 : i32
    %add3A_468 = vector.broadcast %add3A_467 : i32 to vector<16xi32>
    %add3A_469 = arith.addi %add3A_468, %iota3A : vector<16xi32>
    %mul3A_470 = arith.constant 8 : i32
    %mul3A_471 = vector.broadcast %mul3A_470 : i32 to vector<16xi32>
    %mul3A_472 = arith.muli %add3A_469, %mul3A_471 : vector<16xi32>
    %add3A_473 = arith.constant 5 : i32
    %add3A_474 = vector.broadcast %add3A_473 : i32 to vector<16xi32>
    %add3A_475 = arith.addi %mul3A_472, %add3A_474 : vector<16xi32>
    %gather3A_476 = tpu.vector_load_idx %arg15[%add3A_475] : memref<1024xi32, #tpu.memory_space<vmem>>[vector<16xi32>], vector<16xi32>,
    %swap3A_477 = arith.constant 80 : index
    %swap3A_478 = tpu.vector_load %arg20[%swap3A_477] {strides = array<i32>} : memref<384xi32, #tpu.memory_space<vmem>>, vector<16xi32>,
    tpu.vector_store %arg20[%swap3A_477], %gather3A_476 {strides = array<i32>} : memref<384xi32, #tpu.memory_space<vmem>>, vector<16xi32>,
    %add3A_479 = arith.constant 0 : i32
    %add3A_480 = vector.broadcast %add3A_479 : i32 to vector<16xi32>
    %add3A_481 = arith.addi %add3A_480, %iota3A : vector<16xi32>
    %mul3A_482 = arith.constant 8 : i32
    %mul3A_483 = vector.broadcast %mul3A_482 : i32 to vector<16xi32>
    %mul3A_484 = arith.muli %add3A_481, %mul3A_483 : vector<16xi32>
    %add3A_485 = arith.constant 6 : i32
    %add3A_486 = vector.broadcast %add3A_485 : i32 to vector<16xi32>
    %add3A_487 = arith.addi %mul3A_484, %add3A_486 : vector<16xi32>
    %gather3A_488 = tpu.vector_load_idx %arg15[%add3A_487] : memref<1024xi32, #tpu.memory_space<vmem>>[vector<16xi32>], vector<16xi32>,
    %swap3A_489 = arith.constant 96 : index
    %swap3A_490 = tpu.vector_load %arg20[%swap3A_489] {strides = array<i32>} : memref<384xi32, #tpu.memory_space<vmem>>, vector<16xi32>,
    tpu.vector_store %arg20[%swap3A_489], %gather3A_488 {strides = array<i32>} : memref<384xi32, #tpu.memory_space<vmem>>, vector<16xi32>,
    %add3A_491 = arith.constant 0 : i32
    %add3A_492 = vector.broadcast %add3A_491 : i32 to vector<16xi32>
    %add3A_493 = arith.addi %add3A_492, %iota3A : vector<16xi32>
    %mul3A_494 = arith.constant 8 : i32
    %mul3A_495 = vector.broadcast %mul3A_494 : i32 to vector<16xi32>
    %mul3A_496 = arith.muli %add3A_493, %mul3A_495 : vector<16xi32>
    %add3A_497 = arith.constant 7 : i32
    %add3A_498 = vector.broadcast %add3A_497 : i32 to vector<16xi32>
    %add3A_499 = arith.addi %mul3A_496, %add3A_498 : vector<16xi32>
    %gather3A_500 = tpu.vector_load_idx %arg15[%add3A_499] : memref<1024xi32, #tpu.memory_space<vmem>>[vector<16xi32>], vector<16xi32>,
    %swap3A_501 = arith.constant 112 : index
    %swap3A_502 = tpu.vector_load %arg20[%swap3A_501] {strides = array<i32>} : memref<384xi32, #tpu.memory_space<vmem>>, vector<16xi32>,
    tpu.vector_store %arg20[%swap3A_501], %gather3A_500 {strides = array<i32>} : memref<384xi32, #tpu.memory_space<vmem>>, vector<16xi32>,
    %add3A_503 = arith.constant 0 : i32
    %add3A_504 = vector.broadcast %add3A_503 : i32 to vector<16xi32>
    %add3A_505 = arith.addi %add3A_504, %iota3A : vector<16xi32>
    %mul3A_506 = arith.constant 8 : i32
    %mul3A_507 = vector.broadcast %mul3A_506 : i32 to vector<16xi32>
    %mul3A_508 = arith.muli %add3A_505, %mul3A_507 : vector<16xi32>
    %add3A_509 = arith.constant 0 : i32
    %add3A_510 = vector.broadcast %add3A_509 : i32 to vector<16xi32>
    %add3A_511 = arith.addi %mul3A_508, %add3A_510 : vector<16xi32>
    %gather3A_512 = tpu.vector_load_idx %arg17[%add3A_511] : memref<1024xi32, #tpu.memory_space<vmem>>[vector<16xi32>], vector<16xi32>,
    %swap3A_513 = arith.constant 128 : index
    %swap3A_514 = tpu.vector_load %arg20[%swap3A_513] {strides = array<i32>} : memref<384xi32, #tpu.memory_space<vmem>>, vector<16xi32>,
    tpu.vector_store %arg20[%swap3A_513], %gather3A_512 {strides = array<i32>} : memref<384xi32, #tpu.memory_space<vmem>>, vector<16xi32>,
    %add3A_515 = arith.constant 0 : i32
    %add3A_516 = vector.broadcast %add3A_515 : i32 to vector<16xi32>
    %add3A_517 = arith.addi %add3A_516, %iota3A : vector<16xi32>
    %mul3A_518 = arith.constant 8 : i32
    %mul3A_519 = vector.broadcast %mul3A_518 : i32 to vector<16xi32>
    %mul3A_520 = arith.muli %add3A_517, %mul3A_519 : vector<16xi32>
    %add3A_521 = arith.constant 1 : i32
    %add3A_522 = vector.broadcast %add3A_521 : i32 to vector<16xi32>
    %add3A_523 = arith.addi %mul3A_520, %add3A_522 : vector<16xi32>
    %gather3A_524 = tpu.vector_load_idx %arg17[%add3A_523] : memref<1024xi32, #tpu.memory_space<vmem>>[vector<16xi32>], vector<16xi32>,
    %swap3A_525 = arith.constant 144 : index
    %swap3A_526 = tpu.vector_load %arg20[%swap3A_525] {strides = array<i32>} : memref<384xi32, #tpu.memory_space<vmem>>, vector<16xi32>,
    tpu.vector_store %arg20[%swap3A_525], %gather3A_524 {strides = array<i32>} : memref<384xi32, #tpu.memory_space<vmem>>, vector<16xi32>,
    %add3A_527 = arith.constant 0 : i32
    %add3A_528 = vector.broadcast %add3A_527 : i32 to vector<16xi32>
    %add3A_529 = arith.addi %add3A_528, %iota3A : vector<16xi32>
    %mul3A_530 = arith.constant 8 : i32
    %mul3A_531 = vector.broadcast %mul3A_530 : i32 to vector<16xi32>
    %mul3A_532 = arith.muli %add3A_529, %mul3A_531 : vector<16xi32>
    %add3A_533 = arith.constant 2 : i32
    %add3A_534 = vector.broadcast %add3A_533 : i32 to vector<16xi32>
    %add3A_535 = arith.addi %mul3A_532, %add3A_534 : vector<16xi32>
    %gather3A_536 = tpu.vector_load_idx %arg17[%add3A_535] : memref<1024xi32, #tpu.memory_space<vmem>>[vector<16xi32>], vector<16xi32>,
    %swap3A_537 = arith.constant 160 : index
    %swap3A_538 = tpu.vector_load %arg20[%swap3A_537] {strides = array<i32>} : memref<384xi32, #tpu.memory_space<vmem>>, vector<16xi32>,
    tpu.vector_store %arg20[%swap3A_537], %gather3A_536 {strides = array<i32>} : memref<384xi32, #tpu.memory_space<vmem>>, vector<16xi32>,
    %add3A_539 = arith.constant 0 : i32
    %add3A_540 = vector.broadcast %add3A_539 : i32 to vector<16xi32>
    %add3A_541 = arith.addi %add3A_540, %iota3A : vector<16xi32>
    %mul3A_542 = arith.constant 8 : i32
    %mul3A_543 = vector.broadcast %mul3A_542 : i32 to vector<16xi32>
    %mul3A_544 = arith.muli %add3A_541, %mul3A_543 : vector<16xi32>
    %add3A_545 = arith.constant 3 : i32
    %add3A_546 = vector.broadcast %add3A_545 : i32 to vector<16xi32>
    %add3A_547 = arith.addi %mul3A_544, %add3A_546 : vector<16xi32>
    %gather3A_548 = tpu.vector_load_idx %arg17[%add3A_547] : memref<1024xi32, #tpu.memory_space<vmem>>[vector<16xi32>], vector<16xi32>,
    %swap3A_549 = arith.constant 176 : index
    %swap3A_550 = tpu.vector_load %arg20[%swap3A_549] {strides = array<i32>} : memref<384xi32, #tpu.memory_space<vmem>>, vector<16xi32>,
    tpu.vector_store %arg20[%swap3A_549], %gather3A_548 {strides = array<i32>} : memref<384xi32, #tpu.memory_space<vmem>>, vector<16xi32>,
    %add3A_551 = arith.constant 0 : i32
    %add3A_552 = vector.broadcast %add3A_551 : i32 to vector<16xi32>
    %add3A_553 = arith.addi %add3A_552, %iota3A : vector<16xi32>
    %mul3A_554 = arith.constant 8 : i32
    %mul3A_555 = vector.broadcast %mul3A_554 : i32 to vector<16xi32>
    %mul3A_556 = arith.muli %add3A_553, %mul3A_555 : vector<16xi32>
    %add3A_557 = arith.constant 4 : i32
    %add3A_558 = vector.broadcast %add3A_557 : i32 to vector<16xi32>
    %add3A_559 = arith.addi %mul3A_556, %add3A_558 : vector<16xi32>
    %gather3A_560 = tpu.vector_load_idx %arg17[%add3A_559] : memref<1024xi32, #tpu.memory_space<vmem>>[vector<16xi32>], vector<16xi32>,
    %swap3A_561 = arith.constant 192 : index
    %swap3A_562 = tpu.vector_load %arg20[%swap3A_561] {strides = array<i32>} : memref<384xi32, #tpu.memory_space<vmem>>, vector<16xi32>,
    tpu.vector_store %arg20[%swap3A_561], %gather3A_560 {strides = array<i32>} : memref<384xi32, #tpu.memory_space<vmem>>, vector<16xi32>,
    %add3A_563 = arith.constant 0 : i32
    %add3A_564 = vector.broadcast %add3A_563 : i32 to vector<16xi32>
    %add3A_565 = arith.addi %add3A_564, %iota3A : vector<16xi32>
    %mul3A_566 = arith.constant 8 : i32
    %mul3A_567 = vector.broadcast %mul3A_566 : i32 to vector<16xi32>
    %mul3A_568 = arith.muli %add3A_565, %mul3A_567 : vector<16xi32>
    %add3A_569 = arith.constant 5 : i32
    %add3A_570 = vector.broadcast %add3A_569 : i32 to vector<16xi32>
    %add3A_571 = arith.addi %mul3A_568, %add3A_570 : vector<16xi32>
    %gather3A_572 = tpu.vector_load_idx %arg17[%add3A_571] : memref<1024xi32, #tpu.memory_space<vmem>>[vector<16xi32>], vector<16xi32>,
    %swap3A_573 = arith.constant 208 : index
    %swap3A_574 = tpu.vector_load %arg20[%swap3A_573] {strides = array<i32>} : memref<384xi32, #tpu.memory_space<vmem>>, vector<16xi32>,
    tpu.vector_store %arg20[%swap3A_573], %gather3A_572 {strides = array<i32>} : memref<384xi32, #tpu.memory_space<vmem>>, vector<16xi32>,
    %add3A_575 = arith.constant 0 : i32
    %add3A_576 = vector.broadcast %add3A_575 : i32 to vector<16xi32>
    %add3A_577 = arith.addi %add3A_576, %iota3A : vector<16xi32>
    %mul3A_578 = arith.constant 8 : i32
    %mul3A_579 = vector.broadcast %mul3A_578 : i32 to vector<16xi32>
    %mul3A_580 = arith.muli %add3A_577, %mul3A_579 : vector<16xi32>
    %add3A_581 = arith.constant 6 : i32
    %add3A_582 = vector.broadcast %add3A_581 : i32 to vector<16xi32>
    %add3A_583 = arith.addi %mul3A_580, %add3A_582 : vector<16xi32>
    %gather3A_584 = tpu.vector_load_idx %arg17[%add3A_583] : memref<1024xi32, #tpu.memory_space<vmem>>[vector<16xi32>], vector<16xi32>,
    %swap3A_585 = arith.constant 224 : index
    %swap3A_586 = tpu.vector_load %arg20[%swap3A_585] {strides = array<i32>} : memref<384xi32, #tpu.memory_space<vmem>>, vector<16xi32>,
    tpu.vector_store %arg20[%swap3A_585], %gather3A_584 {strides = array<i32>} : memref<384xi32, #tpu.memory_space<vmem>>, vector<16xi32>,
    %add3A_587 = arith.constant 0 : i32
    %add3A_588 = vector.broadcast %add3A_587 : i32 to vector<16xi32>
    %add3A_589 = arith.addi %add3A_588, %iota3A : vector<16xi32>
    %mul3A_590 = arith.constant 8 : i32
    %mul3A_591 = vector.broadcast %mul3A_590 : i32 to vector<16xi32>
    %mul3A_592 = arith.muli %add3A_589, %mul3A_591 : vector<16xi32>
    %add3A_593 = arith.constant 7 : i32
    %add3A_594 = vector.broadcast %add3A_593 : i32 to vector<16xi32>
    %add3A_595 = arith.addi %mul3A_592, %add3A_594 : vector<16xi32>
    %gather3A_596 = tpu.vector_load_idx %arg17[%add3A_595] : memref<1024xi32, #tpu.memory_space<vmem>>[vector<16xi32>], vector<16xi32>,
    %swap3A_597 = arith.constant 240 : index
    %swap3A_598 = tpu.vector_load %arg20[%swap3A_597] {strides = array<i32>} : memref<384xi32, #tpu.memory_space<vmem>>, vector<16xi32>,
    tpu.vector_store %arg20[%swap3A_597], %gather3A_596 {strides = array<i32>} : memref<384xi32, #tpu.memory_space<vmem>>, vector<16xi32>,
    %add3A_599 = arith.constant 0 : i32
    %add3A_600 = vector.broadcast %add3A_599 : i32 to vector<16xi32>
    %add3A_601 = arith.addi %add3A_600, %iota3A : vector<16xi32>
    %mul3A_602 = arith.constant 8 : i32
    %mul3A_603 = vector.broadcast %mul3A_602 : i32 to vector<16xi32>
    %mul3A_604 = arith.muli %add3A_601, %mul3A_603 : vector<16xi32>
    %add3A_605 = arith.constant 0 : i32
    %add3A_606 = vector.broadcast %add3A_605 : i32 to vector<16xi32>
    %add3A_607 = arith.addi %mul3A_604, %add3A_606 : vector<16xi32>
    %gather3A_608 = tpu.vector_load_idx %arg16[%add3A_607] : memref<1024xi32, #tpu.memory_space<vmem>>[vector<16xi32>], vector<16xi32>,
    %swap3A_609 = arith.constant 256 : index
    %swap3A_610 = tpu.vector_load %arg20[%swap3A_609] {strides = array<i32>} : memref<384xi32, #tpu.memory_space<vmem>>, vector<16xi32>,
    tpu.vector_store %arg20[%swap3A_609], %gather3A_608 {strides = array<i32>} : memref<384xi32, #tpu.memory_space<vmem>>, vector<16xi32>,
    %add3A_611 = arith.constant 0 : i32
    %add3A_612 = vector.broadcast %add3A_611 : i32 to vector<16xi32>
    %add3A_613 = arith.addi %add3A_612, %iota3A : vector<16xi32>
    %mul3A_614 = arith.constant 8 : i32
    %mul3A_615 = vector.broadcast %mul3A_614 : i32 to vector<16xi32>
    %mul3A_616 = arith.muli %add3A_613, %mul3A_615 : vector<16xi32>
    %add3A_617 = arith.constant 1 : i32
    %add3A_618 = vector.broadcast %add3A_617 : i32 to vector<16xi32>
    %add3A_619 = arith.addi %mul3A_616, %add3A_618 : vector<16xi32>
    %gather3A_620 = tpu.vector_load_idx %arg16[%add3A_619] : memref<1024xi32, #tpu.memory_space<vmem>>[vector<16xi32>], vector<16xi32>,
    %swap3A_621 = arith.constant 272 : index
    %swap3A_622 = tpu.vector_load %arg20[%swap3A_621] {strides = array<i32>} : memref<384xi32, #tpu.memory_space<vmem>>, vector<16xi32>,
    tpu.vector_store %arg20[%swap3A_621], %gather3A_620 {strides = array<i32>} : memref<384xi32, #tpu.memory_space<vmem>>, vector<16xi32>,
    %add3A_623 = arith.constant 0 : i32
    %add3A_624 = vector.broadcast %add3A_623 : i32 to vector<16xi32>
    %add3A_625 = arith.addi %add3A_624, %iota3A : vector<16xi32>
    %mul3A_626 = arith.constant 8 : i32
    %mul3A_627 = vector.broadcast %mul3A_626 : i32 to vector<16xi32>
    %mul3A_628 = arith.muli %add3A_625, %mul3A_627 : vector<16xi32>
    %add3A_629 = arith.constant 2 : i32
    %add3A_630 = vector.broadcast %add3A_629 : i32 to vector<16xi32>
    %add3A_631 = arith.addi %mul3A_628, %add3A_630 : vector<16xi32>
    %gather3A_632 = tpu.vector_load_idx %arg16[%add3A_631] : memref<1024xi32, #tpu.memory_space<vmem>>[vector<16xi32>], vector<16xi32>,
    %swap3A_633 = arith.constant 288 : index
    %swap3A_634 = tpu.vector_load %arg20[%swap3A_633] {strides = array<i32>} : memref<384xi32, #tpu.memory_space<vmem>>, vector<16xi32>,
    tpu.vector_store %arg20[%swap3A_633], %gather3A_632 {strides = array<i32>} : memref<384xi32, #tpu.memory_space<vmem>>, vector<16xi32>,
    %add3A_635 = arith.constant 0 : i32
    %add3A_636 = vector.broadcast %add3A_635 : i32 to vector<16xi32>
    %add3A_637 = arith.addi %add3A_636, %iota3A : vector<16xi32>
    %mul3A_638 = arith.constant 8 : i32
    %mul3A_639 = vector.broadcast %mul3A_638 : i32 to vector<16xi32>
    %mul3A_640 = arith.muli %add3A_637, %mul3A_639 : vector<16xi32>
    %add3A_641 = arith.constant 3 : i32
    %add3A_642 = vector.broadcast %add3A_641 : i32 to vector<16xi32>
    %add3A_643 = arith.addi %mul3A_640, %add3A_642 : vector<16xi32>
    %gather3A_644 = tpu.vector_load_idx %arg16[%add3A_643] : memref<1024xi32, #tpu.memory_space<vmem>>[vector<16xi32>], vector<16xi32>,
    %swap3A_645 = arith.constant 304 : index
    %swap3A_646 = tpu.vector_load %arg20[%swap3A_645] {strides = array<i32>} : memref<384xi32, #tpu.memory_space<vmem>>, vector<16xi32>,
    tpu.vector_store %arg20[%swap3A_645], %gather3A_644 {strides = array<i32>} : memref<384xi32, #tpu.memory_space<vmem>>, vector<16xi32>,
    %add3A_647 = arith.constant 0 : i32
    %add3A_648 = vector.broadcast %add3A_647 : i32 to vector<16xi32>
    %add3A_649 = arith.addi %add3A_648, %iota3A : vector<16xi32>
    %mul3A_650 = arith.constant 8 : i32
    %mul3A_651 = vector.broadcast %mul3A_650 : i32 to vector<16xi32>
    %mul3A_652 = arith.muli %add3A_649, %mul3A_651 : vector<16xi32>
    %add3A_653 = arith.constant 4 : i32
    %add3A_654 = vector.broadcast %add3A_653 : i32 to vector<16xi32>
    %add3A_655 = arith.addi %mul3A_652, %add3A_654 : vector<16xi32>
    %gather3A_656 = tpu.vector_load_idx %arg16[%add3A_655] : memref<1024xi32, #tpu.memory_space<vmem>>[vector<16xi32>], vector<16xi32>,
    %swap3A_657 = arith.constant 320 : index
    %swap3A_658 = tpu.vector_load %arg20[%swap3A_657] {strides = array<i32>} : memref<384xi32, #tpu.memory_space<vmem>>, vector<16xi32>,
    tpu.vector_store %arg20[%swap3A_657], %gather3A_656 {strides = array<i32>} : memref<384xi32, #tpu.memory_space<vmem>>, vector<16xi32>,
    %add3A_659 = arith.constant 0 : i32
    %add3A_660 = vector.broadcast %add3A_659 : i32 to vector<16xi32>
    %add3A_661 = arith.addi %add3A_660, %iota3A : vector<16xi32>
    %mul3A_662 = arith.constant 8 : i32
    %mul3A_663 = vector.broadcast %mul3A_662 : i32 to vector<16xi32>
    %mul3A_664 = arith.muli %add3A_661, %mul3A_663 : vector<16xi32>
    %add3A_665 = arith.constant 5 : i32
    %add3A_666 = vector.broadcast %add3A_665 : i32 to vector<16xi32>
    %add3A_667 = arith.addi %mul3A_664, %add3A_666 : vector<16xi32>
    %gather3A_668 = tpu.vector_load_idx %arg16[%add3A_667] : memref<1024xi32, #tpu.memory_space<vmem>>[vector<16xi32>], vector<16xi32>,
    %swap3A_669 = arith.constant 336 : index
    %swap3A_670 = tpu.vector_load %arg20[%swap3A_669] {strides = array<i32>} : memref<384xi32, #tpu.memory_space<vmem>>, vector<16xi32>,
    tpu.vector_store %arg20[%swap3A_669], %gather3A_668 {strides = array<i32>} : memref<384xi32, #tpu.memory_space<vmem>>, vector<16xi32>,
    %add3A_671 = arith.constant 0 : i32
    %add3A_672 = vector.broadcast %add3A_671 : i32 to vector<16xi32>
    %add3A_673 = arith.addi %add3A_672, %iota3A : vector<16xi32>
    %mul3A_674 = arith.constant 8 : i32
    %mul3A_675 = vector.broadcast %mul3A_674 : i32 to vector<16xi32>
    %mul3A_676 = arith.muli %add3A_673, %mul3A_675 : vector<16xi32>
    %add3A_677 = arith.constant 6 : i32
    %add3A_678 = vector.broadcast %add3A_677 : i32 to vector<16xi32>
    %add3A_679 = arith.addi %mul3A_676, %add3A_678 : vector<16xi32>
    %gather3A_680 = tpu.vector_load_idx %arg16[%add3A_679] : memref<1024xi32, #tpu.memory_space<vmem>>[vector<16xi32>], vector<16xi32>,
    %swap3A_681 = arith.constant 352 : index
    %swap3A_682 = tpu.vector_load %arg20[%swap3A_681] {strides = array<i32>} : memref<384xi32, #tpu.memory_space<vmem>>, vector<16xi32>,
    tpu.vector_store %arg20[%swap3A_681], %gather3A_680 {strides = array<i32>} : memref<384xi32, #tpu.memory_space<vmem>>, vector<16xi32>,
    %add3A_683 = arith.constant 0 : i32
    %add3A_684 = vector.broadcast %add3A_683 : i32 to vector<16xi32>
    %add3A_685 = arith.addi %add3A_684, %iota3A : vector<16xi32>
    %mul3A_686 = arith.constant 8 : i32
    %mul3A_687 = vector.broadcast %mul3A_686 : i32 to vector<16xi32>
    %mul3A_688 = arith.muli %add3A_685, %mul3A_687 : vector<16xi32>
    %add3A_689 = arith.constant 7 : i32
    %add3A_690 = vector.broadcast %add3A_689 : i32 to vector<16xi32>
    %add3A_691 = arith.addi %mul3A_688, %add3A_690 : vector<16xi32>
    %gather3A_692 = tpu.vector_load_idx %arg16[%add3A_691] : memref<1024xi32, #tpu.memory_space<vmem>>[vector<16xi32>], vector<16xi32>,
    %swap3A_693 = arith.constant 368 : index
    %swap3A_694 = tpu.vector_load %arg20[%swap3A_693] {strides = array<i32>} : memref<384xi32, #tpu.memory_space<vmem>>, vector<16xi32>,
    tpu.vector_store %arg20[%swap3A_693], %gather3A_692 {strides = array<i32>} : memref<384xi32, #tpu.memory_space<vmem>>, vector<16xi32>,
    %dma_start3A_695 = arith.constant 0 : i32
    %dma_start3A_696 = arith.constant 0 : i32
    %dma_start3A_697 = tpu.memref_slice %arg18[%dma_start3A_695, %dma_start3A_696] : memref<384x64xf32, #tpu.memory_space<vmem>> -> memref<128x64xf32, #tpu.memory_space<vmem>>
    %dma_start3A_698 = arith.constant 0 : i32
    %dma_start3A_699 = tpu.memref_slice %arg20[%dma_start3A_698] : memref<384xi32, #tpu.memory_space<vmem>> -> memref<128xi32, #tpu.memory_space<vmem>>
    %dma_start3A_700 = arith.constant 0 : i32
    %dma_start3A_701 = arith.constant 0 : i32
    %dma_start3A_702 = tpu.memref_slice %arg8[%dma_start3A_700, %dma_start3A_701] : memref<32000x64xf32, #tpu.memory_space<hbm>> -> memref<32000x64xf32, #tpu.memory_space<hbm>>
    tpu.enqueue_indirect_dma source(%dma_start3A_702 : memref<32000x64xf32, #tpu.memory_space<hbm>>) target(%dma_start3A_697 : memref<128x64xf32, #tpu.memory_space<vmem>>) offsets(%dma_start3A_699 : memref<128xi32, #tpu.memory_space<vmem>>) semaphore(%arg25 : memref<!tpu.dma_semaphore, #tpu.memory_space<semaphore_mem>>)
    %dma_start3A_703 = arith.constant 128 : i32
    %dma_start3A_704 = arith.constant 0 : i32
    %dma_start3A_705 = tpu.memref_slice %arg18[%dma_start3A_703, %dma_start3A_704] : memref<384x64xf32, #tpu.memory_space<vmem>> -> memref<128x64xf32, #tpu.memory_space<vmem>>
    %dma_start3A_706 = arith.constant 128 : i32
    %dma_start3A_707 = tpu.memref_slice %arg20[%dma_start3A_706] : memref<384xi32, #tpu.memory_space<vmem>> -> memref<128xi32, #tpu.memory_space<vmem>>
    %dma_start3A_708 = arith.constant 0 : i32
    %dma_start3A_709 = arith.constant 0 : i32
    %dma_start3A_710 = tpu.memref_slice %arg8[%dma_start3A_708, %dma_start3A_709] : memref<32000x64xf32, #tpu.memory_space<hbm>> -> memref<32000x64xf32, #tpu.memory_space<hbm>>
    tpu.enqueue_indirect_dma source(%dma_start3A_710 : memref<32000x64xf32, #tpu.memory_space<hbm>>) target(%dma_start3A_705 : memref<128x64xf32, #tpu.memory_space<vmem>>) offsets(%dma_start3A_707 : memref<128xi32, #tpu.memory_space<vmem>>) semaphore(%arg25 : memref<!tpu.dma_semaphore, #tpu.memory_space<semaphore_mem>>)
    %dma_start3A_711 = arith.constant 256 : i32
    %dma_start3A_712 = arith.constant 0 : i32
    %dma_start3A_713 = tpu.memref_slice %arg18[%dma_start3A_711, %dma_start3A_712] : memref<384x64xf32, #tpu.memory_space<vmem>> -> memref<128x64xf32, #tpu.memory_space<vmem>>
    %dma_start3A_714 = arith.constant 256 : i32
    %dma_start3A_715 = tpu.memref_slice %arg20[%dma_start3A_714] : memref<384xi32, #tpu.memory_space<vmem>> -> memref<128xi32, #tpu.memory_space<vmem>>
    %dma_start3A_716 = arith.constant 0 : i32
    %dma_start3A_717 = arith.constant 0 : i32
    %dma_start3A_718 = tpu.memref_slice %arg8[%dma_start3A_716, %dma_start3A_717] : memref<32000x64xf32, #tpu.memory_space<hbm>> -> memref<32000x64xf32, #tpu.memory_space<hbm>>
    tpu.enqueue_indirect_dma source(%dma_start3A_718 : memref<32000x64xf32, #tpu.memory_space<hbm>>) target(%dma_start3A_713 : memref<128x64xf32, #tpu.memory_space<vmem>>) offsets(%dma_start3A_715 : memref<128xi32, #tpu.memory_space<vmem>>) semaphore(%arg25 : memref<!tpu.dma_semaphore, #tpu.memory_space<semaphore_mem>>)
    %scan3A_719 = arith.constant 0 : i32
    %scan3A_720 = arith.constant 0 : i32
    %scan3A_721 = arith.constant 4 : i32
    %scan3A_722 = arith.addi %scan3A_720, %scan3A_721 : i32
    %scan3A_723 = arith.constant 1 : i32
    %scan3A_724 = scf.for %scan3A_830 = %scan3A_720 to %scan3A_722 step %scan3A_723 iter_args(%scan3A_831 = %scan3A_719) -> (i32)  : i32 {
      %mul3A_832 = arith.constant 2 : i32
      %mul3A_833 = arith.muli %scan3A_830, %mul3A_832 : i32
      %add3A_834 = arith.constant 1 : i32
      %add3A_835 = arith.addi %mul3A_833, %add3A_834 : i32
      %mul3A_836 = arith.constant 16 : i32
      %mul3A_837 = arith.muli %add3A_835, %mul3A_836 : i32
      %add3A_838 = vector.broadcast %mul3A_837 : i32 to vector<16xi32>
      %add3A_839 = arith.addi %add3A_838, %iota3A : vector<16xi32>
      %mul3A_840 = arith.constant 8 : i32
      %mul3A_841 = vector.broadcast %mul3A_840 : i32 to vector<16xi32>
      %mul3A_842 = arith.muli %add3A_839, %mul3A_841 : vector<16xi32>
      %add3A_843 = arith.constant 0 : i32
      %add3A_844 = vector.broadcast %add3A_843 : i32 to vector<16xi32>
      %add3A_845 = arith.addi %mul3A_842, %add3A_844 : vector<16xi32>
      %gather3A_846 = tpu.vector_load_idx %arg15[%add3A_845] : memref<1024xi32, #tpu.memory_space<vmem>>[vector<16xi32>], vector<16xi32>,
      %swap3A_847 = arith.constant 0 : index
      %swap3A_848 = tpu.vector_load %arg21[%swap3A_847] {strides = array<i32>} : memref<384xi32, #tpu.memory_space<vmem>>, vector<16xi32>,
      tpu.vector_store %arg21[%swap3A_847], %gather3A_846 {strides = array<i32>} : memref<384xi32, #tpu.memory_space<vmem>>, vector<16xi32>,
      %mul3A_849 = arith.constant 16 : i32
      %mul3A_850 = arith.muli %add3A_835, %mul3A_849 : i32
      %add3A_851 = vector.broadcast %mul3A_850 : i32 to vector<16xi32>
      %add3A_852 = arith.addi %add3A_851, %iota3A : vector<16xi32>
      %mul3A_853 = arith.constant 8 : i32
      %mul3A_854 = vector.broadcast %mul3A_853 : i32 to vector<16xi32>
      %mul3A_855 = arith.muli %add3A_852, %mul3A_854 : vector<16xi32>
      %add3A_856 = arith.constant 1 : i32
      %add3A_857 = vector.broadcast %add3A_856 : i32 to vector<16xi32>
      %add3A_858 = arith.addi %mul3A_855, %add3A_857 : vector<16xi32>
      %gather3A_859 = tpu.vector_load_idx %arg15[%add3A_858] : memref<1024xi32, #tpu.memory_space<vmem>>[vector<16xi32>], vector<16xi32>,
      %swap3A_860 = arith.constant 16 : index
      %swap3A_861 = tpu.vector_load %arg21[%swap3A_860] {strides = array<i32>} : memref<384xi32, #tpu.memory_space<vmem>>, vector<16xi32>,
      tpu.vector_store %arg21[%swap3A_860], %gather3A_859 {strides = array<i32>} : memref<384xi32, #tpu.memory_space<vmem>>, vector<16xi32>,
      %mul3A_862 = arith.constant 16 : i32
      %mul3A_863 = arith.muli %add3A_835, %mul3A_862 : i32
      %add3A_864 = vector.broadcast %mul3A_863 : i32 to vector<16xi32>
      %add3A_865 = arith.addi %add3A_864, %iota3A : vector<16xi32>
      %mul3A_866 = arith.constant 8 : i32
      %mul3A_867 = vector.broadcast %mul3A_866 : i32 to vector<16xi32>
      %mul3A_868 = arith.muli %add3A_865, %mul3A_867 : vector<16xi32>
      %add3A_869 = arith.constant 2 : i32
      %add3A_870 = vector.broadcast %add3A_869 : i32 to vector<16xi32>
      %add3A_871 = arith.addi %mul3A_868, %add3A_870 : vector<16xi32>
      %gather3A_872 = tpu.vector_load_idx %arg15[%add3A_871] : memref<1024xi32, #tpu.memory_space<vmem>>[vector<16xi32>], vector<16xi32>,
      %swap3A_873 = arith.constant 32 : index
      %swap3A_874 = tpu.vector_load %arg21[%swap3A_873] {strides = array<i32>} : memref<384xi32, #tpu.memory_space<vmem>>, vector<16xi32>,
      tpu.vector_store %arg21[%swap3A_873], %gather3A_872 {strides = array<i32>} : memref<384xi32, #tpu.memory_space<vmem>>, vector<16xi32>,
      %mul3A_875 = arith.constant 16 : i32
      %mul3A_876 = arith.muli %add3A_835, %mul3A_875 : i32
      %add3A_877 = vector.broadcast %mul3A_876 : i32 to vector<16xi32>
      %add3A_878 = arith.addi %add3A_877, %iota3A : vector<16xi32>
      %mul3A_879 = arith.constant 8 : i32
      %mul3A_880 = vector.broadcast %mul3A_879 : i32 to vector<16xi32>
      %mul3A_881 = arith.muli %add3A_878, %mul3A_880 : vector<16xi32>
      %add3A_882 = arith.constant 3 : i32
      %add3A_883 = vector.broadcast %add3A_882 : i32 to vector<16xi32>
      %add3A_884 = arith.addi %mul3A_881, %add3A_883 : vector<16xi32>
      %gather3A_885 = tpu.vector_load_idx %arg15[%add3A_884] : memref<1024xi32, #tpu.memory_space<vmem>>[vector<16xi32>], vector<16xi32>,
      %swap3A_886 = arith.constant 48 : index
      %swap3A_887 = tpu.vector_load %arg21[%swap3A_886] {strides = array<i32>} : memref<384xi32, #tpu.memory_space<vmem>>, vector<16xi32>,
      tpu.vector_store %arg21[%swap3A_886], %gather3A_885 {strides = array<i32>} : memref<384xi32, #tpu.memory_space<vmem>>, vector<16xi32>,
      %mul3A_888 = arith.constant 16 : i32
      %mul3A_889 = arith.muli %add3A_835, %mul3A_888 : i32
      %add3A_890 = vector.broadcast %mul3A_889 : i32 to vector<16xi32>
      %add3A_891 = arith.addi %add3A_890, %iota3A : vector<16xi32>
      %mul3A_892 = arith.constant 8 : i32
      %mul3A_893 = vector.broadcast %mul3A_892 : i32 to vector<16xi32>
      %mul3A_894 = arith.muli %add3A_891, %mul3A_893 : vector<16xi32>
      %add3A_895 = arith.constant 4 : i32
      %add3A_896 = vector.broadcast %add3A_895 : i32 to vector<16xi32>
      %add3A_897 = arith.addi %mul3A_894, %add3A_896 : vector<16xi32>
      %gather3A_898 = tpu.vector_load_idx %arg15[%add3A_897] : memref<1024xi32, #tpu.memory_space<vmem>>[vector<16xi32>], vector<16xi32>,
      %swap3A_899 = arith.constant 64 : index
      %swap3A_900 = tpu.vector_load %arg21[%swap3A_899] {strides = array<i32>} : memref<384xi32, #tpu.memory_space<vmem>>, vector<16xi32>,
      tpu.vector_store %arg21[%swap3A_899], %gather3A_898 {strides = array<i32>} : memref<384xi32, #tpu.memory_space<vmem>>, vector<16xi32>,
      %mul3A_901 = arith.constant 16 : i32
      %mul3A_902 = arith.muli %add3A_835, %mul3A_901 : i32
      %add3A_903 = vector.broadcast %mul3A_902 : i32 to vector<16xi32>
      %add3A_904 = arith.addi %add3A_903, %iota3A : vector<16xi32>
      %mul3A_905 = arith.constant 8 : i32
      %mul3A_906 = vector.broadcast %mul3A_905 : i32 to vector<16xi32>
      %mul3A_907 = arith.muli %add3A_904, %mul3A_906 : vector<16xi32>
      %add3A_908 = arith.constant 5 : i32
      %add3A_909 = vector.broadcast %add3A_908 : i32 to vector<16xi32>
      %add3A_910 = arith.addi %mul3A_907, %add3A_909 : vector<16xi32>
      %gather3A_911 = tpu.vector_load_idx %arg15[%add3A_910] : memref<1024xi32, #tpu.memory_space<vmem>>[vector<16xi32>], vector<16xi32>,
      %swap3A_912 = arith.constant 80 : index
      %swap3A_913 = tpu.vector_load %arg21[%swap3A_912] {strides = array<i32>} : memref<384xi32, #tpu.memory_space<vmem>>, vector<16xi32>,
      tpu.vector_store %arg21[%swap3A_912], %gather3A_911 {strides = array<i32>} : memref<384xi32, #tpu.memory_space<vmem>>, vector<16xi32>,
      %mul3A_914 = arith.constant 16 : i32
      %mul3A_915 = arith.muli %add3A_835, %mul3A_914 : i32
      %add3A_916 = vector.broadcast %mul3A_915 : i32 to vector<16xi32>
      %add3A_917 = arith.addi %add3A_916, %iota3A : vector<16xi32>
      %mul3A_918 = arith.constant 8 : i32
      %mul3A_919 = vector.broadcast %mul3A_918 : i32 to vector<16xi32>
      %mul3A_920 = arith.muli %add3A_917, %mul3A_919 : vector<16xi32>
      %add3A_921 = arith.constant 6 : i32
      %add3A_922 = vector.broadcast %add3A_921 : i32 to vector<16xi32>
      %add3A_923 = arith.addi %mul3A_920, %add3A_922 : vector<16xi32>
      %gather3A_924 = tpu.vector_load_idx %arg15[%add3A_923] : memref<1024xi32, #tpu.memory_space<vmem>>[vector<16xi32>], vector<16xi32>,
      %swap3A_925 = arith.constant 96 : index
      %swap3A_926 = tpu.vector_load %arg21[%swap3A_925] {strides = array<i32>} : memref<384xi32, #tpu.memory_space<vmem>>, vector<16xi32>,
      tpu.vector_store %arg21[%swap3A_925], %gather3A_924 {strides = array<i32>} : memref<384xi32, #tpu.memory_space<vmem>>, vector<16xi32>,
      %mul3A_927 = arith.constant 16 : i32
      %mul3A_928 = arith.muli %add3A_835, %mul3A_927 : i32
      %add3A_929 = vector.broadcast %mul3A_928 : i32 to vector<16xi32>
      %add3A_930 = arith.addi %add3A_929, %iota3A : vector<16xi32>
      %mul3A_931 = arith.constant 8 : i32
      %mul3A_932 = vector.broadcast %mul3A_931 : i32 to vector<16xi32>
      %mul3A_933 = arith.muli %add3A_930, %mul3A_932 : vector<16xi32>
      %add3A_934 = arith.constant 7 : i32
      %add3A_935 = vector.broadcast %add3A_934 : i32 to vector<16xi32>
      %add3A_936 = arith.addi %mul3A_933, %add3A_935 : vector<16xi32>
      %gather3A_937 = tpu.vector_load_idx %arg15[%add3A_936] : memref<1024xi32, #tpu.memory_space<vmem>>[vector<16xi32>], vector<16xi32>,
      %swap3A_938 = arith.constant 112 : index
      %swap3A_939 = tpu.vector_load %arg21[%swap3A_938] {strides = array<i32>} : memref<384xi32, #tpu.memory_space<vmem>>, vector<16xi32>,
      tpu.vector_store %arg21[%swap3A_938], %gather3A_937 {strides = array<i32>} : memref<384xi32, #tpu.memory_space<vmem>>, vector<16xi32>,
      %mul3A_940 = arith.constant 16 : i32
      %mul3A_941 = arith.muli %add3A_835, %mul3A_940 : i32
      %add3A_942 = vector.broadcast %mul3A_941 : i32 to vector<16xi32>
      %add3A_943 = arith.addi %add3A_942, %iota3A : vector<16xi32>
      %mul3A_944 = arith.constant 8 : i32
      %mul3A_945 = vector.broadcast %mul3A_944 : i32 to vector<16xi32>
      %mul3A_946 = arith.muli %add3A_943, %mul3A_945 : vector<16xi32>
      %add3A_947 = arith.constant 0 : i32
      %add3A_948 = vector.broadcast %add3A_947 : i32 to vector<16xi32>
      %add3A_949 = arith.addi %mul3A_946, %add3A_948 : vector<16xi32>
      %gather3A_950 = tpu.vector_load_idx %arg17[%add3A_949] : memref<1024xi32, #tpu.memory_space<vmem>>[vector<16xi32>], vector<16xi32>,
      %swap3A_951 = arith.constant 128 : index
      %swap3A_952 = tpu.vector_load %arg21[%swap3A_951] {strides = array<i32>} : memref<384xi32, #tpu.memory_space<vmem>>, vector<16xi32>,
      tpu.vector_store %arg21[%swap3A_951], %gather3A_950 {strides = array<i32>} : memref<384xi32, #tpu.memory_space<vmem>>, vector<16xi32>,
      %mul3A_953 = arith.constant 16 : i32
      %mul3A_954 = arith.muli %add3A_835, %mul3A_953 : i32
      %add3A_955 = vector.broadcast %mul3A_954 : i32 to vector<16xi32>
      %add3A_956 = arith.addi %add3A_955, %iota3A : vector<16xi32>
      %mul3A_957 = arith.constant 8 : i32
      %mul3A_958 = vector.broadcast %mul3A_957 : i32 to vector<16xi32>
      %mul3A_959 = arith.muli %add3A_956, %mul3A_958 : vector<16xi32>
      %add3A_960 = arith.constant 1 : i32
      %add3A_961 = vector.broadcast %add3A_960 : i32 to vector<16xi32>
      %add3A_962 = arith.addi %mul3A_959, %add3A_961 : vector<16xi32>
      %gather3A_963 = tpu.vector_load_idx %arg17[%add3A_962] : memref<1024xi32, #tpu.memory_space<vmem>>[vector<16xi32>], vector<16xi32>,
      %swap3A_964 = arith.constant 144 : index
      %swap3A_965 = tpu.vector_load %arg21[%swap3A_964] {strides = array<i32>} : memref<384xi32, #tpu.memory_space<vmem>>, vector<16xi32>,
      tpu.vector_store %arg21[%swap3A_964], %gather3A_963 {strides = array<i32>} : memref<384xi32, #tpu.memory_space<vmem>>, vector<16xi32>,
      %mul3A_966 = arith.constant 16 : i32
      %mul3A_967 = arith.muli %add3A_835, %mul3A_966 : i32
      %add3A_968 = vector.broadcast %mul3A_967 : i32 to vector<16xi32>
      %add3A_969 = arith.addi %add3A_968, %iota3A : vector<16xi32>
      %mul3A_970 = arith.constant 8 : i32
      %mul3A_971 = vector.broadcast %mul3A_970 : i32 to vector<16xi32>
      %mul3A_972 = arith.muli %add3A_969, %mul3A_971 : vector<16xi32>
      %add3A_973 = arith.constant 2 : i32
      %add3A_974 = vector.broadcast %add3A_973 : i32 to vector<16xi32>
      %add3A_975 = arith.addi %mul3A_972, %add3A_974 : vector<16xi32>
      %gather3A_976 = tpu.vector_load_idx %arg17[%add3A_975] : memref<1024xi32, #tpu.memory_space<vmem>>[vector<16xi32>], vector<16xi32>,
      %swap3A_977 = arith.constant 160 : index
      %swap3A_978 = tpu.vector_load %arg21[%swap3A_977] {strides = array<i32>} : memref<384xi32, #tpu.memory_space<vmem>>, vector<16xi32>,
      tpu.vector_store %arg21[%swap3A_977], %gather3A_976 {strides = array<i32>} : memref<384xi32, #tpu.memory_space<vmem>>, vector<16xi32>,
      %mul3A_979 = arith.constant 16 : i32
      %mul3A_980 = arith.muli %add3A_835, %mul3A_979 : i32
      %add3A_981 = vector.broadcast %mul3A_980 : i32 to vector<16xi32>
      %add3A_982 = arith.addi %add3A_981, %iota3A : vector<16xi32>
      %mul3A_983 = arith.constant 8 : i32
      %mul3A_984 = vector.broadcast %mul3A_983 : i32 to vector<16xi32>
      %mul3A_985 = arith.muli %add3A_982, %mul3A_984 : vector<16xi32>
      %add3A_986 = arith.constant 3 : i32
      %add3A_987 = vector.broadcast %add3A_986 : i32 to vector<16xi32>
      %add3A_988 = arith.addi %mul3A_985, %add3A_987 : vector<16xi32>
      %gather3A_989 = tpu.vector_load_idx %arg17[%add3A_988] : memref<1024xi32, #tpu.memory_space<vmem>>[vector<16xi32>], vector<16xi32>,
      %swap3A_990 = arith.constant 176 : index
      %swap3A_991 = tpu.vector_load %arg21[%swap3A_990] {strides = array<i32>} : memref<384xi32, #tpu.memory_space<vmem>>, vector<16xi32>,
      tpu.vector_store %arg21[%swap3A_990], %gather3A_989 {strides = array<i32>} : memref<384xi32, #tpu.memory_space<vmem>>, vector<16xi32>,
      %mul3A_992 = arith.constant 16 : i32
      %mul3A_993 = arith.muli %add3A_835, %mul3A_992 : i32
      %add3A_994 = vector.broadcast %mul3A_993 : i32 to vector<16xi32>
      %add3A_995 = arith.addi %add3A_994, %iota3A : vector<16xi32>
      %mul3A_996 = arith.constant 8 : i32
      %mul3A_997 = vector.broadcast %mul3A_996 : i32 to vector<16xi32>
      %mul3A_998 = arith.muli %add3A_995, %mul3A_997 : vector<16xi32>
      %add3A_999 = arith.constant 4 : i32
      %add3A_1000 = vector.broadcast %add3A_999 : i32 to vector<16xi32>
      %add3A_1001 = arith.addi %mul3A_998, %add3A_1000 : vector<16xi32>
      %gather3A_1002 = tpu.vector_load_idx %arg17[%add3A_1001] : memref<1024xi32, #tpu.memory_space<vmem>>[vector<16xi32>], vector<16xi32>,
      %swap3A_1003 = arith.constant 192 : index
      %swap3A_1004 = tpu.vector_load %arg21[%swap3A_1003] {strides = array<i32>} : memref<384xi32, #tpu.memory_space<vmem>>, vector<16xi32>,
      tpu.vector_store %arg21[%swap3A_1003], %gather3A_1002 {strides = array<i32>} : memref<384xi32, #tpu.memory_space<vmem>>, vector<16xi32>,
      %mul3A_1005 = arith.constant 16 : i32
      %mul3A_1006 = arith.muli %add3A_835, %mul3A_1005 : i32
      %add3A_1007 = vector.broadcast %mul3A_1006 : i32 to vector<16xi32>
      %add3A_1008 = arith.addi %add3A_1007, %iota3A : vector<16xi32>
      %mul3A_1009 = arith.constant 8 : i32
      %mul3A_1010 = vector.broadcast %mul3A_1009 : i32 to vector<16xi32>
      %mul3A_1011 = arith.muli %add3A_1008, %mul3A_1010 : vector<16xi32>
      %add3A_1012 = arith.constant 5 : i32
      %add3A_1013 = vector.broadcast %add3A_1012 : i32 to vector<16xi32>
      %add3A_1014 = arith.addi %mul3A_1011, %add3A_1013 : vector<16xi32>
      %gather3A_1015 = tpu.vector_load_idx %arg17[%add3A_1014] : memref<1024xi32, #tpu.memory_space<vmem>>[vector<16xi32>], vector<16xi32>,
      %swap3A_1016 = arith.constant 208 : index
      %swap3A_1017 = tpu.vector_load %arg21[%swap3A_1016] {strides = array<i32>} : memref<384xi32, #tpu.memory_space<vmem>>, vector<16xi32>,
      tpu.vector_store %arg21[%swap3A_1016], %gather3A_1015 {strides = array<i32>} : memref<384xi32, #tpu.memory_space<vmem>>, vector<16xi32>,
      %mul3A_1018 = arith.constant 16 : i32
      %mul3A_1019 = arith.muli %add3A_835, %mul3A_1018 : i32
      %add3A_1020 = vector.broadcast %mul3A_1019 : i32 to vector<16xi32>
      %add3A_1021 = arith.addi %add3A_1020, %iota3A : vector<16xi32>
      %mul3A_1022 = arith.constant 8 : i32
      %mul3A_1023 = vector.broadcast %mul3A_1022 : i32 to vector<16xi32>
      %mul3A_1024 = arith.muli %add3A_1021, %mul3A_1023 : vector<16xi32>
      %add3A_1025 = arith.constant 6 : i32
      %add3A_1026 = vector.broadcast %add3A_1025 : i32 to vector<16xi32>
      %add3A_1027 = arith.addi %mul3A_1024, %add3A_1026 : vector<16xi32>
      %gather3A_1028 = tpu.vector_load_idx %arg17[%add3A_1027] : memref<1024xi32, #tpu.memory_space<vmem>>[vector<16xi32>], vector<16xi32>,
      %swap3A_1029 = arith.constant 224 : index
      %swap3A_1030 = tpu.vector_load %arg21[%swap3A_1029] {strides = array<i32>} : memref<384xi32, #tpu.memory_space<vmem>>, vector<16xi32>,
      tpu.vector_store %arg21[%swap3A_1029], %gather3A_1028 {strides = array<i32>} : memref<384xi32, #tpu.memory_space<vmem>>, vector<16xi32>,
      %mul3A_1031 = arith.constant 16 : i32
      %mul3A_1032 = arith.muli %add3A_835, %mul3A_1031 : i32
      %add3A_1033 = vector.broadcast %mul3A_1032 : i32 to vector<16xi32>
      %add3A_1034 = arith.addi %add3A_1033, %iota3A : vector<16xi32>
      %mul3A_1035 = arith.constant 8 : i32
      %mul3A_1036 = vector.broadcast %mul3A_1035 : i32 to vector<16xi32>
      %mul3A_1037 = arith.muli %add3A_1034, %mul3A_1036 : vector<16xi32>
      %add3A_1038 = arith.constant 7 : i32
      %add3A_1039 = vector.broadcast %add3A_1038 : i32 to vector<16xi32>
      %add3A_1040 = arith.addi %mul3A_1037, %add3A_1039 : vector<16xi32>
      %gather3A_1041 = tpu.vector_load_idx %arg17[%add3A_1040] : memref<1024xi32, #tpu.memory_space<vmem>>[vector<16xi32>], vector<16xi32>,
      %swap3A_1042 = arith.constant 240 : index
      %swap3A_1043 = tpu.vector_load %arg21[%swap3A_1042] {strides = array<i32>} : memref<384xi32, #tpu.memory_space<vmem>>, vector<16xi32>,
      tpu.vector_store %arg21[%swap3A_1042], %gather3A_1041 {strides = array<i32>} : memref<384xi32, #tpu.memory_space<vmem>>, vector<16xi32>,
      %mul3A_1044 = arith.constant 16 : i32
      %mul3A_1045 = arith.muli %add3A_835, %mul3A_1044 : i32
      %add3A_1046 = vector.broadcast %mul3A_1045 : i32 to vector<16xi32>
      %add3A_1047 = arith.addi %add3A_1046, %iota3A : vector<16xi32>
      %mul3A_1048 = arith.constant 8 : i32
      %mul3A_1049 = vector.broadcast %mul3A_1048 : i32 to vector<16xi32>
      %mul3A_1050 = arith.muli %add3A_1047, %mul3A_1049 : vector<16xi32>
      %add3A_1051 = arith.constant 0 : i32
      %add3A_1052 = vector.broadcast %add3A_1051 : i32 to vector<16xi32>
      %add3A_1053 = arith.addi %mul3A_1050, %add3A_1052 : vector<16xi32>
      %gather3A_1054 = tpu.vector_load_idx %arg16[%add3A_1053] : memref<1024xi32, #tpu.memory_space<vmem>>[vector<16xi32>], vector<16xi32>,
      %swap3A_1055 = arith.constant 256 : index
      %swap3A_1056 = tpu.vector_load %arg21[%swap3A_1055] {strides = array<i32>} : memref<384xi32, #tpu.memory_space<vmem>>, vector<16xi32>,
      tpu.vector_store %arg21[%swap3A_1055], %gather3A_1054 {strides = array<i32>} : memref<384xi32, #tpu.memory_space<vmem>>, vector<16xi32>,
      %mul3A_1057 = arith.constant 16 : i32
      %mul3A_1058 = arith.muli %add3A_835, %mul3A_1057 : i32
      %add3A_1059 = vector.broadcast %mul3A_1058 : i32 to vector<16xi32>
      %add3A_1060 = arith.addi %add3A_1059, %iota3A : vector<16xi32>
      %mul3A_1061 = arith.constant 8 : i32
      %mul3A_1062 = vector.broadcast %mul3A_1061 : i32 to vector<16xi32>
      %mul3A_1063 = arith.muli %add3A_1060, %mul3A_1062 : vector<16xi32>
      %add3A_1064 = arith.constant 1 : i32
      %add3A_1065 = vector.broadcast %add3A_1064 : i32 to vector<16xi32>
      %add3A_1066 = arith.addi %mul3A_1063, %add3A_1065 : vector<16xi32>
      %gather3A_1067 = tpu.vector_load_idx %arg16[%add3A_1066] : memref<1024xi32, #tpu.memory_space<vmem>>[vector<16xi32>], vector<16xi32>,
      %swap3A_1068 = arith.constant 272 : index
      %swap3A_1069 = tpu.vector_load %arg21[%swap3A_1068] {strides = array<i32>} : memref<384xi32, #tpu.memory_space<vmem>>, vector<16xi32>,
      tpu.vector_store %arg21[%swap3A_1068], %gather3A_1067 {strides = array<i32>} : memref<384xi32, #tpu.memory_space<vmem>>, vector<16xi32>,
      %mul3A_1070 = arith.constant 16 : i32
      %mul3A_1071 = arith.muli %add3A_835, %mul3A_1070 : i32
      %add3A_1072 = vector.broadcast %mul3A_1071 : i32 to vector<16xi32>
      %add3A_1073 = arith.addi %add3A_1072, %iota3A : vector<16xi32>
      %mul3A_1074 = arith.constant 8 : i32
      %mul3A_1075 = vector.broadcast %mul3A_1074 : i32 to vector<16xi32>
      %mul3A_1076 = arith.muli %add3A_1073, %mul3A_1075 : vector<16xi32>
      %add3A_1077 = arith.constant 2 : i32
      %add3A_1078 = vector.broadcast %add3A_1077 : i32 to vector<16xi32>
      %add3A_1079 = arith.addi %mul3A_1076, %add3A_1078 : vector<16xi32>
      %gather3A_1080 = tpu.vector_load_idx %arg16[%add3A_1079] : memref<1024xi32, #tpu.memory_space<vmem>>[vector<16xi32>], vector<16xi32>,
      %swap3A_1081 = arith.constant 288 : index
      %swap3A_1082 = tpu.vector_load %arg21[%swap3A_1081] {strides = array<i32>} : memref<384xi32, #tpu.memory_space<vmem>>, vector<16xi32>,
      tpu.vector_store %arg21[%swap3A_1081], %gather3A_1080 {strides = array<i32>} : memref<384xi32, #tpu.memory_space<vmem>>, vector<16xi32>,
      %mul3A_1083 = arith.constant 16 : i32
      %mul3A_1084 = arith.muli %add3A_835, %mul3A_1083 : i32
      %add3A_1085 = vector.broadcast %mul3A_1084 : i32 to vector<16xi32>
      %add3A_1086 = arith.addi %add3A_1085, %iota3A : vector<16xi32>
      %mul3A_1087 = arith.constant 8 : i32
      %mul3A_1088 = vector.broadcast %mul3A_1087 : i32 to vector<16xi32>
      %mul3A_1089 = arith.muli %add3A_1086, %mul3A_1088 : vector<16xi32>
      %add3A_1090 = arith.constant 3 : i32
      %add3A_1091 = vector.broadcast %add3A_1090 : i32 to vector<16xi32>
      %add3A_1092 = arith.addi %mul3A_1089, %add3A_1091 : vector<16xi32>
      %gather3A_1093 = tpu.vector_load_idx %arg16[%add3A_1092] : memref<1024xi32, #tpu.memory_space<vmem>>[vector<16xi32>], vector<16xi32>,
      %swap3A_1094 = arith.constant 304 : index
      %swap3A_1095 = tpu.vector_load %arg21[%swap3A_1094] {strides = array<i32>} : memref<384xi32, #tpu.memory_space<vmem>>, vector<16xi32>,
      tpu.vector_store %arg21[%swap3A_1094], %gather3A_1093 {strides = array<i32>} : memref<384xi32, #tpu.memory_space<vmem>>, vector<16xi32>,
      %mul3A_1096 = arith.constant 16 : i32
      %mul3A_1097 = arith.muli %add3A_835, %mul3A_1096 : i32
      %add3A_1098 = vector.broadcast %mul3A_1097 : i32 to vector<16xi32>
      %add3A_1099 = arith.addi %add3A_1098, %iota3A : vector<16xi32>
      %mul3A_1100 = arith.constant 8 : i32
      %mul3A_1101 = vector.broadcast %mul3A_1100 : i32 to vector<16xi32>
      %mul3A_1102 = arith.muli %add3A_1099, %mul3A_1101 : vector<16xi32>
      %add3A_1103 = arith.constant 4 : i32
      %add3A_1104 = vector.broadcast %add3A_1103 : i32 to vector<16xi32>
      %add3A_1105 = arith.addi %mul3A_1102, %add3A_1104 : vector<16xi32>
      %gather3A_1106 = tpu.vector_load_idx %arg16[%add3A_1105] : memref<1024xi32, #tpu.memory_space<vmem>>[vector<16xi32>], vector<16xi32>,
      %swap3A_1107 = arith.constant 320 : index
      %swap3A_1108 = tpu.vector_load %arg21[%swap3A_1107] {strides = array<i32>} : memref<384xi32, #tpu.memory_space<vmem>>, vector<16xi32>,
      tpu.vector_store %arg21[%swap3A_1107], %gather3A_1106 {strides = array<i32>} : memref<384xi32, #tpu.memory_space<vmem>>, vector<16xi32>,
      %mul3A_1109 = arith.constant 16 : i32
      %mul3A_1110 = arith.muli %add3A_835, %mul3A_1109 : i32
      %add3A_1111 = vector.broadcast %mul3A_1110 : i32 to vector<16xi32>
      %add3A_1112 = arith.addi %add3A_1111, %iota3A : vector<16xi32>
      %mul3A_1113 = arith.constant 8 : i32
      %mul3A_1114 = vector.broadcast %mul3A_1113 : i32 to vector<16xi32>
      %mul3A_1115 = arith.muli %add3A_1112, %mul3A_1114 : vector<16xi32>
      %add3A_1116 = arith.constant 5 : i32
      %add3A_1117 = vector.broadcast %add3A_1116 : i32 to vector<16xi32>
      %add3A_1118 = arith.addi %mul3A_1115, %add3A_1117 : vector<16xi32>
      %gather3A_1119 = tpu.vector_load_idx %arg16[%add3A_1118] : memref<1024xi32, #tpu.memory_space<vmem>>[vector<16xi32>], vector<16xi32>,
      %swap3A_1120 = arith.constant 336 : index
      %swap3A_1121 = tpu.vector_load %arg21[%swap3A_1120] {strides = array<i32>} : memref<384xi32, #tpu.memory_space<vmem>>, vector<16xi32>,
      tpu.vector_store %arg21[%swap3A_1120], %gather3A_1119 {strides = array<i32>} : memref<384xi32, #tpu.memory_space<vmem>>, vector<16xi32>,
      %mul3A_1122 = arith.constant 16 : i32
      %mul3A_1123 = arith.muli %add3A_835, %mul3A_1122 : i32
      %add3A_1124 = vector.broadcast %mul3A_1123 : i32 to vector<16xi32>
      %add3A_1125 = arith.addi %add3A_1124, %iota3A : vector<16xi32>
      %mul3A_1126 = arith.constant 8 : i32
      %mul3A_1127 = vector.broadcast %mul3A_1126 : i32 to vector<16xi32>
      %mul3A_1128 = arith.muli %add3A_1125, %mul3A_1127 : vector<16xi32>
      %add3A_1129 = arith.constant 6 : i32
      %add3A_1130 = vector.broadcast %add3A_1129 : i32 to vector<16xi32>
      %add3A_1131 = arith.addi %mul3A_1128, %add3A_1130 : vector<16xi32>
      %gather3A_1132 = tpu.vector_load_idx %arg16[%add3A_1131] : memref<1024xi32, #tpu.memory_space<vmem>>[vector<16xi32>], vector<16xi32>,
      %swap3A_1133 = arith.constant 352 : index
      %swap3A_1134 = tpu.vector_load %arg21[%swap3A_1133] {strides = array<i32>} : memref<384xi32, #tpu.memory_space<vmem>>, vector<16xi32>,
      tpu.vector_store %arg21[%swap3A_1133], %gather3A_1132 {strides = array<i32>} : memref<384xi32, #tpu.memory_space<vmem>>, vector<16xi32>,
      %mul3A_1135 = arith.constant 16 : i32
      %mul3A_1136 = arith.muli %add3A_835, %mul3A_1135 : i32
      %add3A_1137 = vector.broadcast %mul3A_1136 : i32 to vector<16xi32>
      %add3A_1138 = arith.addi %add3A_1137, %iota3A : vector<16xi32>
      %mul3A_1139 = arith.constant 8 : i32
      %mul3A_1140 = vector.broadcast %mul3A_1139 : i32 to vector<16xi32>
      %mul3A_1141 = arith.muli %add3A_1138, %mul3A_1140 : vector<16xi32>
      %add3A_1142 = arith.constant 7 : i32
      %add3A_1143 = vector.broadcast %add3A_1142 : i32 to vector<16xi32>
      %add3A_1144 = arith.addi %mul3A_1141, %add3A_1143 : vector<16xi32>
      %gather3A_1145 = tpu.vector_load_idx %arg16[%add3A_1144] : memref<1024xi32, #tpu.memory_space<vmem>>[vector<16xi32>], vector<16xi32>,
      %swap3A_1146 = arith.constant 368 : index
      %swap3A_1147 = tpu.vector_load %arg21[%swap3A_1146] {strides = array<i32>} : memref<384xi32, #tpu.memory_space<vmem>>, vector<16xi32>,
      tpu.vector_store %arg21[%swap3A_1146], %gather3A_1145 {strides = array<i32>} : memref<384xi32, #tpu.memory_space<vmem>>, vector<16xi32>,
      %dma_start3A_1148 = arith.constant 0 : i32
      %dma_start3A_1149 = arith.constant 0 : i32
      %dma_start3A_1150 = tpu.memref_slice %arg19[%dma_start3A_1148, %dma_start3A_1149] : memref<384x64xf32, #tpu.memory_space<vmem>> -> memref<128x64xf32, #tpu.memory_space<vmem>>
      %dma_start3A_1151 = arith.constant 0 : i32
      %dma_start3A_1152 = tpu.memref_slice %arg21[%dma_start3A_1151] : memref<384xi32, #tpu.memory_space<vmem>> -> memref<128xi32, #tpu.memory_space<vmem>>
      %dma_start3A_1153 = arith.constant 0 : i32
      %dma_start3A_1154 = arith.constant 0 : i32
      %dma_start3A_1155 = tpu.memref_slice %arg8[%dma_start3A_1153, %dma_start3A_1154] : memref<32000x64xf32, #tpu.memory_space<hbm>> -> memref<32000x64xf32, #tpu.memory_space<hbm>>
      tpu.enqueue_indirect_dma source(%dma_start3A_1155 : memref<32000x64xf32, #tpu.memory_space<hbm>>) target(%dma_start3A_1150 : memref<128x64xf32, #tpu.memory_space<vmem>>) offsets(%dma_start3A_1152 : memref<128xi32, #tpu.memory_space<vmem>>) semaphore(%arg26 : memref<!tpu.dma_semaphore, #tpu.memory_space<semaphore_mem>>)
      %dma_start3A_1156 = arith.constant 128 : i32
      %dma_start3A_1157 = arith.constant 0 : i32
      %dma_start3A_1158 = tpu.memref_slice %arg19[%dma_start3A_1156, %dma_start3A_1157] : memref<384x64xf32, #tpu.memory_space<vmem>> -> memref<128x64xf32, #tpu.memory_space<vmem>>
      %dma_start3A_1159 = arith.constant 128 : i32
      %dma_start3A_1160 = tpu.memref_slice %arg21[%dma_start3A_1159] : memref<384xi32, #tpu.memory_space<vmem>> -> memref<128xi32, #tpu.memory_space<vmem>>
      %dma_start3A_1161 = arith.constant 0 : i32
      %dma_start3A_1162 = arith.constant 0 : i32
      %dma_start3A_1163 = tpu.memref_slice %arg8[%dma_start3A_1161, %dma_start3A_1162] : memref<32000x64xf32, #tpu.memory_space<hbm>> -> memref<32000x64xf32, #tpu.memory_space<hbm>>
      tpu.enqueue_indirect_dma source(%dma_start3A_1163 : memref<32000x64xf32, #tpu.memory_space<hbm>>) target(%dma_start3A_1158 : memref<128x64xf32, #tpu.memory_space<vmem>>) offsets(%dma_start3A_1160 : memref<128xi32, #tpu.memory_space<vmem>>) semaphore(%arg26 : memref<!tpu.dma_semaphore, #tpu.memory_space<semaphore_mem>>)
      %dma_start3A_1164 = arith.constant 256 : i32
      %dma_start3A_1165 = arith.constant 0 : i32
      %dma_start3A_1166 = tpu.memref_slice %arg19[%dma_start3A_1164, %dma_start3A_1165] : memref<384x64xf32, #tpu.memory_space<vmem>> -> memref<128x64xf32, #tpu.memory_space<vmem>>
      %dma_start3A_1167 = arith.constant 256 : i32
      %dma_start3A_1168 = tpu.memref_slice %arg21[%dma_start3A_1167] : memref<384xi32, #tpu.memory_space<vmem>> -> memref<128xi32, #tpu.memory_space<vmem>>
      %dma_start3A_1169 = arith.constant 0 : i32
      %dma_start3A_1170 = arith.constant 0 : i32
      %dma_start3A_1171 = tpu.memref_slice %arg8[%dma_start3A_1169, %dma_start3A_1170] : memref<32000x64xf32, #tpu.memory_space<hbm>> -> memref<32000x64xf32, #tpu.memory_space<hbm>>
      tpu.enqueue_indirect_dma source(%dma_start3A_1171 : memref<32000x64xf32, #tpu.memory_space<hbm>>) target(%dma_start3A_1166 : memref<128x64xf32, #tpu.memory_space<vmem>>) offsets(%dma_start3A_1168 : memref<128xi32, #tpu.memory_space<vmem>>) semaphore(%arg26 : memref<!tpu.dma_semaphore, #tpu.memory_space<semaphore_mem>>)
      %dma_wait3A_1172 = arith.constant 0 : i32
      %dma_wait3A_1173 = arith.constant 0 : i32
      %dma_wait3A_1174 = tpu.memref_slice %arg18[%dma_wait3A_1172, %dma_wait3A_1173] : memref<384x64xf32, #tpu.memory_space<vmem>> -> memref<128x64xf32, #tpu.memory_space<vmem>>
      %dma_wait3A_1175 = arith.constant 0 : i32
      %dma_wait3A_1176 = tpu.memref_slice %arg20[%dma_wait3A_1175] : memref<384xi32, #tpu.memory_space<vmem>> -> memref<128xi32, #tpu.memory_space<vmem>>
      %dma_wait3A_1177 = arith.constant 0 : i32
      %dma_wait3A_1178 = arith.constant 0 : i32
      %dma_wait3A_1179 = tpu.memref_slice %arg8[%dma_wait3A_1177, %dma_wait3A_1178] : memref<32000x64xf32, #tpu.memory_space<hbm>> -> memref<32000x64xf32, #tpu.memory_space<hbm>>
      tpu.wait_indirect_dma semaphore(%arg25 : memref<!tpu.dma_semaphore, #tpu.memory_space<semaphore_mem>>) src(%dma_wait3A_1179 : memref<32000x64xf32, #tpu.memory_space<hbm>>) dst(%dma_wait3A_1174 : memref<128x64xf32, #tpu.memory_space<vmem>>)
      %dma_wait3A_1180 = arith.constant 128 : i32
      %dma_wait3A_1181 = arith.constant 0 : i32
      %dma_wait3A_1182 = tpu.memref_slice %arg18[%dma_wait3A_1180, %dma_wait3A_1181] : memref<384x64xf32, #tpu.memory_space<vmem>> -> memref<128x64xf32, #tpu.memory_space<vmem>>
      %dma_wait3A_1183 = arith.constant 128 : i32
      %dma_wait3A_1184 = tpu.memref_slice %arg20[%dma_wait3A_1183] : memref<384xi32, #tpu.memory_space<vmem>> -> memref<128xi32, #tpu.memory_space<vmem>>
      %dma_wait3A_1185 = arith.constant 0 : i32
      %dma_wait3A_1186 = arith.constant 0 : i32
      %dma_wait3A_1187 = tpu.memref_slice %arg8[%dma_wait3A_1185, %dma_wait3A_1186] : memref<32000x64xf32, #tpu.memory_space<hbm>> -> memref<32000x64xf32, #tpu.memory_space<hbm>>
      tpu.wait_indirect_dma semaphore(%arg25 : memref<!tpu.dma_semaphore, #tpu.memory_space<semaphore_mem>>) src(%dma_wait3A_1187 : memref<32000x64xf32, #tpu.memory_space<hbm>>) dst(%dma_wait3A_1182 : memref<128x64xf32, #tpu.memory_space<vmem>>)
      %dma_wait3A_1188 = arith.constant 256 : i32
      %dma_wait3A_1189 = arith.constant 0 : i32
      %dma_wait3A_1190 = tpu.memref_slice %arg18[%dma_wait3A_1188, %dma_wait3A_1189] : memref<384x64xf32, #tpu.memory_space<vmem>> -> memref<128x64xf32, #tpu.memory_space<vmem>>
      %dma_wait3A_1191 = arith.constant 256 : i32
      %dma_wait3A_1192 = tpu.memref_slice %arg20[%dma_wait3A_1191] : memref<384xi32, #tpu.memory_space<vmem>> -> memref<128xi32, #tpu.memory_space<vmem>>
      %dma_wait3A_1193 = arith.constant 0 : i32
      %dma_wait3A_1194 = arith.constant 0 : i32
      %dma_wait3A_1195 = tpu.memref_slice %arg8[%dma_wait3A_1193, %dma_wait3A_1194] : memref<32000x64xf32, #tpu.memory_space<hbm>> -> memref<32000x64xf32, #tpu.memory_space<hbm>>
      tpu.wait_indirect_dma semaphore(%arg25 : memref<!tpu.dma_semaphore, #tpu.memory_space<semaphore_mem>>) src(%dma_wait3A_1195 : memref<32000x64xf32, #tpu.memory_space<hbm>>) dst(%dma_wait3A_1190 : memref<128x64xf32, #tpu.memory_space<vmem>>)
      %mul3A_1196 = arith.constant 16 : i32
      %mul3A_1197 = arith.muli %mul3A_833, %mul3A_1196 : i32
      %add3A_1198 = vector.broadcast %mul3A_1197 : i32 to vector<16xi32>
      %add3A_1199 = arith.addi %add3A_1198, %iota3A : vector<16xi32>
      %mul3A_1200 = arith.constant 64 : i32
      %mul3A_1201 = vector.broadcast %mul3A_1200 : i32 to vector<16xi32>
      %mul3A_1202 = arith.muli %add3A_1199, %mul3A_1201 : vector<16xi32>
      %scan3A_1203 = arith.constant 0 : i32
      %scan3A_1204 = arith.constant 32 : i32
      %scan3A_1205 = arith.addi %scan3A_1203, %scan3A_1204 : i32
      %scan3A_1206 = arith.constant 1 : i32
      %scan3A_1207:2 = scf.for %scan3A_1425 = %scan3A_1203 to %scan3A_1205 step %scan3A_1206 iter_args(%scan3A_1426 = %broadcast_in_dim3A_1, %scan3A_1427 = %broadcast_in_dim3A_1) -> (vector<16xf32>, vector<16xf32>)  : i32 {
        %mul3A_1428 = arith.constant 2 : i32
        %mul3A_1429 = arith.muli %scan3A_1425, %mul3A_1428 : i32
        %add3A_1430 = arith.constant 0 : i32
        %add3A_1431 = arith.addi %mul3A_1429, %add3A_1430 : i32
        %add3A_1432 = arith.constant 0 : i32
        %add3A_1433 = vector.broadcast %add3A_1432 : i32 to vector<16xi32>
        %add3A_1434 = arith.addi %add3A_1433, %iota3A : vector<16xi32>
        %broadcast_in_dim3A_1435 = vector.broadcast %add3A_1431 : i32 to vector<16xi32>
        %gather3A_1436 = tpu.vector_load_idx %arg18[%add3A_1434, %broadcast_in_dim3A_1435] : memref<384x64xf32, #tpu.memory_space<vmem>>[vector<16xi32>, vector<16xi32>], vector<16xf32>,
        %add3A_1437 = arith.constant 16 : i32
        %add3A_1438 = vector.broadcast %add3A_1437 : i32 to vector<16xi32>
        %add3A_1439 = arith.addi %add3A_1438, %iota3A : vector<16xi32>
        %broadcast_in_dim3A_1440 = vector.broadcast %add3A_1431 : i32 to vector<16xi32>
        %gather3A_1441 = tpu.vector_load_idx %arg18[%add3A_1439, %broadcast_in_dim3A_1440] : memref<384x64xf32, #tpu.memory_space<vmem>>[vector<16xi32>, vector<16xi32>], vector<16xf32>,
        %add3A_1442 = arith.addf %gather3A_1436, %gather3A_1441 : vector<16xf32>
        %add3A_1443 = arith.constant 32 : i32
        %add3A_1444 = vector.broadcast %add3A_1443 : i32 to vector<16xi32>
        %add3A_1445 = arith.addi %add3A_1444, %iota3A : vector<16xi32>
        %broadcast_in_dim3A_1446 = vector.broadcast %add3A_1431 : i32 to vector<16xi32>
        %gather3A_1447 = tpu.vector_load_idx %arg18[%add3A_1445, %broadcast_in_dim3A_1446] : memref<384x64xf32, #tpu.memory_space<vmem>>[vector<16xi32>, vector<16xi32>], vector<16xf32>,
        %add3A_1448 = arith.addf %add3A_1442, %gather3A_1447 : vector<16xf32>
        %add3A_1449 = arith.constant 48 : i32
        %add3A_1450 = vector.broadcast %add3A_1449 : i32 to vector<16xi32>
        %add3A_1451 = arith.addi %add3A_1450, %iota3A : vector<16xi32>
        %broadcast_in_dim3A_1452 = vector.broadcast %add3A_1431 : i32 to vector<16xi32>
        %gather3A_1453 = tpu.vector_load_idx %arg18[%add3A_1451, %broadcast_in_dim3A_1452] : memref<384x64xf32, #tpu.memory_space<vmem>>[vector<16xi32>, vector<16xi32>], vector<16xf32>,
        %add3A_1454 = arith.addf %add3A_1448, %gather3A_1453 : vector<16xf32>
        %add3A_1455 = arith.constant 64 : i32
        %add3A_1456 = vector.broadcast %add3A_1455 : i32 to vector<16xi32>
        %add3A_1457 = arith.addi %add3A_1456, %iota3A : vector<16xi32>
        %broadcast_in_dim3A_1458 = vector.broadcast %add3A_1431 : i32 to vector<16xi32>
        %gather3A_1459 = tpu.vector_load_idx %arg18[%add3A_1457, %broadcast_in_dim3A_1458] : memref<384x64xf32, #tpu.memory_space<vmem>>[vector<16xi32>, vector<16xi32>], vector<16xf32>,
        %add3A_1460 = arith.addf %add3A_1454, %gather3A_1459 : vector<16xf32>
        %add3A_1461 = arith.constant 80 : i32
        %add3A_1462 = vector.broadcast %add3A_1461 : i32 to vector<16xi32>
        %add3A_1463 = arith.addi %add3A_1462, %iota3A : vector<16xi32>
        %broadcast_in_dim3A_1464 = vector.broadcast %add3A_1431 : i32 to vector<16xi32>
        %gather3A_1465 = tpu.vector_load_idx %arg18[%add3A_1463, %broadcast_in_dim3A_1464] : memref<384x64xf32, #tpu.memory_space<vmem>>[vector<16xi32>, vector<16xi32>], vector<16xf32>,
        %add3A_1466 = arith.addf %add3A_1460, %gather3A_1465 : vector<16xf32>
        %add3A_1467 = arith.constant 96 : i32
        %add3A_1468 = vector.broadcast %add3A_1467 : i32 to vector<16xi32>
        %add3A_1469 = arith.addi %add3A_1468, %iota3A : vector<16xi32>
        %broadcast_in_dim3A_1470 = vector.broadcast %add3A_1431 : i32 to vector<16xi32>
        %gather3A_1471 = tpu.vector_load_idx %arg18[%add3A_1469, %broadcast_in_dim3A_1470] : memref<384x64xf32, #tpu.memory_space<vmem>>[vector<16xi32>, vector<16xi32>], vector<16xf32>,
        %add3A_1472 = arith.addf %add3A_1466, %gather3A_1471 : vector<16xf32>
        %add3A_1473 = arith.constant 112 : i32
        %add3A_1474 = vector.broadcast %add3A_1473 : i32 to vector<16xi32>
        %add3A_1475 = arith.addi %add3A_1474, %iota3A : vector<16xi32>
        %broadcast_in_dim3A_1476 = vector.broadcast %add3A_1431 : i32 to vector<16xi32>
        %gather3A_1477 = tpu.vector_load_idx %arg18[%add3A_1475, %broadcast_in_dim3A_1476] : memref<384x64xf32, #tpu.memory_space<vmem>>[vector<16xi32>, vector<16xi32>], vector<16xf32>,
        %add3A_1478 = arith.addf %add3A_1472, %gather3A_1477 : vector<16xf32>
        %add3A_1479 = arith.constant 128 : i32
        %add3A_1480 = vector.broadcast %add3A_1479 : i32 to vector<16xi32>
        %add3A_1481 = arith.addi %add3A_1480, %iota3A : vector<16xi32>
        %broadcast_in_dim3A_1482 = vector.broadcast %add3A_1431 : i32 to vector<16xi32>
        %gather3A_1483 = tpu.vector_load_idx %arg18[%add3A_1481, %broadcast_in_dim3A_1482] : memref<384x64xf32, #tpu.memory_space<vmem>>[vector<16xi32>, vector<16xi32>], vector<16xf32>,
        %add3A_1484 = arith.constant 144 : i32
        %add3A_1485 = vector.broadcast %add3A_1484 : i32 to vector<16xi32>
        %add3A_1486 = arith.addi %add3A_1485, %iota3A : vector<16xi32>
        %broadcast_in_dim3A_1487 = vector.broadcast %add3A_1431 : i32 to vector<16xi32>
        %gather3A_1488 = tpu.vector_load_idx %arg18[%add3A_1486, %broadcast_in_dim3A_1487] : memref<384x64xf32, #tpu.memory_space<vmem>>[vector<16xi32>, vector<16xi32>], vector<16xf32>,
        %add3A_1489 = arith.addf %gather3A_1483, %gather3A_1488 : vector<16xf32>
        %add3A_1490 = arith.constant 160 : i32
        %add3A_1491 = vector.broadcast %add3A_1490 : i32 to vector<16xi32>
        %add3A_1492 = arith.addi %add3A_1491, %iota3A : vector<16xi32>
        %broadcast_in_dim3A_1493 = vector.broadcast %add3A_1431 : i32 to vector<16xi32>
        %gather3A_1494 = tpu.vector_load_idx %arg18[%add3A_1492, %broadcast_in_dim3A_1493] : memref<384x64xf32, #tpu.memory_space<vmem>>[vector<16xi32>, vector<16xi32>], vector<16xf32>,
        %add3A_1495 = arith.addf %add3A_1489, %gather3A_1494 : vector<16xf32>
        %add3A_1496 = arith.constant 176 : i32
        %add3A_1497 = vector.broadcast %add3A_1496 : i32 to vector<16xi32>
        %add3A_1498 = arith.addi %add3A_1497, %iota3A : vector<16xi32>
        %broadcast_in_dim3A_1499 = vector.broadcast %add3A_1431 : i32 to vector<16xi32>
        %gather3A_1500 = tpu.vector_load_idx %arg18[%add3A_1498, %broadcast_in_dim3A_1499] : memref<384x64xf32, #tpu.memory_space<vmem>>[vector<16xi32>, vector<16xi32>], vector<16xf32>,
        %add3A_1501 = arith.addf %add3A_1495, %gather3A_1500 : vector<16xf32>
        %add3A_1502 = arith.constant 192 : i32
        %add3A_1503 = vector.broadcast %add3A_1502 : i32 to vector<16xi32>
        %add3A_1504 = arith.addi %add3A_1503, %iota3A : vector<16xi32>
        %broadcast_in_dim3A_1505 = vector.broadcast %add3A_1431 : i32 to vector<16xi32>
        %gather3A_1506 = tpu.vector_load_idx %arg18[%add3A_1504, %broadcast_in_dim3A_1505] : memref<384x64xf32, #tpu.memory_space<vmem>>[vector<16xi32>, vector<16xi32>], vector<16xf32>,
        %add3A_1507 = arith.addf %add3A_1501, %gather3A_1506 : vector<16xf32>
        %add3A_1508 = arith.constant 208 : i32
        %add3A_1509 = vector.broadcast %add3A_1508 : i32 to vector<16xi32>
        %add3A_1510 = arith.addi %add3A_1509, %iota3A : vector<16xi32>
        %broadcast_in_dim3A_1511 = vector.broadcast %add3A_1431 : i32 to vector<16xi32>
        %gather3A_1512 = tpu.vector_load_idx %arg18[%add3A_1510, %broadcast_in_dim3A_1511] : memref<384x64xf32, #tpu.memory_space<vmem>>[vector<16xi32>, vector<16xi32>], vector<16xf32>,
        %add3A_1513 = arith.addf %add3A_1507, %gather3A_1512 : vector<16xf32>
        %add3A_1514 = arith.constant 224 : i32
        %add3A_1515 = vector.broadcast %add3A_1514 : i32 to vector<16xi32>
        %add3A_1516 = arith.addi %add3A_1515, %iota3A : vector<16xi32>
        %broadcast_in_dim3A_1517 = vector.broadcast %add3A_1431 : i32 to vector<16xi32>
        %gather3A_1518 = tpu.vector_load_idx %arg18[%add3A_1516, %broadcast_in_dim3A_1517] : memref<384x64xf32, #tpu.memory_space<vmem>>[vector<16xi32>, vector<16xi32>], vector<16xf32>,
        %add3A_1519 = arith.addf %add3A_1513, %gather3A_1518 : vector<16xf32>
        %add3A_1520 = arith.constant 240 : i32
        %add3A_1521 = vector.broadcast %add3A_1520 : i32 to vector<16xi32>
        %add3A_1522 = arith.addi %add3A_1521, %iota3A : vector<16xi32>
        %broadcast_in_dim3A_1523 = vector.broadcast %add3A_1431 : i32 to vector<16xi32>
        %gather3A_1524 = tpu.vector_load_idx %arg18[%add3A_1522, %broadcast_in_dim3A_1523] : memref<384x64xf32, #tpu.memory_space<vmem>>[vector<16xi32>, vector<16xi32>], vector<16xf32>,
        %add3A_1525 = arith.addf %add3A_1519, %gather3A_1524 : vector<16xf32>
        %add3A_1526 = arith.constant 256 : i32
        %add3A_1527 = vector.broadcast %add3A_1526 : i32 to vector<16xi32>
        %add3A_1528 = arith.addi %add3A_1527, %iota3A : vector<16xi32>
        %broadcast_in_dim3A_1529 = vector.broadcast %add3A_1431 : i32 to vector<16xi32>
        %gather3A_1530 = tpu.vector_load_idx %arg18[%add3A_1528, %broadcast_in_dim3A_1529] : memref<384x64xf32, #tpu.memory_space<vmem>>[vector<16xi32>, vector<16xi32>], vector<16xf32>,
        %add3A_1531 = arith.constant 272 : i32
        %add3A_1532 = vector.broadcast %add3A_1531 : i32 to vector<16xi32>
        %add3A_1533 = arith.addi %add3A_1532, %iota3A : vector<16xi32>
        %broadcast_in_dim3A_1534 = vector.broadcast %add3A_1431 : i32 to vector<16xi32>
        %gather3A_1535 = tpu.vector_load_idx %arg18[%add3A_1533, %broadcast_in_dim3A_1534] : memref<384x64xf32, #tpu.memory_space<vmem>>[vector<16xi32>, vector<16xi32>], vector<16xf32>,
        %add3A_1536 = arith.addf %gather3A_1530, %gather3A_1535 : vector<16xf32>
        %add3A_1537 = arith.constant 288 : i32
        %add3A_1538 = vector.broadcast %add3A_1537 : i32 to vector<16xi32>
        %add3A_1539 = arith.addi %add3A_1538, %iota3A : vector<16xi32>
        %broadcast_in_dim3A_1540 = vector.broadcast %add3A_1431 : i32 to vector<16xi32>
        %gather3A_1541 = tpu.vector_load_idx %arg18[%add3A_1539, %broadcast_in_dim3A_1540] : memref<384x64xf32, #tpu.memory_space<vmem>>[vector<16xi32>, vector<16xi32>], vector<16xf32>,
        %add3A_1542 = arith.addf %add3A_1536, %gather3A_1541 : vector<16xf32>
        %add3A_1543 = arith.constant 304 : i32
        %add3A_1544 = vector.broadcast %add3A_1543 : i32 to vector<16xi32>
        %add3A_1545 = arith.addi %add3A_1544, %iota3A : vector<16xi32>
        %broadcast_in_dim3A_1546 = vector.broadcast %add3A_1431 : i32 to vector<16xi32>
        %gather3A_1547 = tpu.vector_load_idx %arg18[%add3A_1545, %broadcast_in_dim3A_1546] : memref<384x64xf32, #tpu.memory_space<vmem>>[vector<16xi32>, vector<16xi32>], vector<16xf32>,
        %add3A_1548 = arith.addf %add3A_1542, %gather3A_1547 : vector<16xf32>
        %add3A_1549 = arith.constant 320 : i32
        %add3A_1550 = vector.broadcast %add3A_1549 : i32 to vector<16xi32>
        %add3A_1551 = arith.addi %add3A_1550, %iota3A : vector<16xi32>
        %broadcast_in_dim3A_1552 = vector.broadcast %add3A_1431 : i32 to vector<16xi32>
        %gather3A_1553 = tpu.vector_load_idx %arg18[%add3A_1551, %broadcast_in_dim3A_1552] : memref<384x64xf32, #tpu.memory_space<vmem>>[vector<16xi32>, vector<16xi32>], vector<16xf32>,
        %add3A_1554 = arith.addf %add3A_1548, %gather3A_1553 : vector<16xf32>
        %add3A_1555 = arith.constant 336 : i32
        %add3A_1556 = vector.broadcast %add3A_1555 : i32 to vector<16xi32>
        %add3A_1557 = arith.addi %add3A_1556, %iota3A : vector<16xi32>
        %broadcast_in_dim3A_1558 = vector.broadcast %add3A_1431 : i32 to vector<16xi32>
        %gather3A_1559 = tpu.vector_load_idx %arg18[%add3A_1557, %broadcast_in_dim3A_1558] : memref<384x64xf32, #tpu.memory_space<vmem>>[vector<16xi32>, vector<16xi32>], vector<16xf32>,
        %add3A_1560 = arith.addf %add3A_1554, %gather3A_1559 : vector<16xf32>
        %add3A_1561 = arith.constant 352 : i32
        %add3A_1562 = vector.broadcast %add3A_1561 : i32 to vector<16xi32>
        %add3A_1563 = arith.addi %add3A_1562, %iota3A : vector<16xi32>
        %broadcast_in_dim3A_1564 = vector.broadcast %add3A_1431 : i32 to vector<16xi32>
        %gather3A_1565 = tpu.vector_load_idx %arg18[%add3A_1563, %broadcast_in_dim3A_1564] : memref<384x64xf32, #tpu.memory_space<vmem>>[vector<16xi32>, vector<16xi32>], vector<16xf32>,
        %add3A_1566 = arith.addf %add3A_1560, %gather3A_1565 : vector<16xf32>
        %add3A_1567 = arith.constant 368 : i32
        %add3A_1568 = vector.broadcast %add3A_1567 : i32 to vector<16xi32>
        %add3A_1569 = arith.addi %add3A_1568, %iota3A : vector<16xi32>
        %broadcast_in_dim3A_1570 = vector.broadcast %add3A_1431 : i32 to vector<16xi32>
        %gather3A_1571 = tpu.vector_load_idx %arg18[%add3A_1569, %broadcast_in_dim3A_1570] : memref<384x64xf32, #tpu.memory_space<vmem>>[vector<16xi32>, vector<16xi32>], vector<16xf32>,
        %add3A_1572 = arith.addf %add3A_1566, %gather3A_1571 : vector<16xf32>
        %add3A_1573 = vector.broadcast %add3A_1431 : i32 to vector<16xi32>
        %add3A_1574 = arith.addi %mul3A_1202, %add3A_1573 : vector<16xi32>
        %gather3A_1575 = tpu.vector_load_idx %arg12[%add3A_1574] : memref<8192xf32, #tpu.memory_space<vmem>>[vector<16xi32>], vector<16xf32>,
        %add3A_1576 = vector.broadcast %add3A_1431 : i32 to vector<16xi32>
        %add3A_1577 = arith.addi %mul3A_1202, %add3A_1576 : vector<16xi32>
        %gather3A_1578 = tpu.vector_load_idx %arg13[%add3A_1577] : memref<8192xf32, #tpu.memory_space<vmem>>[vector<16xi32>], vector<16xf32>,
        %add3A_1579 = vector.broadcast %add3A_1431 : i32 to vector<16xi32>
        %add3A_1580 = arith.addi %mul3A_1202, %add3A_1579 : vector<16xi32>
        %gather3A_1581 = tpu.vector_load_idx %arg14[%add3A_1580] : memref<8192xf32, #tpu.memory_space<vmem>>[vector<16xi32>], vector<16xf32>,
        %mul3A_1582 = arith.mulf %gather3A_1575, %add3A_1478 : vector<16xf32>
        %mul3A_1583 = arith.constant 16 : i32
        %mul3A_1584 = arith.muli %add3A_1431, %mul3A_1583 : i32
        %add3A_1585 = arith.constant 0 : i32
        %add3A_1586 = arith.addi %add3A_1585, %mul3A_1584 : i32
        %swap3A_1587 = arith.index_cast %add3A_1586 : i32 to index
        %swap3A_1588 = tpu.vector_load %arg22[%swap3A_1587] {strides = array<i32>} : memref<3072xf32, #tpu.memory_space<vmem>>, vector<16xf32>,
        tpu.vector_store %arg22[%swap3A_1587], %mul3A_1582 {strides = array<i32>} : memref<3072xf32, #tpu.memory_space<vmem>>, vector<16xf32>,
        %mul3A_1589 = arith.mulf %gather3A_1581, %add3A_1525 : vector<16xf32>
        %mul3A_1590 = arith.constant 16 : i32
        %mul3A_1591 = arith.muli %add3A_1431, %mul3A_1590 : i32
        %add3A_1592 = arith.constant 1024 : i32
        %add3A_1593 = arith.addi %add3A_1592, %mul3A_1591 : i32
        %swap3A_1594 = arith.index_cast %add3A_1593 : i32 to index
        %swap3A_1595 = tpu.vector_load %arg22[%swap3A_1594] {strides = array<i32>} : memref<3072xf32, #tpu.memory_space<vmem>>, vector<16xf32>,
        tpu.vector_store %arg22[%swap3A_1594], %mul3A_1589 {strides = array<i32>} : memref<3072xf32, #tpu.memory_space<vmem>>, vector<16xf32>,
        %mul3A_1596 = arith.mulf %gather3A_1578, %add3A_1572 : vector<16xf32>
        %mul3A_1597 = arith.constant 16 : i32
        %mul3A_1598 = arith.muli %add3A_1431, %mul3A_1597 : i32
        %add3A_1599 = arith.constant 2048 : i32
        %add3A_1600 = arith.addi %add3A_1599, %mul3A_1598 : i32
        %swap3A_1601 = arith.index_cast %add3A_1600 : i32 to index
        %swap3A_1602 = tpu.vector_load %arg22[%swap3A_1601] {strides = array<i32>} : memref<3072xf32, #tpu.memory_space<vmem>>, vector<16xf32>,
        tpu.vector_store %arg22[%swap3A_1601], %mul3A_1596 {strides = array<i32>} : memref<3072xf32, #tpu.memory_space<vmem>>, vector<16xf32>,
        %mul3A_1603 = arith.mulf %gather3A_1575, %gather3A_1575 : vector<16xf32>
        %add3A_1604 = arith.addf %scan3A_1426, %mul3A_1603 : vector<16xf32>
        %mul3A_1605 = arith.mulf %gather3A_1578, %gather3A_1578 : vector<16xf32>
        %add3A_1606 = arith.addf %scan3A_1427, %mul3A_1605 : vector<16xf32>
        %mul3A_1607 = arith.constant 2 : i32
        %mul3A_1608 = arith.muli %scan3A_1425, %mul3A_1607 : i32
        %add3A_1609 = arith.constant 1 : i32
        %add3A_1610 = arith.addi %mul3A_1608, %add3A_1609 : i32
        %add3A_1611 = arith.constant 0 : i32
        %add3A_1612 = vector.broadcast %add3A_1611 : i32 to vector<16xi32>
        %add3A_1613 = arith.addi %add3A_1612, %iota3A : vector<16xi32>
        %broadcast_in_dim3A_1614 = vector.broadcast %add3A_1610 : i32 to vector<16xi32>
        %gather3A_1615 = tpu.vector_load_idx %arg18[%add3A_1613, %broadcast_in_dim3A_1614] : memref<384x64xf32, #tpu.memory_space<vmem>>[vector<16xi32>, vector<16xi32>], vector<16xf32>,
        %add3A_1616 = arith.constant 16 : i32
        %add3A_1617 = vector.broadcast %add3A_1616 : i32 to vector<16xi32>
        %add3A_1618 = arith.addi %add3A_1617, %iota3A : vector<16xi32>
        %broadcast_in_dim3A_1619 = vector.broadcast %add3A_1610 : i32 to vector<16xi32>
        %gather3A_1620 = tpu.vector_load_idx %arg18[%add3A_1618, %broadcast_in_dim3A_1619] : memref<384x64xf32, #tpu.memory_space<vmem>>[vector<16xi32>, vector<16xi32>], vector<16xf32>,
        %add3A_1621 = arith.addf %gather3A_1615, %gather3A_1620 : vector<16xf32>
        %add3A_1622 = arith.constant 32 : i32
        %add3A_1623 = vector.broadcast %add3A_1622 : i32 to vector<16xi32>
        %add3A_1624 = arith.addi %add3A_1623, %iota3A : vector<16xi32>
        %broadcast_in_dim3A_1625 = vector.broadcast %add3A_1610 : i32 to vector<16xi32>
        %gather3A_1626 = tpu.vector_load_idx %arg18[%add3A_1624, %broadcast_in_dim3A_1625] : memref<384x64xf32, #tpu.memory_space<vmem>>[vector<16xi32>, vector<16xi32>], vector<16xf32>,
        %add3A_1627 = arith.addf %add3A_1621, %gather3A_1626 : vector<16xf32>
        %add3A_1628 = arith.constant 48 : i32
        %add3A_1629 = vector.broadcast %add3A_1628 : i32 to vector<16xi32>
        %add3A_1630 = arith.addi %add3A_1629, %iota3A : vector<16xi32>
        %broadcast_in_dim3A_1631 = vector.broadcast %add3A_1610 : i32 to vector<16xi32>
        %gather3A_1632 = tpu.vector_load_idx %arg18[%add3A_1630, %broadcast_in_dim3A_1631] : memref<384x64xf32, #tpu.memory_space<vmem>>[vector<16xi32>, vector<16xi32>], vector<16xf32>,
        %add3A_1633 = arith.addf %add3A_1627, %gather3A_1632 : vector<16xf32>
        %add3A_1634 = arith.constant 64 : i32
        %add3A_1635 = vector.broadcast %add3A_1634 : i32 to vector<16xi32>
        %add3A_1636 = arith.addi %add3A_1635, %iota3A : vector<16xi32>
        %broadcast_in_dim3A_1637 = vector.broadcast %add3A_1610 : i32 to vector<16xi32>
        %gather3A_1638 = tpu.vector_load_idx %arg18[%add3A_1636, %broadcast_in_dim3A_1637] : memref<384x64xf32, #tpu.memory_space<vmem>>[vector<16xi32>, vector<16xi32>], vector<16xf32>,
        %add3A_1639 = arith.addf %add3A_1633, %gather3A_1638 : vector<16xf32>
        %add3A_1640 = arith.constant 80 : i32
        %add3A_1641 = vector.broadcast %add3A_1640 : i32 to vector<16xi32>
        %add3A_1642 = arith.addi %add3A_1641, %iota3A : vector<16xi32>
        %broadcast_in_dim3A_1643 = vector.broadcast %add3A_1610 : i32 to vector<16xi32>
        %gather3A_1644 = tpu.vector_load_idx %arg18[%add3A_1642, %broadcast_in_dim3A_1643] : memref<384x64xf32, #tpu.memory_space<vmem>>[vector<16xi32>, vector<16xi32>], vector<16xf32>,
        %add3A_1645 = arith.addf %add3A_1639, %gather3A_1644 : vector<16xf32>
        %add3A_1646 = arith.constant 96 : i32
        %add3A_1647 = vector.broadcast %add3A_1646 : i32 to vector<16xi32>
        %add3A_1648 = arith.addi %add3A_1647, %iota3A : vector<16xi32>
        %broadcast_in_dim3A_1649 = vector.broadcast %add3A_1610 : i32 to vector<16xi32>
        %gather3A_1650 = tpu.vector_load_idx %arg18[%add3A_1648, %broadcast_in_dim3A_1649] : memref<384x64xf32, #tpu.memory_space<vmem>>[vector<16xi32>, vector<16xi32>], vector<16xf32>,
        %add3A_1651 = arith.addf %add3A_1645, %gather3A_1650 : vector<16xf32>
        %add3A_1652 = arith.constant 112 : i32
        %add3A_1653 = vector.broadcast %add3A_1652 : i32 to vector<16xi32>
        %add3A_1654 = arith.addi %add3A_1653, %iota3A : vector<16xi32>
        %broadcast_in_dim3A_1655 = vector.broadcast %add3A_1610 : i32 to vector<16xi32>
        %gather3A_1656 = tpu.vector_load_idx %arg18[%add3A_1654, %broadcast_in_dim3A_1655] : memref<384x64xf32, #tpu.memory_space<vmem>>[vector<16xi32>, vector<16xi32>], vector<16xf32>,
        %add3A_1657 = arith.addf %add3A_1651, %gather3A_1656 : vector<16xf32>
        %add3A_1658 = arith.constant 128 : i32
        %add3A_1659 = vector.broadcast %add3A_1658 : i32 to vector<16xi32>
        %add3A_1660 = arith.addi %add3A_1659, %iota3A : vector<16xi32>
        %broadcast_in_dim3A_1661 = vector.broadcast %add3A_1610 : i32 to vector<16xi32>
        %gather3A_1662 = tpu.vector_load_idx %arg18[%add3A_1660, %broadcast_in_dim3A_1661] : memref<384x64xf32, #tpu.memory_space<vmem>>[vector<16xi32>, vector<16xi32>], vector<16xf32>,
        %add3A_1663 = arith.constant 144 : i32
        %add3A_1664 = vector.broadcast %add3A_1663 : i32 to vector<16xi32>
        %add3A_1665 = arith.addi %add3A_1664, %iota3A : vector<16xi32>
        %broadcast_in_dim3A_1666 = vector.broadcast %add3A_1610 : i32 to vector<16xi32>
        %gather3A_1667 = tpu.vector_load_idx %arg18[%add3A_1665, %broadcast_in_dim3A_1666] : memref<384x64xf32, #tpu.memory_space<vmem>>[vector<16xi32>, vector<16xi32>], vector<16xf32>,
        %add3A_1668 = arith.addf %gather3A_1662, %gather3A_1667 : vector<16xf32>
        %add3A_1669 = arith.constant 160 : i32
        %add3A_1670 = vector.broadcast %add3A_1669 : i32 to vector<16xi32>
        %add3A_1671 = arith.addi %add3A_1670, %iota3A : vector<16xi32>
        %broadcast_in_dim3A_1672 = vector.broadcast %add3A_1610 : i32 to vector<16xi32>
        %gather3A_1673 = tpu.vector_load_idx %arg18[%add3A_1671, %broadcast_in_dim3A_1672] : memref<384x64xf32, #tpu.memory_space<vmem>>[vector<16xi32>, vector<16xi32>], vector<16xf32>,
        %add3A_1674 = arith.addf %add3A_1668, %gather3A_1673 : vector<16xf32>
        %add3A_1675 = arith.constant 176 : i32
        %add3A_1676 = vector.broadcast %add3A_1675 : i32 to vector<16xi32>
        %add3A_1677 = arith.addi %add3A_1676, %iota3A : vector<16xi32>
        %broadcast_in_dim3A_1678 = vector.broadcast %add3A_1610 : i32 to vector<16xi32>
        %gather3A_1679 = tpu.vector_load_idx %arg18[%add3A_1677, %broadcast_in_dim3A_1678] : memref<384x64xf32, #tpu.memory_space<vmem>>[vector<16xi32>, vector<16xi32>], vector<16xf32>,
        %add3A_1680 = arith.addf %add3A_1674, %gather3A_1679 : vector<16xf32>
        %add3A_1681 = arith.constant 192 : i32
        %add3A_1682 = vector.broadcast %add3A_1681 : i32 to vector<16xi32>
        %add3A_1683 = arith.addi %add3A_1682, %iota3A : vector<16xi32>
        %broadcast_in_dim3A_1684 = vector.broadcast %add3A_1610 : i32 to vector<16xi32>
        %gather3A_1685 = tpu.vector_load_idx %arg18[%add3A_1683, %broadcast_in_dim3A_1684] : memref<384x64xf32, #tpu.memory_space<vmem>>[vector<16xi32>, vector<16xi32>], vector<16xf32>,
        %add3A_1686 = arith.addf %add3A_1680, %gather3A_1685 : vector<16xf32>
        %add3A_1687 = arith.constant 208 : i32
        %add3A_1688 = vector.broadcast %add3A_1687 : i32 to vector<16xi32>
        %add3A_1689 = arith.addi %add3A_1688, %iota3A : vector<16xi32>
        %broadcast_in_dim3A_1690 = vector.broadcast %add3A_1610 : i32 to vector<16xi32>
        %gather3A_1691 = tpu.vector_load_idx %arg18[%add3A_1689, %broadcast_in_dim3A_1690] : memref<384x64xf32, #tpu.memory_space<vmem>>[vector<16xi32>, vector<16xi32>], vector<16xf32>,
        %add3A_1692 = arith.addf %add3A_1686, %gather3A_1691 : vector<16xf32>
        %add3A_1693 = arith.constant 224 : i32
        %add3A_1694 = vector.broadcast %add3A_1693 : i32 to vector<16xi32>
        %add3A_1695 = arith.addi %add3A_1694, %iota3A : vector<16xi32>
        %broadcast_in_dim3A_1696 = vector.broadcast %add3A_1610 : i32 to vector<16xi32>
        %gather3A_1697 = tpu.vector_load_idx %arg18[%add3A_1695, %broadcast_in_dim3A_1696] : memref<384x64xf32, #tpu.memory_space<vmem>>[vector<16xi32>, vector<16xi32>], vector<16xf32>,
        %add3A_1698 = arith.addf %add3A_1692, %gather3A_1697 : vector<16xf32>
        %add3A_1699 = arith.constant 240 : i32
        %add3A_1700 = vector.broadcast %add3A_1699 : i32 to vector<16xi32>
        %add3A_1701 = arith.addi %add3A_1700, %iota3A : vector<16xi32>
        %broadcast_in_dim3A_1702 = vector.broadcast %add3A_1610 : i32 to vector<16xi32>
        %gather3A_1703 = tpu.vector_load_idx %arg18[%add3A_1701, %broadcast_in_dim3A_1702] : memref<384x64xf32, #tpu.memory_space<vmem>>[vector<16xi32>, vector<16xi32>], vector<16xf32>,
        %add3A_1704 = arith.addf %add3A_1698, %gather3A_1703 : vector<16xf32>
        %add3A_1705 = arith.constant 256 : i32
        %add3A_1706 = vector.broadcast %add3A_1705 : i32 to vector<16xi32>
        %add3A_1707 = arith.addi %add3A_1706, %iota3A : vector<16xi32>
        %broadcast_in_dim3A_1708 = vector.broadcast %add3A_1610 : i32 to vector<16xi32>
        %gather3A_1709 = tpu.vector_load_idx %arg18[%add3A_1707, %broadcast_in_dim3A_1708] : memref<384x64xf32, #tpu.memory_space<vmem>>[vector<16xi32>, vector<16xi32>], vector<16xf32>,
        %add3A_1710 = arith.constant 272 : i32
        %add3A_1711 = vector.broadcast %add3A_1710 : i32 to vector<16xi32>
        %add3A_1712 = arith.addi %add3A_1711, %iota3A : vector<16xi32>
        %broadcast_in_dim3A_1713 = vector.broadcast %add3A_1610 : i32 to vector<16xi32>
        %gather3A_1714 = tpu.vector_load_idx %arg18[%add3A_1712, %broadcast_in_dim3A_1713] : memref<384x64xf32, #tpu.memory_space<vmem>>[vector<16xi32>, vector<16xi32>], vector<16xf32>,
        %add3A_1715 = arith.addf %gather3A_1709, %gather3A_1714 : vector<16xf32>
        %add3A_1716 = arith.constant 288 : i32
        %add3A_1717 = vector.broadcast %add3A_1716 : i32 to vector<16xi32>
        %add3A_1718 = arith.addi %add3A_1717, %iota3A : vector<16xi32>
        %broadcast_in_dim3A_1719 = vector.broadcast %add3A_1610 : i32 to vector<16xi32>
        %gather3A_1720 = tpu.vector_load_idx %arg18[%add3A_1718, %broadcast_in_dim3A_1719] : memref<384x64xf32, #tpu.memory_space<vmem>>[vector<16xi32>, vector<16xi32>], vector<16xf32>,
        %add3A_1721 = arith.addf %add3A_1715, %gather3A_1720 : vector<16xf32>
        %add3A_1722 = arith.constant 304 : i32
        %add3A_1723 = vector.broadcast %add3A_1722 : i32 to vector<16xi32>
        %add3A_1724 = arith.addi %add3A_1723, %iota3A : vector<16xi32>
        %broadcast_in_dim3A_1725 = vector.broadcast %add3A_1610 : i32 to vector<16xi32>
        %gather3A_1726 = tpu.vector_load_idx %arg18[%add3A_1724, %broadcast_in_dim3A_1725] : memref<384x64xf32, #tpu.memory_space<vmem>>[vector<16xi32>, vector<16xi32>], vector<16xf32>,
        %add3A_1727 = arith.addf %add3A_1721, %gather3A_1726 : vector<16xf32>
        %add3A_1728 = arith.constant 320 : i32
        %add3A_1729 = vector.broadcast %add3A_1728 : i32 to vector<16xi32>
        %add3A_1730 = arith.addi %add3A_1729, %iota3A : vector<16xi32>
        %broadcast_in_dim3A_1731 = vector.broadcast %add3A_1610 : i32 to vector<16xi32>
        %gather3A_1732 = tpu.vector_load_idx %arg18[%add3A_1730, %broadcast_in_dim3A_1731] : memref<384x64xf32, #tpu.memory_space<vmem>>[vector<16xi32>, vector<16xi32>], vector<16xf32>,
        %add3A_1733 = arith.addf %add3A_1727, %gather3A_1732 : vector<16xf32>
        %add3A_1734 = arith.constant 336 : i32
        %add3A_1735 = vector.broadcast %add3A_1734 : i32 to vector<16xi32>
        %add3A_1736 = arith.addi %add3A_1735, %iota3A : vector<16xi32>
        %broadcast_in_dim3A_1737 = vector.broadcast %add3A_1610 : i32 to vector<16xi32>
        %gather3A_1738 = tpu.vector_load_idx %arg18[%add3A_1736, %broadcast_in_dim3A_1737] : memref<384x64xf32, #tpu.memory_space<vmem>>[vector<16xi32>, vector<16xi32>], vector<16xf32>,
        %add3A_1739 = arith.addf %add3A_1733, %gather3A_1738 : vector<16xf32>
        %add3A_1740 = arith.constant 352 : i32
        %add3A_1741 = vector.broadcast %add3A_1740 : i32 to vector<16xi32>
        %add3A_1742 = arith.addi %add3A_1741, %iota3A : vector<16xi32>
        %broadcast_in_dim3A_1743 = vector.broadcast %add3A_1610 : i32 to vector<16xi32>
        %gather3A_1744 = tpu.vector_load_idx %arg18[%add3A_1742, %broadcast_in_dim3A_1743] : memref<384x64xf32, #tpu.memory_space<vmem>>[vector<16xi32>, vector<16xi32>], vector<16xf32>,
        %add3A_1745 = arith.addf %add3A_1739, %gather3A_1744 : vector<16xf32>
        %add3A_1746 = arith.constant 368 : i32
        %add3A_1747 = vector.broadcast %add3A_1746 : i32 to vector<16xi32>
        %add3A_1748 = arith.addi %add3A_1747, %iota3A : vector<16xi32>
        %broadcast_in_dim3A_1749 = vector.broadcast %add3A_1610 : i32 to vector<16xi32>
        %gather3A_1750 = tpu.vector_load_idx %arg18[%add3A_1748, %broadcast_in_dim3A_1749] : memref<384x64xf32, #tpu.memory_space<vmem>>[vector<16xi32>, vector<16xi32>], vector<16xf32>,
        %add3A_1751 = arith.addf %add3A_1745, %gather3A_1750 : vector<16xf32>
        %add3A_1752 = vector.broadcast %add3A_1610 : i32 to vector<16xi32>
        %add3A_1753 = arith.addi %mul3A_1202, %add3A_1752 : vector<16xi32>
        %gather3A_1754 = tpu.vector_load_idx %arg12[%add3A_1753] : memref<8192xf32, #tpu.memory_space<vmem>>[vector<16xi32>], vector<16xf32>,
        %add3A_1755 = vector.broadcast %add3A_1610 : i32 to vector<16xi32>
        %add3A_1756 = arith.addi %mul3A_1202, %add3A_1755 : vector<16xi32>
        %gather3A_1757 = tpu.vector_load_idx %arg13[%add3A_1756] : memref<8192xf32, #tpu.memory_space<vmem>>[vector<16xi32>], vector<16xf32>,
        %add3A_1758 = vector.broadcast %add3A_1610 : i32 to vector<16xi32>
        %add3A_1759 = arith.addi %mul3A_1202, %add3A_1758 : vector<16xi32>
        %gather3A_1760 = tpu.vector_load_idx %arg14[%add3A_1759] : memref<8192xf32, #tpu.memory_space<vmem>>[vector<16xi32>], vector<16xf32>,
        %mul3A_1761 = arith.mulf %gather3A_1754, %add3A_1657 : vector<16xf32>
        %mul3A_1762 = arith.constant 16 : i32
        %mul3A_1763 = arith.muli %add3A_1610, %mul3A_1762 : i32
        %add3A_1764 = arith.constant 0 : i32
        %add3A_1765 = arith.addi %add3A_1764, %mul3A_1763 : i32
        %swap3A_1766 = arith.index_cast %add3A_1765 : i32 to index
        %swap3A_1767 = tpu.vector_load %arg22[%swap3A_1766] {strides = array<i32>} : memref<3072xf32, #tpu.memory_space<vmem>>, vector<16xf32>,
        tpu.vector_store %arg22[%swap3A_1766], %mul3A_1761 {strides = array<i32>} : memref<3072xf32, #tpu.memory_space<vmem>>, vector<16xf32>,
        %mul3A_1768 = arith.mulf %gather3A_1760, %add3A_1704 : vector<16xf32>
        %mul3A_1769 = arith.constant 16 : i32
        %mul3A_1770 = arith.muli %add3A_1610, %mul3A_1769 : i32
        %add3A_1771 = arith.constant 1024 : i32
        %add3A_1772 = arith.addi %add3A_1771, %mul3A_1770 : i32
        %swap3A_1773 = arith.index_cast %add3A_1772 : i32 to index
        %swap3A_1774 = tpu.vector_load %arg22[%swap3A_1773] {strides = array<i32>} : memref<3072xf32, #tpu.memory_space<vmem>>, vector<16xf32>,
        tpu.vector_store %arg22[%swap3A_1773], %mul3A_1768 {strides = array<i32>} : memref<3072xf32, #tpu.memory_space<vmem>>, vector<16xf32>,
        %mul3A_1775 = arith.mulf %gather3A_1757, %add3A_1751 : vector<16xf32>
        %mul3A_1776 = arith.constant 16 : i32
        %mul3A_1777 = arith.muli %add3A_1610, %mul3A_1776 : i32
        %add3A_1778 = arith.constant 2048 : i32
        %add3A_1779 = arith.addi %add3A_1778, %mul3A_1777 : i32
        %swap3A_1780 = arith.index_cast %add3A_1779 : i32 to index
        %swap3A_1781 = tpu.vector_load %arg22[%swap3A_1780] {strides = array<i32>} : memref<3072xf32, #tpu.memory_space<vmem>>, vector<16xf32>,
        tpu.vector_store %arg22[%swap3A_1780], %mul3A_1775 {strides = array<i32>} : memref<3072xf32, #tpu.memory_space<vmem>>, vector<16xf32>,
        %mul3A_1782 = arith.mulf %gather3A_1754, %gather3A_1754 : vector<16xf32>
        %add3A_1783 = arith.addf %add3A_1604, %mul3A_1782 : vector<16xf32>
        %mul3A_1784 = arith.mulf %gather3A_1757, %gather3A_1757 : vector<16xf32>
        %add3A_1785 = arith.addf %add3A_1606, %mul3A_1784 : vector<16xf32>
        scf.yield %add3A_1783, %add3A_1785 : vector<16xf32>, vector<16xf32>
      }
      %scan3A_1208 = arith.constant 32 : i32
      %bitcast3A = vector.bitcast %scan3A_1207#0 : vector<16xf32> to vector<16xi32>
      %shift_right_arithmetic3A = arith.constant 1 : i32
      %shift_right_arithmetic3A_1209 = vector.broadcast %shift_right_arithmetic3A : i32 to vector<16xi32>
      %shift_right_arithmetic3A_1210 = arith.shrsi %bitcast3A, %shift_right_arithmetic3A_1209 : vector<16xi32>
      %sub3A_1211 = arith.constant 1597463007 : i32
      %sub3A_1212 = vector.broadcast %sub3A_1211 : i32 to vector<16xi32>
      %sub3A_1213 = arith.subi %sub3A_1212, %shift_right_arithmetic3A_1210 : vector<16xi32>
      %bitcast3A_1214 = vector.bitcast %sub3A_1213 : vector<16xi32> to vector<16xf32>
      %mul3A_1215 = arith.constant 5.000000e-01 : f32
      %mul3A_1216 = vector.broadcast %mul3A_1215 : f32 to vector<16xf32>
      %mul3A_1217 = arith.mulf %mul3A_1216, %scan3A_1207#0 : vector<16xf32>
      %mul3A_1218 = arith.mulf %mul3A_1217, %bitcast3A_1214 : vector<16xf32>
      %mul3A_1219 = arith.mulf %mul3A_1218, %bitcast3A_1214 : vector<16xf32>
      %sub3A_1220 = arith.constant 1.500000e+00 : f32
      %sub3A_1221 = vector.broadcast %sub3A_1220 : f32 to vector<16xf32>
      %sub3A_1222 = arith.subf %sub3A_1221, %mul3A_1219 : vector<16xf32>
      %mul3A_1223 = arith.mulf %bitcast3A_1214, %sub3A_1222 : vector<16xf32>
      %mul3A_1224 = arith.constant 5.000000e-01 : f32
      %mul3A_1225 = vector.broadcast %mul3A_1224 : f32 to vector<16xf32>
      %mul3A_1226 = arith.mulf %mul3A_1225, %scan3A_1207#0 : vector<16xf32>
      %mul3A_1227 = arith.mulf %mul3A_1226, %mul3A_1223 : vector<16xf32>
      %mul3A_1228 = arith.mulf %mul3A_1227, %mul3A_1223 : vector<16xf32>
      %sub3A_1229 = arith.constant 1.500000e+00 : f32
      %sub3A_1230 = vector.broadcast %sub3A_1229 : f32 to vector<16xf32>
      %sub3A_1231 = arith.subf %sub3A_1230, %mul3A_1228 : vector<16xf32>
      %mul3A_1232 = arith.mulf %mul3A_1223, %sub3A_1231 : vector<16xf32>
      %mul3A_1233 = arith.constant 5.000000e-01 : f32
      %mul3A_1234 = vector.broadcast %mul3A_1233 : f32 to vector<16xf32>
      %mul3A_1235 = arith.mulf %mul3A_1234, %scan3A_1207#0 : vector<16xf32>
      %mul3A_1236 = arith.mulf %mul3A_1235, %mul3A_1232 : vector<16xf32>
      %mul3A_1237 = arith.mulf %mul3A_1236, %mul3A_1232 : vector<16xf32>
      %sub3A_1238 = arith.constant 1.500000e+00 : f32
      %sub3A_1239 = vector.broadcast %sub3A_1238 : f32 to vector<16xf32>
      %sub3A_1240 = arith.subf %sub3A_1239, %mul3A_1237 : vector<16xf32>
      %mul3A_1241 = arith.mulf %mul3A_1232, %sub3A_1240 : vector<16xf32>
      %mul3A_1242 = arith.constant 1.250000e-01 : f32
      %mul3A_1243 = vector.broadcast %mul3A_1242 : f32 to vector<16xf32>
      %mul3A_1244 = arith.mulf %mul3A_1241, %mul3A_1243 : vector<16xf32>
      %bitcast3A_1245 = vector.bitcast %scan3A_1207#1 : vector<16xf32> to vector<16xi32>
      %shift_right_arithmetic3A_1246 = arith.constant 1 : i32
      %shift_right_arithmetic3A_1247 = vector.broadcast %shift_right_arithmetic3A_1246 : i32 to vector<16xi32>
      %shift_right_arithmetic3A_1248 = arith.shrsi %bitcast3A_1245, %shift_right_arithmetic3A_1247 : vector<16xi32>
      %sub3A_1249 = arith.constant 1597463007 : i32
      %sub3A_1250 = vector.broadcast %sub3A_1249 : i32 to vector<16xi32>
      %sub3A_1251 = arith.subi %sub3A_1250, %shift_right_arithmetic3A_1248 : vector<16xi32>
      %bitcast3A_1252 = vector.bitcast %sub3A_1251 : vector<16xi32> to vector<16xf32>
      %mul3A_1253 = arith.constant 5.000000e-01 : f32
      %mul3A_1254 = vector.broadcast %mul3A_1253 : f32 to vector<16xf32>
      %mul3A_1255 = arith.mulf %mul3A_1254, %scan3A_1207#1 : vector<16xf32>
      %mul3A_1256 = arith.mulf %mul3A_1255, %bitcast3A_1252 : vector<16xf32>
      %mul3A_1257 = arith.mulf %mul3A_1256, %bitcast3A_1252 : vector<16xf32>
      %sub3A_1258 = arith.constant 1.500000e+00 : f32
      %sub3A_1259 = vector.broadcast %sub3A_1258 : f32 to vector<16xf32>
      %sub3A_1260 = arith.subf %sub3A_1259, %mul3A_1257 : vector<16xf32>
      %mul3A_1261 = arith.mulf %bitcast3A_1252, %sub3A_1260 : vector<16xf32>
      %mul3A_1262 = arith.constant 5.000000e-01 : f32
      %mul3A_1263 = vector.broadcast %mul3A_1262 : f32 to vector<16xf32>
      %mul3A_1264 = arith.mulf %mul3A_1263, %scan3A_1207#1 : vector<16xf32>
      %mul3A_1265 = arith.mulf %mul3A_1264, %mul3A_1261 : vector<16xf32>
      %mul3A_1266 = arith.mulf %mul3A_1265, %mul3A_1261 : vector<16xf32>
      %sub3A_1267 = arith.constant 1.500000e+00 : f32
      %sub3A_1268 = vector.broadcast %sub3A_1267 : f32 to vector<16xf32>
      %sub3A_1269 = arith.subf %sub3A_1268, %mul3A_1266 : vector<16xf32>
      %mul3A_1270 = arith.mulf %mul3A_1261, %sub3A_1269 : vector<16xf32>
      %mul3A_1271 = arith.constant 5.000000e-01 : f32
      %mul3A_1272 = vector.broadcast %mul3A_1271 : f32 to vector<16xf32>
      %mul3A_1273 = arith.mulf %mul3A_1272, %scan3A_1207#1 : vector<16xf32>
      %mul3A_1274 = arith.mulf %mul3A_1273, %mul3A_1270 : vector<16xf32>
      %mul3A_1275 = arith.mulf %mul3A_1274, %mul3A_1270 : vector<16xf32>
      %sub3A_1276 = arith.constant 1.500000e+00 : f32
      %sub3A_1277 = vector.broadcast %sub3A_1276 : f32 to vector<16xf32>
      %sub3A_1278 = arith.subf %sub3A_1277, %mul3A_1275 : vector<16xf32>
      %mul3A_1279 = arith.mulf %mul3A_1270, %sub3A_1278 : vector<16xf32>
      %mul3A_1280 = arith.constant 1.250000e-01 : f32
      %mul3A_1281 = vector.broadcast %mul3A_1280 : f32 to vector<16xf32>
      %mul3A_1282 = arith.mulf %mul3A_1279, %mul3A_1281 : vector<16xf32>
      %scan3A_1283 = arith.constant 0 : i32
      %scan3A_1284 = arith.constant 64 : i32
      %scan3A_1285 = arith.addi %scan3A_1283, %scan3A_1284 : i32
      %scan3A_1286 = arith.constant 1 : i32
      %scan3A_1287 = scf.for %scan3A_1425 = %scan3A_1283 to %scan3A_1285 step %scan3A_1286 iter_args(%scan3A_1426 = %broadcast_in_dim3A_1) -> (vector<16xf32>)  : i32 {
        %mul3A_1427 = arith.constant 16 : i32
        %mul3A_1428 = arith.muli %scan3A_1425, %mul3A_1427 : i32
        %add3A_1429 = arith.constant 0 : i32
        %add3A_1430 = arith.addi %add3A_1429, %mul3A_1428 : i32
        %get3A_1431 = arith.index_cast %add3A_1430 : i32 to index
        %get3A_1432 = tpu.vector_load %arg22[%get3A_1431] {strides = array<i32>} : memref<3072xf32, #tpu.memory_space<vmem>>, vector<16xf32>,
        %mul3A_1433 = arith.constant 16 : i32
        %mul3A_1434 = arith.muli %scan3A_1425, %mul3A_1433 : i32
        %add3A_1435 = arith.constant 1024 : i32
        %add3A_1436 = arith.addi %add3A_1435, %mul3A_1434 : i32
        %get3A_1437 = arith.index_cast %add3A_1436 : i32 to index
        %get3A_1438 = tpu.vector_load %arg22[%get3A_1437] {strides = array<i32>} : memref<3072xf32, #tpu.memory_space<vmem>>, vector<16xf32>,
        %mul3A_1439 = arith.constant 16 : i32
        %mul3A_1440 = arith.muli %scan3A_1425, %mul3A_1439 : i32
        %add3A_1441 = arith.constant 2048 : i32
        %add3A_1442 = arith.addi %add3A_1441, %mul3A_1440 : i32
        %get3A_1443 = arith.index_cast %add3A_1442 : i32 to index
        %get3A_1444 = tpu.vector_load %arg22[%get3A_1443] {strides = array<i32>} : memref<3072xf32, #tpu.memory_space<vmem>>, vector<16xf32>,
        %mul3A_1445 = arith.mulf %get3A_1432, %mul3A_1244 : vector<16xf32>
        %mul3A_1446 = arith.constant 1.250000e-01 : f32
        %mul3A_1447 = vector.broadcast %mul3A_1446 : f32 to vector<16xf32>
        %mul3A_1448 = arith.mulf %get3A_1438, %mul3A_1447 : vector<16xf32>
        %add3A_1449 = arith.addf %mul3A_1445, %mul3A_1448 : vector<16xf32>
        %mul3A_1450 = arith.mulf %get3A_1444, %mul3A_1282 : vector<16xf32>
        %sub3A_1451 = arith.subf %add3A_1449, %mul3A_1450 : vector<16xf32>
        %abs3A = math.absf %sub3A_1451 : vector<16xf32>
        %add3A_1452 = arith.addf %scan3A_1426, %abs3A : vector<16xf32>
        scf.yield %add3A_1452 : vector<16xf32>
      }
      %scan3A_1288 = arith.constant 64 : i32
      %mul3A_1289 = arith.constant 16 : i32
      %mul3A_1290 = arith.muli %mul3A_833, %mul3A_1289 : i32
      %add3A_1291 = arith.constant 128 : i32
      %add3A_1292 = arith.addi %add3A_1291, %mul3A_1290 : i32
      %swap3A_1293 = arith.index_cast %add3A_1292 : i32 to index
      %swap3A_1294 = tpu.vector_load %arg23[%swap3A_1293] {strides = array<i32>} : memref<256xf32, #tpu.memory_space<vmem>>, vector<16xf32>,
      tpu.vector_store %arg23[%swap3A_1293], %scan3A_1287 {strides = array<i32>} : memref<256xf32, #tpu.memory_space<vmem>>, vector<16xf32>,
      %lt3A = arith.constant 3 : i32
      %lt3A_1295 = arith.cmpi slt, %scan3A_830, %lt3A : i32
      %convert_element_type3A = arith.extui %lt3A_1295 : i1 to i32
      %cond3A = arith.constant 0 : i32
      %cond3A_1296 = arith.cmpi ne, %convert_element_type3A, %cond3A : i32
      scf.if %cond3A_1296 {
        %add3A_1425 = arith.constant 2 : i32
        %add3A_1426 = arith.addi %mul3A_833, %add3A_1425 : i32
        %mul3A_1427 = arith.constant 16 : i32
        %mul3A_1428 = arith.muli %add3A_1426, %mul3A_1427 : i32
        %add3A_1429 = vector.broadcast %mul3A_1428 : i32 to vector<16xi32>
        %add3A_1430 = arith.addi %add3A_1429, %iota3A : vector<16xi32>
        %mul3A_1431 = arith.constant 8 : i32
        %mul3A_1432 = vector.broadcast %mul3A_1431 : i32 to vector<16xi32>
        %mul3A_1433 = arith.muli %add3A_1430, %mul3A_1432 : vector<16xi32>
        %add3A_1434 = arith.constant 0 : i32
        %add3A_1435 = vector.broadcast %add3A_1434 : i32 to vector<16xi32>
        %add3A_1436 = arith.addi %mul3A_1433, %add3A_1435 : vector<16xi32>
        %gather3A_1437 = tpu.vector_load_idx %arg15[%add3A_1436] : memref<1024xi32, #tpu.memory_space<vmem>>[vector<16xi32>], vector<16xi32>,
        %swap3A_1438 = arith.constant 0 : index
        %swap3A_1439 = tpu.vector_load %arg20[%swap3A_1438] {strides = array<i32>} : memref<384xi32, #tpu.memory_space<vmem>>, vector<16xi32>,
        tpu.vector_store %arg20[%swap3A_1438], %gather3A_1437 {strides = array<i32>} : memref<384xi32, #tpu.memory_space<vmem>>, vector<16xi32>,
        %mul3A_1440 = arith.constant 16 : i32
        %mul3A_1441 = arith.muli %add3A_1426, %mul3A_1440 : i32
        %add3A_1442 = vector.broadcast %mul3A_1441 : i32 to vector<16xi32>
        %add3A_1443 = arith.addi %add3A_1442, %iota3A : vector<16xi32>
        %mul3A_1444 = arith.constant 8 : i32
        %mul3A_1445 = vector.broadcast %mul3A_1444 : i32 to vector<16xi32>
        %mul3A_1446 = arith.muli %add3A_1443, %mul3A_1445 : vector<16xi32>
        %add3A_1447 = arith.constant 1 : i32
        %add3A_1448 = vector.broadcast %add3A_1447 : i32 to vector<16xi32>
        %add3A_1449 = arith.addi %mul3A_1446, %add3A_1448 : vector<16xi32>
        %gather3A_1450 = tpu.vector_load_idx %arg15[%add3A_1449] : memref<1024xi32, #tpu.memory_space<vmem>>[vector<16xi32>], vector<16xi32>,
        %swap3A_1451 = arith.constant 16 : index
        %swap3A_1452 = tpu.vector_load %arg20[%swap3A_1451] {strides = array<i32>} : memref<384xi32, #tpu.memory_space<vmem>>, vector<16xi32>,
        tpu.vector_store %arg20[%swap3A_1451], %gather3A_1450 {strides = array<i32>} : memref<384xi32, #tpu.memory_space<vmem>>, vector<16xi32>,
        %mul3A_1453 = arith.constant 16 : i32
        %mul3A_1454 = arith.muli %add3A_1426, %mul3A_1453 : i32
        %add3A_1455 = vector.broadcast %mul3A_1454 : i32 to vector<16xi32>
        %add3A_1456 = arith.addi %add3A_1455, %iota3A : vector<16xi32>
        %mul3A_1457 = arith.constant 8 : i32
        %mul3A_1458 = vector.broadcast %mul3A_1457 : i32 to vector<16xi32>
        %mul3A_1459 = arith.muli %add3A_1456, %mul3A_1458 : vector<16xi32>
        %add3A_1460 = arith.constant 2 : i32
        %add3A_1461 = vector.broadcast %add3A_1460 : i32 to vector<16xi32>
        %add3A_1462 = arith.addi %mul3A_1459, %add3A_1461 : vector<16xi32>
        %gather3A_1463 = tpu.vector_load_idx %arg15[%add3A_1462] : memref<1024xi32, #tpu.memory_space<vmem>>[vector<16xi32>], vector<16xi32>,
        %swap3A_1464 = arith.constant 32 : index
        %swap3A_1465 = tpu.vector_load %arg20[%swap3A_1464] {strides = array<i32>} : memref<384xi32, #tpu.memory_space<vmem>>, vector<16xi32>,
        tpu.vector_store %arg20[%swap3A_1464], %gather3A_1463 {strides = array<i32>} : memref<384xi32, #tpu.memory_space<vmem>>, vector<16xi32>,
        %mul3A_1466 = arith.constant 16 : i32
        %mul3A_1467 = arith.muli %add3A_1426, %mul3A_1466 : i32
        %add3A_1468 = vector.broadcast %mul3A_1467 : i32 to vector<16xi32>
        %add3A_1469 = arith.addi %add3A_1468, %iota3A : vector<16xi32>
        %mul3A_1470 = arith.constant 8 : i32
        %mul3A_1471 = vector.broadcast %mul3A_1470 : i32 to vector<16xi32>
        %mul3A_1472 = arith.muli %add3A_1469, %mul3A_1471 : vector<16xi32>
        %add3A_1473 = arith.constant 3 : i32
        %add3A_1474 = vector.broadcast %add3A_1473 : i32 to vector<16xi32>
        %add3A_1475 = arith.addi %mul3A_1472, %add3A_1474 : vector<16xi32>
        %gather3A_1476 = tpu.vector_load_idx %arg15[%add3A_1475] : memref<1024xi32, #tpu.memory_space<vmem>>[vector<16xi32>], vector<16xi32>,
        %swap3A_1477 = arith.constant 48 : index
        %swap3A_1478 = tpu.vector_load %arg20[%swap3A_1477] {strides = array<i32>} : memref<384xi32, #tpu.memory_space<vmem>>, vector<16xi32>,
        tpu.vector_store %arg20[%swap3A_1477], %gather3A_1476 {strides = array<i32>} : memref<384xi32, #tpu.memory_space<vmem>>, vector<16xi32>,
        %mul3A_1479 = arith.constant 16 : i32
        %mul3A_1480 = arith.muli %add3A_1426, %mul3A_1479 : i32
        %add3A_1481 = vector.broadcast %mul3A_1480 : i32 to vector<16xi32>
        %add3A_1482 = arith.addi %add3A_1481, %iota3A : vector<16xi32>
        %mul3A_1483 = arith.constant 8 : i32
        %mul3A_1484 = vector.broadcast %mul3A_1483 : i32 to vector<16xi32>
        %mul3A_1485 = arith.muli %add3A_1482, %mul3A_1484 : vector<16xi32>
        %add3A_1486 = arith.constant 4 : i32
        %add3A_1487 = vector.broadcast %add3A_1486 : i32 to vector<16xi32>
        %add3A_1488 = arith.addi %mul3A_1485, %add3A_1487 : vector<16xi32>
        %gather3A_1489 = tpu.vector_load_idx %arg15[%add3A_1488] : memref<1024xi32, #tpu.memory_space<vmem>>[vector<16xi32>], vector<16xi32>,
        %swap3A_1490 = arith.constant 64 : index
        %swap3A_1491 = tpu.vector_load %arg20[%swap3A_1490] {strides = array<i32>} : memref<384xi32, #tpu.memory_space<vmem>>, vector<16xi32>,
        tpu.vector_store %arg20[%swap3A_1490], %gather3A_1489 {strides = array<i32>} : memref<384xi32, #tpu.memory_space<vmem>>, vector<16xi32>,
        %mul3A_1492 = arith.constant 16 : i32
        %mul3A_1493 = arith.muli %add3A_1426, %mul3A_1492 : i32
        %add3A_1494 = vector.broadcast %mul3A_1493 : i32 to vector<16xi32>
        %add3A_1495 = arith.addi %add3A_1494, %iota3A : vector<16xi32>
        %mul3A_1496 = arith.constant 8 : i32
        %mul3A_1497 = vector.broadcast %mul3A_1496 : i32 to vector<16xi32>
        %mul3A_1498 = arith.muli %add3A_1495, %mul3A_1497 : vector<16xi32>
        %add3A_1499 = arith.constant 5 : i32
        %add3A_1500 = vector.broadcast %add3A_1499 : i32 to vector<16xi32>
        %add3A_1501 = arith.addi %mul3A_1498, %add3A_1500 : vector<16xi32>
        %gather3A_1502 = tpu.vector_load_idx %arg15[%add3A_1501] : memref<1024xi32, #tpu.memory_space<vmem>>[vector<16xi32>], vector<16xi32>,
        %swap3A_1503 = arith.constant 80 : index
        %swap3A_1504 = tpu.vector_load %arg20[%swap3A_1503] {strides = array<i32>} : memref<384xi32, #tpu.memory_space<vmem>>, vector<16xi32>,
        tpu.vector_store %arg20[%swap3A_1503], %gather3A_1502 {strides = array<i32>} : memref<384xi32, #tpu.memory_space<vmem>>, vector<16xi32>,
        %mul3A_1505 = arith.constant 16 : i32
        %mul3A_1506 = arith.muli %add3A_1426, %mul3A_1505 : i32
        %add3A_1507 = vector.broadcast %mul3A_1506 : i32 to vector<16xi32>
        %add3A_1508 = arith.addi %add3A_1507, %iota3A : vector<16xi32>
        %mul3A_1509 = arith.constant 8 : i32
        %mul3A_1510 = vector.broadcast %mul3A_1509 : i32 to vector<16xi32>
        %mul3A_1511 = arith.muli %add3A_1508, %mul3A_1510 : vector<16xi32>
        %add3A_1512 = arith.constant 6 : i32
        %add3A_1513 = vector.broadcast %add3A_1512 : i32 to vector<16xi32>
        %add3A_1514 = arith.addi %mul3A_1511, %add3A_1513 : vector<16xi32>
        %gather3A_1515 = tpu.vector_load_idx %arg15[%add3A_1514] : memref<1024xi32, #tpu.memory_space<vmem>>[vector<16xi32>], vector<16xi32>,
        %swap3A_1516 = arith.constant 96 : index
        %swap3A_1517 = tpu.vector_load %arg20[%swap3A_1516] {strides = array<i32>} : memref<384xi32, #tpu.memory_space<vmem>>, vector<16xi32>,
        tpu.vector_store %arg20[%swap3A_1516], %gather3A_1515 {strides = array<i32>} : memref<384xi32, #tpu.memory_space<vmem>>, vector<16xi32>,
        %mul3A_1518 = arith.constant 16 : i32
        %mul3A_1519 = arith.muli %add3A_1426, %mul3A_1518 : i32
        %add3A_1520 = vector.broadcast %mul3A_1519 : i32 to vector<16xi32>
        %add3A_1521 = arith.addi %add3A_1520, %iota3A : vector<16xi32>
        %mul3A_1522 = arith.constant 8 : i32
        %mul3A_1523 = vector.broadcast %mul3A_1522 : i32 to vector<16xi32>
        %mul3A_1524 = arith.muli %add3A_1521, %mul3A_1523 : vector<16xi32>
        %add3A_1525 = arith.constant 7 : i32
        %add3A_1526 = vector.broadcast %add3A_1525 : i32 to vector<16xi32>
        %add3A_1527 = arith.addi %mul3A_1524, %add3A_1526 : vector<16xi32>
        %gather3A_1528 = tpu.vector_load_idx %arg15[%add3A_1527] : memref<1024xi32, #tpu.memory_space<vmem>>[vector<16xi32>], vector<16xi32>,
        %swap3A_1529 = arith.constant 112 : index
        %swap3A_1530 = tpu.vector_load %arg20[%swap3A_1529] {strides = array<i32>} : memref<384xi32, #tpu.memory_space<vmem>>, vector<16xi32>,
        tpu.vector_store %arg20[%swap3A_1529], %gather3A_1528 {strides = array<i32>} : memref<384xi32, #tpu.memory_space<vmem>>, vector<16xi32>,
        %mul3A_1531 = arith.constant 16 : i32
        %mul3A_1532 = arith.muli %add3A_1426, %mul3A_1531 : i32
        %add3A_1533 = vector.broadcast %mul3A_1532 : i32 to vector<16xi32>
        %add3A_1534 = arith.addi %add3A_1533, %iota3A : vector<16xi32>
        %mul3A_1535 = arith.constant 8 : i32
        %mul3A_1536 = vector.broadcast %mul3A_1535 : i32 to vector<16xi32>
        %mul3A_1537 = arith.muli %add3A_1534, %mul3A_1536 : vector<16xi32>
        %add3A_1538 = arith.constant 0 : i32
        %add3A_1539 = vector.broadcast %add3A_1538 : i32 to vector<16xi32>
        %add3A_1540 = arith.addi %mul3A_1537, %add3A_1539 : vector<16xi32>
        %gather3A_1541 = tpu.vector_load_idx %arg17[%add3A_1540] : memref<1024xi32, #tpu.memory_space<vmem>>[vector<16xi32>], vector<16xi32>,
        %swap3A_1542 = arith.constant 128 : index
        %swap3A_1543 = tpu.vector_load %arg20[%swap3A_1542] {strides = array<i32>} : memref<384xi32, #tpu.memory_space<vmem>>, vector<16xi32>,
        tpu.vector_store %arg20[%swap3A_1542], %gather3A_1541 {strides = array<i32>} : memref<384xi32, #tpu.memory_space<vmem>>, vector<16xi32>,
        %mul3A_1544 = arith.constant 16 : i32
        %mul3A_1545 = arith.muli %add3A_1426, %mul3A_1544 : i32
        %add3A_1546 = vector.broadcast %mul3A_1545 : i32 to vector<16xi32>
        %add3A_1547 = arith.addi %add3A_1546, %iota3A : vector<16xi32>
        %mul3A_1548 = arith.constant 8 : i32
        %mul3A_1549 = vector.broadcast %mul3A_1548 : i32 to vector<16xi32>
        %mul3A_1550 = arith.muli %add3A_1547, %mul3A_1549 : vector<16xi32>
        %add3A_1551 = arith.constant 1 : i32
        %add3A_1552 = vector.broadcast %add3A_1551 : i32 to vector<16xi32>
        %add3A_1553 = arith.addi %mul3A_1550, %add3A_1552 : vector<16xi32>
        %gather3A_1554 = tpu.vector_load_idx %arg17[%add3A_1553] : memref<1024xi32, #tpu.memory_space<vmem>>[vector<16xi32>], vector<16xi32>,
        %swap3A_1555 = arith.constant 144 : index
        %swap3A_1556 = tpu.vector_load %arg20[%swap3A_1555] {strides = array<i32>} : memref<384xi32, #tpu.memory_space<vmem>>, vector<16xi32>,
        tpu.vector_store %arg20[%swap3A_1555], %gather3A_1554 {strides = array<i32>} : memref<384xi32, #tpu.memory_space<vmem>>, vector<16xi32>,
        %mul3A_1557 = arith.constant 16 : i32
        %mul3A_1558 = arith.muli %add3A_1426, %mul3A_1557 : i32
        %add3A_1559 = vector.broadcast %mul3A_1558 : i32 to vector<16xi32>
        %add3A_1560 = arith.addi %add3A_1559, %iota3A : vector<16xi32>
        %mul3A_1561 = arith.constant 8 : i32
        %mul3A_1562 = vector.broadcast %mul3A_1561 : i32 to vector<16xi32>
        %mul3A_1563 = arith.muli %add3A_1560, %mul3A_1562 : vector<16xi32>
        %add3A_1564 = arith.constant 2 : i32
        %add3A_1565 = vector.broadcast %add3A_1564 : i32 to vector<16xi32>
        %add3A_1566 = arith.addi %mul3A_1563, %add3A_1565 : vector<16xi32>
        %gather3A_1567 = tpu.vector_load_idx %arg17[%add3A_1566] : memref<1024xi32, #tpu.memory_space<vmem>>[vector<16xi32>], vector<16xi32>,
        %swap3A_1568 = arith.constant 160 : index
        %swap3A_1569 = tpu.vector_load %arg20[%swap3A_1568] {strides = array<i32>} : memref<384xi32, #tpu.memory_space<vmem>>, vector<16xi32>,
        tpu.vector_store %arg20[%swap3A_1568], %gather3A_1567 {strides = array<i32>} : memref<384xi32, #tpu.memory_space<vmem>>, vector<16xi32>,
        %mul3A_1570 = arith.constant 16 : i32
        %mul3A_1571 = arith.muli %add3A_1426, %mul3A_1570 : i32
        %add3A_1572 = vector.broadcast %mul3A_1571 : i32 to vector<16xi32>
        %add3A_1573 = arith.addi %add3A_1572, %iota3A : vector<16xi32>
        %mul3A_1574 = arith.constant 8 : i32
        %mul3A_1575 = vector.broadcast %mul3A_1574 : i32 to vector<16xi32>
        %mul3A_1576 = arith.muli %add3A_1573, %mul3A_1575 : vector<16xi32>
        %add3A_1577 = arith.constant 3 : i32
        %add3A_1578 = vector.broadcast %add3A_1577 : i32 to vector<16xi32>
        %add3A_1579 = arith.addi %mul3A_1576, %add3A_1578 : vector<16xi32>
        %gather3A_1580 = tpu.vector_load_idx %arg17[%add3A_1579] : memref<1024xi32, #tpu.memory_space<vmem>>[vector<16xi32>], vector<16xi32>,
        %swap3A_1581 = arith.constant 176 : index
        %swap3A_1582 = tpu.vector_load %arg20[%swap3A_1581] {strides = array<i32>} : memref<384xi32, #tpu.memory_space<vmem>>, vector<16xi32>,
        tpu.vector_store %arg20[%swap3A_1581], %gather3A_1580 {strides = array<i32>} : memref<384xi32, #tpu.memory_space<vmem>>, vector<16xi32>,
        %mul3A_1583 = arith.constant 16 : i32
        %mul3A_1584 = arith.muli %add3A_1426, %mul3A_1583 : i32
        %add3A_1585 = vector.broadcast %mul3A_1584 : i32 to vector<16xi32>
        %add3A_1586 = arith.addi %add3A_1585, %iota3A : vector<16xi32>
        %mul3A_1587 = arith.constant 8 : i32
        %mul3A_1588 = vector.broadcast %mul3A_1587 : i32 to vector<16xi32>
        %mul3A_1589 = arith.muli %add3A_1586, %mul3A_1588 : vector<16xi32>
        %add3A_1590 = arith.constant 4 : i32
        %add3A_1591 = vector.broadcast %add3A_1590 : i32 to vector<16xi32>
        %add3A_1592 = arith.addi %mul3A_1589, %add3A_1591 : vector<16xi32>
        %gather3A_1593 = tpu.vector_load_idx %arg17[%add3A_1592] : memref<1024xi32, #tpu.memory_space<vmem>>[vector<16xi32>], vector<16xi32>,
        %swap3A_1594 = arith.constant 192 : index
        %swap3A_1595 = tpu.vector_load %arg20[%swap3A_1594] {strides = array<i32>} : memref<384xi32, #tpu.memory_space<vmem>>, vector<16xi32>,
        tpu.vector_store %arg20[%swap3A_1594], %gather3A_1593 {strides = array<i32>} : memref<384xi32, #tpu.memory_space<vmem>>, vector<16xi32>,
        %mul3A_1596 = arith.constant 16 : i32
        %mul3A_1597 = arith.muli %add3A_1426, %mul3A_1596 : i32
        %add3A_1598 = vector.broadcast %mul3A_1597 : i32 to vector<16xi32>
        %add3A_1599 = arith.addi %add3A_1598, %iota3A : vector<16xi32>
        %mul3A_1600 = arith.constant 8 : i32
        %mul3A_1601 = vector.broadcast %mul3A_1600 : i32 to vector<16xi32>
        %mul3A_1602 = arith.muli %add3A_1599, %mul3A_1601 : vector<16xi32>
        %add3A_1603 = arith.constant 5 : i32
        %add3A_1604 = vector.broadcast %add3A_1603 : i32 to vector<16xi32>
        %add3A_1605 = arith.addi %mul3A_1602, %add3A_1604 : vector<16xi32>
        %gather3A_1606 = tpu.vector_load_idx %arg17[%add3A_1605] : memref<1024xi32, #tpu.memory_space<vmem>>[vector<16xi32>], vector<16xi32>,
        %swap3A_1607 = arith.constant 208 : index
        %swap3A_1608 = tpu.vector_load %arg20[%swap3A_1607] {strides = array<i32>} : memref<384xi32, #tpu.memory_space<vmem>>, vector<16xi32>,
        tpu.vector_store %arg20[%swap3A_1607], %gather3A_1606 {strides = array<i32>} : memref<384xi32, #tpu.memory_space<vmem>>, vector<16xi32>,
        %mul3A_1609 = arith.constant 16 : i32
        %mul3A_1610 = arith.muli %add3A_1426, %mul3A_1609 : i32
        %add3A_1611 = vector.broadcast %mul3A_1610 : i32 to vector<16xi32>
        %add3A_1612 = arith.addi %add3A_1611, %iota3A : vector<16xi32>
        %mul3A_1613 = arith.constant 8 : i32
        %mul3A_1614 = vector.broadcast %mul3A_1613 : i32 to vector<16xi32>
        %mul3A_1615 = arith.muli %add3A_1612, %mul3A_1614 : vector<16xi32>
        %add3A_1616 = arith.constant 6 : i32
        %add3A_1617 = vector.broadcast %add3A_1616 : i32 to vector<16xi32>
        %add3A_1618 = arith.addi %mul3A_1615, %add3A_1617 : vector<16xi32>
        %gather3A_1619 = tpu.vector_load_idx %arg17[%add3A_1618] : memref<1024xi32, #tpu.memory_space<vmem>>[vector<16xi32>], vector<16xi32>,
        %swap3A_1620 = arith.constant 224 : index
        %swap3A_1621 = tpu.vector_load %arg20[%swap3A_1620] {strides = array<i32>} : memref<384xi32, #tpu.memory_space<vmem>>, vector<16xi32>,
        tpu.vector_store %arg20[%swap3A_1620], %gather3A_1619 {strides = array<i32>} : memref<384xi32, #tpu.memory_space<vmem>>, vector<16xi32>,
        %mul3A_1622 = arith.constant 16 : i32
        %mul3A_1623 = arith.muli %add3A_1426, %mul3A_1622 : i32
        %add3A_1624 = vector.broadcast %mul3A_1623 : i32 to vector<16xi32>
        %add3A_1625 = arith.addi %add3A_1624, %iota3A : vector<16xi32>
        %mul3A_1626 = arith.constant 8 : i32
        %mul3A_1627 = vector.broadcast %mul3A_1626 : i32 to vector<16xi32>
        %mul3A_1628 = arith.muli %add3A_1625, %mul3A_1627 : vector<16xi32>
        %add3A_1629 = arith.constant 7 : i32
        %add3A_1630 = vector.broadcast %add3A_1629 : i32 to vector<16xi32>
        %add3A_1631 = arith.addi %mul3A_1628, %add3A_1630 : vector<16xi32>
        %gather3A_1632 = tpu.vector_load_idx %arg17[%add3A_1631] : memref<1024xi32, #tpu.memory_space<vmem>>[vector<16xi32>], vector<16xi32>,
        %swap3A_1633 = arith.constant 240 : index
        %swap3A_1634 = tpu.vector_load %arg20[%swap3A_1633] {strides = array<i32>} : memref<384xi32, #tpu.memory_space<vmem>>, vector<16xi32>,
        tpu.vector_store %arg20[%swap3A_1633], %gather3A_1632 {strides = array<i32>} : memref<384xi32, #tpu.memory_space<vmem>>, vector<16xi32>,
        %mul3A_1635 = arith.constant 16 : i32
        %mul3A_1636 = arith.muli %add3A_1426, %mul3A_1635 : i32
        %add3A_1637 = vector.broadcast %mul3A_1636 : i32 to vector<16xi32>
        %add3A_1638 = arith.addi %add3A_1637, %iota3A : vector<16xi32>
        %mul3A_1639 = arith.constant 8 : i32
        %mul3A_1640 = vector.broadcast %mul3A_1639 : i32 to vector<16xi32>
        %mul3A_1641 = arith.muli %add3A_1638, %mul3A_1640 : vector<16xi32>
        %add3A_1642 = arith.constant 0 : i32
        %add3A_1643 = vector.broadcast %add3A_1642 : i32 to vector<16xi32>
        %add3A_1644 = arith.addi %mul3A_1641, %add3A_1643 : vector<16xi32>
        %gather3A_1645 = tpu.vector_load_idx %arg16[%add3A_1644] : memref<1024xi32, #tpu.memory_space<vmem>>[vector<16xi32>], vector<16xi32>,
        %swap3A_1646 = arith.constant 256 : index
        %swap3A_1647 = tpu.vector_load %arg20[%swap3A_1646] {strides = array<i32>} : memref<384xi32, #tpu.memory_space<vmem>>, vector<16xi32>,
        tpu.vector_store %arg20[%swap3A_1646], %gather3A_1645 {strides = array<i32>} : memref<384xi32, #tpu.memory_space<vmem>>, vector<16xi32>,
        %mul3A_1648 = arith.constant 16 : i32
        %mul3A_1649 = arith.muli %add3A_1426, %mul3A_1648 : i32
        %add3A_1650 = vector.broadcast %mul3A_1649 : i32 to vector<16xi32>
        %add3A_1651 = arith.addi %add3A_1650, %iota3A : vector<16xi32>
        %mul3A_1652 = arith.constant 8 : i32
        %mul3A_1653 = vector.broadcast %mul3A_1652 : i32 to vector<16xi32>
        %mul3A_1654 = arith.muli %add3A_1651, %mul3A_1653 : vector<16xi32>
        %add3A_1655 = arith.constant 1 : i32
        %add3A_1656 = vector.broadcast %add3A_1655 : i32 to vector<16xi32>
        %add3A_1657 = arith.addi %mul3A_1654, %add3A_1656 : vector<16xi32>
        %gather3A_1658 = tpu.vector_load_idx %arg16[%add3A_1657] : memref<1024xi32, #tpu.memory_space<vmem>>[vector<16xi32>], vector<16xi32>,
        %swap3A_1659 = arith.constant 272 : index
        %swap3A_1660 = tpu.vector_load %arg20[%swap3A_1659] {strides = array<i32>} : memref<384xi32, #tpu.memory_space<vmem>>, vector<16xi32>,
        tpu.vector_store %arg20[%swap3A_1659], %gather3A_1658 {strides = array<i32>} : memref<384xi32, #tpu.memory_space<vmem>>, vector<16xi32>,
        %mul3A_1661 = arith.constant 16 : i32
        %mul3A_1662 = arith.muli %add3A_1426, %mul3A_1661 : i32
        %add3A_1663 = vector.broadcast %mul3A_1662 : i32 to vector<16xi32>
        %add3A_1664 = arith.addi %add3A_1663, %iota3A : vector<16xi32>
        %mul3A_1665 = arith.constant 8 : i32
        %mul3A_1666 = vector.broadcast %mul3A_1665 : i32 to vector<16xi32>
        %mul3A_1667 = arith.muli %add3A_1664, %mul3A_1666 : vector<16xi32>
        %add3A_1668 = arith.constant 2 : i32
        %add3A_1669 = vector.broadcast %add3A_1668 : i32 to vector<16xi32>
        %add3A_1670 = arith.addi %mul3A_1667, %add3A_1669 : vector<16xi32>
        %gather3A_1671 = tpu.vector_load_idx %arg16[%add3A_1670] : memref<1024xi32, #tpu.memory_space<vmem>>[vector<16xi32>], vector<16xi32>,
        %swap3A_1672 = arith.constant 288 : index
        %swap3A_1673 = tpu.vector_load %arg20[%swap3A_1672] {strides = array<i32>} : memref<384xi32, #tpu.memory_space<vmem>>, vector<16xi32>,
        tpu.vector_store %arg20[%swap3A_1672], %gather3A_1671 {strides = array<i32>} : memref<384xi32, #tpu.memory_space<vmem>>, vector<16xi32>,
        %mul3A_1674 = arith.constant 16 : i32
        %mul3A_1675 = arith.muli %add3A_1426, %mul3A_1674 : i32
        %add3A_1676 = vector.broadcast %mul3A_1675 : i32 to vector<16xi32>
        %add3A_1677 = arith.addi %add3A_1676, %iota3A : vector<16xi32>
        %mul3A_1678 = arith.constant 8 : i32
        %mul3A_1679 = vector.broadcast %mul3A_1678 : i32 to vector<16xi32>
        %mul3A_1680 = arith.muli %add3A_1677, %mul3A_1679 : vector<16xi32>
        %add3A_1681 = arith.constant 3 : i32
        %add3A_1682 = vector.broadcast %add3A_1681 : i32 to vector<16xi32>
        %add3A_1683 = arith.addi %mul3A_1680, %add3A_1682 : vector<16xi32>
        %gather3A_1684 = tpu.vector_load_idx %arg16[%add3A_1683] : memref<1024xi32, #tpu.memory_space<vmem>>[vector<16xi32>], vector<16xi32>,
        %swap3A_1685 = arith.constant 304 : index
        %swap3A_1686 = tpu.vector_load %arg20[%swap3A_1685] {strides = array<i32>} : memref<384xi32, #tpu.memory_space<vmem>>, vector<16xi32>,
        tpu.vector_store %arg20[%swap3A_1685], %gather3A_1684 {strides = array<i32>} : memref<384xi32, #tpu.memory_space<vmem>>, vector<16xi32>,
        %mul3A_1687 = arith.constant 16 : i32
        %mul3A_1688 = arith.muli %add3A_1426, %mul3A_1687 : i32
        %add3A_1689 = vector.broadcast %mul3A_1688 : i32 to vector<16xi32>
        %add3A_1690 = arith.addi %add3A_1689, %iota3A : vector<16xi32>
        %mul3A_1691 = arith.constant 8 : i32
        %mul3A_1692 = vector.broadcast %mul3A_1691 : i32 to vector<16xi32>
        %mul3A_1693 = arith.muli %add3A_1690, %mul3A_1692 : vector<16xi32>
        %add3A_1694 = arith.constant 4 : i32
        %add3A_1695 = vector.broadcast %add3A_1694 : i32 to vector<16xi32>
        %add3A_1696 = arith.addi %mul3A_1693, %add3A_1695 : vector<16xi32>
        %gather3A_1697 = tpu.vector_load_idx %arg16[%add3A_1696] : memref<1024xi32, #tpu.memory_space<vmem>>[vector<16xi32>], vector<16xi32>,
        %swap3A_1698 = arith.constant 320 : index
        %swap3A_1699 = tpu.vector_load %arg20[%swap3A_1698] {strides = array<i32>} : memref<384xi32, #tpu.memory_space<vmem>>, vector<16xi32>,
        tpu.vector_store %arg20[%swap3A_1698], %gather3A_1697 {strides = array<i32>} : memref<384xi32, #tpu.memory_space<vmem>>, vector<16xi32>,
        %mul3A_1700 = arith.constant 16 : i32
        %mul3A_1701 = arith.muli %add3A_1426, %mul3A_1700 : i32
        %add3A_1702 = vector.broadcast %mul3A_1701 : i32 to vector<16xi32>
        %add3A_1703 = arith.addi %add3A_1702, %iota3A : vector<16xi32>
        %mul3A_1704 = arith.constant 8 : i32
        %mul3A_1705 = vector.broadcast %mul3A_1704 : i32 to vector<16xi32>
        %mul3A_1706 = arith.muli %add3A_1703, %mul3A_1705 : vector<16xi32>
        %add3A_1707 = arith.constant 5 : i32
        %add3A_1708 = vector.broadcast %add3A_1707 : i32 to vector<16xi32>
        %add3A_1709 = arith.addi %mul3A_1706, %add3A_1708 : vector<16xi32>
        %gather3A_1710 = tpu.vector_load_idx %arg16[%add3A_1709] : memref<1024xi32, #tpu.memory_space<vmem>>[vector<16xi32>], vector<16xi32>,
        %swap3A_1711 = arith.constant 336 : index
        %swap3A_1712 = tpu.vector_load %arg20[%swap3A_1711] {strides = array<i32>} : memref<384xi32, #tpu.memory_space<vmem>>, vector<16xi32>,
        tpu.vector_store %arg20[%swap3A_1711], %gather3A_1710 {strides = array<i32>} : memref<384xi32, #tpu.memory_space<vmem>>, vector<16xi32>,
        %mul3A_1713 = arith.constant 16 : i32
        %mul3A_1714 = arith.muli %add3A_1426, %mul3A_1713 : i32
        %add3A_1715 = vector.broadcast %mul3A_1714 : i32 to vector<16xi32>
        %add3A_1716 = arith.addi %add3A_1715, %iota3A : vector<16xi32>
        %mul3A_1717 = arith.constant 8 : i32
        %mul3A_1718 = vector.broadcast %mul3A_1717 : i32 to vector<16xi32>
        %mul3A_1719 = arith.muli %add3A_1716, %mul3A_1718 : vector<16xi32>
        %add3A_1720 = arith.constant 6 : i32
        %add3A_1721 = vector.broadcast %add3A_1720 : i32 to vector<16xi32>
        %add3A_1722 = arith.addi %mul3A_1719, %add3A_1721 : vector<16xi32>
        %gather3A_1723 = tpu.vector_load_idx %arg16[%add3A_1722] : memref<1024xi32, #tpu.memory_space<vmem>>[vector<16xi32>], vector<16xi32>,
        %swap3A_1724 = arith.constant 352 : index
        %swap3A_1725 = tpu.vector_load %arg20[%swap3A_1724] {strides = array<i32>} : memref<384xi32, #tpu.memory_space<vmem>>, vector<16xi32>,
        tpu.vector_store %arg20[%swap3A_1724], %gather3A_1723 {strides = array<i32>} : memref<384xi32, #tpu.memory_space<vmem>>, vector<16xi32>,
        %mul3A_1726 = arith.constant 16 : i32
        %mul3A_1727 = arith.muli %add3A_1426, %mul3A_1726 : i32
        %add3A_1728 = vector.broadcast %mul3A_1727 : i32 to vector<16xi32>
        %add3A_1729 = arith.addi %add3A_1728, %iota3A : vector<16xi32>
        %mul3A_1730 = arith.constant 8 : i32
        %mul3A_1731 = vector.broadcast %mul3A_1730 : i32 to vector<16xi32>
        %mul3A_1732 = arith.muli %add3A_1729, %mul3A_1731 : vector<16xi32>
        %add3A_1733 = arith.constant 7 : i32
        %add3A_1734 = vector.broadcast %add3A_1733 : i32 to vector<16xi32>
        %add3A_1735 = arith.addi %mul3A_1732, %add3A_1734 : vector<16xi32>
        %gather3A_1736 = tpu.vector_load_idx %arg16[%add3A_1735] : memref<1024xi32, #tpu.memory_space<vmem>>[vector<16xi32>], vector<16xi32>,
        %swap3A_1737 = arith.constant 368 : index
        %swap3A_1738 = tpu.vector_load %arg20[%swap3A_1737] {strides = array<i32>} : memref<384xi32, #tpu.memory_space<vmem>>, vector<16xi32>,
        tpu.vector_store %arg20[%swap3A_1737], %gather3A_1736 {strides = array<i32>} : memref<384xi32, #tpu.memory_space<vmem>>, vector<16xi32>,
        %dma_start3A_1739 = arith.constant 0 : i32
        %dma_start3A_1740 = arith.constant 0 : i32
        %dma_start3A_1741 = tpu.memref_slice %arg18[%dma_start3A_1739, %dma_start3A_1740] : memref<384x64xf32, #tpu.memory_space<vmem>> -> memref<128x64xf32, #tpu.memory_space<vmem>>
        %dma_start3A_1742 = arith.constant 0 : i32
        %dma_start3A_1743 = tpu.memref_slice %arg20[%dma_start3A_1742] : memref<384xi32, #tpu.memory_space<vmem>> -> memref<128xi32, #tpu.memory_space<vmem>>
        %dma_start3A_1744 = arith.constant 0 : i32
        %dma_start3A_1745 = arith.constant 0 : i32
        %dma_start3A_1746 = tpu.memref_slice %arg8[%dma_start3A_1744, %dma_start3A_1745] : memref<32000x64xf32, #tpu.memory_space<hbm>> -> memref<32000x64xf32, #tpu.memory_space<hbm>>
        tpu.enqueue_indirect_dma source(%dma_start3A_1746 : memref<32000x64xf32, #tpu.memory_space<hbm>>) target(%dma_start3A_1741 : memref<128x64xf32, #tpu.memory_space<vmem>>) offsets(%dma_start3A_1743 : memref<128xi32, #tpu.memory_space<vmem>>) semaphore(%arg25 : memref<!tpu.dma_semaphore, #tpu.memory_space<semaphore_mem>>)
        %dma_start3A_1747 = arith.constant 128 : i32
        %dma_start3A_1748 = arith.constant 0 : i32
        %dma_start3A_1749 = tpu.memref_slice %arg18[%dma_start3A_1747, %dma_start3A_1748] : memref<384x64xf32, #tpu.memory_space<vmem>> -> memref<128x64xf32, #tpu.memory_space<vmem>>
        %dma_start3A_1750 = arith.constant 128 : i32
        %dma_start3A_1751 = tpu.memref_slice %arg20[%dma_start3A_1750] : memref<384xi32, #tpu.memory_space<vmem>> -> memref<128xi32, #tpu.memory_space<vmem>>
        %dma_start3A_1752 = arith.constant 0 : i32
        %dma_start3A_1753 = arith.constant 0 : i32
        %dma_start3A_1754 = tpu.memref_slice %arg8[%dma_start3A_1752, %dma_start3A_1753] : memref<32000x64xf32, #tpu.memory_space<hbm>> -> memref<32000x64xf32, #tpu.memory_space<hbm>>
        tpu.enqueue_indirect_dma source(%dma_start3A_1754 : memref<32000x64xf32, #tpu.memory_space<hbm>>) target(%dma_start3A_1749 : memref<128x64xf32, #tpu.memory_space<vmem>>) offsets(%dma_start3A_1751 : memref<128xi32, #tpu.memory_space<vmem>>) semaphore(%arg25 : memref<!tpu.dma_semaphore, #tpu.memory_space<semaphore_mem>>)
        %dma_start3A_1755 = arith.constant 256 : i32
        %dma_start3A_1756 = arith.constant 0 : i32
        %dma_start3A_1757 = tpu.memref_slice %arg18[%dma_start3A_1755, %dma_start3A_1756] : memref<384x64xf32, #tpu.memory_space<vmem>> -> memref<128x64xf32, #tpu.memory_space<vmem>>
        %dma_start3A_1758 = arith.constant 256 : i32
        %dma_start3A_1759 = tpu.memref_slice %arg20[%dma_start3A_1758] : memref<384xi32, #tpu.memory_space<vmem>> -> memref<128xi32, #tpu.memory_space<vmem>>
        %dma_start3A_1760 = arith.constant 0 : i32
        %dma_start3A_1761 = arith.constant 0 : i32
        %dma_start3A_1762 = tpu.memref_slice %arg8[%dma_start3A_1760, %dma_start3A_1761] : memref<32000x64xf32, #tpu.memory_space<hbm>> -> memref<32000x64xf32, #tpu.memory_space<hbm>>
        tpu.enqueue_indirect_dma source(%dma_start3A_1762 : memref<32000x64xf32, #tpu.memory_space<hbm>>) target(%dma_start3A_1757 : memref<128x64xf32, #tpu.memory_space<vmem>>) offsets(%dma_start3A_1759 : memref<128xi32, #tpu.memory_space<vmem>>) semaphore(%arg25 : memref<!tpu.dma_semaphore, #tpu.memory_space<semaphore_mem>>)
      } else {
      }
      %dma_wait3A_1297 = arith.constant 0 : i32
      %dma_wait3A_1298 = arith.constant 0 : i32
      %dma_wait3A_1299 = tpu.memref_slice %arg19[%dma_wait3A_1297, %dma_wait3A_1298] : memref<384x64xf32, #tpu.memory_space<vmem>> -> memref<128x64xf32, #tpu.memory_space<vmem>>
      %dma_wait3A_1300 = arith.constant 0 : i32
      %dma_wait3A_1301 = tpu.memref_slice %arg21[%dma_wait3A_1300] : memref<384xi32, #tpu.memory_space<vmem>> -> memref<128xi32, #tpu.memory_space<vmem>>
      %dma_wait3A_1302 = arith.constant 0 : i32
      %dma_wait3A_1303 = arith.constant 0 : i32
      %dma_wait3A_1304 = tpu.memref_slice %arg8[%dma_wait3A_1302, %dma_wait3A_1303] : memref<32000x64xf32, #tpu.memory_space<hbm>> -> memref<32000x64xf32, #tpu.memory_space<hbm>>
      tpu.wait_indirect_dma semaphore(%arg26 : memref<!tpu.dma_semaphore, #tpu.memory_space<semaphore_mem>>) src(%dma_wait3A_1304 : memref<32000x64xf32, #tpu.memory_space<hbm>>) dst(%dma_wait3A_1299 : memref<128x64xf32, #tpu.memory_space<vmem>>)
      %dma_wait3A_1305 = arith.constant 128 : i32
      %dma_wait3A_1306 = arith.constant 0 : i32
      %dma_wait3A_1307 = tpu.memref_slice %arg19[%dma_wait3A_1305, %dma_wait3A_1306] : memref<384x64xf32, #tpu.memory_space<vmem>> -> memref<128x64xf32, #tpu.memory_space<vmem>>
      %dma_wait3A_1308 = arith.constant 128 : i32
      %dma_wait3A_1309 = tpu.memref_slice %arg21[%dma_wait3A_1308] : memref<384xi32, #tpu.memory_space<vmem>> -> memref<128xi32, #tpu.memory_space<vmem>>
      %dma_wait3A_1310 = arith.constant 0 : i32
      %dma_wait3A_1311 = arith.constant 0 : i32
      %dma_wait3A_1312 = tpu.memref_slice %arg8[%dma_wait3A_1310, %dma_wait3A_1311] : memref<32000x64xf32, #tpu.memory_space<hbm>> -> memref<32000x64xf32, #tpu.memory_space<hbm>>
      tpu.wait_indirect_dma semaphore(%arg26 : memref<!tpu.dma_semaphore, #tpu.memory_space<semaphore_mem>>) src(%dma_wait3A_1312 : memref<32000x64xf32, #tpu.memory_space<hbm>>) dst(%dma_wait3A_1307 : memref<128x64xf32, #tpu.memory_space<vmem>>)
      %dma_wait3A_1313 = arith.constant 256 : i32
      %dma_wait3A_1314 = arith.constant 0 : i32
      %dma_wait3A_1315 = tpu.memref_slice %arg19[%dma_wait3A_1313, %dma_wait3A_1314] : memref<384x64xf32, #tpu.memory_space<vmem>> -> memref<128x64xf32, #tpu.memory_space<vmem>>
      %dma_wait3A_1316 = arith.constant 256 : i32
      %dma_wait3A_1317 = tpu.memref_slice %arg21[%dma_wait3A_1316] : memref<384xi32, #tpu.memory_space<vmem>> -> memref<128xi32, #tpu.memory_space<vmem>>
      %dma_wait3A_1318 = arith.constant 0 : i32
      %dma_wait3A_1319 = arith.constant 0 : i32
      %dma_wait3A_1320 = tpu.memref_slice %arg8[%dma_wait3A_1318, %dma_wait3A_1319] : memref<32000x64xf32, #tpu.memory_space<hbm>> -> memref<32000x64xf32, #tpu.memory_space<hbm>>
      tpu.wait_indirect_dma semaphore(%arg26 : memref<!tpu.dma_semaphore, #tpu.memory_space<semaphore_mem>>) src(%dma_wait3A_1320 : memref<32000x64xf32, #tpu.memory_space<hbm>>) dst(%dma_wait3A_1315 : memref<128x64xf32, #tpu.memory_space<vmem>>)
      %add3A_1321 = arith.constant 1 : i32
      %add3A_1322 = arith.addi %mul3A_833, %add3A_1321 : i32
      %mul3A_1323 = arith.constant 16 : i32
      %mul3A_1324 = arith.muli %add3A_1322, %mul3A_1323 : i32
      %add3A_1325 = vector.broadcast %mul3A_1324 : i32 to vector<16xi32>
      %add3A_1326 = arith.addi %add3A_1325, %iota3A : vector<16xi32>
      %mul3A_1327 = arith.constant 64 : i32
      %mul3A_1328 = vector.broadcast %mul3A_1327 : i32 to vector<16xi32>
      %mul3A_1329 = arith.muli %add3A_1326, %mul3A_1328 : vector<16xi32>
      %scan3A_1330 = arith.constant 0 : i32
      %scan3A_1331 = arith.constant 32 : i32
      %scan3A_1332 = arith.addi %scan3A_1330, %scan3A_1331 : i32
      %scan3A_1333 = arith.constant 1 : i32
      %scan3A_1334:2 = scf.for %scan3A_1425 = %scan3A_1330 to %scan3A_1332 step %scan3A_1333 iter_args(%scan3A_1426 = %broadcast_in_dim3A_1, %scan3A_1427 = %broadcast_in_dim3A_1) -> (vector<16xf32>, vector<16xf32>)  : i32 {
        %mul3A_1428 = arith.constant 2 : i32
        %mul3A_1429 = arith.muli %scan3A_1425, %mul3A_1428 : i32
        %add3A_1430 = arith.constant 0 : i32
        %add3A_1431 = arith.addi %mul3A_1429, %add3A_1430 : i32
        %add3A_1432 = arith.constant 0 : i32
        %add3A_1433 = vector.broadcast %add3A_1432 : i32 to vector<16xi32>
        %add3A_1434 = arith.addi %add3A_1433, %iota3A : vector<16xi32>
        %broadcast_in_dim3A_1435 = vector.broadcast %add3A_1431 : i32 to vector<16xi32>
        %gather3A_1436 = tpu.vector_load_idx %arg19[%add3A_1434, %broadcast_in_dim3A_1435] : memref<384x64xf32, #tpu.memory_space<vmem>>[vector<16xi32>, vector<16xi32>], vector<16xf32>,
        %add3A_1437 = arith.constant 16 : i32
        %add3A_1438 = vector.broadcast %add3A_1437 : i32 to vector<16xi32>
        %add3A_1439 = arith.addi %add3A_1438, %iota3A : vector<16xi32>
        %broadcast_in_dim3A_1440 = vector.broadcast %add3A_1431 : i32 to vector<16xi32>
        %gather3A_1441 = tpu.vector_load_idx %arg19[%add3A_1439, %broadcast_in_dim3A_1440] : memref<384x64xf32, #tpu.memory_space<vmem>>[vector<16xi32>, vector<16xi32>], vector<16xf32>,
        %add3A_1442 = arith.addf %gather3A_1436, %gather3A_1441 : vector<16xf32>
        %add3A_1443 = arith.constant 32 : i32
        %add3A_1444 = vector.broadcast %add3A_1443 : i32 to vector<16xi32>
        %add3A_1445 = arith.addi %add3A_1444, %iota3A : vector<16xi32>
        %broadcast_in_dim3A_1446 = vector.broadcast %add3A_1431 : i32 to vector<16xi32>
        %gather3A_1447 = tpu.vector_load_idx %arg19[%add3A_1445, %broadcast_in_dim3A_1446] : memref<384x64xf32, #tpu.memory_space<vmem>>[vector<16xi32>, vector<16xi32>], vector<16xf32>,
        %add3A_1448 = arith.addf %add3A_1442, %gather3A_1447 : vector<16xf32>
        %add3A_1449 = arith.constant 48 : i32
        %add3A_1450 = vector.broadcast %add3A_1449 : i32 to vector<16xi32>
        %add3A_1451 = arith.addi %add3A_1450, %iota3A : vector<16xi32>
        %broadcast_in_dim3A_1452 = vector.broadcast %add3A_1431 : i32 to vector<16xi32>
        %gather3A_1453 = tpu.vector_load_idx %arg19[%add3A_1451, %broadcast_in_dim3A_1452] : memref<384x64xf32, #tpu.memory_space<vmem>>[vector<16xi32>, vector<16xi32>], vector<16xf32>,
        %add3A_1454 = arith.addf %add3A_1448, %gather3A_1453 : vector<16xf32>
        %add3A_1455 = arith.constant 64 : i32
        %add3A_1456 = vector.broadcast %add3A_1455 : i32 to vector<16xi32>
        %add3A_1457 = arith.addi %add3A_1456, %iota3A : vector<16xi32>
        %broadcast_in_dim3A_1458 = vector.broadcast %add3A_1431 : i32 to vector<16xi32>
        %gather3A_1459 = tpu.vector_load_idx %arg19[%add3A_1457, %broadcast_in_dim3A_1458] : memref<384x64xf32, #tpu.memory_space<vmem>>[vector<16xi32>, vector<16xi32>], vector<16xf32>,
        %add3A_1460 = arith.addf %add3A_1454, %gather3A_1459 : vector<16xf32>
        %add3A_1461 = arith.constant 80 : i32
        %add3A_1462 = vector.broadcast %add3A_1461 : i32 to vector<16xi32>
        %add3A_1463 = arith.addi %add3A_1462, %iota3A : vector<16xi32>
        %broadcast_in_dim3A_1464 = vector.broadcast %add3A_1431 : i32 to vector<16xi32>
        %gather3A_1465 = tpu.vector_load_idx %arg19[%add3A_1463, %broadcast_in_dim3A_1464] : memref<384x64xf32, #tpu.memory_space<vmem>>[vector<16xi32>, vector<16xi32>], vector<16xf32>,
        %add3A_1466 = arith.addf %add3A_1460, %gather3A_1465 : vector<16xf32>
        %add3A_1467 = arith.constant 96 : i32
        %add3A_1468 = vector.broadcast %add3A_1467 : i32 to vector<16xi32>
        %add3A_1469 = arith.addi %add3A_1468, %iota3A : vector<16xi32>
        %broadcast_in_dim3A_1470 = vector.broadcast %add3A_1431 : i32 to vector<16xi32>
        %gather3A_1471 = tpu.vector_load_idx %arg19[%add3A_1469, %broadcast_in_dim3A_1470] : memref<384x64xf32, #tpu.memory_space<vmem>>[vector<16xi32>, vector<16xi32>], vector<16xf32>,
        %add3A_1472 = arith.addf %add3A_1466, %gather3A_1471 : vector<16xf32>
        %add3A_1473 = arith.constant 112 : i32
        %add3A_1474 = vector.broadcast %add3A_1473 : i32 to vector<16xi32>
        %add3A_1475 = arith.addi %add3A_1474, %iota3A : vector<16xi32>
        %broadcast_in_dim3A_1476 = vector.broadcast %add3A_1431 : i32 to vector<16xi32>
        %gather3A_1477 = tpu.vector_load_idx %arg19[%add3A_1475, %broadcast_in_dim3A_1476] : memref<384x64xf32, #tpu.memory_space<vmem>>[vector<16xi32>, vector<16xi32>], vector<16xf32>,
        %add3A_1478 = arith.addf %add3A_1472, %gather3A_1477 : vector<16xf32>
        %add3A_1479 = arith.constant 128 : i32
        %add3A_1480 = vector.broadcast %add3A_1479 : i32 to vector<16xi32>
        %add3A_1481 = arith.addi %add3A_1480, %iota3A : vector<16xi32>
        %broadcast_in_dim3A_1482 = vector.broadcast %add3A_1431 : i32 to vector<16xi32>
        %gather3A_1483 = tpu.vector_load_idx %arg19[%add3A_1481, %broadcast_in_dim3A_1482] : memref<384x64xf32, #tpu.memory_space<vmem>>[vector<16xi32>, vector<16xi32>], vector<16xf32>,
        %add3A_1484 = arith.constant 144 : i32
        %add3A_1485 = vector.broadcast %add3A_1484 : i32 to vector<16xi32>
        %add3A_1486 = arith.addi %add3A_1485, %iota3A : vector<16xi32>
        %broadcast_in_dim3A_1487 = vector.broadcast %add3A_1431 : i32 to vector<16xi32>
        %gather3A_1488 = tpu.vector_load_idx %arg19[%add3A_1486, %broadcast_in_dim3A_1487] : memref<384x64xf32, #tpu.memory_space<vmem>>[vector<16xi32>, vector<16xi32>], vector<16xf32>,
        %add3A_1489 = arith.addf %gather3A_1483, %gather3A_1488 : vector<16xf32>
        %add3A_1490 = arith.constant 160 : i32
        %add3A_1491 = vector.broadcast %add3A_1490 : i32 to vector<16xi32>
        %add3A_1492 = arith.addi %add3A_1491, %iota3A : vector<16xi32>
        %broadcast_in_dim3A_1493 = vector.broadcast %add3A_1431 : i32 to vector<16xi32>
        %gather3A_1494 = tpu.vector_load_idx %arg19[%add3A_1492, %broadcast_in_dim3A_1493] : memref<384x64xf32, #tpu.memory_space<vmem>>[vector<16xi32>, vector<16xi32>], vector<16xf32>,
        %add3A_1495 = arith.addf %add3A_1489, %gather3A_1494 : vector<16xf32>
        %add3A_1496 = arith.constant 176 : i32
        %add3A_1497 = vector.broadcast %add3A_1496 : i32 to vector<16xi32>
        %add3A_1498 = arith.addi %add3A_1497, %iota3A : vector<16xi32>
        %broadcast_in_dim3A_1499 = vector.broadcast %add3A_1431 : i32 to vector<16xi32>
        %gather3A_1500 = tpu.vector_load_idx %arg19[%add3A_1498, %broadcast_in_dim3A_1499] : memref<384x64xf32, #tpu.memory_space<vmem>>[vector<16xi32>, vector<16xi32>], vector<16xf32>,
        %add3A_1501 = arith.addf %add3A_1495, %gather3A_1500 : vector<16xf32>
        %add3A_1502 = arith.constant 192 : i32
        %add3A_1503 = vector.broadcast %add3A_1502 : i32 to vector<16xi32>
        %add3A_1504 = arith.addi %add3A_1503, %iota3A : vector<16xi32>
        %broadcast_in_dim3A_1505 = vector.broadcast %add3A_1431 : i32 to vector<16xi32>
        %gather3A_1506 = tpu.vector_load_idx %arg19[%add3A_1504, %broadcast_in_dim3A_1505] : memref<384x64xf32, #tpu.memory_space<vmem>>[vector<16xi32>, vector<16xi32>], vector<16xf32>,
        %add3A_1507 = arith.addf %add3A_1501, %gather3A_1506 : vector<16xf32>
        %add3A_1508 = arith.constant 208 : i32
        %add3A_1509 = vector.broadcast %add3A_1508 : i32 to vector<16xi32>
        %add3A_1510 = arith.addi %add3A_1509, %iota3A : vector<16xi32>
        %broadcast_in_dim3A_1511 = vector.broadcast %add3A_1431 : i32 to vector<16xi32>
        %gather3A_1512 = tpu.vector_load_idx %arg19[%add3A_1510, %broadcast_in_dim3A_1511] : memref<384x64xf32, #tpu.memory_space<vmem>>[vector<16xi32>, vector<16xi32>], vector<16xf32>,
        %add3A_1513 = arith.addf %add3A_1507, %gather3A_1512 : vector<16xf32>
        %add3A_1514 = arith.constant 224 : i32
        %add3A_1515 = vector.broadcast %add3A_1514 : i32 to vector<16xi32>
        %add3A_1516 = arith.addi %add3A_1515, %iota3A : vector<16xi32>
        %broadcast_in_dim3A_1517 = vector.broadcast %add3A_1431 : i32 to vector<16xi32>
        %gather3A_1518 = tpu.vector_load_idx %arg19[%add3A_1516, %broadcast_in_dim3A_1517] : memref<384x64xf32, #tpu.memory_space<vmem>>[vector<16xi32>, vector<16xi32>], vector<16xf32>,
        %add3A_1519 = arith.addf %add3A_1513, %gather3A_1518 : vector<16xf32>
        %add3A_1520 = arith.constant 240 : i32
        %add3A_1521 = vector.broadcast %add3A_1520 : i32 to vector<16xi32>
        %add3A_1522 = arith.addi %add3A_1521, %iota3A : vector<16xi32>
        %broadcast_in_dim3A_1523 = vector.broadcast %add3A_1431 : i32 to vector<16xi32>
        %gather3A_1524 = tpu.vector_load_idx %arg19[%add3A_1522, %broadcast_in_dim3A_1523] : memref<384x64xf32, #tpu.memory_space<vmem>>[vector<16xi32>, vector<16xi32>], vector<16xf32>,
        %add3A_1525 = arith.addf %add3A_1519, %gather3A_1524 : vector<16xf32>
        %add3A_1526 = arith.constant 256 : i32
        %add3A_1527 = vector.broadcast %add3A_1526 : i32 to vector<16xi32>
        %add3A_1528 = arith.addi %add3A_1527, %iota3A : vector<16xi32>
        %broadcast_in_dim3A_1529 = vector.broadcast %add3A_1431 : i32 to vector<16xi32>
        %gather3A_1530 = tpu.vector_load_idx %arg19[%add3A_1528, %broadcast_in_dim3A_1529] : memref<384x64xf32, #tpu.memory_space<vmem>>[vector<16xi32>, vector<16xi32>], vector<16xf32>,
        %add3A_1531 = arith.constant 272 : i32
        %add3A_1532 = vector.broadcast %add3A_1531 : i32 to vector<16xi32>
        %add3A_1533 = arith.addi %add3A_1532, %iota3A : vector<16xi32>
        %broadcast_in_dim3A_1534 = vector.broadcast %add3A_1431 : i32 to vector<16xi32>
        %gather3A_1535 = tpu.vector_load_idx %arg19[%add3A_1533, %broadcast_in_dim3A_1534] : memref<384x64xf32, #tpu.memory_space<vmem>>[vector<16xi32>, vector<16xi32>], vector<16xf32>,
        %add3A_1536 = arith.addf %gather3A_1530, %gather3A_1535 : vector<16xf32>
        %add3A_1537 = arith.constant 288 : i32
        %add3A_1538 = vector.broadcast %add3A_1537 : i32 to vector<16xi32>
        %add3A_1539 = arith.addi %add3A_1538, %iota3A : vector<16xi32>
        %broadcast_in_dim3A_1540 = vector.broadcast %add3A_1431 : i32 to vector<16xi32>
        %gather3A_1541 = tpu.vector_load_idx %arg19[%add3A_1539, %broadcast_in_dim3A_1540] : memref<384x64xf32, #tpu.memory_space<vmem>>[vector<16xi32>, vector<16xi32>], vector<16xf32>,
        %add3A_1542 = arith.addf %add3A_1536, %gather3A_1541 : vector<16xf32>
        %add3A_1543 = arith.constant 304 : i32
        %add3A_1544 = vector.broadcast %add3A_1543 : i32 to vector<16xi32>
        %add3A_1545 = arith.addi %add3A_1544, %iota3A : vector<16xi32>
        %broadcast_in_dim3A_1546 = vector.broadcast %add3A_1431 : i32 to vector<16xi32>
        %gather3A_1547 = tpu.vector_load_idx %arg19[%add3A_1545, %broadcast_in_dim3A_1546] : memref<384x64xf32, #tpu.memory_space<vmem>>[vector<16xi32>, vector<16xi32>], vector<16xf32>,
        %add3A_1548 = arith.addf %add3A_1542, %gather3A_1547 : vector<16xf32>
        %add3A_1549 = arith.constant 320 : i32
        %add3A_1550 = vector.broadcast %add3A_1549 : i32 to vector<16xi32>
        %add3A_1551 = arith.addi %add3A_1550, %iota3A : vector<16xi32>
        %broadcast_in_dim3A_1552 = vector.broadcast %add3A_1431 : i32 to vector<16xi32>
        %gather3A_1553 = tpu.vector_load_idx %arg19[%add3A_1551, %broadcast_in_dim3A_1552] : memref<384x64xf32, #tpu.memory_space<vmem>>[vector<16xi32>, vector<16xi32>], vector<16xf32>,
        %add3A_1554 = arith.addf %add3A_1548, %gather3A_1553 : vector<16xf32>
        %add3A_1555 = arith.constant 336 : i32
        %add3A_1556 = vector.broadcast %add3A_1555 : i32 to vector<16xi32>
        %add3A_1557 = arith.addi %add3A_1556, %iota3A : vector<16xi32>
        %broadcast_in_dim3A_1558 = vector.broadcast %add3A_1431 : i32 to vector<16xi32>
        %gather3A_1559 = tpu.vector_load_idx %arg19[%add3A_1557, %broadcast_in_dim3A_1558] : memref<384x64xf32, #tpu.memory_space<vmem>>[vector<16xi32>, vector<16xi32>], vector<16xf32>,
        %add3A_1560 = arith.addf %add3A_1554, %gather3A_1559 : vector<16xf32>
        %add3A_1561 = arith.constant 352 : i32
        %add3A_1562 = vector.broadcast %add3A_1561 : i32 to vector<16xi32>
        %add3A_1563 = arith.addi %add3A_1562, %iota3A : vector<16xi32>
        %broadcast_in_dim3A_1564 = vector.broadcast %add3A_1431 : i32 to vector<16xi32>
        %gather3A_1565 = tpu.vector_load_idx %arg19[%add3A_1563, %broadcast_in_dim3A_1564] : memref<384x64xf32, #tpu.memory_space<vmem>>[vector<16xi32>, vector<16xi32>], vector<16xf32>,
        %add3A_1566 = arith.addf %add3A_1560, %gather3A_1565 : vector<16xf32>
        %add3A_1567 = arith.constant 368 : i32
        %add3A_1568 = vector.broadcast %add3A_1567 : i32 to vector<16xi32>
        %add3A_1569 = arith.addi %add3A_1568, %iota3A : vector<16xi32>
        %broadcast_in_dim3A_1570 = vector.broadcast %add3A_1431 : i32 to vector<16xi32>
        %gather3A_1571 = tpu.vector_load_idx %arg19[%add3A_1569, %broadcast_in_dim3A_1570] : memref<384x64xf32, #tpu.memory_space<vmem>>[vector<16xi32>, vector<16xi32>], vector<16xf32>,
        %add3A_1572 = arith.addf %add3A_1566, %gather3A_1571 : vector<16xf32>
        %add3A_1573 = vector.broadcast %add3A_1431 : i32 to vector<16xi32>
        %add3A_1574 = arith.addi %mul3A_1329, %add3A_1573 : vector<16xi32>
        %gather3A_1575 = tpu.vector_load_idx %arg12[%add3A_1574] : memref<8192xf32, #tpu.memory_space<vmem>>[vector<16xi32>], vector<16xf32>,
        %add3A_1576 = vector.broadcast %add3A_1431 : i32 to vector<16xi32>
        %add3A_1577 = arith.addi %mul3A_1329, %add3A_1576 : vector<16xi32>
        %gather3A_1578 = tpu.vector_load_idx %arg13[%add3A_1577] : memref<8192xf32, #tpu.memory_space<vmem>>[vector<16xi32>], vector<16xf32>,
        %add3A_1579 = vector.broadcast %add3A_1431 : i32 to vector<16xi32>
        %add3A_1580 = arith.addi %mul3A_1329, %add3A_1579 : vector<16xi32>
        %gather3A_1581 = tpu.vector_load_idx %arg14[%add3A_1580] : memref<8192xf32, #tpu.memory_space<vmem>>[vector<16xi32>], vector<16xf32>,
        %mul3A_1582 = arith.mulf %gather3A_1575, %add3A_1478 : vector<16xf32>
        %mul3A_1583 = arith.constant 16 : i32
        %mul3A_1584 = arith.muli %add3A_1431, %mul3A_1583 : i32
        %add3A_1585 = arith.constant 0 : i32
        %add3A_1586 = arith.addi %add3A_1585, %mul3A_1584 : i32
        %swap3A_1587 = arith.index_cast %add3A_1586 : i32 to index
        %swap3A_1588 = tpu.vector_load %arg22[%swap3A_1587] {strides = array<i32>} : memref<3072xf32, #tpu.memory_space<vmem>>, vector<16xf32>,
        tpu.vector_store %arg22[%swap3A_1587], %mul3A_1582 {strides = array<i32>} : memref<3072xf32, #tpu.memory_space<vmem>>, vector<16xf32>,
        %mul3A_1589 = arith.mulf %gather3A_1581, %add3A_1525 : vector<16xf32>
        %mul3A_1590 = arith.constant 16 : i32
        %mul3A_1591 = arith.muli %add3A_1431, %mul3A_1590 : i32
        %add3A_1592 = arith.constant 1024 : i32
        %add3A_1593 = arith.addi %add3A_1592, %mul3A_1591 : i32
        %swap3A_1594 = arith.index_cast %add3A_1593 : i32 to index
        %swap3A_1595 = tpu.vector_load %arg22[%swap3A_1594] {strides = array<i32>} : memref<3072xf32, #tpu.memory_space<vmem>>, vector<16xf32>,
        tpu.vector_store %arg22[%swap3A_1594], %mul3A_1589 {strides = array<i32>} : memref<3072xf32, #tpu.memory_space<vmem>>, vector<16xf32>,
        %mul3A_1596 = arith.mulf %gather3A_1578, %add3A_1572 : vector<16xf32>
        %mul3A_1597 = arith.constant 16 : i32
        %mul3A_1598 = arith.muli %add3A_1431, %mul3A_1597 : i32
        %add3A_1599 = arith.constant 2048 : i32
        %add3A_1600 = arith.addi %add3A_1599, %mul3A_1598 : i32
        %swap3A_1601 = arith.index_cast %add3A_1600 : i32 to index
        %swap3A_1602 = tpu.vector_load %arg22[%swap3A_1601] {strides = array<i32>} : memref<3072xf32, #tpu.memory_space<vmem>>, vector<16xf32>,
        tpu.vector_store %arg22[%swap3A_1601], %mul3A_1596 {strides = array<i32>} : memref<3072xf32, #tpu.memory_space<vmem>>, vector<16xf32>,
        %mul3A_1603 = arith.mulf %gather3A_1575, %gather3A_1575 : vector<16xf32>
        %add3A_1604 = arith.addf %scan3A_1426, %mul3A_1603 : vector<16xf32>
        %mul3A_1605 = arith.mulf %gather3A_1578, %gather3A_1578 : vector<16xf32>
        %add3A_1606 = arith.addf %scan3A_1427, %mul3A_1605 : vector<16xf32>
        %mul3A_1607 = arith.constant 2 : i32
        %mul3A_1608 = arith.muli %scan3A_1425, %mul3A_1607 : i32
        %add3A_1609 = arith.constant 1 : i32
        %add3A_1610 = arith.addi %mul3A_1608, %add3A_1609 : i32
        %add3A_1611 = arith.constant 0 : i32
        %add3A_1612 = vector.broadcast %add3A_1611 : i32 to vector<16xi32>
        %add3A_1613 = arith.addi %add3A_1612, %iota3A : vector<16xi32>
        %broadcast_in_dim3A_1614 = vector.broadcast %add3A_1610 : i32 to vector<16xi32>
        %gather3A_1615 = tpu.vector_load_idx %arg19[%add3A_1613, %broadcast_in_dim3A_1614] : memref<384x64xf32, #tpu.memory_space<vmem>>[vector<16xi32>, vector<16xi32>], vector<16xf32>,
        %add3A_1616 = arith.constant 16 : i32
        %add3A_1617 = vector.broadcast %add3A_1616 : i32 to vector<16xi32>
        %add3A_1618 = arith.addi %add3A_1617, %iota3A : vector<16xi32>
        %broadcast_in_dim3A_1619 = vector.broadcast %add3A_1610 : i32 to vector<16xi32>
        %gather3A_1620 = tpu.vector_load_idx %arg19[%add3A_1618, %broadcast_in_dim3A_1619] : memref<384x64xf32, #tpu.memory_space<vmem>>[vector<16xi32>, vector<16xi32>], vector<16xf32>,
        %add3A_1621 = arith.addf %gather3A_1615, %gather3A_1620 : vector<16xf32>
        %add3A_1622 = arith.constant 32 : i32
        %add3A_1623 = vector.broadcast %add3A_1622 : i32 to vector<16xi32>
        %add3A_1624 = arith.addi %add3A_1623, %iota3A : vector<16xi32>
        %broadcast_in_dim3A_1625 = vector.broadcast %add3A_1610 : i32 to vector<16xi32>
        %gather3A_1626 = tpu.vector_load_idx %arg19[%add3A_1624, %broadcast_in_dim3A_1625] : memref<384x64xf32, #tpu.memory_space<vmem>>[vector<16xi32>, vector<16xi32>], vector<16xf32>,
        %add3A_1627 = arith.addf %add3A_1621, %gather3A_1626 : vector<16xf32>
        %add3A_1628 = arith.constant 48 : i32
        %add3A_1629 = vector.broadcast %add3A_1628 : i32 to vector<16xi32>
        %add3A_1630 = arith.addi %add3A_1629, %iota3A : vector<16xi32>
        %broadcast_in_dim3A_1631 = vector.broadcast %add3A_1610 : i32 to vector<16xi32>
        %gather3A_1632 = tpu.vector_load_idx %arg19[%add3A_1630, %broadcast_in_dim3A_1631] : memref<384x64xf32, #tpu.memory_space<vmem>>[vector<16xi32>, vector<16xi32>], vector<16xf32>,
        %add3A_1633 = arith.addf %add3A_1627, %gather3A_1632 : vector<16xf32>
        %add3A_1634 = arith.constant 64 : i32
        %add3A_1635 = vector.broadcast %add3A_1634 : i32 to vector<16xi32>
        %add3A_1636 = arith.addi %add3A_1635, %iota3A : vector<16xi32>
        %broadcast_in_dim3A_1637 = vector.broadcast %add3A_1610 : i32 to vector<16xi32>
        %gather3A_1638 = tpu.vector_load_idx %arg19[%add3A_1636, %broadcast_in_dim3A_1637] : memref<384x64xf32, #tpu.memory_space<vmem>>[vector<16xi32>, vector<16xi32>], vector<16xf32>,
        %add3A_1639 = arith.addf %add3A_1633, %gather3A_1638 : vector<16xf32>
        %add3A_1640 = arith.constant 80 : i32
        %add3A_1641 = vector.broadcast %add3A_1640 : i32 to vector<16xi32>
        %add3A_1642 = arith.addi %add3A_1641, %iota3A : vector<16xi32>
        %broadcast_in_dim3A_1643 = vector.broadcast %add3A_1610 : i32 to vector<16xi32>
        %gather3A_1644 = tpu.vector_load_idx %arg19[%add3A_1642, %broadcast_in_dim3A_1643] : memref<384x64xf32, #tpu.memory_space<vmem>>[vector<16xi32>, vector<16xi32>], vector<16xf32>,
        %add3A_1645 = arith.addf %add3A_1639, %gather3A_1644 : vector<16xf32>
        %add3A_1646 = arith.constant 96 : i32
        %add3A_1647 = vector.broadcast %add3A_1646 : i32 to vector<16xi32>
        %add3A_1648 = arith.addi %add3A_1647, %iota3A : vector<16xi32>
        %broadcast_in_dim3A_1649 = vector.broadcast %add3A_1610 : i32 to vector<16xi32>
        %gather3A_1650 = tpu.vector_load_idx %arg19[%add3A_1648, %broadcast_in_dim3A_1649] : memref<384x64xf32, #tpu.memory_space<vmem>>[vector<16xi32>, vector<16xi32>], vector<16xf32>,
        %add3A_1651 = arith.addf %add3A_1645, %gather3A_1650 : vector<16xf32>
        %add3A_1652 = arith.constant 112 : i32
        %add3A_1653 = vector.broadcast %add3A_1652 : i32 to vector<16xi32>
        %add3A_1654 = arith.addi %add3A_1653, %iota3A : vector<16xi32>
        %broadcast_in_dim3A_1655 = vector.broadcast %add3A_1610 : i32 to vector<16xi32>
        %gather3A_1656 = tpu.vector_load_idx %arg19[%add3A_1654, %broadcast_in_dim3A_1655] : memref<384x64xf32, #tpu.memory_space<vmem>>[vector<16xi32>, vector<16xi32>], vector<16xf32>,
        %add3A_1657 = arith.addf %add3A_1651, %gather3A_1656 : vector<16xf32>
        %add3A_1658 = arith.constant 128 : i32
        %add3A_1659 = vector.broadcast %add3A_1658 : i32 to vector<16xi32>
        %add3A_1660 = arith.addi %add3A_1659, %iota3A : vector<16xi32>
        %broadcast_in_dim3A_1661 = vector.broadcast %add3A_1610 : i32 to vector<16xi32>
        %gather3A_1662 = tpu.vector_load_idx %arg19[%add3A_1660, %broadcast_in_dim3A_1661] : memref<384x64xf32, #tpu.memory_space<vmem>>[vector<16xi32>, vector<16xi32>], vector<16xf32>,
        %add3A_1663 = arith.constant 144 : i32
        %add3A_1664 = vector.broadcast %add3A_1663 : i32 to vector<16xi32>
        %add3A_1665 = arith.addi %add3A_1664, %iota3A : vector<16xi32>
        %broadcast_in_dim3A_1666 = vector.broadcast %add3A_1610 : i32 to vector<16xi32>
        %gather3A_1667 = tpu.vector_load_idx %arg19[%add3A_1665, %broadcast_in_dim3A_1666] : memref<384x64xf32, #tpu.memory_space<vmem>>[vector<16xi32>, vector<16xi32>], vector<16xf32>,
        %add3A_1668 = arith.addf %gather3A_1662, %gather3A_1667 : vector<16xf32>
        %add3A_1669 = arith.constant 160 : i32
        %add3A_1670 = vector.broadcast %add3A_1669 : i32 to vector<16xi32>
        %add3A_1671 = arith.addi %add3A_1670, %iota3A : vector<16xi32>
        %broadcast_in_dim3A_1672 = vector.broadcast %add3A_1610 : i32 to vector<16xi32>
        %gather3A_1673 = tpu.vector_load_idx %arg19[%add3A_1671, %broadcast_in_dim3A_1672] : memref<384x64xf32, #tpu.memory_space<vmem>>[vector<16xi32>, vector<16xi32>], vector<16xf32>,
        %add3A_1674 = arith.addf %add3A_1668, %gather3A_1673 : vector<16xf32>
        %add3A_1675 = arith.constant 176 : i32
        %add3A_1676 = vector.broadcast %add3A_1675 : i32 to vector<16xi32>
        %add3A_1677 = arith.addi %add3A_1676, %iota3A : vector<16xi32>
        %broadcast_in_dim3A_1678 = vector.broadcast %add3A_1610 : i32 to vector<16xi32>
        %gather3A_1679 = tpu.vector_load_idx %arg19[%add3A_1677, %broadcast_in_dim3A_1678] : memref<384x64xf32, #tpu.memory_space<vmem>>[vector<16xi32>, vector<16xi32>], vector<16xf32>,
        %add3A_1680 = arith.addf %add3A_1674, %gather3A_1679 : vector<16xf32>
        %add3A_1681 = arith.constant 192 : i32
        %add3A_1682 = vector.broadcast %add3A_1681 : i32 to vector<16xi32>
        %add3A_1683 = arith.addi %add3A_1682, %iota3A : vector<16xi32>
        %broadcast_in_dim3A_1684 = vector.broadcast %add3A_1610 : i32 to vector<16xi32>
        %gather3A_1685 = tpu.vector_load_idx %arg19[%add3A_1683, %broadcast_in_dim3A_1684] : memref<384x64xf32, #tpu.memory_space<vmem>>[vector<16xi32>, vector<16xi32>], vector<16xf32>,
        %add3A_1686 = arith.addf %add3A_1680, %gather3A_1685 : vector<16xf32>
        %add3A_1687 = arith.constant 208 : i32
        %add3A_1688 = vector.broadcast %add3A_1687 : i32 to vector<16xi32>
        %add3A_1689 = arith.addi %add3A_1688, %iota3A : vector<16xi32>
        %broadcast_in_dim3A_1690 = vector.broadcast %add3A_1610 : i32 to vector<16xi32>
        %gather3A_1691 = tpu.vector_load_idx %arg19[%add3A_1689, %broadcast_in_dim3A_1690] : memref<384x64xf32, #tpu.memory_space<vmem>>[vector<16xi32>, vector<16xi32>], vector<16xf32>,
        %add3A_1692 = arith.addf %add3A_1686, %gather3A_1691 : vector<16xf32>
        %add3A_1693 = arith.constant 224 : i32
        %add3A_1694 = vector.broadcast %add3A_1693 : i32 to vector<16xi32>
        %add3A_1695 = arith.addi %add3A_1694, %iota3A : vector<16xi32>
        %broadcast_in_dim3A_1696 = vector.broadcast %add3A_1610 : i32 to vector<16xi32>
        %gather3A_1697 = tpu.vector_load_idx %arg19[%add3A_1695, %broadcast_in_dim3A_1696] : memref<384x64xf32, #tpu.memory_space<vmem>>[vector<16xi32>, vector<16xi32>], vector<16xf32>,
        %add3A_1698 = arith.addf %add3A_1692, %gather3A_1697 : vector<16xf32>
        %add3A_1699 = arith.constant 240 : i32
        %add3A_1700 = vector.broadcast %add3A_1699 : i32 to vector<16xi32>
        %add3A_1701 = arith.addi %add3A_1700, %iota3A : vector<16xi32>
        %broadcast_in_dim3A_1702 = vector.broadcast %add3A_1610 : i32 to vector<16xi32>
        %gather3A_1703 = tpu.vector_load_idx %arg19[%add3A_1701, %broadcast_in_dim3A_1702] : memref<384x64xf32, #tpu.memory_space<vmem>>[vector<16xi32>, vector<16xi32>], vector<16xf32>,
        %add3A_1704 = arith.addf %add3A_1698, %gather3A_1703 : vector<16xf32>
        %add3A_1705 = arith.constant 256 : i32
        %add3A_1706 = vector.broadcast %add3A_1705 : i32 to vector<16xi32>
        %add3A_1707 = arith.addi %add3A_1706, %iota3A : vector<16xi32>
        %broadcast_in_dim3A_1708 = vector.broadcast %add3A_1610 : i32 to vector<16xi32>
        %gather3A_1709 = tpu.vector_load_idx %arg19[%add3A_1707, %broadcast_in_dim3A_1708] : memref<384x64xf32, #tpu.memory_space<vmem>>[vector<16xi32>, vector<16xi32>], vector<16xf32>,
        %add3A_1710 = arith.constant 272 : i32
        %add3A_1711 = vector.broadcast %add3A_1710 : i32 to vector<16xi32>
        %add3A_1712 = arith.addi %add3A_1711, %iota3A : vector<16xi32>
        %broadcast_in_dim3A_1713 = vector.broadcast %add3A_1610 : i32 to vector<16xi32>
        %gather3A_1714 = tpu.vector_load_idx %arg19[%add3A_1712, %broadcast_in_dim3A_1713] : memref<384x64xf32, #tpu.memory_space<vmem>>[vector<16xi32>, vector<16xi32>], vector<16xf32>,
        %add3A_1715 = arith.addf %gather3A_1709, %gather3A_1714 : vector<16xf32>
        %add3A_1716 = arith.constant 288 : i32
        %add3A_1717 = vector.broadcast %add3A_1716 : i32 to vector<16xi32>
        %add3A_1718 = arith.addi %add3A_1717, %iota3A : vector<16xi32>
        %broadcast_in_dim3A_1719 = vector.broadcast %add3A_1610 : i32 to vector<16xi32>
        %gather3A_1720 = tpu.vector_load_idx %arg19[%add3A_1718, %broadcast_in_dim3A_1719] : memref<384x64xf32, #tpu.memory_space<vmem>>[vector<16xi32>, vector<16xi32>], vector<16xf32>,
        %add3A_1721 = arith.addf %add3A_1715, %gather3A_1720 : vector<16xf32>
        %add3A_1722 = arith.constant 304 : i32
        %add3A_1723 = vector.broadcast %add3A_1722 : i32 to vector<16xi32>
        %add3A_1724 = arith.addi %add3A_1723, %iota3A : vector<16xi32>
        %broadcast_in_dim3A_1725 = vector.broadcast %add3A_1610 : i32 to vector<16xi32>
        %gather3A_1726 = tpu.vector_load_idx %arg19[%add3A_1724, %broadcast_in_dim3A_1725] : memref<384x64xf32, #tpu.memory_space<vmem>>[vector<16xi32>, vector<16xi32>], vector<16xf32>,
        %add3A_1727 = arith.addf %add3A_1721, %gather3A_1726 : vector<16xf32>
        %add3A_1728 = arith.constant 320 : i32
        %add3A_1729 = vector.broadcast %add3A_1728 : i32 to vector<16xi32>
        %add3A_1730 = arith.addi %add3A_1729, %iota3A : vector<16xi32>
        %broadcast_in_dim3A_1731 = vector.broadcast %add3A_1610 : i32 to vector<16xi32>
        %gather3A_1732 = tpu.vector_load_idx %arg19[%add3A_1730, %broadcast_in_dim3A_1731] : memref<384x64xf32, #tpu.memory_space<vmem>>[vector<16xi32>, vector<16xi32>], vector<16xf32>,
        %add3A_1733 = arith.addf %add3A_1727, %gather3A_1732 : vector<16xf32>
        %add3A_1734 = arith.constant 336 : i32
        %add3A_1735 = vector.broadcast %add3A_1734 : i32 to vector<16xi32>
        %add3A_1736 = arith.addi %add3A_1735, %iota3A : vector<16xi32>
        %broadcast_in_dim3A_1737 = vector.broadcast %add3A_1610 : i32 to vector<16xi32>
        %gather3A_1738 = tpu.vector_load_idx %arg19[%add3A_1736, %broadcast_in_dim3A_1737] : memref<384x64xf32, #tpu.memory_space<vmem>>[vector<16xi32>, vector<16xi32>], vector<16xf32>,
        %add3A_1739 = arith.addf %add3A_1733, %gather3A_1738 : vector<16xf32>
        %add3A_1740 = arith.constant 352 : i32
        %add3A_1741 = vector.broadcast %add3A_1740 : i32 to vector<16xi32>
        %add3A_1742 = arith.addi %add3A_1741, %iota3A : vector<16xi32>
        %broadcast_in_dim3A_1743 = vector.broadcast %add3A_1610 : i32 to vector<16xi32>
        %gather3A_1744 = tpu.vector_load_idx %arg19[%add3A_1742, %broadcast_in_dim3A_1743] : memref<384x64xf32, #tpu.memory_space<vmem>>[vector<16xi32>, vector<16xi32>], vector<16xf32>,
        %add3A_1745 = arith.addf %add3A_1739, %gather3A_1744 : vector<16xf32>
        %add3A_1746 = arith.constant 368 : i32
        %add3A_1747 = vector.broadcast %add3A_1746 : i32 to vector<16xi32>
        %add3A_1748 = arith.addi %add3A_1747, %iota3A : vector<16xi32>
        %broadcast_in_dim3A_1749 = vector.broadcast %add3A_1610 : i32 to vector<16xi32>
        %gather3A_1750 = tpu.vector_load_idx %arg19[%add3A_1748, %broadcast_in_dim3A_1749] : memref<384x64xf32, #tpu.memory_space<vmem>>[vector<16xi32>, vector<16xi32>], vector<16xf32>,
        %add3A_1751 = arith.addf %add3A_1745, %gather3A_1750 : vector<16xf32>
        %add3A_1752 = vector.broadcast %add3A_1610 : i32 to vector<16xi32>
        %add3A_1753 = arith.addi %mul3A_1329, %add3A_1752 : vector<16xi32>
        %gather3A_1754 = tpu.vector_load_idx %arg12[%add3A_1753] : memref<8192xf32, #tpu.memory_space<vmem>>[vector<16xi32>], vector<16xf32>,
        %add3A_1755 = vector.broadcast %add3A_1610 : i32 to vector<16xi32>
        %add3A_1756 = arith.addi %mul3A_1329, %add3A_1755 : vector<16xi32>
        %gather3A_1757 = tpu.vector_load_idx %arg13[%add3A_1756] : memref<8192xf32, #tpu.memory_space<vmem>>[vector<16xi32>], vector<16xf32>,
        %add3A_1758 = vector.broadcast %add3A_1610 : i32 to vector<16xi32>
        %add3A_1759 = arith.addi %mul3A_1329, %add3A_1758 : vector<16xi32>
        %gather3A_1760 = tpu.vector_load_idx %arg14[%add3A_1759] : memref<8192xf32, #tpu.memory_space<vmem>>[vector<16xi32>], vector<16xf32>,
        %mul3A_1761 = arith.mulf %gather3A_1754, %add3A_1657 : vector<16xf32>
        %mul3A_1762 = arith.constant 16 : i32
        %mul3A_1763 = arith.muli %add3A_1610, %mul3A_1762 : i32
        %add3A_1764 = arith.constant 0 : i32
        %add3A_1765 = arith.addi %add3A_1764, %mul3A_1763 : i32
        %swap3A_1766 = arith.index_cast %add3A_1765 : i32 to index
        %swap3A_1767 = tpu.vector_load %arg22[%swap3A_1766] {strides = array<i32>} : memref<3072xf32, #tpu.memory_space<vmem>>, vector<16xf32>,
        tpu.vector_store %arg22[%swap3A_1766], %mul3A_1761 {strides = array<i32>} : memref<3072xf32, #tpu.memory_space<vmem>>, vector<16xf32>,
        %mul3A_1768 = arith.mulf %gather3A_1760, %add3A_1704 : vector<16xf32>
        %mul3A_1769 = arith.constant 16 : i32
        %mul3A_1770 = arith.muli %add3A_1610, %mul3A_1769 : i32
        %add3A_1771 = arith.constant 1024 : i32
        %add3A_1772 = arith.addi %add3A_1771, %mul3A_1770 : i32
        %swap3A_1773 = arith.index_cast %add3A_1772 : i32 to index
        %swap3A_1774 = tpu.vector_load %arg22[%swap3A_1773] {strides = array<i32>} : memref<3072xf32, #tpu.memory_space<vmem>>, vector<16xf32>,
        tpu.vector_store %arg22[%swap3A_1773], %mul3A_1768 {strides = array<i32>} : memref<3072xf32, #tpu.memory_space<vmem>>, vector<16xf32>,
        %mul3A_1775 = arith.mulf %gather3A_1757, %add3A_1751 : vector<16xf32>
        %mul3A_1776 = arith.constant 16 : i32
        %mul3A_1777 = arith.muli %add3A_1610, %mul3A_1776 : i32
        %add3A_1778 = arith.constant 2048 : i32
        %add3A_1779 = arith.addi %add3A_1778, %mul3A_1777 : i32
        %swap3A_1780 = arith.index_cast %add3A_1779 : i32 to index
        %swap3A_1781 = tpu.vector_load %arg22[%swap3A_1780] {strides = array<i32>} : memref<3072xf32, #tpu.memory_space<vmem>>, vector<16xf32>,
        tpu.vector_store %arg22[%swap3A_1780], %mul3A_1775 {strides = array<i32>} : memref<3072xf32, #tpu.memory_space<vmem>>, vector<16xf32>,
        %mul3A_1782 = arith.mulf %gather3A_1754, %gather3A_1754 : vector<16xf32>
        %add3A_1783 = arith.addf %add3A_1604, %mul3A_1782 : vector<16xf32>
        %mul3A_1784 = arith.mulf %gather3A_1757, %gather3A_1757 : vector<16xf32>
        %add3A_1785 = arith.addf %add3A_1606, %mul3A_1784 : vector<16xf32>
        scf.yield %add3A_1783, %add3A_1785 : vector<16xf32>, vector<16xf32>
      }
      %scan3A_1335 = arith.constant 32 : i32
      %bitcast3A_1336 = vector.bitcast %scan3A_1334#0 : vector<16xf32> to vector<16xi32>
      %shift_right_arithmetic3A_1337 = arith.constant 1 : i32
      %shift_right_arithmetic3A_1338 = vector.broadcast %shift_right_arithmetic3A_1337 : i32 to vector<16xi32>
      %shift_right_arithmetic3A_1339 = arith.shrsi %bitcast3A_1336, %shift_right_arithmetic3A_1338 : vector<16xi32>
      %sub3A_1340 = arith.constant 1597463007 : i32
      %sub3A_1341 = vector.broadcast %sub3A_1340 : i32 to vector<16xi32>
      %sub3A_1342 = arith.subi %sub3A_1341, %shift_right_arithmetic3A_1339 : vector<16xi32>
      %bitcast3A_1343 = vector.bitcast %sub3A_1342 : vector<16xi32> to vector<16xf32>
      %mul3A_1344 = arith.constant 5.000000e-01 : f32
      %mul3A_1345 = vector.broadcast %mul3A_1344 : f32 to vector<16xf32>
      %mul3A_1346 = arith.mulf %mul3A_1345, %scan3A_1334#0 : vector<16xf32>
      %mul3A_1347 = arith.mulf %mul3A_1346, %bitcast3A_1343 : vector<16xf32>
      %mul3A_1348 = arith.mulf %mul3A_1347, %bitcast3A_1343 : vector<16xf32>
      %sub3A_1349 = arith.constant 1.500000e+00 : f32
      %sub3A_1350 = vector.broadcast %sub3A_1349 : f32 to vector<16xf32>
      %sub3A_1351 = arith.subf %sub3A_1350, %mul3A_1348 : vector<16xf32>
      %mul3A_1352 = arith.mulf %bitcast3A_1343, %sub3A_1351 : vector<16xf32>
      %mul3A_1353 = arith.constant 5.000000e-01 : f32
      %mul3A_1354 = vector.broadcast %mul3A_1353 : f32 to vector<16xf32>
      %mul3A_1355 = arith.mulf %mul3A_1354, %scan3A_1334#0 : vector<16xf32>
      %mul3A_1356 = arith.mulf %mul3A_1355, %mul3A_1352 : vector<16xf32>
      %mul3A_1357 = arith.mulf %mul3A_1356, %mul3A_1352 : vector<16xf32>
      %sub3A_1358 = arith.constant 1.500000e+00 : f32
      %sub3A_1359 = vector.broadcast %sub3A_1358 : f32 to vector<16xf32>
      %sub3A_1360 = arith.subf %sub3A_1359, %mul3A_1357 : vector<16xf32>
      %mul3A_1361 = arith.mulf %mul3A_1352, %sub3A_1360 : vector<16xf32>
      %mul3A_1362 = arith.constant 5.000000e-01 : f32
      %mul3A_1363 = vector.broadcast %mul3A_1362 : f32 to vector<16xf32>
      %mul3A_1364 = arith.mulf %mul3A_1363, %scan3A_1334#0 : vector<16xf32>
      %mul3A_1365 = arith.mulf %mul3A_1364, %mul3A_1361 : vector<16xf32>
      %mul3A_1366 = arith.mulf %mul3A_1365, %mul3A_1361 : vector<16xf32>
      %sub3A_1367 = arith.constant 1.500000e+00 : f32
      %sub3A_1368 = vector.broadcast %sub3A_1367 : f32 to vector<16xf32>
      %sub3A_1369 = arith.subf %sub3A_1368, %mul3A_1366 : vector<16xf32>
      %mul3A_1370 = arith.mulf %mul3A_1361, %sub3A_1369 : vector<16xf32>
      %mul3A_1371 = arith.constant 1.250000e-01 : f32
      %mul3A_1372 = vector.broadcast %mul3A_1371 : f32 to vector<16xf32>
      %mul3A_1373 = arith.mulf %mul3A_1370, %mul3A_1372 : vector<16xf32>
      %bitcast3A_1374 = vector.bitcast %scan3A_1334#1 : vector<16xf32> to vector<16xi32>
      %shift_right_arithmetic3A_1375 = arith.constant 1 : i32
      %shift_right_arithmetic3A_1376 = vector.broadcast %shift_right_arithmetic3A_1375 : i32 to vector<16xi32>
      %shift_right_arithmetic3A_1377 = arith.shrsi %bitcast3A_1374, %shift_right_arithmetic3A_1376 : vector<16xi32>
      %sub3A_1378 = arith.constant 1597463007 : i32
      %sub3A_1379 = vector.broadcast %sub3A_1378 : i32 to vector<16xi32>
      %sub3A_1380 = arith.subi %sub3A_1379, %shift_right_arithmetic3A_1377 : vector<16xi32>
      %bitcast3A_1381 = vector.bitcast %sub3A_1380 : vector<16xi32> to vector<16xf32>
      %mul3A_1382 = arith.constant 5.000000e-01 : f32
      %mul3A_1383 = vector.broadcast %mul3A_1382 : f32 to vector<16xf32>
      %mul3A_1384 = arith.mulf %mul3A_1383, %scan3A_1334#1 : vector<16xf32>
      %mul3A_1385 = arith.mulf %mul3A_1384, %bitcast3A_1381 : vector<16xf32>
      %mul3A_1386 = arith.mulf %mul3A_1385, %bitcast3A_1381 : vector<16xf32>
      %sub3A_1387 = arith.constant 1.500000e+00 : f32
      %sub3A_1388 = vector.broadcast %sub3A_1387 : f32 to vector<16xf32>
      %sub3A_1389 = arith.subf %sub3A_1388, %mul3A_1386 : vector<16xf32>
      %mul3A_1390 = arith.mulf %bitcast3A_1381, %sub3A_1389 : vector<16xf32>
      %mul3A_1391 = arith.constant 5.000000e-01 : f32
      %mul3A_1392 = vector.broadcast %mul3A_1391 : f32 to vector<16xf32>
      %mul3A_1393 = arith.mulf %mul3A_1392, %scan3A_1334#1 : vector<16xf32>
      %mul3A_1394 = arith.mulf %mul3A_1393, %mul3A_1390 : vector<16xf32>
      %mul3A_1395 = arith.mulf %mul3A_1394, %mul3A_1390 : vector<16xf32>
      %sub3A_1396 = arith.constant 1.500000e+00 : f32
      %sub3A_1397 = vector.broadcast %sub3A_1396 : f32 to vector<16xf32>
      %sub3A_1398 = arith.subf %sub3A_1397, %mul3A_1395 : vector<16xf32>
      %mul3A_1399 = arith.mulf %mul3A_1390, %sub3A_1398 : vector<16xf32>
      %mul3A_1400 = arith.constant 5.000000e-01 : f32
      %mul3A_1401 = vector.broadcast %mul3A_1400 : f32 to vector<16xf32>
      %mul3A_1402 = arith.mulf %mul3A_1401, %scan3A_1334#1 : vector<16xf32>
      %mul3A_1403 = arith.mulf %mul3A_1402, %mul3A_1399 : vector<16xf32>
      %mul3A_1404 = arith.mulf %mul3A_1403, %mul3A_1399 : vector<16xf32>
      %sub3A_1405 = arith.constant 1.500000e+00 : f32
      %sub3A_1406 = vector.broadcast %sub3A_1405 : f32 to vector<16xf32>
      %sub3A_1407 = arith.subf %sub3A_1406, %mul3A_1404 : vector<16xf32>
      %mul3A_1408 = arith.mulf %mul3A_1399, %sub3A_1407 : vector<16xf32>
      %mul3A_1409 = arith.constant 1.250000e-01 : f32
      %mul3A_1410 = vector.broadcast %mul3A_1409 : f32 to vector<16xf32>
      %mul3A_1411 = arith.mulf %mul3A_1408, %mul3A_1410 : vector<16xf32>
      %scan3A_1412 = arith.constant 0 : i32
      %scan3A_1413 = arith.constant 64 : i32
      %scan3A_1414 = arith.addi %scan3A_1412, %scan3A_1413 : i32
      %scan3A_1415 = arith.constant 1 : i32
      %scan3A_1416 = scf.for %scan3A_1425 = %scan3A_1412 to %scan3A_1414 step %scan3A_1415 iter_args(%scan3A_1426 = %broadcast_in_dim3A_1) -> (vector<16xf32>)  : i32 {
        %mul3A_1427 = arith.constant 16 : i32
        %mul3A_1428 = arith.muli %scan3A_1425, %mul3A_1427 : i32
        %add3A_1429 = arith.constant 0 : i32
        %add3A_1430 = arith.addi %add3A_1429, %mul3A_1428 : i32
        %get3A_1431 = arith.index_cast %add3A_1430 : i32 to index
        %get3A_1432 = tpu.vector_load %arg22[%get3A_1431] {strides = array<i32>} : memref<3072xf32, #tpu.memory_space<vmem>>, vector<16xf32>,
        %mul3A_1433 = arith.constant 16 : i32
        %mul3A_1434 = arith.muli %scan3A_1425, %mul3A_1433 : i32
        %add3A_1435 = arith.constant 1024 : i32
        %add3A_1436 = arith.addi %add3A_1435, %mul3A_1434 : i32
        %get3A_1437 = arith.index_cast %add3A_1436 : i32 to index
        %get3A_1438 = tpu.vector_load %arg22[%get3A_1437] {strides = array<i32>} : memref<3072xf32, #tpu.memory_space<vmem>>, vector<16xf32>,
        %mul3A_1439 = arith.constant 16 : i32
        %mul3A_1440 = arith.muli %scan3A_1425, %mul3A_1439 : i32
        %add3A_1441 = arith.constant 2048 : i32
        %add3A_1442 = arith.addi %add3A_1441, %mul3A_1440 : i32
        %get3A_1443 = arith.index_cast %add3A_1442 : i32 to index
        %get3A_1444 = tpu.vector_load %arg22[%get3A_1443] {strides = array<i32>} : memref<3072xf32, #tpu.memory_space<vmem>>, vector<16xf32>,
        %mul3A_1445 = arith.mulf %get3A_1432, %mul3A_1373 : vector<16xf32>
        %mul3A_1446 = arith.constant 1.250000e-01 : f32
        %mul3A_1447 = vector.broadcast %mul3A_1446 : f32 to vector<16xf32>
        %mul3A_1448 = arith.mulf %get3A_1438, %mul3A_1447 : vector<16xf32>
        %add3A_1449 = arith.addf %mul3A_1445, %mul3A_1448 : vector<16xf32>
        %mul3A_1450 = arith.mulf %get3A_1444, %mul3A_1411 : vector<16xf32>
        %sub3A_1451 = arith.subf %add3A_1449, %mul3A_1450 : vector<16xf32>
        %abs3A = math.absf %sub3A_1451 : vector<16xf32>
        %add3A_1452 = arith.addf %scan3A_1426, %abs3A : vector<16xf32>
        scf.yield %add3A_1452 : vector<16xf32>
      }
      %scan3A_1417 = arith.constant 64 : i32
      %mul3A_1418 = arith.constant 16 : i32
      %mul3A_1419 = arith.muli %add3A_1322, %mul3A_1418 : i32
      %add3A_1420 = arith.constant 128 : i32
      %add3A_1421 = arith.addi %add3A_1420, %mul3A_1419 : i32
      %swap3A_1422 = arith.index_cast %add3A_1421 : i32 to index
      %swap3A_1423 = tpu.vector_load %arg23[%swap3A_1422] {strides = array<i32>} : memref<256xf32, #tpu.memory_space<vmem>>, vector<16xf32>,
      tpu.vector_store %arg23[%swap3A_1422], %scan3A_1416 {strides = array<i32>} : memref<256xf32, #tpu.memory_space<vmem>>, vector<16xf32>,
      %scan3A_1424 = arith.constant 0 : i32
      scf.yield %scan3A_1424 : i32
    }
    %scan3A_725 = arith.constant 4 : i32
    %get3A = arith.constant 0 : index
    %get3A_726 = tpu.vector_load %arg23[%get3A] {strides = array<i32>} : memref<256xf32, #tpu.memory_space<vmem>>, vector<16xf32>,
    %get3A_727 = arith.constant 128 : index
    %get3A_728 = tpu.vector_load %arg23[%get3A_727] {strides = array<i32>} : memref<256xf32, #tpu.memory_space<vmem>>, vector<16xf32>,
    %sub3A = arith.subf %get3A_726, %get3A_728 : vector<16xf32>
    %add3A_729 = arith.constant 1.000000e+00 : f32
    %add3A_730 = vector.broadcast %add3A_729 : f32 to vector<16xf32>
    %add3A_731 = arith.addf %sub3A, %add3A_730 : vector<16xf32>
    %max3A = arith.constant 0.000000e+00 : f32
    %max3A_732 = vector.broadcast %max3A : f32 to vector<16xf32>
    %max3A_733 = arith.maximumf %add3A_731, %max3A_732 : vector<16xf32>
    %swap3A_734 = arith.constant 0 : index
    %swap3A_735 = tpu.vector_load %arg24[%swap3A_734] {strides = array<i32>} : memref<128xf32, #tpu.memory_space<vmem>>, vector<16xf32>,
    tpu.vector_store %arg24[%swap3A_734], %max3A_733 {strides = array<i32>} : memref<128xf32, #tpu.memory_space<vmem>>, vector<16xf32>,
    %get3A_736 = arith.constant 16 : index
    %get3A_737 = tpu.vector_load %arg23[%get3A_736] {strides = array<i32>} : memref<256xf32, #tpu.memory_space<vmem>>, vector<16xf32>,
    %get3A_738 = arith.constant 144 : index
    %get3A_739 = tpu.vector_load %arg23[%get3A_738] {strides = array<i32>} : memref<256xf32, #tpu.memory_space<vmem>>, vector<16xf32>,
    %sub3A_740 = arith.subf %get3A_737, %get3A_739 : vector<16xf32>
    %add3A_741 = arith.constant 1.000000e+00 : f32
    %add3A_742 = vector.broadcast %add3A_741 : f32 to vector<16xf32>
    %add3A_743 = arith.addf %sub3A_740, %add3A_742 : vector<16xf32>
    %max3A_744 = arith.constant 0.000000e+00 : f32
    %max3A_745 = vector.broadcast %max3A_744 : f32 to vector<16xf32>
    %max3A_746 = arith.maximumf %add3A_743, %max3A_745 : vector<16xf32>
    %swap3A_747 = arith.constant 16 : index
    %swap3A_748 = tpu.vector_load %arg24[%swap3A_747] {strides = array<i32>} : memref<128xf32, #tpu.memory_space<vmem>>, vector<16xf32>,
    tpu.vector_store %arg24[%swap3A_747], %max3A_746 {strides = array<i32>} : memref<128xf32, #tpu.memory_space<vmem>>, vector<16xf32>,
    %get3A_749 = arith.constant 32 : index
    %get3A_750 = tpu.vector_load %arg23[%get3A_749] {strides = array<i32>} : memref<256xf32, #tpu.memory_space<vmem>>, vector<16xf32>,
    %get3A_751 = arith.constant 160 : index
    %get3A_752 = tpu.vector_load %arg23[%get3A_751] {strides = array<i32>} : memref<256xf32, #tpu.memory_space<vmem>>, vector<16xf32>,
    %sub3A_753 = arith.subf %get3A_750, %get3A_752 : vector<16xf32>
    %add3A_754 = arith.constant 1.000000e+00 : f32
    %add3A_755 = vector.broadcast %add3A_754 : f32 to vector<16xf32>
    %add3A_756 = arith.addf %sub3A_753, %add3A_755 : vector<16xf32>
    %max3A_757 = arith.constant 0.000000e+00 : f32
    %max3A_758 = vector.broadcast %max3A_757 : f32 to vector<16xf32>
    %max3A_759 = arith.maximumf %add3A_756, %max3A_758 : vector<16xf32>
    %swap3A_760 = arith.constant 32 : index
    %swap3A_761 = tpu.vector_load %arg24[%swap3A_760] {strides = array<i32>} : memref<128xf32, #tpu.memory_space<vmem>>, vector<16xf32>,
    tpu.vector_store %arg24[%swap3A_760], %max3A_759 {strides = array<i32>} : memref<128xf32, #tpu.memory_space<vmem>>, vector<16xf32>,
    %get3A_762 = arith.constant 48 : index
    %get3A_763 = tpu.vector_load %arg23[%get3A_762] {strides = array<i32>} : memref<256xf32, #tpu.memory_space<vmem>>, vector<16xf32>,
    %get3A_764 = arith.constant 176 : index
    %get3A_765 = tpu.vector_load %arg23[%get3A_764] {strides = array<i32>} : memref<256xf32, #tpu.memory_space<vmem>>, vector<16xf32>,
    %sub3A_766 = arith.subf %get3A_763, %get3A_765 : vector<16xf32>
    %add3A_767 = arith.constant 1.000000e+00 : f32
    %add3A_768 = vector.broadcast %add3A_767 : f32 to vector<16xf32>
    %add3A_769 = arith.addf %sub3A_766, %add3A_768 : vector<16xf32>
    %max3A_770 = arith.constant 0.000000e+00 : f32
    %max3A_771 = vector.broadcast %max3A_770 : f32 to vector<16xf32>
    %max3A_772 = arith.maximumf %add3A_769, %max3A_771 : vector<16xf32>
    %swap3A_773 = arith.constant 48 : index
    %swap3A_774 = tpu.vector_load %arg24[%swap3A_773] {strides = array<i32>} : memref<128xf32, #tpu.memory_space<vmem>>, vector<16xf32>,
    tpu.vector_store %arg24[%swap3A_773], %max3A_772 {strides = array<i32>} : memref<128xf32, #tpu.memory_space<vmem>>, vector<16xf32>,
    %get3A_775 = arith.constant 64 : index
    %get3A_776 = tpu.vector_load %arg23[%get3A_775] {strides = array<i32>} : memref<256xf32, #tpu.memory_space<vmem>>, vector<16xf32>,
    %get3A_777 = arith.constant 192 : index
    %get3A_778 = tpu.vector_load %arg23[%get3A_777] {strides = array<i32>} : memref<256xf32, #tpu.memory_space<vmem>>, vector<16xf32>,
    %sub3A_779 = arith.subf %get3A_776, %get3A_778 : vector<16xf32>
    %add3A_780 = arith.constant 1.000000e+00 : f32
    %add3A_781 = vector.broadcast %add3A_780 : f32 to vector<16xf32>
    %add3A_782 = arith.addf %sub3A_779, %add3A_781 : vector<16xf32>
    %max3A_783 = arith.constant 0.000000e+00 : f32
    %max3A_784 = vector.broadcast %max3A_783 : f32 to vector<16xf32>
    %max3A_785 = arith.maximumf %add3A_782, %max3A_784 : vector<16xf32>
    %swap3A_786 = arith.constant 64 : index
    %swap3A_787 = tpu.vector_load %arg24[%swap3A_786] {strides = array<i32>} : memref<128xf32, #tpu.memory_space<vmem>>, vector<16xf32>,
    tpu.vector_store %arg24[%swap3A_786], %max3A_785 {strides = array<i32>} : memref<128xf32, #tpu.memory_space<vmem>>, vector<16xf32>,
    %get3A_788 = arith.constant 80 : index
    %get3A_789 = tpu.vector_load %arg23[%get3A_788] {strides = array<i32>} : memref<256xf32, #tpu.memory_space<vmem>>, vector<16xf32>,
    %get3A_790 = arith.constant 208 : index
    %get3A_791 = tpu.vector_load %arg23[%get3A_790] {strides = array<i32>} : memref<256xf32, #tpu.memory_space<vmem>>, vector<16xf32>,
    %sub3A_792 = arith.subf %get3A_789, %get3A_791 : vector<16xf32>
    %add3A_793 = arith.constant 1.000000e+00 : f32
    %add3A_794 = vector.broadcast %add3A_793 : f32 to vector<16xf32>
    %add3A_795 = arith.addf %sub3A_792, %add3A_794 : vector<16xf32>
    %max3A_796 = arith.constant 0.000000e+00 : f32
    %max3A_797 = vector.broadcast %max3A_796 : f32 to vector<16xf32>
    %max3A_798 = arith.maximumf %add3A_795, %max3A_797 : vector<16xf32>
    %swap3A_799 = arith.constant 80 : index
    %swap3A_800 = tpu.vector_load %arg24[%swap3A_799] {strides = array<i32>} : memref<128xf32, #tpu.memory_space<vmem>>, vector<16xf32>,
    tpu.vector_store %arg24[%swap3A_799], %max3A_798 {strides = array<i32>} : memref<128xf32, #tpu.memory_space<vmem>>, vector<16xf32>,
    %get3A_801 = arith.constant 96 : index
    %get3A_802 = tpu.vector_load %arg23[%get3A_801] {strides = array<i32>} : memref<256xf32, #tpu.memory_space<vmem>>, vector<16xf32>,
    %get3A_803 = arith.constant 224 : index
    %get3A_804 = tpu.vector_load %arg23[%get3A_803] {strides = array<i32>} : memref<256xf32, #tpu.memory_space<vmem>>, vector<16xf32>,
    %sub3A_805 = arith.subf %get3A_802, %get3A_804 : vector<16xf32>
    %add3A_806 = arith.constant 1.000000e+00 : f32
    %add3A_807 = vector.broadcast %add3A_806 : f32 to vector<16xf32>
    %add3A_808 = arith.addf %sub3A_805, %add3A_807 : vector<16xf32>
    %max3A_809 = arith.constant 0.000000e+00 : f32
    %max3A_810 = vector.broadcast %max3A_809 : f32 to vector<16xf32>
    %max3A_811 = arith.maximumf %add3A_808, %max3A_810 : vector<16xf32>
    %swap3A_812 = arith.constant 96 : index
    %swap3A_813 = tpu.vector_load %arg24[%swap3A_812] {strides = array<i32>} : memref<128xf32, #tpu.memory_space<vmem>>, vector<16xf32>,
    tpu.vector_store %arg24[%swap3A_812], %max3A_811 {strides = array<i32>} : memref<128xf32, #tpu.memory_space<vmem>>, vector<16xf32>,
    %get3A_814 = arith.constant 112 : index
    %get3A_815 = tpu.vector_load %arg23[%get3A_814] {strides = array<i32>} : memref<256xf32, #tpu.memory_space<vmem>>, vector<16xf32>,
    %get3A_816 = arith.constant 240 : index
    %get3A_817 = tpu.vector_load %arg23[%get3A_816] {strides = array<i32>} : memref<256xf32, #tpu.memory_space<vmem>>, vector<16xf32>,
    %sub3A_818 = arith.subf %get3A_815, %get3A_817 : vector<16xf32>
    %add3A_819 = arith.constant 1.000000e+00 : f32
    %add3A_820 = vector.broadcast %add3A_819 : f32 to vector<16xf32>
    %add3A_821 = arith.addf %sub3A_818, %add3A_820 : vector<16xf32>
    %max3A_822 = arith.constant 0.000000e+00 : f32
    %max3A_823 = vector.broadcast %max3A_822 : f32 to vector<16xf32>
    %max3A_824 = arith.maximumf %add3A_821, %max3A_823 : vector<16xf32>
    %swap3A_825 = arith.constant 112 : index
    %swap3A_826 = tpu.vector_load %arg24[%swap3A_825] {strides = array<i32>} : memref<128xf32, #tpu.memory_space<vmem>>, vector<16xf32>,
    tpu.vector_store %arg24[%swap3A_825], %max3A_824 {strides = array<i32>} : memref<128xf32, #tpu.memory_space<vmem>>, vector<16xf32>,
    %mul3A_827 = arith.constant 128 : i32
    %mul3A_828 = arith.muli %add3A, %mul3A_827 : i32
    %multiple_of3A_829 = tpu.assume_multiple %mul3A_828, 8 : i32
    "tpu.region"() ({
      %run_scoped3A = tpu.sem_alloc : memref<!tpu.dma_semaphore, #tpu.memory_space<semaphore_mem>>
      %dma_start3A_830 = tpu.memref_slice %arg9[%multiple_of3A_829] : memref<4096xf32, #tpu.memory_space<hbm>> -> memref<128xf32, #tpu.memory_space<hbm>>
      %dma_start3A_831 = tpu.memref_slice %arg9[%multiple_of3A_829] : memref<4096xf32, #tpu.memory_space<hbm>> -> memref<128xf32, #tpu.memory_space<hbm>>
      tpu.enqueue_dma source(%arg24 : memref<128xf32, #tpu.memory_space<vmem>>) target(%dma_start3A_831 : memref<128xf32, #tpu.memory_space<hbm>>) target_semaphore(%run_scoped3A : memref<!tpu.dma_semaphore, #tpu.memory_space<semaphore_mem>>)
      %dma_wait3A_832 = tpu.memref_slice %arg9[%multiple_of3A_829] : memref<4096xf32, #tpu.memory_space<hbm>> -> memref<128xf32, #tpu.memory_space<hbm>>
      %dma_wait3A_833 = tpu.memref_slice %arg9[%multiple_of3A_829] : memref<4096xf32, #tpu.memory_space<hbm>> -> memref<128xf32, #tpu.memory_space<hbm>>
      tpu.wait_dma2 semaphore(%run_scoped3A : memref<!tpu.dma_semaphore, #tpu.memory_space<semaphore_mem>>) src(%arg24 : memref<128xf32, #tpu.memory_space<vmem>>) dst(%dma_wait3A_833 : memref<128xf32, #tpu.memory_space<hbm>>)
      tpu.yield
    }) : () -> ()
    "tpu.region"() ({
      %run_scoped3A = tpu.sem_alloc : memref<!tpu.dma_semaphore, #tpu.memory_space<semaphore_mem>>
      %dma_start3A_830 = arith.constant 0 : i32
      %dma_start3A_831 = tpu.memref_slice %arg23[%dma_start3A_830] : memref<256xf32, #tpu.memory_space<vmem>> -> memref<128xf32, #tpu.memory_space<vmem>>
      %dma_start3A_832 = tpu.memref_slice %arg10[%multiple_of3A_829] : memref<4096xf32, #tpu.memory_space<hbm>> -> memref<128xf32, #tpu.memory_space<hbm>>
      %dma_start3A_833 = tpu.memref_slice %arg10[%multiple_of3A_829] : memref<4096xf32, #tpu.memory_space<hbm>> -> memref<128xf32, #tpu.memory_space<hbm>>
      %dma_start3A_834 = arith.constant 0 : i32
      %dma_start3A_835 = tpu.memref_slice %arg23[%dma_start3A_834] : memref<256xf32, #tpu.memory_space<vmem>> -> memref<128xf32, #tpu.memory_space<vmem>>
      tpu.enqueue_dma source(%dma_start3A_835 : memref<128xf32, #tpu.memory_space<vmem>>) target(%dma_start3A_833 : memref<128xf32, #tpu.memory_space<hbm>>) target_semaphore(%run_scoped3A : memref<!tpu.dma_semaphore, #tpu.memory_space<semaphore_mem>>)
      %dma_wait3A_836 = arith.constant 0 : i32
      %dma_wait3A_837 = tpu.memref_slice %arg23[%dma_wait3A_836] : memref<256xf32, #tpu.memory_space<vmem>> -> memref<128xf32, #tpu.memory_space<vmem>>
      %dma_wait3A_838 = tpu.memref_slice %arg10[%multiple_of3A_829] : memref<4096xf32, #tpu.memory_space<hbm>> -> memref<128xf32, #tpu.memory_space<hbm>>
      %dma_wait3A_839 = tpu.memref_slice %arg10[%multiple_of3A_829] : memref<4096xf32, #tpu.memory_space<hbm>> -> memref<128xf32, #tpu.memory_space<hbm>>
      %dma_wait3A_840 = arith.constant 0 : i32
      %dma_wait3A_841 = tpu.memref_slice %arg23[%dma_wait3A_840] : memref<256xf32, #tpu.memory_space<vmem>> -> memref<128xf32, #tpu.memory_space<vmem>>
      tpu.wait_dma2 semaphore(%run_scoped3A : memref<!tpu.dma_semaphore, #tpu.memory_space<semaphore_mem>>) src(%dma_wait3A_841 : memref<128xf32, #tpu.memory_space<vmem>>) dst(%dma_wait3A_839 : memref<128xf32, #tpu.memory_space<hbm>>)
      tpu.yield
    }) : () -> ()
    "tpu.region"() ({
      %run_scoped3A = tpu.sem_alloc : memref<!tpu.dma_semaphore, #tpu.memory_space<semaphore_mem>>
      %dma_start3A_830 = arith.constant 128 : i32
      %dma_start3A_831 = tpu.memref_slice %arg23[%dma_start3A_830] : memref<256xf32, #tpu.memory_space<vmem>> -> memref<128xf32, #tpu.memory_space<vmem>>
      %dma_start3A_832 = tpu.memref_slice %arg11[%multiple_of3A_829] : memref<4096xf32, #tpu.memory_space<hbm>> -> memref<128xf32, #tpu.memory_space<hbm>>
      %dma_start3A_833 = tpu.memref_slice %arg11[%multiple_of3A_829] : memref<4096xf32, #tpu.memory_space<hbm>> -> memref<128xf32, #tpu.memory_space<hbm>>
      %dma_start3A_834 = arith.constant 128 : i32
      %dma_start3A_835 = tpu.memref_slice %arg23[%dma_start3A_834] : memref<256xf32, #tpu.memory_space<vmem>> -> memref<128xf32, #tpu.memory_space<vmem>>
      tpu.enqueue_dma source(%dma_start3A_835 : memref<128xf32, #tpu.memory_space<vmem>>) target(%dma_start3A_833 : memref<128xf32, #tpu.memory_space<hbm>>) target_semaphore(%run_scoped3A : memref<!tpu.dma_semaphore, #tpu.memory_space<semaphore_mem>>)
      %dma_wait3A_836 = arith.constant 128 : i32
      %dma_wait3A_837 = tpu.memref_slice %arg23[%dma_wait3A_836] : memref<256xf32, #tpu.memory_space<vmem>> -> memref<128xf32, #tpu.memory_space<vmem>>
      %dma_wait3A_838 = tpu.memref_slice %arg11[%multiple_of3A_829] : memref<4096xf32, #tpu.memory_space<hbm>> -> memref<128xf32, #tpu.memory_space<hbm>>
      %dma_wait3A_839 = tpu.memref_slice %arg11[%multiple_of3A_829] : memref<4096xf32, #tpu.memory_space<hbm>> -> memref<128xf32, #tpu.memory_space<hbm>>
      %dma_wait3A_840 = arith.constant 128 : i32
      %dma_wait3A_841 = tpu.memref_slice %arg23[%dma_wait3A_840] : memref<256xf32, #tpu.memory_space<vmem>> -> memref<128xf32, #tpu.memory_space<vmem>>
      tpu.wait_dma2 semaphore(%run_scoped3A : memref<!tpu.dma_semaphore, #tpu.memory_space<semaphore_mem>>) src(%dma_wait3A_841 : memref<128xf32, #tpu.memory_space<vmem>>) dst(%dma_wait3A_839 : memref<128xf32, #tpu.memory_space<hbm>>)
      tpu.yield
    }) : () -> ()
    return
  }
}

</mosaic_0001>

<sc_bundles>
// kernel: _sc_call.3.cloned.1.call-start
scs
__scs_entry_jumppad:
0x0: {  	(pc) =	sbr.rel $0x88, $3  }
0x1: {  	(tag) =	ssettag $0x0;
	lr =	simm.s32 $0x1  }
0x2: {  	[smem:$0x3F9A] =	sst lr;
	_ =	strace $0xD0000000  }
0x3: {  	_ = 	snop  }
0x4: {  	_ = 	snop  }
0x5: {  	_ = 	snop  }
0x6: {  	_ = 	snop  }
0x7: {  	_ = 	snop  }
__scs_overlays_trampoline_lowered:
0x8: {  	[smem:$0x3FA9] =	sst s0  }
0x9: {  	[smem:$0x3FAA] =	sst s1  }
0xa: {  	[smem:$0x3FAB] =	sst s2  }
0xb: {  	[smem:$0x3FAC] =	sst s3  }
0xc: {  	[smem:$0x3FAD] =	sst s4  }
0xd: {  	[smem:$0x3FAE] =	sst s5  }
0xe: {  	[smem:$0x3FAF] =	sst s6  }
0xf: {  	[smem:$0x3FB0] =	sst s7  }
0x10: {  	[smem:$0x3FB1] =	sst s8  }
0x11: {  	[smem:$0x3FB2] =	sst s9;
	s0 =	simm.s32 @!p0 $0x0  }
0x12: {  	s1 =	sld [smem:$0x3F98];
	s0 =	simm.s32 @p0 $0x1  }
0x13: {  	[smem:$0x3FB3] =	sst s0;
	s0 =	simm.s32 @!p1 $0x0  }
0x14: {  	s2 =	sld [smem:$0x3F97];
	s0 =	simm.s32 @p1 $0x1  }
0x15: {  	[smem:$0x3FB4] =	sst s0;
	s0 =	simm.s32 @!p2 $0x0  }
0x16: {  	s3 =	sld [smem:$0x3FDB];
	s0 =	simm.s32 @p2 $0x1  }
0x17: {  	s4 =	simm.s32 $0x1BF5;
	[smem:$0x3FB6] =	sst s0  }
0x18: {  	s0 =	sld [smem:$0x3F99];
	_ =	swait.ge [sflag:s4], $0x0  }
0x19: {  	s7 =	sld [smem:$0x3F9A]  }
0x1a: {  	s8 =	sadd.s32 $0xFFFFE003, lr  }
0x1b: {  	s9 =	sadd.s32 $0xFFFFFEF7, lr;
	s5 =	simm.s32 $0xFFFFFFFF;
	p2 =	slt.u32 s8, $0xFFFFF086  }
0x1c: {  	p1 =	slt.u32 s9, $0xF7A;
	s5 =	simm.s32 @!p2 $0x0  }
0x1d: {  	s5 =	simm.s32 @p1 $0x1;
	p0 =	seq.s32 s7, s2  }
0x1e: {  	s7 =	smul.u32 @!p0 $0xF7A, s2;
	p2 =	seq.s32 @!p0 s5, $0x0  }
0x1f: {  	s9 =	smul.u32 $0xF7A, s1;
	s8 =	simm.s32 @!p0 $0x1BF5;
	p2 =	por !p2, p0  }
0x20: {  	[sflag:s8] =	ssyncset.s32 @!p0 $0xFFFFF086;
	s6 =	sadd.s32 @!p0 s3, s7;
	s7 =	simm.s32 @!p0 $0x108  }
0x21: {  	s3 =	sadd.s32 s3, s9;
	s6 =	sadd.s32 @!p0 $0x88, s6;
	s7 =	simm.s32 @p2 $0x1082  }
0x22: {  	[simem:s7], [sflag:s8] =	dma.local @!p0 [hbm:s6], $0xF7A  }
0x23: {  	s9 =	sor.u32 $0xD0000000, s2;
	s6 =	simm.s32 $0x108;
	_ =	swait.ge @!p0 [sflag:s8], $0x0  }
0x24: {  	s3 =	sadd.s32 $0x88, s3;
	s6 =	simm.s32 @!p1 $0x1082;
	[sflag:s4] =	ssyncset.s32 $0xFFFFF086  }
0x25: {  	[simem:s6], [sflag:s4] =	dma.local [hbm:s3], $0xF7A  }
0x26: {  	[smem:$0x3F9A] =	sst s1;
	(tag) =	ssettag s2;
	_ =	strace s9  }
0x27: {  	s1 =	sld [smem:$0x3FAA]  }
0x28: {  	s2 =	sld [smem:$0x3FAB]  }
0x29: {  	s4 =	sld [smem:$0x3FAD]  }
0x2a: {  	p0 =	seq.s32 s5, $0x0;
	s5 =	sld [smem:$0x3FAE]  }
0x2b: {  	s6 =	sld [smem:$0x3FAF]  }
0x2c: {  	s7 =	sld [smem:$0x3FB0]  }
0x2d: {  	s3 =	simm.s32 $0x108;
	s8 =	sld [smem:$0x3FB1]  }
0x2e: {  	s3 =	simm.s32 @!p0 $0x1082;
	s9 =	sld [smem:$0x3FB2]  }
0x2f: {  	lr =	sadd.s32 s0, s3;
	s0 =	sld [smem:$0x3FA9]  }
0x30: {  	s3 =	sld [smem:$0x3FAC]  }
0x31: {  	[smem:$0x3FB5] =	sst s10  }
0x32: {  	s10 =	sld [smem:$0x3FB3];
	_ =	sdelay $0x3  }
0x33: {  	p0 =	seq.s32 s10, $0x1;
	s10 =	sld [smem:$0x3FB5];
	_ =	sdelay $0x3  }
0x34: {  	[smem:$0x3FB5] =	sst s10  }
0x35: {  	s10 =	sld [smem:$0x3FB4];
	_ =	sdelay $0x3  }
0x36: {  	p1 =	seq.s32 s10, $0x1;
	s10 =	sld [smem:$0x3FB5];
	_ =	sdelay $0x3  }
0x37: {  	[smem:$0x3FB5] =	sst s10  }
0x38: {  	s10 =	sld [smem:$0x3FB6]  }
0x39: {  	_ = 	snop;
	(pc) =	sbr.ind lr, $3  }
0x3a: {  	_ = 	snop  }
0x3b: {  	_ = 	snop  }
0x3c: {  	p2 =	seq.s32 s10, $0x1;
	s10 =	sld [smem:$0x3FB5]  }
0x3d: {  	_ =	shalt  }
0x3e: {  	_ =	shalt  }
0x3f: {  	_ =	shalt  }
0x40: {  	_ =	shalt  }
0x41: {  	_ =	shalt  }
0x42: {  	_ =	shalt  }
0x43: {  	_ =	shalt  }
0x44: {  	_ =	shalt  }
0x45: {  	_ =	shalt  }
0x46: {  	_ =	shalt  }
0x47: {  	_ =	shalt  }
0x48: {  	_ =	shalt  }
0x49: {  	_ =	shalt  }
0x4a: {  	_ =	shalt  }
0x4b: {  	_ =	shalt  }
0x4c: {  	_ =	shalt  }
0x4d: {  	_ =	shalt  }
0x4e: {  	_ =	shalt  }
0x4f: {  	_ =	shalt  }
0x50: {  	_ =	shalt  }
0x51: {  	_ =	shalt  }
0x52: {  	_ =	shalt  }
0x53: {  	_ =	shalt  }
0x54: {  	_ =	shalt  }
0x55: {  	_ =	shalt  }
0x56: {  	_ =	shalt  }
0x57: {  	_ =	shalt  }
0x58: {  	_ =	shalt  }
0x59: {  	_ =	shalt  }
0x5a: {  	_ =	shalt  }
0x5b: {  	_ =	shalt  }
0x5c: {  	_ =	shalt  }
0x5d: {  	_ =	shalt  }
0x5e: {  	_ =	shalt  }
0x5f: {  	_ =	shalt  }
0x60: {  	_ =	shalt  }
0x61: {  	_ =	shalt  }
0x62: {  	_ =	shalt  }
0x63: {  	_ =	shalt  }
0x64: {  	_ =	shalt  }
0x65: {  	_ =	shalt  }
0x66: {  	_ =	shalt  }
0x67: {  	_ =	shalt  }
0x68: {  	_ =	shalt  }
0x69: {  	_ =	shalt  }
0x6a: {  	_ =	shalt  }
0x6b: {  	_ =	shalt  }
0x6c: {  	_ =	shalt  }
0x6d: {  	_ =	shalt  }
0x6e: {  	_ =	shalt  }
0x6f: {  	_ =	shalt  }
0x70: {  	_ =	shalt  }
0x71: {  	_ =	shalt  }
0x72: {  	_ =	shalt  }
0x73: {  	_ =	shalt  }
0x74: {  	_ =	shalt  }
0x75: {  	_ =	shalt  }
0x76: {  	_ =	shalt  }
0x77: {  	_ =	shalt  }
0x78: {  	_ =	shalt  }
0x79: {  	_ =	shalt  }
0x7a: {  	_ =	shalt  }
0x7b: {  	_ =	shalt  }
0x7c: {  	_ =	shalt  }
0x7d: {  	_ =	shalt  }
0x7e: {  	_ =	shalt  }
0x7f: {  	_ =	shalt  }
0x80: {  	_ =	shalt  }
0x81: {  	_ =	shalt  }
0x82: {  	_ =	shalt  }
0x83: {  	_ =	shalt  }
0x84: {  	_ =	shalt  }
0x85: {  	_ =	shalt  }
0x86: {  	_ =	shalt  }
0x87: {  	_ =	shalt  }
.Lfunc_end0:
.L_simem_size_0:
called_computation_lowered:
.L_overlay_start_0:
0x88: {  	s2 =	sld [smem:$0x3FD9]  }
0x89: {  	s3 =	sld [smem:$0x3FFE];
	_ =	sdelay $0x1  }
0x8a: {  	s1 =	srdreg.scid  }
0x8b: {  	s0 =	sand.u32 $0x1, s1  }
0x8c: {  	s30 =	sshll.u32 s0, $0xA;
	s2 =	sadd.s32 s3, s2  }
0x8d: {  	s2 =	sadd.s32 s2, s30  }
0x8e: {  	[smem:$0x3FC1] =	sst s2  }
0x8f: {  	_ = 	snop  }
0x90: {  	s2 =	sld [smem:$0x3FC9]  }
0x91: {  	s31 =	sld [smem:$0x3FC8]  }
0x92: {  	s4 =	sld [smem:$0x3FC7]  }
0x93: {  	s5 =	sld [smem:$0x3FD0]  }
0x94: {  	s6 =	sld [smem:$0x3FC6]  }
0x95: {  	s7 =	sld [smem:$0x3FC5]  }
0x96: {  	s9 =	simm.s32 $0xA;
	s10 =	simm.s32 $0x10;
	s8 =	sld [smem:$0x3FC4]  }
0x97: {  	[smem:s10], [sflag:s9] =	dma.local [hbm:s5], $0x1  }
0x98: {  	_ =	swait.eq [sflag:s9], $0x1  }
0x99: {  	s16 =	sld [smem:$0x10];
	[sflag:s9] =	ssyncset.done $0x0  }
0x9a: {  	s17 =	sld [smem:$0x11];
	[sflag:s9] =	ssyncadd.s32 $0xFFFFFFFF  }
0x9b: {  	s18 =	sld [smem:$0x12];
	(tm) =	ssettm $0x1  }
0x9c: {  	s11 =	sld [smem:$0x3FFB];
	_ =	sdelay $0x3  }
0x9d: {  	_ =	strace s11  }
0x9e: {  	s11 =	sld [smem:$0x3FFC];
	_ =	sdelay $0x3  }
0x9f: {  	_ =	strace s11  }
0xa0: {  	s11 =	sld [smem:$0x3FFD];
	_ =	sdelay $0x3  }
0xa1: {  	_ =	strace s11  }
0xa2: {  	_ =	strace $0x8FFFFFFF  }
0xa3: {  	s19 =	sld [smem:$0x3FDB];
	_ =	sdelay $0x1  }
0xa4: {  	s12 =	simm.s32 $_scs_section_size  }
0xa5: {  	s13 =	simm.s32 $_size__tile_overlayer_lowered;
	s14 =	simm.s32 $_tile_overlayer_lowered  }
0xa6: {  	s22 =	simm.s32 $0x1BFF;
	s21 =	sshll.u32 s14, $0x1;
	s11 =	sadd.s32 s12, s19  }
0xa7: {  	s15 =	simm.s32 $0x0;
	s20 =	sshll.u32 s13, $0x1;
	s13 =	sadd.s32 s21, s11  }
0xa8: {  	[timem:s15], [sflag:s22] =	dma.local [hbm:s13], s20  }
0xa9: {  	_ =	swait.ge [sflag:s22], s20  }
0xaa: {  	s12 =	ssub.s32 $0x0, s20;
	[sflag:s22] =	ssyncset.done $0x0  }
0xab: {  	[sflag:s22] =	ssyncadd.s32 s12;
	_ =	sdelay $0x1  }
0xac: {  	s23 =	simm.s32 $0x1B8B  }
0xad: {  	_ =	swait.ge [sflag:s23], $0x1  }
0xae: {  	[sflag:s23] =	ssyncset.done $0x0  }
0xaf: {  	s25 =	simm.s32 $0x1B8E;
	s24 =	sld [smem:$0x3FFE];
	[sflag:s23] =	ssyncadd.s32 $0xFFFFFFFF  }
0xb0: {  	s26 =	simm.s32 $execute0_lowered;
	[smem:$0x3FD2] =	sst s25  }
0xb1: {  	s13 =	sshll.u32 s26, $0x1;
	_ =	strace $0x80000046;
	[dreg:$0x1] =	wrdreg $0xFFFFFFFF  }
0xb2: {  	s28 =	simm.s32 $_size_execute0_lowered;
	s11 =	sadd.s32 s11, s13;
	[dreg:$0x0] =	wrdreg $0x0  }
0xb3: {  	s13 =	sshll.u32 s28, $0x1;
	[dreg:$0x2] =	wrdreg s11  }
0xb4: {  	[dreg:$0x3] =	wrdreg s13  }
0xb5: {  	[dreg:$0x4] =	wrdreg $0xC0  }
0xb6: {  	_ =	task [dreg:s15], $0x5FFFF  }
0xb7: {  	[dreg:$0x1] =	wrdreg $0xFFFFFFFF  }
0xb8: {  	[dreg:$0x0] =	wrdreg $0x60  }
0xb9: {  	[dreg:$0x2] =	wrdreg s2  }
0xba: {  	[dreg:$0x3] =	wrdreg s31  }
0xbb: {  	[dreg:$0x4] =	wrdreg s4  }
0xbc: {  	[dreg:$0x5] =	wrdreg s6  }
0xbd: {  	[dreg:$0x6] =	wrdreg s7  }
0xbe: {  	[dreg:$0x7] =	wrdreg s8  }
0xbf: {  	[dreg:$0x8] =	wrdreg s24  }
0xc0: {  	[dreg:$0x9] =	wrdreg s16  }
0xc1: {  	[dreg:$0xa] =	wrdreg s17  }
0xc2: {  	[dreg:$0xb] =	wrdreg s18  }
0xc3: {  	[dreg:$0xc] =	wrdreg $0x9  }
0xc4: {  	_ =	task.clear_ibuf [dreg:s15], $0xDFFFF;
	_ =	strace $0x90000046  }
0xc5: {  	s29 =	simm.s32 $0x9;
	_ =	strace $0x80000048  }
0xc6: {  	_ =	swait.ge [sflag:s29], $0x1  }
0xc7: {  	[sflag:s29] =	ssyncadd.s32 $0xFFFFFFFF  }
0xc8: {  	_ =	strace $0x90000048  }
0xc9: {  	_ =	sfence  }
0xca: {  	s30 =	sld [smem:$0x0];
	_ =	sdelay $0x2  }
0xcb: {  	s31 =	sshll.u32 s1, $0xD;
	s1 =	sshrl.u32 s1, $0x2  }
0xcc: {  	s3 =	sand.u32 $0x4000, s31;
	s1 =	sadd.s32 s1, s30  }
0xcd: {  	s0 =	sor.u32 s3, s0;
	s1 =	sshll.u32 s1, $0x11  }
0xce: {  	s0 =	sor.u32 s1, s0  }
0xcf: {  	s0 =	sadd.s32 $0x8F2B, s0  }
0xd0: {  	[sflag:s0] =	ssyncadd.remote.s32 $0x1  }
0xd1: {  	_ =	sfence.sel $0xFFFF  }
0xd2: {  	[dreg:$0x0] =	wrdreg $0xFFFFFFFF;
	(pc) =	sbr.abs _section_cstart, $3  }
0xd3: {  	[dreg:$0x1] =	wrdreg $0xFFFFFFFF  }
0xd4: {  	_ =	task.clear_ibuf [dreg:s15], $0x2FFFF;
	_ =	strace $0x9FFFFFFF  }
0xd5: {  	(tm) =	ssettm $0x7FFFFFFF  }
tec
execute0_lowered:
.L_overlay_start_1:
0x0: {  	(tag) =	ssettag $0x1  }
0x1: {  	s0 =	rddreg [dreg:$0x0]  }
0x2: {  	s1 =	rddreg [dreg:$0x1]  }
0x3: {  	s4 =	rddreg [dreg:$0x2]  }
0x4: {  	s5 =	rddreg [dreg:$0x3]  }
0x5: {  	s6 =	rddreg [dreg:$0x4]  }
0x6: {  	s7 =	rddreg [dreg:$0x5]  }
0x7: {  	s3 =	rddreg [dreg:$0x6]  }
0x8: {  	s8 =	rddreg [dreg:$0x7]  }
0x9: {  	s9 =	rddreg [dreg:$0x8]  }
0xa: {  	s10 =	rddreg [dreg:$0x9];
	s11 =	srdreg.scid;
	s2 =	simm.s32 $0x0  }
0xb: {  	s13 =	stileid.u32;
	s28 =	simm.s32 $0x12C00;
	s29 =	simm.s32 $0x6C00  }
0xc: {  	s30 =	simm.s32 $0x12C80;
	s11 =	sand.u32 $0x1, s11;
	s13 =	sshll.u32 s13, $0x1  }
0xd: {  	s31 =	simm.s32 $0x8C00;
	s12 =	ssub.s32 $0x2, s11;
	s11 =	sor.u32 s11, s13  }
0xe: {  	[smem:$0x7FF] =	sst s2;
	s3 =	sadd.s32 $0x800, s3;
	s13 =	sshll.u32 s11, $0xA  }
0xf: {  	_ =	strace $0x80000047;
	s14 =	sshrl.u32 s12, $0x1;
	s24 =	sadd.s32 s0, s13  }
0x10: {  	s26 =	sshll.u32 s11, $0x7;
	s25 =	sadd.s32 s1, s13;
	[dreg:$0xb] =	wrdreg s24  }
0x11: {  	s22 =	sshll.u32 s11, $0x4;
	s13 =	sadd.s32 s4, s13;
	[dreg:$0xc] =	wrdreg s25  }
0x12: {  	s11 =	simm.s32 $0x3;
	s15 =	sadd.s32 s5, s26;
	[dreg:$0xd] =	wrdreg s13  }
0x13: {  	s12 =	ssub.s32 s12, s14;
	s14 =	sadd.s32 s7, s26;
	[dreg:$0xe] =	wrdreg s15  }
0x14: {  	s16 =	sor.u32 $0x1000, s26;
	s15 =	sadd.s32 s6, s26;
	[dreg:$0x10] =	wrdreg s14  }
0x15: {  	v0 =	vlaneseq.u32;
	s17 =	sshll.u32 s16, $0x3;
	s20 =	sadd.s32 s5, s16;
	s21 =	sadd.s32 s6, s16  }
0x16: {  	v1 =	vmul.u32 $0x8, v0;
	s23 =	sadd.s32 s7, s16;
	s24 =	sadd.s32 s8, s22;
	[dreg:$0xf] =	wrdreg s15  }
0x17: {  	v5 =	vmul.u32 $0x40, v0;
	s25 =	sadd.s32 s9, s22;
	s26 =	smax.u32 s12, $0x1;
	[dreg:$0x14] =	wrdreg s20  }
0x18: {  	v2 =	vor.u32 $0x1, v1;
	v3 =	vor.u32 $0x2, v1;
	v4 =	vor.u32 $0x3, v1;
	s5 =	simm.s32 $0xCC00;
	s6 =	simm.s32 $0x12E00;
	[dreg:$0x15] =	wrdreg s21  }
0x19: {  	v6 =	vor.u32 $0x4, v1;
	v7 =	vor.u32 $0x5, v1;
	v8 =	vor.u32 $0x6, v1;
	s7 =	simm.s32 $0xEC00;
	s8 =	simm.s32 $0x12E80;
	[dreg:$0x16] =	wrdreg s23  }
0x1a: {  	v9 =	vor.u32 $0x7, v1;
	v10 =	vor.u32 $0x400, v5;
	v11 =	vor.u32 $0x800, v5;
	s9 =	simm.s32 $0x10C00;
	s12 =	simm.s32 $0x0;
	[dreg:$0x17] =	wrdreg s24  }
0x1b: {  	v12 =	vor.u32 $0xC00, v5;
	v13 =	vor.u32 $0x1000, v5;
	v14 =	vor.u32 $0x1400, v5;
	s0 =	sadd.s32 s0, s17;
	s18 =	sadd.s32 s1, s17;
	[dreg:$0x18] =	wrdreg s25  }
0x1c: {  	v15 =	vor.u32 $0x1800, v5;
	v16 =	vor.u32 $0x1C00, v5;
	v17 =	vor.u32 $0x2000, v5;
	s19 =	sadd.s32 s4, s17;
	[dreg:$0x1a] =	wrdreg s26;
	s20 =	simm.s32 $0x2000  }
0x1d: {  	v18 =	vor.u32 $0x2400, v5;
	v19 =	vor.u32 $0x2800, v5;
	v20 =	vor.u32 $0x2C00, v5;
	s21 =	simm.s32 $0x4000;
	s23 =	simm.s32 $0x6400;
	s24 =	simm.s32 $0x6800  }
0x1e: {  	v21 =	vor.u32 $0x3000, v5;
	v22 =	vor.u32 $0x3400, v5;
	v23 =	vor.u32 $0x3800, v5;
	s25 =	simm.s32 $0x1;
	s26 =	simm.s32 $0x80;
	[dreg:$0x11] =	wrdreg s0  }
0x1f: {  	v24 =	vor.u32 $0x3C00, v5;
	v25 =	vor.u32 $0x4000, v5;
	v26 =	vor.u32 $0x4400, v5;
	s1 =	simm.s32 $0xAC00;
	s4 =	simm.s32 $0x12D80;
	[dreg:$0x12] =	wrdreg s18  }
0x20: {  	v27 =	vor.u32 $0x4800, v5;
	v28 =	vor.u32 $0x4C00, v5;
	v29 =	vor.u32 $0x5000, v5;
	[dreg:$0x13] =	wrdreg s19;
	s0 =	sadd.s32 s10, s22;
	s22 =	simm.s32 $0x6000  }
0x21: {  	v30 =	vor.u32 $0x5400, v5;
	v31 =	vor.u32 $0x5800, v5;
	v32 =	vor.u32 $0x5C00, v5;
	s10 =	simm.s32 $0x2;
	[dreg:$0x19] =	wrdreg s0;
	s0 =	simm.s32 $0x12D00  }
.LBB2_1:
0x22: {  	s13 =	rddreg [dreg:$0xb]  }
0x23: {  	[tilespmem:s2], [sflag:$0x1] =	stream.linear.gather [hbm4b:s13+s2], $0x2000, $0x38;
	[tilespmem:$0x13C80] =	vst v63  }
0x24: {  	s15 =	rddreg [dreg:$0xc]  }
0x25: {  	[tilespmem:s20], [sflag:$0x1] =	stream.linear.gather [hbm4b:s15+s2], $0x2000, $0x38;
	[tilespmem:$0x13C80] =	vst v63  }
0x26: {  	s16 =	rddreg [dreg:$0xd]  }
0x27: {  	[tilespmem:s21], [sflag:$0x1] =	stream.linear.gather [hbm4b:s16+s2], $0x2000, $0x38;
	[tilespmem:$0x13C80] =	vst v63  }
0x28: {  	s17 =	rddreg [dreg:$0xe]  }
0x29: {  	[tilespmem:s22], [sflag:$0x1] =	stream.linear.gather [hbm4b:s17+s2], $0x400, $0x38;
	[tilespmem:$0x13C80] =	vst v63  }
0x2a: {  	s18 =	rddreg [dreg:$0xf]  }
0x2b: {  	[tilespmem:s23], [sflag:$0x1] =	stream.linear.gather [hbm4b:s18+s2], $0x400, $0x38;
	[tilespmem:$0x13C80] =	vst v63  }
0x2c: {  	s19 =	rddreg [dreg:$0x10]  }
0x2d: {  	[tilespmem:s24], [sflag:$0x1] =	stream.linear.gather [hbm4b:s19+s2], $0x400, $0x38;
	[tilespmem:$0x13C80] =	vst v63  }
0x2e: {  	_ =	swait.ge [sflag:s25], $0x2000  }
0x2f: {  	[sflag:s25] =	ssyncset.done $0x0  }
0x30: {  	[sflag:s25] =	ssyncadd.s32 $0xFFFFE000  }
0x31: {  	_ =	swait.ge [sflag:s25], $0x2000  }
0x32: {  	[sflag:s25] =	ssyncset.done $0x0  }
0x33: {  	[sflag:s25] =	ssyncadd.s32 $0xFFFFE000  }
0x34: {  	_ =	swait.ge [sflag:s25], $0x2000  }
0x35: {  	[sflag:s25] =	ssyncset.done $0x0  }
0x36: {  	[sflag:s25] =	ssyncadd.s32 $0xFFFFE000  }
0x37: {  	_ =	swait.ge [sflag:s25], $0x400  }
0x38: {  	[sflag:s25] =	ssyncset.done $0x0  }
0x39: {  	[sflag:s25] =	ssyncadd.s32 $0xFFFFFC00  }
0x3a: {  	_ =	swait.ge [sflag:s25], $0x400  }
0x3b: {  	[sflag:s25] =	ssyncset.done $0x0  }
0x3c: {  	[sflag:s25] =	ssyncadd.s32 $0xFFFFFC00  }
0x3d: {  	_ =	swait.ge [sflag:s25], $0x400  }
0x3e: {  	[sflag:s25] =	ssyncset.done $0x0  }
0x3f: {  	[sflag:s25] =	ssyncadd.s32 $0xFFFFFC00  }
0x40: {  	v33 =	vld.idx.msk [tilespmem:v1+s22+$0x0], $0xffff;
	_ =	sdelay $0x4  }
0x41: {  	[tilespmem:$0x12C00] =	vst v33  }
0x42: {  	v33 =	vld.idx.msk [tilespmem:v2+s22+$0x0], $0xffff;
	_ =	sdelay $0x4  }
0x43: {  	[tilespmem:$0x12C10] =	vst v33  }
0x44: {  	v33 =	vld.idx.msk [tilespmem:v3+s22+$0x0], $0xffff;
	_ =	sdelay $0x4  }
0x45: {  	[tilespmem:$0x12C20] =	vst v33  }
0x46: {  	v33 =	vld.idx.msk [tilespmem:v4+s22+$0x0], $0xffff;
	_ =	sdelay $0x4  }
0x47: {  	[tilespmem:$0x12C30] =	vst v33  }
0x48: {  	v33 =	vld.idx.msk [tilespmem:v6+s22+$0x0], $0xffff;
	_ =	sdelay $0x4  }
0x49: {  	[tilespmem:$0x12C40] =	vst v33  }
0x4a: {  	v33 =	vld.idx.msk [tilespmem:v7+s22+$0x0], $0xffff;
	_ =	sdelay $0x4  }
0x4b: {  	[tilespmem:$0x12C50] =	vst v33  }
0x4c: {  	v33 =	vld.idx.msk [tilespmem:v8+s22+$0x0], $0xffff;
	_ =	sdelay $0x4  }
0x4d: {  	[tilespmem:$0x12C60] =	vst v33  }
0x4e: {  	v33 =	vld.idx.msk [tilespmem:v9+s22+$0x0], $0xffff;
	_ =	sdelay $0x4  }
0x4f: {  	[tilespmem:$0x12C70] =	vst v33  }
0x50: {  	v33 =	vld.idx.msk [tilespmem:v1+s24+$0x0], $0xffff;
	_ =	sdelay $0x4  }
0x51: {  	[tilespmem:$0x12C80] =	vst v33  }
0x52: {  	v33 =	vld.idx.msk [tilespmem:v2+s24+$0x0], $0xffff;
	_ =	sdelay $0x4  }
0x53: {  	[tilespmem:$0x12C90] =	vst v33  }
0x54: {  	v33 =	vld.idx.msk [tilespmem:v3+s24+$0x0], $0xffff;
	_ =	sdelay $0x4  }
0x55: {  	[tilespmem:$0x12CA0] =	vst v33  }
0x56: {  	v33 =	vld.idx.msk [tilespmem:v4+s24+$0x0], $0xffff;
	_ =	sdelay $0x4  }
0x57: {  	[tilespmem:$0x12CB0] =	vst v33  }
0x58: {  	v33 =	vld.idx.msk [tilespmem:v6+s24+$0x0], $0xffff;
	_ =	sdelay $0x4  }
0x59: {  	[tilespmem:$0x12CC0] =	vst v33  }
0x5a: {  	v33 =	vld.idx.msk [tilespmem:v7+s24+$0x0], $0xffff;
	_ =	sdelay $0x4  }
0x5b: {  	[tilespmem:$0x12CD0] =	vst v33  }
0x5c: {  	v33 =	vld.idx.msk [tilespmem:v8+s24+$0x0], $0xffff;
	_ =	sdelay $0x4  }
0x5d: {  	[tilespmem:$0x12CE0] =	vst v33  }
0x5e: {  	v33 =	vld.idx.msk [tilespmem:v9+s24+$0x0], $0xffff;
	_ =	sdelay $0x4  }
0x5f: {  	[tilespmem:$0x12CF0] =	vst v33  }
0x60: {  	v33 =	vld.idx.msk [tilespmem:v1+s23+$0x0], $0xffff;
	_ =	sdelay $0x4  }
0x61: {  	[tilespmem:$0x12D00] =	vst v33  }
0x62: {  	v33 =	vld.idx.msk [tilespmem:v2+s23+$0x0], $0xffff;
	_ =	sdelay $0x4  }
0x63: {  	[tilespmem:$0x12D10] =	vst v33  }
0x64: {  	v33 =	vld.idx.msk [tilespmem:v3+s23+$0x0], $0xffff;
	_ =	sdelay $0x4  }
0x65: {  	[tilespmem:$0x12D20] =	vst v33  }
0x66: {  	v33 =	vld.idx.msk [tilespmem:v4+s23+$0x0], $0xffff;
	_ =	sdelay $0x4  }
0x67: {  	[tilespmem:$0x12D30] =	vst v33  }
0x68: {  	v33 =	vld.idx.msk [tilespmem:v6+s23+$0x0], $0xffff;
	_ =	sdelay $0x4  }
0x69: {  	[tilespmem:$0x12D40] =	vst v33  }
0x6a: {  	v33 =	vld.idx.msk [tilespmem:v7+s23+$0x0], $0xffff;
	_ =	sdelay $0x4  }
0x6b: {  	[tilespmem:$0x12D50] =	vst v33  }
0x6c: {  	v33 =	vld.idx.msk [tilespmem:v8+s23+$0x0], $0xffff;
	_ =	sdelay $0x4  }
0x6d: {  	[tilespmem:$0x12D60] =	vst v33  }
0x6e: {  	v33 =	vld.idx.msk [tilespmem:v9+s23+$0x0], $0xffff;
	_ =	sdelay $0x4  }
0x6f: {  	[tilespmem:$0x12D70] =	vst v33  }
0x70: {  	[tilespmem:s29], [sflag:$0x1] =	stream.indirect.gather [hbm4b:s3+s26], $0x40, s28, s26, $0xb8;
	[tilespmem:$0x13C80] =	vst v63  }
0x71: {  	_ = 	snop  }
0x72: {  	[tilespmem:s31], [sflag:$0x1] =	stream.indirect.gather [hbm4b:s3+s26], $0x40, s30, s26, $0xb8;
	[tilespmem:$0x13C80] =	vst v63  }
0x73: {  	s13 =	simm.s32 $0x0  }
0x74: {  	[tilespmem:s1], [sflag:$0x1] =	stream.indirect.gather [hbm4b:s3+s26], $0x40, s0, s26, $0xb8;
	[tilespmem:$0x13C80] =	vst v63  }
.LBB2_2:
0x75: {  	s15 =	sshll.u32 s13, $0x5  }
0x76: {  	s14 =	sor.u32 $0x10, s15  }
0x77: {  	v33 =	vor.u32 s14, v0  }
0x78: {  	v34 =	vshll.u32 v33, $0x3;
	_ =	sdelay $0x4  }
0x79: {  	v35 =	vld.idx.msk [tilespmem:v34+s22+$0x0], $0xffff  }
0x7a: {  	v36 =	vor.u32 $0x1, v34;
	_ =	sdelay $0x3  }
0x7b: {  	[tilespmem:$0x12D80] =	vst v35  }
0x7c: {  	v35 =	vld.idx.msk [tilespmem:v36+s22+$0x0], $0xffff  }
0x7d: {  	v37 =	vor.u32 $0x2, v34;
	_ =	sdelay $0x3  }
0x7e: {  	[tilespmem:$0x12D90] =	vst v35  }
0x7f: {  	v35 =	vld.idx.msk [tilespmem:v37+s22+$0x0], $0xffff  }
0x80: {  	v38 =	vor.u32 $0x3, v34;
	_ =	sdelay $0x3  }
0x81: {  	[tilespmem:$0x12DA0] =	vst v35  }
0x82: {  	v35 =	vld.idx.msk [tilespmem:v38+s22+$0x0], $0xffff  }
0x83: {  	v39 =	vor.u32 $0x4, v34;
	_ =	sdelay $0x3  }
0x84: {  	[tilespmem:$0x12DB0] =	vst v35  }
0x85: {  	v35 =	vld.idx.msk [tilespmem:v39+s22+$0x0], $0xffff  }
0x86: {  	v40 =	vor.u32 $0x5, v34;
	_ =	sdelay $0x3  }
0x87: {  	[tilespmem:$0x12DC0] =	vst v35  }
0x88: {  	v35 =	vld.idx.msk [tilespmem:v40+s22+$0x0], $0xffff  }
0x89: {  	v41 =	vor.u32 $0x6, v34;
	_ =	sdelay $0x3  }
0x8a: {  	[tilespmem:$0x12DD0] =	vst v35  }
0x8b: {  	v35 =	vld.idx.msk [tilespmem:v41+s22+$0x0], $0xffff  }
0x8c: {  	v42 =	vor.u32 $0x7, v34;
	_ =	sdelay $0x3  }
0x8d: {  	[tilespmem:$0x12DE0] =	vst v35  }
0x8e: {  	v35 =	vld.idx.msk [tilespmem:v42+s22+$0x0], $0xffff;
	_ =	sdelay $0x4  }
0x8f: {  	[tilespmem:$0x12DF0] =	vst v35  }
0x90: {  	v35 =	vld.idx.msk [tilespmem:v34+s24+$0x0], $0xffff;
	_ =	sdelay $0x4  }
0x91: {  	[tilespmem:$0x12E00] =	vst v35  }
0x92: {  	v35 =	vld.idx.msk [tilespmem:v36+s24+$0x0], $0xffff;
	_ =	sdelay $0x4  }
0x93: {  	[tilespmem:$0x12E10] =	vst v35  }
0x94: {  	v35 =	vld.idx.msk [tilespmem:v37+s24+$0x0], $0xffff;
	_ =	sdelay $0x4  }
0x95: {  	[tilespmem:$0x12E20] =	vst v35  }
0x96: {  	v35 =	vld.idx.msk [tilespmem:v38+s24+$0x0], $0xffff;
	_ =	sdelay $0x4  }
0x97: {  	[tilespmem:$0x12E30] =	vst v35  }
0x98: {  	v35 =	vld.idx.msk [tilespmem:v39+s24+$0x0], $0xffff;
	_ =	sdelay $0x4  }
0x99: {  	[tilespmem:$0x12E40] =	vst v35  }
0x9a: {  	v35 =	vld.idx.msk [tilespmem:v40+s24+$0x0], $0xffff;
	_ =	sdelay $0x4  }
0x9b: {  	[tilespmem:$0x12E50] =	vst v35  }
0x9c: {  	v35 =	vld.idx.msk [tilespmem:v41+s24+$0x0], $0xffff;
	_ =	sdelay $0x4  }
0x9d: {  	[tilespmem:$0x12E60] =	vst v35  }
0x9e: {  	v35 =	vld.idx.msk [tilespmem:v42+s24+$0x0], $0xffff;
	_ =	sdelay $0x4  }
0x9f: {  	[tilespmem:$0x12E70] =	vst v35  }
0xa0: {  	v34 =	vld.idx.msk [tilespmem:v34+s23+$0x0], $0xffff;
	_ =	sdelay $0x4  }
0xa1: {  	[tilespmem:$0x12E80] =	vst v34  }
0xa2: {  	v34 =	vld.idx.msk [tilespmem:v36+s23+$0x0], $0xffff;
	_ =	sdelay $0x4  }
0xa3: {  	[tilespmem:$0x12E90] =	vst v34  }
0xa4: {  	v34 =	vld.idx.msk [tilespmem:v37+s23+$0x0], $0xffff;
	_ =	sdelay $0x4  }
0xa5: {  	[tilespmem:$0x12EA0] =	vst v34  }
0xa6: {  	v34 =	vld.idx.msk [tilespmem:v38+s23+$0x0], $0xffff;
	_ =	sdelay $0x4  }
0xa7: {  	[tilespmem:$0x12EB0] =	vst v34  }
0xa8: {  	v34 =	vld.idx.msk [tilespmem:v39+s23+$0x0], $0xffff;
	_ =	sdelay $0x4  }
0xa9: {  	[tilespmem:$0x12EC0] =	vst v34  }
0xaa: {  	v34 =	vld.idx.msk [tilespmem:v40+s23+$0x0], $0xffff;
	_ =	sdelay $0x4  }
0xab: {  	[tilespmem:$0x12ED0] =	vst v34  }
0xac: {  	v34 =	vld.idx.msk [tilespmem:v41+s23+$0x0], $0xffff;
	_ =	sdelay $0x4  }
0xad: {  	[tilespmem:$0x12EE0] =	vst v34  }
0xae: {  	v34 =	vld.idx.msk [tilespmem:v42+s23+$0x0], $0xffff;
	_ =	sdelay $0x4  }
0xaf: {  	[tilespmem:$0x12EF0] =	vst v34  }
0xb0: {  	[tilespmem:s5], [sflag:$0x2] =	stream.indirect.gather [hbm4b:s3+s26], $0x40, s4, s26, $0xb8;
	[tilespmem:$0x13C80] =	vst v63  }
0xb1: {  	_ = 	snop  }
0xb2: {  	[tilespmem:s7], [sflag:$0x2] =	stream.indirect.gather [hbm4b:s3+s26], $0x40, s6, s26, $0xb8;
	[tilespmem:$0x13C80] =	vst v63  }
0xb3: {  	_ = 	snop  }
0xb4: {  	[tilespmem:s9], [sflag:$0x2] =	stream.indirect.gather [hbm4b:s3+s26], $0x40, s8, s26, $0xb8;
	[tilespmem:$0x13C80] =	vst v63  }
0xb5: {  	_ =	swait.ge [sflag:s25], $0x2000  }
0xb6: {  	s16 =	simm.s32 $0x0;
	[sflag:s25] =	ssyncset.done $0x0  }
0xb7: {  	v62 =	vmov s16;
	[sflag:s25] =	ssyncadd.s32 $0xFFFFE000  }
0xb8: {  	v63 =	vand.u32 $0x3E, v62;
	_ =	swait.ge [sflag:s25], $0x2000  }
0xb9: {  	v34 =	vor.u32 v5, v63;
	[sflag:s25] =	ssyncset.done $0x0  }
0xba: {  	v47 =	vor.u32 v26, v63;
	[sflag:s25] =	ssyncadd.s32 $0xFFFFE000  }
0xbb: {  	v48 =	vor.u32 v27, v63;
	_ =	swait.ge [sflag:s25], $0x2000  }
0xbc: {  	v49 =	vor.u32 v13, v63;
	[sflag:s25] =	ssyncset.done $0x0  }
0xbd: {  	v50 =	vor.u32 v28, v63;
	[sflag:s25] =	ssyncadd.s32 $0xFFFFE000  }
0xbe: {  	v51 =	vor.u32 v12, v63;
	v34 =	vld.idx.msk [tilespmem:v34+s29+$0x0], $0xffff  }
0xbf: {  	v52 =	vor.u32 v19, v63;
	v36 =	vld.idx.msk [tilespmem:v47+s29+$0x0], $0xffff  }
0xc0: {  	v53 =	vor.u32 v11, v63;
	v37 =	vld.idx.msk [tilespmem:v48+s29+$0x0], $0xffff  }
0xc1: {  	v43 =	vor.u32 v17, v63;
	v38 =	vld.idx.msk [tilespmem:v49+s29+$0x0], $0xffff  }
0xc2: {  	v44 =	vor.u32 v10, v63;
	v39 =	vld.idx.msk [tilespmem:v50+s29+$0x0], $0xffff  }
0xc3: {  	v45 =	vor.u32 v25, v63;
	v40 =	vld.idx.msk [tilespmem:v51+s29+$0x0], $0xffff  }
0xc4: {  	v46 =	vor.u32 v18, v63;
	v41 =	vld.idx.msk [tilespmem:v52+s29+$0x0], $0xffff  }
0xc5: {  	v55 =	vor.u32 v31, v63;
	v42 =	vld.idx.msk [tilespmem:v53+s29+$0x0], $0xffff  }
0xc6: {  	v35 =	vor.u32 v24, v63;
	v43 =	vld.idx.msk [tilespmem:v43+s29+$0x0], $0xffff  }
0xc7: {  	v47 =	vor.u32 v20, v63;
	v44 =	vld.idx.msk [tilespmem:v44+s29+$0x0], $0xffff  }
0xc8: {  	v48 =	vor.u32 v29, v63;
	v45 =	vld.idx.msk [tilespmem:v45+s29+$0x0], $0xffff  }
0xc9: {  	v49 =	vor.u32 v14, v63;
	v46 =	vld.idx.msk [tilespmem:v46+s29+$0x0], $0xffff  }
0xca: {  	v50 =	vor.u32 v21, v63;
	v62 =	vld.idx.msk [tilespmem:v55+s29+$0x0], $0xffff  }
0xcb: {  	v51 =	vor.u32 v30, v63;
	v35 =	vld.idx.msk [tilespmem:v35+s29+$0x0], $0xffff  }
0xcc: {  	v52 =	vor.u32 v22, v63;
	v47 =	vld.idx.msk [tilespmem:v47+s29+$0x0], $0xffff  }
0xcd: {  	v54 =	vmov s15;
	v53 =	vor.u32 v15, v63;
	v48 =	vld.idx.msk [tilespmem:v48+s29+$0x0], $0xffff;
	v44 =	vadd.f32 v44, v34  }
0xce: {  	v54 =	vshll.u32 v54, $0x6;
	v56 =	vor.u32 v16, v63;
	v49 =	vld.idx.msk [tilespmem:v49+s29+$0x0], $0xffff;
	v36 =	vadd.f32 v36, v45  }
0xcf: {  	v57 =	vor.u32 v23, v63;
	v50 =	vld.idx.msk [tilespmem:v50+s29+$0x0], $0xffff;
	v43 =	vadd.f32 v46, v43;
	v42 =	vadd.f32 v42, v44  }
0xd0: {  	v45 =	vld.idx.msk [tilespmem:v51+s29+$0x0], $0xffff;
	v34 =	vor.u32 v5, v54;
	v54 =	vor.u32 v32, v63;
	v36 =	vadd.f32 v37, v36  }
0xd1: {  	v58 =	vld.idx.msk [tilespmem:v52+s29+$0x0], $0xffff;
	v61 =	vor.u32 s16, v34;
	v60 =	vadd.f32 v41, v43;
	v40 =	vadd.f32 v40, v42  }
0xd2: {  	v59 =	vld.idx.msk [tilespmem:v53+s29+$0x0], $0xffff;
	v36 =	vadd.f32 v39, v36  }
0xd3: {  	v63 =	vld.idx.msk [tilespmem:v56+s29+$0x0], $0xffff;
	v37 =	vadd.f32 v47, v60;
	v38 =	vadd.f32 v38, v40  }
0xd4: {  	v52 =	vld.idx.msk [tilespmem:v57+s29+$0x0], $0xffff;
	v36 =	vadd.f32 v48, v36  }
0xd5: {  	v53 =	vld.idx.msk [tilespmem:v54+s29+$0x0], $0xffff;
	v37 =	vadd.f32 v50, v37;
	v38 =	vadd.f32 v49, v38  }
0xd6: {  	v46 =	vld.idx.msk [tilespmem:v61+s2+$0x0], $0xffff;
	v36 =	vadd.f32 v45, v36  }
0xd7: {  	v54 =	vld.idx.msk [tilespmem:v61+s20+$0x0], $0xffff;
	v37 =	vadd.f32 v58, v37;
	v38 =	vadd.f32 v59, v38  }
0xd8: {  	v41 =	vld.idx.msk [tilespmem:v61+s21+$0x0], $0xffff;
	v36 =	vadd.f32 v62, v36  }
0xd9: {  	s19 =	simm.s32 $0x1;
	v37 =	vadd.f32 v52, v37;
	v38 =	vadd.f32 v63, v38  }
0xda: {  	v56 =	vmov s19;
	v55 =	vadd.f32 v53, v36;
	v36 =	vor.u32 s19, v34  }
0xdb: {  	v35 =	vadd.f32 v35, v37;
	v57 =	vmul.f32 v46, v38;
	v38 =	vand.u32 $0x3F, v56  }
0xdc: {  	s17 =	simm.s32 $0x13310;
	v39 =	vmul.f32 v54, v55;
	v58 =	vor.u32 v17, v38  }
0xdd: {  	v35 =	vmul.f32 v41, v35;
	v59 =	vor.u32 v18, v38;
	[tilespmem:s17+$0xFFFFFBF0] =	vst v57  }
0xde: {  	v60 =	vor.u32 v27, v38;
	[tilespmem:s17+$0x3F0] =	vst v39  }
0xdf: {  	v61 =	vor.u32 v11, v38;
	[tilespmem:s17+$0xFFFFFFF0] =	vst v35  }
0xe0: {  	v62 =	vor.u32 v10, v38;
	v37 =	vld.idx.msk [tilespmem:v36+s20+$0x0], $0xffff  }
0xe1: {  	v63 =	vor.u32 v31, v38;
	v40 =	vld.idx.msk [tilespmem:v58+s29+$0x0], $0xffff  }
0xe2: {  	v49 =	vor.u32 v26, v38;
	v48 =	vld.idx.msk [tilespmem:v59+s29+$0x0], $0xffff  }
0xe3: {  	v57 =	vor.u32 v25, v38;
	v44 =	vld.idx.msk [tilespmem:v60+s29+$0x0], $0xffff  }
0xe4: {  	v43 =	vld.idx.msk [tilespmem:v61+s29+$0x0], $0xffff;
	v59 =	vor.u32 v32, v38  }
0xe5: {  	v58 =	vmul.f32 v54, v54;
	v61 =	vmul.f32 v46, v46;
	v46 =	vld.idx.msk [tilespmem:v62+s29+$0x0], $0xffff  }
0xe6: {  	v42 =	vor.u32 v20, v38;
	v53 =	vor.u32 v5, v38;
	v60 =	vimm.f32 $0.0e+00;
	v39 =	vld.idx.msk [tilespmem:v63+s29+$0x0], $0xffff  }
0xe7: {  	v52 =	vor.u32 v30, v38;
	v47 =	vld.idx.msk [tilespmem:v49+s29+$0x0], $0xffff;
	v62 =	vadd.f32 v58, v60;
	v63 =	vmul.f32 v37, v37  }
0xe8: {  	v50 =	vor.u32 v28, v38;
	v51 =	vor.u32 v19, v38;
	v49 =	vld.idx.msk [tilespmem:v57+s29+$0x0], $0xffff;
	v41 =	vadd.f32 v61, v60  }
0xe9: {  	s18 =	simm.s32 $0x2;
	s16 =	simm.s32 $0x13310;
	v45 =	vadd.f32 v48, v40;
	v35 =	vadd.f32 v63, v62;
	v48 =	vor.u32 v29, v38;
	v40 =	vld.idx.msk [tilespmem:v59+s29+$0x0], $0xffff  }
.LBB2_3:
0xea: {  	p0 =	sne.s32 s18, $0x3E  }
0xeb: {  	v53 =	vld.idx.msk [tilespmem:v53+s29+$0x0], $0xffff;
	s17 =	sadd.s32 $0x20, s17;
	s19 =	smov.u32 s18;
	s18 =	sadd.s32 $0x2, s18  }
0xec: {  	v54 =	vor.u32 v12, v38;
	v52 =	vld.idx.msk [tilespmem:v52+s29+$0x0], $0xffff  }
0xed: {  	v55 =	vor.u32 v21, v38;
	v50 =	vld.idx.msk [tilespmem:v50+s29+$0x0], $0xffff  }
0xee: {  	v56 =	vor.u32 v13, v38;
	v51 =	vld.idx.msk [tilespmem:v51+s29+$0x0], $0xffff  }
0xef: {  	v57 =	vor.u32 v22, v38;
	v47 =	vadd.f32 v47, v49;
	v48 =	vld.idx.msk [tilespmem:v48+s29+$0x0], $0xffff  }
0xf0: {  	v49 =	vor.u32 v14, v38;
	v42 =	vld.idx.msk [tilespmem:v42+s29+$0x0], $0xffff  }
0xf1: {  	v46 =	vadd.f32 v46, v53;
	v44 =	vadd.f32 v44, v47;
	v53 =	vld.idx.msk [tilespmem:v54+s29+$0x0], $0xffff;
	v54 =	vor.u32 v23, v38  }
0xf2: {  	v47 =	vor.u32 v15, v38;
	v55 =	vld.idx.msk [tilespmem:v55+s29+$0x0], $0xffff  }
0xf3: {  	v43 =	vadd.f32 v43, v46;
	v44 =	vadd.f32 v50, v44;
	v46 =	vld.idx.msk [tilespmem:v56+s29+$0x0], $0xffff;
	v56 =	vor.u32 v24, v38  }
0xf4: {  	v38 =	vor.u32 v16, v38;
	v45 =	vadd.f32 v51, v45;
	v50 =	vld.idx.msk [tilespmem:v57+s29+$0x0], $0xffff  }
0xf5: {  	v44 =	vadd.f32 v48, v44;
	v49 =	vld.idx.msk [tilespmem:v49+s29+$0x0], $0xffff  }
0xf6: {  	v42 =	vadd.f32 v42, v45;
	v45 =	vld.idx.msk [tilespmem:v54+s29+$0x0], $0xffff  }
0xf7: {  	v43 =	vadd.f32 v53, v43;
	v44 =	vadd.f32 v52, v44;
	v47 =	vld.idx.msk [tilespmem:v47+s29+$0x0], $0xffff  }
0xf8: {  	v42 =	vadd.f32 v55, v42;
	v48 =	vld.idx.msk [tilespmem:v56+s29+$0x0], $0xffff  }
0xf9: {  	v43 =	vadd.f32 v46, v43;
	v39 =	vadd.f32 v39, v44;
	v38 =	vld.idx.msk [tilespmem:v38+s29+$0x0], $0xffff  }
0xfa: {  	v42 =	vadd.f32 v50, v42;
	v44 =	vld.idx.msk [tilespmem:v36+s21+$0x0], $0xffff  }
0xfb: {  	v43 =	vadd.f32 v49, v43;
	v39 =	vadd.f32 v40, v39;
	v36 =	vld.idx.msk [tilespmem:v36+s2+$0x0], $0xffff  }
0xfc: {  	v40 =	vadd.f32 v45, v42  }
0xfd: {  	v42 =	vadd.f32 v47, v43;
	v37 =	vmul.f32 v37, v39  }
0xfe: {  	v39 =	vadd.f32 v48, v40  }
0xff: {  	v38 =	vadd.f32 v38, v42;
	[tilespmem:s16+$0x400] =	vst v37  }
0x100: {  	v37 =	vmul.f32 v44, v39  }
0x101: {  	v39 =	vmov s19;
	v38 =	vmul.f32 v36, v38;
	v36 =	vmul.f32 v36, v36  }
0x102: {  	v42 =	vor.u32 s19, v34;
	v40 =	vand.u32 $0x3E, v39;
	[tilespmem:s16+$0x0] =	vst v37  }
0x103: {  	v43 =	vor.u32 v10, v40;
	v37 =	vor.u32 v5, v40;
	v39 =	vadd.f32 v36, v41;
	[tilespmem:s16+$0xFFFFFC00] =	vst v38;
	s16 =	smov.u32 s17  }
0x104: {  	v36 =	vor.u32 v17, v40;
	v41 =	vor.u32 v26, v40;
	v38 =	vor.u32 v18, v40  }
0x105: {  	v44 =	vor.u32 v11, v40;
	v45 =	vor.u32 v12, v40;
	v46 =	vor.u32 v27, v40  }
0x106: {  	v47 =	vor.u32 v13, v40;
	v48 =	vor.u32 v19, v40;
	v49 =	vor.u32 v28, v40  }
0x107: {  	v50 =	vor.u32 v14, v40;
	v51 =	vor.u32 v20, v40;
	v52 =	vor.u32 v29, v40;
	v53 =	vld.idx.msk [tilespmem:v42+s2+$0x0], $0xffff  }
0x108: {  	v54 =	vor.u32 v15, v40;
	v55 =	vor.u32 v21, v40;
	v56 =	vor.u32 v30, v40;
	v37 =	vld.idx.msk [tilespmem:v37+s29+$0x0], $0xffff  }
0x109: {  	v57 =	vor.u32 v16, v40;
	v58 =	vor.u32 v22, v40;
	v59 =	vor.u32 v31, v40;
	v41 =	vld.idx.msk [tilespmem:v41+s29+$0x0], $0xffff  }
0x10a: {  	v60 =	vor.u32 v23, v40;
	v61 =	vor.u32 v24, v40;
	v62 =	vor.u32 v32, v40;
	v46 =	vld.idx.msk [tilespmem:v46+s29+$0x0], $0xffff  }
0x10b: {  	v47 =	vld.idx.msk [tilespmem:v47+s29+$0x0], $0xffff  }
0x10c: {  	v49 =	vld.idx.msk [tilespmem:v49+s29+$0x0], $0xffff  }
0x10d: {  	v40 =	vor.u32 v25, v40;
	v45 =	vld.idx.msk [tilespmem:v45+s29+$0x0], $0xffff  }
0x10e: {  	v48 =	vld.idx.msk [tilespmem:v48+s29+$0x0], $0xffff  }
0x10f: {  	v44 =	vld.idx.msk [tilespmem:v44+s29+$0x0], $0xffff  }
0x110: {  	v36 =	vld.idx.msk [tilespmem:v36+s29+$0x0], $0xffff  }
0x111: {  	v43 =	vld.idx.msk [tilespmem:v43+s29+$0x0], $0xffff  }
0x112: {  	v40 =	vld.idx.msk [tilespmem:v40+s29+$0x0], $0xffff  }
0x113: {  	v38 =	vld.idx.msk [tilespmem:v38+s29+$0x0], $0xffff  }
0x114: {  	v51 =	vld.idx.msk [tilespmem:v51+s29+$0x0], $0xffff  }
0x115: {  	v52 =	vld.idx.msk [tilespmem:v52+s29+$0x0], $0xffff  }
0x116: {  	v50 =	vld.idx.msk [tilespmem:v50+s29+$0x0], $0xffff  }
0x117: {  	v37 =	vadd.f32 v43, v37;
	v43 =	vld.idx.msk [tilespmem:v55+s29+$0x0], $0xffff  }
0x118: {  	v40 =	vadd.f32 v41, v40;
	v41 =	vld.idx.msk [tilespmem:v56+s29+$0x0], $0xffff  }
0x119: {  	v37 =	vadd.f32 v44, v37;
	v36 =	vadd.f32 v38, v36;
	v38 =	vld.idx.msk [tilespmem:v58+s29+$0x0], $0xffff  }
0x11a: {  	v40 =	vadd.f32 v46, v40;
	v44 =	vld.idx.msk [tilespmem:v54+s29+$0x0], $0xffff  }
0x11b: {  	v37 =	vadd.f32 v45, v37;
	v36 =	vadd.f32 v48, v36;
	v45 =	vld.idx.msk [tilespmem:v59+s29+$0x0], $0xffff  }
0x11c: {  	v40 =	vadd.f32 v49, v40;
	v46 =	vld.idx.msk [tilespmem:v57+s29+$0x0], $0xffff  }
0x11d: {  	v37 =	vadd.f32 v47, v37;
	v36 =	vadd.f32 v51, v36;
	v47 =	vld.idx.msk [tilespmem:v60+s29+$0x0], $0xffff  }
0x11e: {  	v40 =	vadd.f32 v52, v40;
	v48 =	vld.idx.msk [tilespmem:v62+s29+$0x0], $0xffff  }
0x11f: {  	v37 =	vadd.f32 v50, v37;
	v36 =	vadd.f32 v43, v36;
	v43 =	vld.idx.msk [tilespmem:v61+s29+$0x0], $0xffff  }
0x120: {  	v40 =	vadd.f32 v41, v40;
	v41 =	vld.idx.msk [tilespmem:v42+s20+$0x0], $0xffff  }
0x121: {  	v37 =	vadd.f32 v44, v37;
	v36 =	vadd.f32 v38, v36;
	v42 =	vld.idx.msk [tilespmem:v42+s21+$0x0], $0xffff  }
0x122: {  	v38 =	vadd.f32 v45, v40  }
0x123: {  	v37 =	vadd.f32 v46, v37;
	v36 =	vadd.f32 v47, v36  }
0x124: {  	s19 =	sadd.s32 $0x1, s19;
	v38 =	vadd.f32 v48, v38  }
0x125: {  	v40 =	vadd.f32 v43, v36;
	v37 =	vmul.f32 v53, v37;
	v36 =	vmov s19  }
0x126: {  	v43 =	vmul.f32 v41, v38;
	v38 =	vand.u32 $0x3F, v36;
	v36 =	vor.u32 s19, v34  }
0x127: {  	[tilespmem:s17+$0xFFFFFBF0] =	vst v37;
	v37 =	vmul.f32 v42, v40;
	v40 =	vor.u32 v17, v38;
	v42 =	vor.u32 v20, v38  }
0x128: {  	[tilespmem:s17+$0x3F0] =	vst v43;
	v43 =	vor.u32 v18, v38  }
0x129: {  	v44 =	vor.u32 v27, v38;
	[tilespmem:s17+$0xFFFFFFF0] =	vst v37  }
0x12a: {  	v45 =	vor.u32 v11, v38  }
0x12b: {  	v46 =	vor.u32 v10, v38;
	v37 =	vld.idx.msk [tilespmem:v36+s20+$0x0], $0xffff  }
0x12c: {  	v47 =	vor.u32 v31, v38;
	v40 =	vld.idx.msk [tilespmem:v40+s29+$0x0], $0xffff  }
0x12d: {  	v49 =	vor.u32 v26, v38;
	v48 =	vld.idx.msk [tilespmem:v43+s29+$0x0], $0xffff  }
0x12e: {  	v41 =	vmul.f32 v41, v41;
	v54 =	vor.u32 v25, v38;
	v44 =	vld.idx.msk [tilespmem:v44+s29+$0x0], $0xffff  }
0x12f: {  	v50 =	vmul.f32 v53, v53;
	v55 =	vor.u32 v32, v38;
	v43 =	vld.idx.msk [tilespmem:v45+s29+$0x0], $0xffff  }
.Ltmp0:
0x130: {  	v53 =	vor.u32 v5, v38;
	v35 =	vadd.f32 v41, v35;
	v46 =	vld.idx.msk [tilespmem:v46+s29+$0x0], $0xffff;
	(pc) =	sbr.rel @p0 .LBB2_3-.Ltmp0, $4  }
0x131: {  	v52 =	vor.u32 v30, v38;
	v41 =	vadd.f32 v50, v39;
	v56 =	vmul.f32 v37, v37;
	v39 =	vld.idx.msk [tilespmem:v47+s29+$0x0], $0xffff  }
0x132: {  	v50 =	vor.u32 v28, v38;
	v47 =	vld.idx.msk [tilespmem:v49+s29+$0x0], $0xffff  }
0x133: {  	v51 =	vor.u32 v19, v38;
	v45 =	vadd.f32 v48, v40;
	v35 =	vadd.f32 v56, v35;
	v49 =	vld.idx.msk [tilespmem:v54+s29+$0x0], $0xffff  }
0x134: {  	v48 =	vor.u32 v29, v38;
	v40 =	vld.idx.msk [tilespmem:v55+s29+$0x0], $0xffff  }
0x135: {  	_ =	sdelay $0x3  }
0x136: {  	v34 =	vld.idx.msk [tilespmem:v36+s2+$0x0], $0xffff;
	_ =	sdelay $0x4  }
0x137: {  	v54 =	vmul.f32 v34, v34  }
0x138: {  	v53 =	vld.idx.msk [tilespmem:v53+s29+$0x0], $0xffff  }
0x139: {  	v55 =	vor.u32 v12, v38;
	v41 =	vadd.f32 v54, v41  }
0x13a: {  	v52 =	vld.idx.msk [tilespmem:v52+s29+$0x0], $0xffff;
	v56 =	vor.u32 v13, v38;
	v57 =	vor.u32 v22, v38;
	v58 =	vshra.s32 v35, $0x1  }
0x13b: {  	v50 =	vld.idx.msk [tilespmem:v50+s29+$0x0], $0xffff;
	v54 =	vor.u32 v21, v38;
	v61 =	vshra.s32 v41, $0x1;
	v41 =	vmul.f32 $5.000000000e-01, v41  }
0x13c: {  	v51 =	vld.idx.msk [tilespmem:v51+s29+$0x0], $0xffff;
	v35 =	vmul.f32 $5.000000000e-01, v35;
	v47 =	vadd.f32 v47, v49;
	v49 =	vsub.s32 $0x5F3759DF, v61  }
0x13d: {  	v48 =	vld.idx.msk [tilespmem:v48+s29+$0x0], $0xffff;
	v58 =	vsub.s32 $0x5F3759DF, v58;
	v46 =	vadd.f32 v46, v53;
	v62 =	vmul.f32 v49, v41  }
0x13e: {  	v59 =	vor.u32 v14, v38;
	v42 =	vld.idx.msk [tilespmem:v42+s29+$0x0], $0xffff;
	v63 =	vmul.f32 v58, v35;
	v44 =	vadd.f32 v44, v47  }
0x13f: {  	v55 =	vld.idx.msk [tilespmem:v55+s29+$0x0], $0xffff;
	v43 =	vadd.f32 v43, v46;
	v46 =	vor.u32 v23, v38;
	v53 =	vmul.f32 v49, v62  }
0x140: {  	v60 =	vor.u32 v15, v38;
	v47 =	vmul.f32 v58, v63;
	v44 =	vadd.f32 v50, v44;
	v54 =	vld.idx.msk [tilespmem:v54+s29+$0x0], $0xffff  }
0x141: {  	v56 =	vld.idx.msk [tilespmem:v56+s29+$0x0], $0xffff;
	v45 =	vadd.f32 v51, v45;
	v61 =	vor.u32 v24, v38;
	v53 =	vsub.f32 $1.500000000e+00, v53  }
0x142: {  	v63 =	vld.idx.msk [tilespmem:v57+s29+$0x0], $0xffff;
	v47 =	vsub.f32 $1.500000000e+00, v47;
	v44 =	vadd.f32 v48, v44;
	v62 =	vor.u32 v16, v38  }
0x143: {  	v59 =	vld.idx.msk [tilespmem:v59+s29+$0x0], $0xffff;
	v42 =	vadd.f32 v42, v45;
	v57 =	vmul.f32 v49, v53  }
0x144: {  	v47 =	vmul.f32 v58, v47;
	v43 =	vadd.f32 v55, v43;
	v44 =	vadd.f32 v52, v44;
	v46 =	vld.idx.msk [tilespmem:v46+s29+$0x0], $0xffff  }
0x145: {  	v50 =	vld.idx.msk [tilespmem:v60+s29+$0x0], $0xffff;
	v42 =	vadd.f32 v54, v42;
	v60 =	vmul.f32 v57, v41  }
0x146: {  	v43 =	vadd.f32 v56, v43;
	v39 =	vadd.f32 v39, v44;
	v51 =	vld.idx.msk [tilespmem:v61+s29+$0x0], $0xffff;
	v61 =	vmul.f32 v47, v35  }
0x147: {  	v38 =	vld.idx.msk [tilespmem:v62+s29+$0x0], $0xffff;
	v42 =	vadd.f32 v63, v42;
	v62 =	vmul.f32 v60, v57  }
0x148: {  	v43 =	vadd.f32 v59, v43;
	v39 =	vadd.f32 v40, v39;
	v52 =	vmul.f32 v61, v47;
	v63 =	vld.idx.msk [tilespmem:v36+s21+$0x0], $0xffff  }
0x149: {  	v42 =	vadd.f32 v46, v42;
	v53 =	vsub.f32 $1.500000000e+00, v62  }
0x14a: {  	v43 =	vadd.f32 v50, v43;
	v40 =	vsub.f32 $1.500000000e+00, v52  }
0x14b: {  	v42 =	vadd.f32 v51, v42;
	v44 =	vmul.f32 v53, v57  }
0x14c: {  	v37 =	vmul.f32 v37, v39;
	v54 =	vmul.f32 v40, v47;
	v38 =	vadd.f32 v38, v43  }
0x14d: {  	v36 =	vmul.f32 v63, v42;
	v55 =	vmul.f32 v44, v41  }
0x14e: {  	[tilespmem:s16+$0x400] =	vst v37;
	v35 =	vmul.f32 v54, v35;
	v34 =	vmul.f32 v34, v38  }
0x14f: {  	[tilespmem:s16+$0x0] =	vst v36;
	v56 =	vmul.f32 v55, v44  }
0x150: {  	s19 =	simm.s32 $0x0;
	v57 =	vmul.f32 v35, v54;
	[tilespmem:s16+$0xFFFFFC00] =	vst v34  }
0x151: {  	v59 =	vld [tilespmem:s19+$0x12F00];
	v58 =	vsub.f32 $1.500000000e+00, v56  }
0x152: {  	v34 =	vsub.f32 $1.500000000e+00, v57;
	v37 =	vld [tilespmem:s19+$0x13300]  }
0x153: {  	v35 =	vmul.f32 v58, v44  }
0x154: {  	v60 =	vld [tilespmem:s19+$0x13700];
	v34 =	vmul.f32 v34, v54  }
0x155: {  	v35 =	vmul.f32 $1.250000000e-01, v35  }
0x156: {  	s17 =	simm.s32 $0x10;
	v34 =	vmul.f32 $1.250000000e-01, v34  }
0x157: {  	v38 =	vld [tilespmem:s17+$0x13300];
	v61 =	vmul.f32 $1.250000000e-01, v37;
	v36 =	vmul.f32 v59, v35  }
0x158: {  	v37 =	vld [tilespmem:s17+$0x12F00]  }
0x159: {  	v63 =	vmul.f32 v60, v34;
	v62 =	vadd.f32 v61, v36  }
0x15a: {  	v39 =	vld [tilespmem:s17+$0x13700]  }
0x15b: {  	s16 =	simm.s32 $0x80;
	v36 =	vimm.f32 $0.0e+00;
	v40 =	vsub.f32 v62, v63  }
.LBB2_5:
0x15c: {  	s17 =	sshra.s32 s16, $0x2;
	p0 =	sne.s32 s16, $0xFC0  }
.Ltmp1:
0x15d: {  	s16 =	sadd.s32 $0x40, s16;
	v41 =	vmul.f32 v37, v35;
	v37 =	vld [tilespmem:s17+$0x12F00];
	v42 =	vmul.f32 $1.250000000e-01, v38;
	v40 =	vand.u32 $0x7FFFFFFF, v40;
	(pc) =	sbr.rel @p0 .LBB2_5-.Ltmp1, $4  }
0x15e: {  	v38 =	vld [tilespmem:s17+$0x13300];
	v36 =	vadd.f32 v40, v36  }
0x15f: {  	v40 =	vadd.f32 v42, v41;
	v41 =	vmul.f32 v39, v34  }
0x160: {  	v39 =	vld [tilespmem:s17+$0x13700]  }
0x161: {  	v40 =	vsub.f32 v40, v41  }
0x162: {  	_ = 	snop  }
0x163: {  	v35 =	vmul.f32 v37, v35;
	v61 =	vmul.f32 $1.250000000e-01, v38;
	_ =	sdelay $0x1  }
0x164: {  	v35 =	vadd.f32 v61, v35;
	v34 =	vmul.f32 v39, v34;
	_ =	sdelay $0x1  }
0x165: {  	p0 =	seq.s32 s13, $0x3;
	v62 =	vand.u32 $0x7FFFFFFF, v40;
	v34 =	vsub.f32 v35, v34  }
.Ltmp2:
0x166: {  	v63 =	vadd.f32 v62, v36;
	(pc) =	sbr.rel @p0 .LBB2_8-.Ltmp2, $3  }
0x167: {  	v34 =	vand.u32 $0x7FFFFFFF, v34  }
0x168: {  	v34 =	vadd.f32 v34, v63;
	_ =	sdelay $0x1  }
0x169: {  	[tilespmem:s15+$0x13B00] =	vst v34  }
0x16a: {  	s15 =	sadd.s32 $0x20, s15  }
0x16b: {  	v34 =	vmov s15  }
0x16c: {  	v34 =	vshll.u32 v34, $0x3  }
0x16d: {  	v34 =	vor.u32 v1, v34;
	_ =	sdelay $0x4  }
0x16e: {  	v35 =	vld.idx.msk [tilespmem:v34+s22+$0x0], $0xffff  }
0x16f: {  	v36 =	vor.u32 $0x1, v34;
	_ =	sdelay $0x3  }
0x170: {  	[tilespmem:$0x12C00] =	vst v35  }
0x171: {  	v35 =	vld.idx.msk [tilespmem:v36+s22+$0x0], $0xffff  }
0x172: {  	v37 =	vor.u32 $0x2, v34;
	_ =	sdelay $0x3  }
0x173: {  	[tilespmem:$0x12C10] =	vst v35  }
0x174: {  	v35 =	vld.idx.msk [tilespmem:v37+s22+$0x0], $0xffff  }
0x175: {  	v38 =	vor.u32 $0x3, v34;
	_ =	sdelay $0x3  }
0x176: {  	[tilespmem:$0x12C20] =	vst v35  }
0x177: {  	v35 =	vld.idx.msk [tilespmem:v38+s22+$0x0], $0xffff  }
0x178: {  	v39 =	vor.u32 $0x4, v34;
	_ =	sdelay $0x3  }
0x179: {  	[tilespmem:$0x12C30] =	vst v35  }
0x17a: {  	v35 =	vld.idx.msk [tilespmem:v39+s22+$0x0], $0xffff  }
0x17b: {  	v40 =	vor.u32 $0x5, v34;
	_ =	sdelay $0x3  }
0x17c: {  	[tilespmem:$0x12C40] =	vst v35  }
0x17d: {  	v35 =	vld.idx.msk [tilespmem:v40+s22+$0x0], $0xffff  }
0x17e: {  	v41 =	vor.u32 $0x6, v34;
	_ =	sdelay $0x3  }
0x17f: {  	[tilespmem:$0x12C50] =	vst v35  }
0x180: {  	v35 =	vld.idx.msk [tilespmem:v41+s22+$0x0], $0xffff  }
0x181: {  	v42 =	vor.u32 $0x7, v34;
	_ =	sdelay $0x3  }
0x182: {  	[tilespmem:$0x12C60] =	vst v35  }
0x183: {  	v35 =	vld.idx.msk [tilespmem:v42+s22+$0x0], $0xffff;
	_ =	sdelay $0x4  }
0x184: {  	[tilespmem:$0x12C70] =	vst v35  }
0x185: {  	v35 =	vld.idx.msk [tilespmem:v34+s24+$0x0], $0xffff;
	_ =	sdelay $0x4  }
0x186: {  	[tilespmem:$0x12C80] =	vst v35  }
0x187: {  	v35 =	vld.idx.msk [tilespmem:v36+s24+$0x0], $0xffff;
	_ =	sdelay $0x4  }
0x188: {  	[tilespmem:$0x12C90] =	vst v35  }
0x189: {  	v35 =	vld.idx.msk [tilespmem:v37+s24+$0x0], $0xffff;
	_ =	sdelay $0x4  }
0x18a: {  	[tilespmem:$0x12CA0] =	vst v35  }
0x18b: {  	v35 =	vld.idx.msk [tilespmem:v38+s24+$0x0], $0xffff;
	_ =	sdelay $0x4  }
0x18c: {  	[tilespmem:$0x12CB0] =	vst v35  }
0x18d: {  	v35 =	vld.idx.msk [tilespmem:v39+s24+$0x0], $0xffff;
	_ =	sdelay $0x4  }
0x18e: {  	[tilespmem:$0x12CC0] =	vst v35  }
0x18f: {  	v35 =	vld.idx.msk [tilespmem:v40+s24+$0x0], $0xffff;
	_ =	sdelay $0x4  }
0x190: {  	[tilespmem:$0x12CD0] =	vst v35  }
0x191: {  	v35 =	vld.idx.msk [tilespmem:v41+s24+$0x0], $0xffff;
	_ =	sdelay $0x4  }
0x192: {  	[tilespmem:$0x12CE0] =	vst v35  }
0x193: {  	v35 =	vld.idx.msk [tilespmem:v42+s24+$0x0], $0xffff;
	_ =	sdelay $0x4  }
0x194: {  	[tilespmem:$0x12CF0] =	vst v35  }
0x195: {  	v34 =	vld.idx.msk [tilespmem:v34+s23+$0x0], $0xffff;
	_ =	sdelay $0x4  }
0x196: {  	[tilespmem:$0x12D00] =	vst v34  }
0x197: {  	v34 =	vld.idx.msk [tilespmem:v36+s23+$0x0], $0xffff;
	_ =	sdelay $0x4  }
0x198: {  	[tilespmem:$0x12D10] =	vst v34  }
0x199: {  	v34 =	vld.idx.msk [tilespmem:v37+s23+$0x0], $0xffff;
	_ =	sdelay $0x4  }
0x19a: {  	[tilespmem:$0x12D20] =	vst v34  }
0x19b: {  	v34 =	vld.idx.msk [tilespmem:v38+s23+$0x0], $0xffff;
	_ =	sdelay $0x4  }
0x19c: {  	[tilespmem:$0x12D30] =	vst v34  }
0x19d: {  	v34 =	vld.idx.msk [tilespmem:v39+s23+$0x0], $0xffff;
	_ =	sdelay $0x4  }
0x19e: {  	[tilespmem:$0x12D40] =	vst v34  }
0x19f: {  	v34 =	vld.idx.msk [tilespmem:v40+s23+$0x0], $0xffff;
	_ =	sdelay $0x4  }
0x1a0: {  	[tilespmem:$0x12D50] =	vst v34  }
0x1a1: {  	v34 =	vld.idx.msk [tilespmem:v41+s23+$0x0], $0xffff;
	_ =	sdelay $0x4  }
0x1a2: {  	[tilespmem:$0x12D60] =	vst v34  }
0x1a3: {  	v34 =	vld.idx.msk [tilespmem:v42+s23+$0x0], $0xffff;
	_ =	sdelay $0x4  }
0x1a4: {  	[tilespmem:$0x12D70] =	vst v34  }
0x1a5: {  	[tilespmem:s29], [sflag:$0x1] =	stream.indirect.gather [hbm4b:s3+s26], $0x40, s28, s26, $0xb8;
	[tilespmem:$0x13C80] =	vst v63  }
0x1a6: {  	_ = 	snop  }
0x1a7: {  	[tilespmem:s31], [sflag:$0x1] =	stream.indirect.gather [hbm4b:s3+s26], $0x40, s30, s26, $0xb8;
	[tilespmem:$0x13C80] =	vst v63  }
0x1a8: {  	_ = 	snop  }
0x1a9: {  	[tilespmem:s1], [sflag:$0x1] =	stream.indirect.gather [hbm4b:s3+s26], $0x40, s0, s26, $0xb8;
	[tilespmem:$0x13C80] =	vst v63  }
.LBB2_8:
0x1aa: {  	_ =	swait.ge [sflag:s10], $0x2000  }
0x1ab: {  	s15 =	simm.s32 $0x0;
	[sflag:s10] =	ssyncset.done $0x0  }
0x1ac: {  	v34 =	vmov s15;
	[sflag:s10] =	ssyncadd.s32 $0xFFFFE000  }
0x1ad: {  	v34 =	vand.u32 $0x3E, v34;
	_ =	swait.ge [sflag:s10], $0x2000  }
0x1ae: {  	v35 =	vor.u32 v5, v34;
	[sflag:s10] =	ssyncset.done $0x0  }
0x1af: {  	v36 =	vor.u32 v26, v34;
	[sflag:s10] =	ssyncadd.s32 $0xFFFFE000  }
0x1b0: {  	v37 =	vor.u32 v27, v34;
	_ =	swait.ge [sflag:s10], $0x2000  }
0x1b1: {  	v38 =	vor.u32 v13, v34;
	[sflag:s10] =	ssyncset.done $0x0  }
0x1b2: {  	v39 =	vor.u32 v28, v34;
	[sflag:s10] =	ssyncadd.s32 $0xFFFFE000  }
0x1b3: {  	v40 =	vor.u32 v12, v34;
	v35 =	vld.idx.msk [tilespmem:v35+s5+$0x0], $0xffff  }
0x1b4: {  	v41 =	vor.u32 v19, v34;
	v36 =	vld.idx.msk [tilespmem:v36+s5+$0x0], $0xffff  }
0x1b5: {  	v42 =	vor.u32 v11, v34;
	v37 =	vld.idx.msk [tilespmem:v37+s5+$0x0], $0xffff  }
0x1b6: {  	v43 =	vor.u32 v17, v34;
	v38 =	vld.idx.msk [tilespmem:v38+s5+$0x0], $0xffff  }
0x1b7: {  	v44 =	vor.u32 v10, v34;
	v39 =	vld.idx.msk [tilespmem:v39+s5+$0x0], $0xffff  }
0x1b8: {  	v45 =	vor.u32 v25, v34;
	v40 =	vld.idx.msk [tilespmem:v40+s5+$0x0], $0xffff  }
0x1b9: {  	v46 =	vor.u32 v18, v34;
	v41 =	vld.idx.msk [tilespmem:v41+s5+$0x0], $0xffff  }
0x1ba: {  	v47 =	vor.u32 v20, v34;
	v42 =	vld.idx.msk [tilespmem:v42+s5+$0x0], $0xffff  }
0x1bb: {  	v48 =	vor.u32 v29, v34;
	v43 =	vld.idx.msk [tilespmem:v43+s5+$0x0], $0xffff  }
0x1bc: {  	v49 =	vor.u32 v14, v34;
	v44 =	vld.idx.msk [tilespmem:v44+s5+$0x0], $0xffff  }
0x1bd: {  	v51 =	vor.u32 v30, v34;
	v45 =	vld.idx.msk [tilespmem:v45+s5+$0x0], $0xffff  }
0x1be: {  	v52 =	vor.u32 v22, v34;
	v46 =	vld.idx.msk [tilespmem:v46+s5+$0x0], $0xffff  }
0x1bf: {  	v50 =	vor.u32 v21, v34;
	v47 =	vld.idx.msk [tilespmem:v47+s5+$0x0], $0xffff  }
0x1c0: {  	v53 =	vor.u32 v15, v34;
	v48 =	vld.idx.msk [tilespmem:v48+s5+$0x0], $0xffff  }
0x1c1: {  	v54 =	vor.u32 v31, v34;
	v49 =	vld.idx.msk [tilespmem:v49+s5+$0x0], $0xffff  }
0x1c2: {  	v55 =	vor.u32 v16, v34;
	v57 =	vld.idx.msk [tilespmem:v51+s5+$0x0], $0xffff;
	v35 =	vadd.f32 v44, v35  }
0x1c3: {  	v56 =	vor.u32 v23, v34;
	v59 =	vld.idx.msk [tilespmem:v52+s5+$0x0], $0xffff;
	v36 =	vadd.f32 v36, v45;
	v43 =	vadd.f32 v46, v43  }
0x1c4: {  	v33 =	vshll.u32 v33, $0x6;
	v58 =	vor.u32 v32, v34;
	v44 =	vld.idx.msk [tilespmem:v50+s5+$0x0], $0xffff;
	v35 =	vadd.f32 v42, v35  }
0x1c5: {  	v34 =	vor.u32 v24, v34;
	v60 =	vld.idx.msk [tilespmem:v53+s5+$0x0], $0xffff;
	v36 =	vadd.f32 v37, v36;
	v61 =	vadd.f32 v41, v43  }
0x1c6: {  	v62 =	vor.u32 s15, v33;
	v63 =	vld.idx.msk [tilespmem:v54+s5+$0x0], $0xffff;
	v35 =	vadd.f32 v40, v35  }
0x1c7: {  	v52 =	vld.idx.msk [tilespmem:v55+s5+$0x0], $0xffff;
	v36 =	vadd.f32 v39, v36;
	v37 =	vadd.f32 v47, v61  }
0x1c8: {  	v53 =	vld.idx.msk [tilespmem:v56+s5+$0x0], $0xffff;
	v35 =	vadd.f32 v38, v35  }
0x1c9: {  	v54 =	vld.idx.msk [tilespmem:v58+s5+$0x0], $0xffff;
	v36 =	vadd.f32 v48, v36;
	v37 =	vadd.f32 v44, v37  }
0x1ca: {  	v34 =	vld.idx.msk [tilespmem:v34+s5+$0x0], $0xffff;
	v35 =	vadd.f32 v49, v35  }
0x1cb: {  	v44 =	vld.idx.msk [tilespmem:v62+s2+$0x0], $0xffff;
	v36 =	vadd.f32 v57, v36;
	v37 =	vadd.f32 v59, v37  }
0x1cc: {  	v55 =	vld.idx.msk [tilespmem:v62+s20+$0x0], $0xffff;
	v35 =	vadd.f32 v60, v35  }
0x1cd: {  	s19 =	simm.s32 $0x1;
	v41 =	vld.idx.msk [tilespmem:v62+s21+$0x0], $0xffff;
	v36 =	vadd.f32 v63, v36;
	v37 =	vadd.f32 v53, v37  }
0x1ce: {  	v56 =	vmov s19;
	v35 =	vadd.f32 v52, v35  }
0x1cf: {  	v36 =	vadd.f32 v54, v36;
	v34 =	vadd.f32 v34, v37;
	v37 =	vand.u32 $0x3F, v56  }
0x1d0: {  	v58 =	vor.u32 v17, v37;
	v57 =	vmul.f32 v44, v35  }
0x1d1: {  	s16 =	simm.s32 $0x13310;
	v59 =	vor.u32 v18, v37;
	v36 =	vmul.f32 v55, v36  }
0x1d2: {  	v35 =	vor.u32 s19, v33;
	v34 =	vmul.f32 v41, v34;
	[tilespmem:s16+$0xFFFFFBF0] =	vst v57  }
0x1d3: {  	v60 =	vor.u32 v27, v37;
	[tilespmem:s16+$0x3F0] =	vst v36  }
0x1d4: {  	v61 =	vor.u32 v11, v37;
	[tilespmem:s16+$0xFFFFFFF0] =	vst v34  }
0x1d5: {  	v62 =	vor.u32 v10, v37;
	v39 =	vld.idx.msk [tilespmem:v58+s5+$0x0], $0xffff  }
0x1d6: {  	v63 =	vor.u32 v31, v37;
	v47 =	vld.idx.msk [tilespmem:v59+s5+$0x0], $0xffff  }
0x1d7: {  	v48 =	vor.u32 v26, v37;
	v36 =	vld.idx.msk [tilespmem:v35+s20+$0x0], $0xffff  }
0x1d8: {  	v57 =	vor.u32 v25, v37;
	v43 =	vld.idx.msk [tilespmem:v60+s5+$0x0], $0xffff  }
0x1d9: {  	v42 =	vld.idx.msk [tilespmem:v61+s5+$0x0], $0xffff;
	v59 =	vor.u32 v32, v37  }
0x1da: {  	v52 =	vor.u32 v5, v37;
	v58 =	vmul.f32 v55, v55;
	v45 =	vld.idx.msk [tilespmem:v62+s5+$0x0], $0xffff  }
0x1db: {  	v51 =	vor.u32 v30, v37;
	v60 =	vimm.f32 $0.0e+00;
	v61 =	vmul.f32 v44, v44;
	v38 =	vld.idx.msk [tilespmem:v63+s5+$0x0], $0xffff  }
0x1dc: {  	v49 =	vor.u32 v28, v37;
	v46 =	vld.idx.msk [tilespmem:v48+s5+$0x0], $0xffff;
	v62 =	vadd.f32 v58, v60;
	v63 =	vmul.f32 v36, v36  }
0x1dd: {  	v50 =	vor.u32 v19, v37;
	v41 =	vor.u32 v20, v37;
	v40 =	vadd.f32 v61, v60;
	v48 =	vld.idx.msk [tilespmem:v57+s5+$0x0], $0xffff  }
0x1de: {  	s17 =	simm.s32 $0x2;
	s15 =	simm.s32 $0x13310;
	v44 =	vadd.f32 v47, v39;
	v47 =	vor.u32 v29, v37;
	v39 =	vld.idx.msk [tilespmem:v59+s5+$0x0], $0xffff;
	v34 =	vadd.f32 v63, v62  }
.LBB2_9:
0x1df: {  	p0 =	sne.s32 s17, $0x3E  }
0x1e0: {  	v52 =	vld.idx.msk [tilespmem:v52+s5+$0x0], $0xffff;
	s16 =	sadd.s32 $0x20, s16;
	s18 =	smov.u32 s17;
	s17 =	sadd.s32 $0x2, s17  }
0x1e1: {  	v53 =	vor.u32 v12, v37;
	v51 =	vld.idx.msk [tilespmem:v51+s5+$0x0], $0xffff  }
0x1e2: {  	v54 =	vor.u32 v21, v37;
	v49 =	vld.idx.msk [tilespmem:v49+s5+$0x0], $0xffff  }
0x1e3: {  	v55 =	vor.u32 v13, v37;
	v50 =	vld.idx.msk [tilespmem:v50+s5+$0x0], $0xffff  }
0x1e4: {  	v56 =	vor.u32 v22, v37;
	v46 =	vadd.f32 v46, v48;
	v47 =	vld.idx.msk [tilespmem:v47+s5+$0x0], $0xffff  }
0x1e5: {  	v48 =	vor.u32 v14, v37;
	v41 =	vld.idx.msk [tilespmem:v41+s5+$0x0], $0xffff  }
0x1e6: {  	v45 =	vadd.f32 v45, v52;
	v43 =	vadd.f32 v43, v46;
	v52 =	vld.idx.msk [tilespmem:v53+s5+$0x0], $0xffff;
	v53 =	vor.u32 v23, v37  }
0x1e7: {  	v46 =	vor.u32 v15, v37;
	v54 =	vld.idx.msk [tilespmem:v54+s5+$0x0], $0xffff  }
0x1e8: {  	v42 =	vadd.f32 v42, v45;
	v43 =	vadd.f32 v49, v43;
	v45 =	vld.idx.msk [tilespmem:v55+s5+$0x0], $0xffff;
	v55 =	vor.u32 v24, v37  }
0x1e9: {  	v37 =	vor.u32 v16, v37;
	v44 =	vadd.f32 v50, v44;
	v49 =	vld.idx.msk [tilespmem:v56+s5+$0x0], $0xffff  }
0x1ea: {  	v43 =	vadd.f32 v47, v43;
	v48 =	vld.idx.msk [tilespmem:v48+s5+$0x0], $0xffff  }
0x1eb: {  	v41 =	vadd.f32 v41, v44;
	v44 =	vld.idx.msk [tilespmem:v53+s5+$0x0], $0xffff  }
0x1ec: {  	v42 =	vadd.f32 v52, v42;
	v43 =	vadd.f32 v51, v43;
	v46 =	vld.idx.msk [tilespmem:v46+s5+$0x0], $0xffff  }
0x1ed: {  	v41 =	vadd.f32 v54, v41;
	v47 =	vld.idx.msk [tilespmem:v55+s5+$0x0], $0xffff  }
0x1ee: {  	v42 =	vadd.f32 v45, v42;
	v38 =	vadd.f32 v38, v43;
	v37 =	vld.idx.msk [tilespmem:v37+s5+$0x0], $0xffff  }
0x1ef: {  	v41 =	vadd.f32 v49, v41;
	v43 =	vld.idx.msk [tilespmem:v35+s21+$0x0], $0xffff  }
0x1f0: {  	v42 =	vadd.f32 v48, v42;
	v38 =	vadd.f32 v39, v38;
	v35 =	vld.idx.msk [tilespmem:v35+s2+$0x0], $0xffff  }
0x1f1: {  	v39 =	vadd.f32 v44, v41  }
0x1f2: {  	v41 =	vadd.f32 v46, v42;
	v36 =	vmul.f32 v36, v38  }
0x1f3: {  	v38 =	vadd.f32 v47, v39  }
0x1f4: {  	v37 =	vadd.f32 v37, v41;
	[tilespmem:s15+$0x400] =	vst v36  }
0x1f5: {  	v36 =	vmul.f32 v43, v38  }
0x1f6: {  	v38 =	vmov s18;
	v37 =	vmul.f32 v35, v37;
	v35 =	vmul.f32 v35, v35  }
0x1f7: {  	v41 =	vor.u32 s18, v33;
	v39 =	vand.u32 $0x3E, v38;
	[tilespmem:s15+$0x0] =	vst v36  }
0x1f8: {  	v42 =	vor.u32 v10, v39;
	v36 =	vor.u32 v5, v39;
	v38 =	vadd.f32 v35, v40;
	[tilespmem:s15+$0xFFFFFC00] =	vst v37;
	s15 =	smov.u32 s16  }
0x1f9: {  	v35 =	vor.u32 v17, v39;
	v40 =	vor.u32 v26, v39;
	v37 =	vor.u32 v18, v39  }
0x1fa: {  	v43 =	vor.u32 v11, v39;
	v44 =	vor.u32 v12, v39;
	v45 =	vor.u32 v27, v39  }
0x1fb: {  	v46 =	vor.u32 v13, v39;
	v47 =	vor.u32 v19, v39;
	v48 =	vor.u32 v28, v39  }
0x1fc: {  	v49 =	vor.u32 v14, v39;
	v50 =	vor.u32 v20, v39;
	v51 =	vor.u32 v29, v39;
	v52 =	vld.idx.msk [tilespmem:v41+s2+$0x0], $0xffff  }
0x1fd: {  	v53 =	vor.u32 v15, v39;
	v54 =	vor.u32 v21, v39;
	v55 =	vor.u32 v30, v39;
	v36 =	vld.idx.msk [tilespmem:v36+s5+$0x0], $0xffff  }
0x1fe: {  	v56 =	vor.u32 v16, v39;
	v57 =	vor.u32 v22, v39;
	v58 =	vor.u32 v31, v39;
	v40 =	vld.idx.msk [tilespmem:v40+s5+$0x0], $0xffff  }
0x1ff: {  	v59 =	vor.u32 v23, v39;
	v60 =	vor.u32 v24, v39;
	v61 =	vor.u32 v32, v39;
	v45 =	vld.idx.msk [tilespmem:v45+s5+$0x0], $0xffff  }
0x200: {  	v46 =	vld.idx.msk [tilespmem:v46+s5+$0x0], $0xffff  }
0x201: {  	v48 =	vld.idx.msk [tilespmem:v48+s5+$0x0], $0xffff  }
0x202: {  	v39 =	vor.u32 v25, v39;
	v44 =	vld.idx.msk [tilespmem:v44+s5+$0x0], $0xffff  }
0x203: {  	v47 =	vld.idx.msk [tilespmem:v47+s5+$0x0], $0xffff  }
0x204: {  	v43 =	vld.idx.msk [tilespmem:v43+s5+$0x0], $0xffff  }
0x205: {  	v35 =	vld.idx.msk [tilespmem:v35+s5+$0x0], $0xffff  }
0x206: {  	v42 =	vld.idx.msk [tilespmem:v42+s5+$0x0], $0xffff  }
0x207: {  	v39 =	vld.idx.msk [tilespmem:v39+s5+$0x0], $0xffff  }
0x208: {  	v37 =	vld.idx.msk [tilespmem:v37+s5+$0x0], $0xffff  }
0x209: {  	v50 =	vld.idx.msk [tilespmem:v50+s5+$0x0], $0xffff  }
0x20a: {  	v51 =	vld.idx.msk [tilespmem:v51+s5+$0x0], $0xffff  }
0x20b: {  	v49 =	vld.idx.msk [tilespmem:v49+s5+$0x0], $0xffff  }
0x20c: {  	v36 =	vadd.f32 v42, v36;
	v42 =	vld.idx.msk [tilespmem:v54+s5+$0x0], $0xffff  }
0x20d: {  	v39 =	vadd.f32 v40, v39;
	v40 =	vld.idx.msk [tilespmem:v55+s5+$0x0], $0xffff  }
0x20e: {  	v36 =	vadd.f32 v43, v36;
	v35 =	vadd.f32 v37, v35;
	v37 =	vld.idx.msk [tilespmem:v57+s5+$0x0], $0xffff  }
0x20f: {  	v39 =	vadd.f32 v45, v39;
	v43 =	vld.idx.msk [tilespmem:v53+s5+$0x0], $0xffff  }
0x210: {  	v36 =	vadd.f32 v44, v36;
	v35 =	vadd.f32 v47, v35;
	v44 =	vld.idx.msk [tilespmem:v58+s5+$0x0], $0xffff  }
0x211: {  	v39 =	vadd.f32 v48, v39;
	v45 =	vld.idx.msk [tilespmem:v56+s5+$0x0], $0xffff  }
0x212: {  	v36 =	vadd.f32 v46, v36;
	v35 =	vadd.f32 v50, v35;
	v46 =	vld.idx.msk [tilespmem:v59+s5+$0x0], $0xffff  }
0x213: {  	v39 =	vadd.f32 v51, v39;
	v47 =	vld.idx.msk [tilespmem:v61+s5+$0x0], $0xffff  }
0x214: {  	v36 =	vadd.f32 v49, v36;
	v35 =	vadd.f32 v42, v35;
	v42 =	vld.idx.msk [tilespmem:v60+s5+$0x0], $0xffff  }
0x215: {  	v39 =	vadd.f32 v40, v39;
	v40 =	vld.idx.msk [tilespmem:v41+s20+$0x0], $0xffff  }
0x216: {  	v36 =	vadd.f32 v43, v36;
	v35 =	vadd.f32 v37, v35;
	v41 =	vld.idx.msk [tilespmem:v41+s21+$0x0], $0xffff  }
0x217: {  	v37 =	vadd.f32 v44, v39  }
0x218: {  	v36 =	vadd.f32 v45, v36;
	v35 =	vadd.f32 v46, v35  }
0x219: {  	s18 =	sadd.s32 $0x1, s18;
	v37 =	vadd.f32 v47, v37  }
0x21a: {  	v39 =	vadd.f32 v42, v35;
	v36 =	vmul.f32 v52, v36;
	v35 =	vmov s18  }
0x21b: {  	v42 =	vmul.f32 v40, v37;
	v37 =	vand.u32 $0x3F, v35;
	v35 =	vor.u32 s18, v33  }
0x21c: {  	[tilespmem:s16+$0xFFFFFBF0] =	vst v36;
	v36 =	vmul.f32 v41, v39;
	v39 =	vor.u32 v17, v37;
	v41 =	vor.u32 v20, v37  }
0x21d: {  	[tilespmem:s16+$0x3F0] =	vst v42;
	v42 =	vor.u32 v18, v37  }
0x21e: {  	v43 =	vor.u32 v27, v37;
	[tilespmem:s16+$0xFFFFFFF0] =	vst v36  }
0x21f: {  	v44 =	vor.u32 v11, v37  }
0x220: {  	v45 =	vor.u32 v10, v37;
	v36 =	vld.idx.msk [tilespmem:v35+s20+$0x0], $0xffff  }
0x221: {  	v46 =	vor.u32 v31, v37;
	v39 =	vld.idx.msk [tilespmem:v39+s5+$0x0], $0xffff  }
0x222: {  	v48 =	vor.u32 v26, v37;
	v47 =	vld.idx.msk [tilespmem:v42+s5+$0x0], $0xffff  }
0x223: {  	v40 =	vmul.f32 v40, v40;
	v53 =	vor.u32 v25, v37;
	v43 =	vld.idx.msk [tilespmem:v43+s5+$0x0], $0xffff  }
0x224: {  	v49 =	vmul.f32 v52, v52;
	v54 =	vor.u32 v32, v37;
	v42 =	vld.idx.msk [tilespmem:v44+s5+$0x0], $0xffff  }
.Ltmp3:
0x225: {  	v52 =	vor.u32 v5, v37;
	v34 =	vadd.f32 v40, v34;
	v45 =	vld.idx.msk [tilespmem:v45+s5+$0x0], $0xffff;
	(pc) =	sbr.rel @p0 .LBB2_9-.Ltmp3, $4  }
0x226: {  	v51 =	vor.u32 v30, v37;
	v40 =	vadd.f32 v49, v38;
	v55 =	vmul.f32 v36, v36;
	v38 =	vld.idx.msk [tilespmem:v46+s5+$0x0], $0xffff  }
0x227: {  	v49 =	vor.u32 v28, v37;
	v46 =	vld.idx.msk [tilespmem:v48+s5+$0x0], $0xffff  }
0x228: {  	v50 =	vor.u32 v19, v37;
	v44 =	vadd.f32 v47, v39;
	v34 =	vadd.f32 v55, v34;
	v48 =	vld.idx.msk [tilespmem:v53+s5+$0x0], $0xffff  }
0x229: {  	v47 =	vor.u32 v29, v37;
	v39 =	vld.idx.msk [tilespmem:v54+s5+$0x0], $0xffff  }
0x22a: {  	_ =	sdelay $0x3  }
0x22b: {  	v33 =	vld.idx.msk [tilespmem:v35+s2+$0x0], $0xffff;
	_ =	sdelay $0x4  }
0x22c: {  	v53 =	vmul.f32 v33, v33  }
0x22d: {  	v52 =	vld.idx.msk [tilespmem:v52+s5+$0x0], $0xffff  }
0x22e: {  	v54 =	vor.u32 v12, v37;
	v40 =	vadd.f32 v53, v40  }
0x22f: {  	v51 =	vld.idx.msk [tilespmem:v51+s5+$0x0], $0xffff;
	v55 =	vor.u32 v13, v37;
	v56 =	vor.u32 v22, v37;
	v57 =	vshra.s32 v34, $0x1  }
0x230: {  	v49 =	vld.idx.msk [tilespmem:v49+s5+$0x0], $0xffff;
	v53 =	vor.u32 v21, v37;
	v62 =	vshra.s32 v40, $0x1;
	v40 =	vmul.f32 $5.000000000e-01, v40  }
0x231: {  	v50 =	vld.idx.msk [tilespmem:v50+s5+$0x0], $0xffff;
	v34 =	vmul.f32 $5.000000000e-01, v34;
	v46 =	vadd.f32 v46, v48;
	v48 =	vsub.s32 $0x5F3759DF, v62  }
0x232: {  	v47 =	vld.idx.msk [tilespmem:v47+s5+$0x0], $0xffff;
	v57 =	vsub.s32 $0x5F3759DF, v57;
	v45 =	vadd.f32 v45, v52;
	v63 =	vmul.f32 v48, v40  }
0x233: {  	v58 =	vor.u32 v14, v37;
	v41 =	vld.idx.msk [tilespmem:v41+s5+$0x0], $0xffff;
	v60 =	vmul.f32 v57, v34;
	v43 =	vadd.f32 v43, v46  }
0x234: {  	v54 =	vld.idx.msk [tilespmem:v54+s5+$0x0], $0xffff;
	v42 =	vadd.f32 v42, v45;
	v45 =	vor.u32 v23, v37;
	v52 =	vmul.f32 v48, v63  }
0x235: {  	v61 =	vor.u32 v15, v37;
	v46 =	vmul.f32 v57, v60;
	v43 =	vadd.f32 v49, v43;
	v53 =	vld.idx.msk [tilespmem:v53+s5+$0x0], $0xffff  }
0x236: {  	v55 =	vld.idx.msk [tilespmem:v55+s5+$0x0], $0xffff;
	v44 =	vadd.f32 v50, v44;
	v62 =	vor.u32 v24, v37;
	v52 =	vsub.f32 $1.500000000e+00, v52  }
0x237: {  	v56 =	vld.idx.msk [tilespmem:v56+s5+$0x0], $0xffff;
	v46 =	vsub.f32 $1.500000000e+00, v46;
	v43 =	vadd.f32 v47, v43;
	v63 =	vor.u32 v16, v37  }
0x238: {  	v60 =	vld.idx.msk [tilespmem:v58+s5+$0x0], $0xffff;
	v41 =	vadd.f32 v41, v44;
	v59 =	vmul.f32 v48, v52  }
0x239: {  	v46 =	vmul.f32 v57, v46;
	v42 =	vadd.f32 v54, v42;
	v43 =	vadd.f32 v51, v43;
	v45 =	vld.idx.msk [tilespmem:v45+s5+$0x0], $0xffff  }
0x23a: {  	v49 =	vld.idx.msk [tilespmem:v61+s5+$0x0], $0xffff;
	v41 =	vadd.f32 v53, v41;
	v61 =	vmul.f32 v59, v40  }
0x23b: {  	v42 =	vadd.f32 v55, v42;
	v38 =	vadd.f32 v38, v43;
	v50 =	vld.idx.msk [tilespmem:v62+s5+$0x0], $0xffff;
	v62 =	vmul.f32 v46, v34  }
0x23c: {  	v37 =	vld.idx.msk [tilespmem:v63+s5+$0x0], $0xffff;
	v41 =	vadd.f32 v56, v41;
	v63 =	vmul.f32 v61, v59  }
0x23d: {  	v51 =	vld.idx.msk [tilespmem:v35+s21+$0x0], $0xffff;
	v42 =	vadd.f32 v60, v42;
	v38 =	vadd.f32 v39, v38;
	v52 =	vmul.f32 v62, v46  }
0x23e: {  	v41 =	vadd.f32 v45, v41;
	v53 =	vsub.f32 $1.500000000e+00, v63  }
0x23f: {  	v42 =	vadd.f32 v49, v42;
	v39 =	vsub.f32 $1.500000000e+00, v52  }
0x240: {  	v41 =	vadd.f32 v50, v41;
	v43 =	vmul.f32 v53, v59  }
0x241: {  	v36 =	vmul.f32 v36, v38;
	v54 =	vmul.f32 v39, v46;
	v37 =	vadd.f32 v37, v42  }
0x242: {  	v35 =	vmul.f32 v51, v41;
	v55 =	vmul.f32 v43, v40  }
0x243: {  	[tilespmem:s15+$0x400] =	vst v36;
	v34 =	vmul.f32 v54, v34;
	v33 =	vmul.f32 v33, v37  }
0x244: {  	[tilespmem:s15+$0x0] =	vst v35;
	v56 =	vmul.f32 v55, v43  }
0x245: {  	s19 =	simm.s32 $0x0;
	v57 =	vmul.f32 v34, v54;
	[tilespmem:s15+$0xFFFFFC00] =	vst v33  }
0x246: {  	v59 =	vld [tilespmem:s19+$0x12F00];
	v58 =	vsub.f32 $1.500000000e+00, v56  }
0x247: {  	v33 =	vsub.f32 $1.500000000e+00, v57;
	v36 =	vld [tilespmem:s19+$0x13300]  }
0x248: {  	v34 =	vmul.f32 v58, v43  }
0x249: {  	v60 =	vld [tilespmem:s19+$0x13700];
	v33 =	vmul.f32 v33, v54  }
0x24a: {  	v34 =	vmul.f32 $1.250000000e-01, v34  }
0x24b: {  	s16 =	simm.s32 $0x10;
	v33 =	vmul.f32 $1.250000000e-01, v33  }
0x24c: {  	v37 =	vld [tilespmem:s16+$0x13300];
	v61 =	vmul.f32 $1.250000000e-01, v36;
	v35 =	vmul.f32 v59, v34  }
0x24d: {  	v36 =	vld [tilespmem:s16+$0x12F00]  }
0x24e: {  	v63 =	vmul.f32 v60, v33;
	v62 =	vadd.f32 v61, v35  }
0x24f: {  	v38 =	vld [tilespmem:s16+$0x13700]  }
0x250: {  	s15 =	simm.s32 $0x80;
	v35 =	vimm.f32 $0.0e+00;
	v39 =	vsub.f32 v62, v63  }
.LBB2_11:
0x251: {  	s16 =	sshra.s32 s15, $0x2;
	p0 =	sne.s32 s15, $0xFC0  }
.Ltmp4:
0x252: {  	s15 =	sadd.s32 $0x40, s15;
	v40 =	vmul.f32 v36, v34;
	v36 =	vld [tilespmem:s16+$0x12F00];
	v41 =	vmul.f32 $1.250000000e-01, v37;
	v39 =	vand.u32 $0x7FFFFFFF, v39;
	(pc) =	sbr.rel @p0 .LBB2_11-.Ltmp4, $4  }
0x253: {  	v37 =	vld [tilespmem:s16+$0x13300];
	v35 =	vadd.f32 v39, v35  }
0x254: {  	v39 =	vadd.f32 v41, v40;
	v40 =	vmul.f32 v38, v33  }
0x255: {  	v38 =	vld [tilespmem:s16+$0x13700]  }
0x256: {  	v39 =	vsub.f32 v39, v40  }
0x257: {  	_ = 	snop  }
0x258: {  	v34 =	vmul.f32 v36, v34;
	v61 =	vmul.f32 $1.250000000e-01, v37;
	_ =	sdelay $0x1  }
0x259: {  	v34 =	vadd.f32 v61, v34;
	v33 =	vmul.f32 v38, v33  }
0x25a: {  	s13 =	sadd.s32 $0x1, s13  }
0x25b: {  	v62 =	vand.u32 $0x7FFFFFFF, v39;
	p0 =	sne.s32 s13, $0x4;
	v33 =	vsub.f32 v34, v33  }
.Ltmp5:
0x25c: {  	v63 =	vadd.f32 v62, v35;
	(pc) =	sbr.rel @p0 .LBB2_2-.Ltmp5, $3  }
0x25d: {  	v33 =	vand.u32 $0x7FFFFFFF, v33  }
0x25e: {  	v33 =	vadd.f32 v33, v63;
	_ =	sdelay $0x1  }
0x25f: {  	[tilespmem:s14+$0x13B00] =	vst v33  }
0x260: {  	s13 =	simm.s32 $0x0;
	s14 =	rddreg [dreg:$0x11]  }
0x261: {  	[tilespmem:s13], [sflag:$0x1] =	stream.linear.gather [hbm4b:s14+s13], $0x2000, $0x38;
	[tilespmem:$0x13C80] =	vst v63  }
0x262: {  	s15 =	rddreg [dreg:$0x12]  }
0x263: {  	[tilespmem:s20], [sflag:$0x1] =	stream.linear.gather [hbm4b:s15+s13], $0x2000, $0x38;
	[tilespmem:$0x13C80] =	vst v63  }
0x264: {  	s16 =	rddreg [dreg:$0x13]  }
0x265: {  	[tilespmem:s21], [sflag:$0x1] =	stream.linear.gather [hbm4b:s16+s13], $0x2000, $0x38;
	[tilespmem:$0x13C80] =	vst v63  }
0x266: {  	s17 =	rddreg [dreg:$0x14]  }
0x267: {  	[tilespmem:s22], [sflag:$0x1] =	stream.linear.gather [hbm4b:s17+s13], $0x400, $0x38;
	[tilespmem:$0x13C80] =	vst v63  }
0x268: {  	s18 =	rddreg [dreg:$0x15]  }
0x269: {  	[tilespmem:s23], [sflag:$0x1] =	stream.linear.gather [hbm4b:s18+s13], $0x400, $0x38;
	[tilespmem:$0x13C80] =	vst v63  }
0x26a: {  	s19 =	rddreg [dreg:$0x16]  }
0x26b: {  	[tilespmem:s24], [sflag:$0x1] =	stream.linear.gather [hbm4b:s19+s13], $0x400, $0x38;
	[tilespmem:$0x13C80] =	vst v63  }
0x26c: {  	_ =	swait.ge [sflag:s25], $0x2000  }
0x26d: {  	[sflag:s25] =	ssyncset.done $0x0  }
0x26e: {  	[sflag:s25] =	ssyncadd.s32 $0xFFFFE000  }
0x26f: {  	_ =	swait.ge [sflag:s25], $0x2000  }
0x270: {  	[sflag:s25] =	ssyncset.done $0x0  }
0x271: {  	[sflag:s25] =	ssyncadd.s32 $0xFFFFE000  }
0x272: {  	_ =	swait.ge [sflag:s25], $0x2000  }
0x273: {  	[sflag:s25] =	ssyncset.done $0x0  }
0x274: {  	[sflag:s25] =	ssyncadd.s32 $0xFFFFE000  }
0x275: {  	_ =	swait.ge [sflag:s25], $0x400  }
0x276: {  	[sflag:s25] =	ssyncset.done $0x0  }
0x277: {  	[sflag:s25] =	ssyncadd.s32 $0xFFFFFC00  }
0x278: {  	_ =	swait.ge [sflag:s25], $0x400  }
0x279: {  	[sflag:s25] =	ssyncset.done $0x0  }
0x27a: {  	[sflag:s25] =	ssyncadd.s32 $0xFFFFFC00  }
0x27b: {  	_ =	swait.ge [sflag:s25], $0x400  }
0x27c: {  	[sflag:s25] =	ssyncset.done $0x0  }
0x27d: {  	[sflag:s25] =	ssyncadd.s32 $0xFFFFFC00  }
0x27e: {  	v33 =	vld.idx.msk [tilespmem:v1+s22+$0x0], $0xffff;
	_ =	sdelay $0x4  }
0x27f: {  	[tilespmem:$0x12C00] =	vst v33  }
0x280: {  	v33 =	vld.idx.msk [tilespmem:v2+s22+$0x0], $0xffff;
	_ =	sdelay $0x4  }
0x281: {  	[tilespmem:$0x12C10] =	vst v33  }
0x282: {  	v33 =	vld.idx.msk [tilespmem:v3+s22+$0x0], $0xffff;
	_ =	sdelay $0x4  }
0x283: {  	[tilespmem:$0x12C20] =	vst v33  }
0x284: {  	v33 =	vld.idx.msk [tilespmem:v4+s22+$0x0], $0xffff;
	_ =	sdelay $0x4  }
0x285: {  	[tilespmem:$0x12C30] =	vst v33  }
0x286: {  	v33 =	vld.idx.msk [tilespmem:v6+s22+$0x0], $0xffff;
	_ =	sdelay $0x4  }
0x287: {  	[tilespmem:$0x12C40] =	vst v33  }
0x288: {  	v33 =	vld.idx.msk [tilespmem:v7+s22+$0x0], $0xffff;
	_ =	sdelay $0x4  }
0x289: {  	[tilespmem:$0x12C50] =	vst v33  }
0x28a: {  	v33 =	vld.idx.msk [tilespmem:v8+s22+$0x0], $0xffff;
	_ =	sdelay $0x4  }
0x28b: {  	[tilespmem:$0x12C60] =	vst v33  }
0x28c: {  	v33 =	vld.idx.msk [tilespmem:v9+s22+$0x0], $0xffff;
	_ =	sdelay $0x4  }
0x28d: {  	[tilespmem:$0x12C70] =	vst v33  }
0x28e: {  	v33 =	vld.idx.msk [tilespmem:v1+s24+$0x0], $0xffff;
	_ =	sdelay $0x4  }
0x28f: {  	[tilespmem:$0x12C80] =	vst v33  }
0x290: {  	v33 =	vld.idx.msk [tilespmem:v2+s24+$0x0], $0xffff;
	_ =	sdelay $0x4  }
0x291: {  	[tilespmem:$0x12C90] =	vst v33  }
0x292: {  	v33 =	vld.idx.msk [tilespmem:v3+s24+$0x0], $0xffff;
	_ =	sdelay $0x4  }
0x293: {  	[tilespmem:$0x12CA0] =	vst v33  }
0x294: {  	v33 =	vld.idx.msk [tilespmem:v4+s24+$0x0], $0xffff;
	_ =	sdelay $0x4  }
0x295: {  	[tilespmem:$0x12CB0] =	vst v33  }
0x296: {  	v33 =	vld.idx.msk [tilespmem:v6+s24+$0x0], $0xffff;
	_ =	sdelay $0x4  }
0x297: {  	[tilespmem:$0x12CC0] =	vst v33  }
0x298: {  	v33 =	vld.idx.msk [tilespmem:v7+s24+$0x0], $0xffff;
	_ =	sdelay $0x4  }
0x299: {  	[tilespmem:$0x12CD0] =	vst v33  }
0x29a: {  	v33 =	vld.idx.msk [tilespmem:v8+s24+$0x0], $0xffff;
	_ =	sdelay $0x4  }
0x29b: {  	[tilespmem:$0x12CE0] =	vst v33  }
0x29c: {  	v33 =	vld.idx.msk [tilespmem:v9+s24+$0x0], $0xffff;
	_ =	sdelay $0x4  }
0x29d: {  	[tilespmem:$0x12CF0] =	vst v33  }
0x29e: {  	v33 =	vld.idx.msk [tilespmem:v1+s23+$0x0], $0xffff;
	_ =	sdelay $0x4  }
0x29f: {  	[tilespmem:$0x12D00] =	vst v33  }
0x2a0: {  	v33 =	vld.idx.msk [tilespmem:v2+s23+$0x0], $0xffff;
	_ =	sdelay $0x4  }
0x2a1: {  	[tilespmem:$0x12D10] =	vst v33  }
0x2a2: {  	v33 =	vld.idx.msk [tilespmem:v3+s23+$0x0], $0xffff;
	_ =	sdelay $0x4  }
0x2a3: {  	[tilespmem:$0x12D20] =	vst v33  }
0x2a4: {  	v33 =	vld.idx.msk [tilespmem:v4+s23+$0x0], $0xffff;
	_ =	sdelay $0x4  }
0x2a5: {  	[tilespmem:$0x12D30] =	vst v33  }
0x2a6: {  	v33 =	vld.idx.msk [tilespmem:v6+s23+$0x0], $0xffff;
	_ =	sdelay $0x4  }
0x2a7: {  	[tilespmem:$0x12D40] =	vst v33  }
0x2a8: {  	v33 =	vld.idx.msk [tilespmem:v7+s23+$0x0], $0xffff;
	_ =	sdelay $0x4  }
0x2a9: {  	[tilespmem:$0x12D50] =	vst v33  }
0x2aa: {  	v33 =	vld.idx.msk [tilespmem:v8+s23+$0x0], $0xffff;
	_ =	sdelay $0x4  }
0x2ab: {  	[tilespmem:$0x12D60] =	vst v33  }
0x2ac: {  	v33 =	vld.idx.msk [tilespmem:v9+s23+$0x0], $0xffff;
	_ =	sdelay $0x4  }
0x2ad: {  	[tilespmem:$0x12D70] =	vst v33  }
0x2ae: {  	[tilespmem:s29], [sflag:$0x1] =	stream.indirect.gather [hbm4b:s3+s26], $0x40, s28, s26, $0xb8;
	[tilespmem:$0x13C80] =	vst v63  }
0x2af: {  	_ = 	snop  }
0x2b0: {  	[tilespmem:s31], [sflag:$0x1] =	stream.indirect.gather [hbm4b:s3+s26], $0x40, s30, s26, $0xb8;
	[tilespmem:$0x13C80] =	vst v63  }
0x2b1: {  	s14 =	simm.s32 $0x0  }
0x2b2: {  	[tilespmem:s1], [sflag:$0x1] =	stream.indirect.gather [hbm4b:s3+s26], $0x40, s0, s26, $0xb8;
	[tilespmem:$0x13C80] =	vst v63  }
.LBB2_14:
0x2b3: {  	s15 =	sshll.u32 s14, $0x5  }
0x2b4: {  	s16 =	sor.u32 $0x10, s15  }
0x2b5: {  	v33 =	vor.u32 s16, v0  }
0x2b6: {  	v34 =	vshll.u32 v33, $0x3;
	_ =	sdelay $0x4  }
0x2b7: {  	v35 =	vld.idx.msk [tilespmem:v34+s22+$0x0], $0xffff  }
0x2b8: {  	v36 =	vor.u32 $0x1, v34;
	_ =	sdelay $0x3  }
0x2b9: {  	[tilespmem:$0x12D80] =	vst v35  }
0x2ba: {  	v35 =	vld.idx.msk [tilespmem:v36+s22+$0x0], $0xffff  }
0x2bb: {  	v37 =	vor.u32 $0x2, v34;
	_ =	sdelay $0x3  }
0x2bc: {  	[tilespmem:$0x12D90] =	vst v35  }
0x2bd: {  	v35 =	vld.idx.msk [tilespmem:v37+s22+$0x0], $0xffff  }
0x2be: {  	v38 =	vor.u32 $0x3, v34;
	_ =	sdelay $0x3  }
0x2bf: {  	[tilespmem:$0x12DA0] =	vst v35  }
0x2c0: {  	v35 =	vld.idx.msk [tilespmem:v38+s22+$0x0], $0xffff  }
0x2c1: {  	v39 =	vor.u32 $0x4, v34;
	_ =	sdelay $0x3  }
0x2c2: {  	[tilespmem:$0x12DB0] =	vst v35  }
0x2c3: {  	v35 =	vld.idx.msk [tilespmem:v39+s22+$0x0], $0xffff  }
0x2c4: {  	v40 =	vor.u32 $0x5, v34;
	_ =	sdelay $0x3  }
0x2c5: {  	[tilespmem:$0x12DC0] =	vst v35  }
0x2c6: {  	v35 =	vld.idx.msk [tilespmem:v40+s22+$0x0], $0xffff  }
0x2c7: {  	v41 =	vor.u32 $0x6, v34;
	_ =	sdelay $0x3  }
0x2c8: {  	[tilespmem:$0x12DD0] =	vst v35  }
0x2c9: {  	v35 =	vld.idx.msk [tilespmem:v41+s22+$0x0], $0xffff  }
0x2ca: {  	v42 =	vor.u32 $0x7, v34;
	_ =	sdelay $0x3  }
0x2cb: {  	[tilespmem:$0x12DE0] =	vst v35  }
0x2cc: {  	v35 =	vld.idx.msk [tilespmem:v42+s22+$0x0], $0xffff;
	_ =	sdelay $0x4  }
0x2cd: {  	[tilespmem:$0x12DF0] =	vst v35  }
0x2ce: {  	v35 =	vld.idx.msk [tilespmem:v34+s24+$0x0], $0xffff;
	_ =	sdelay $0x4  }
0x2cf: {  	[tilespmem:$0x12E00] =	vst v35  }
0x2d0: {  	v35 =	vld.idx.msk [tilespmem:v36+s24+$0x0], $0xffff;
	_ =	sdelay $0x4  }
0x2d1: {  	[tilespmem:$0x12E10] =	vst v35  }
0x2d2: {  	v35 =	vld.idx.msk [tilespmem:v37+s24+$0x0], $0xffff;
	_ =	sdelay $0x4  }
0x2d3: {  	[tilespmem:$0x12E20] =	vst v35  }
0x2d4: {  	v35 =	vld.idx.msk [tilespmem:v38+s24+$0x0], $0xffff;
	_ =	sdelay $0x4  }
0x2d5: {  	[tilespmem:$0x12E30] =	vst v35  }
0x2d6: {  	v35 =	vld.idx.msk [tilespmem:v39+s24+$0x0], $0xffff;
	_ =	sdelay $0x4  }
0x2d7: {  	[tilespmem:$0x12E40] =	vst v35  }
0x2d8: {  	v35 =	vld.idx.msk [tilespmem:v40+s24+$0x0], $0xffff;
	_ =	sdelay $0x4  }
0x2d9: {  	[tilespmem:$0x12E50] =	vst v35  }
0x2da: {  	v35 =	vld.idx.msk [tilespmem:v41+s24+$0x0], $0xffff;
	_ =	sdelay $0x4  }
0x2db: {  	[tilespmem:$0x12E60] =	vst v35  }
0x2dc: {  	v35 =	vld.idx.msk [tilespmem:v42+s24+$0x0], $0xffff;
	_ =	sdelay $0x4  }
0x2dd: {  	[tilespmem:$0x12E70] =	vst v35  }
0x2de: {  	v34 =	vld.idx.msk [tilespmem:v34+s23+$0x0], $0xffff;
	_ =	sdelay $0x4  }
0x2df: {  	[tilespmem:$0x12E80] =	vst v34  }
0x2e0: {  	v34 =	vld.idx.msk [tilespmem:v36+s23+$0x0], $0xffff;
	_ =	sdelay $0x4  }
0x2e1: {  	[tilespmem:$0x12E90] =	vst v34  }
0x2e2: {  	v34 =	vld.idx.msk [tilespmem:v37+s23+$0x0], $0xffff;
	_ =	sdelay $0x4  }
0x2e3: {  	[tilespmem:$0x12EA0] =	vst v34  }
0x2e4: {  	v34 =	vld.idx.msk [tilespmem:v38+s23+$0x0], $0xffff;
	_ =	sdelay $0x4  }
0x2e5: {  	[tilespmem:$0x12EB0] =	vst v34  }
0x2e6: {  	v34 =	vld.idx.msk [tilespmem:v39+s23+$0x0], $0xffff;
	_ =	sdelay $0x4  }
0x2e7: {  	[tilespmem:$0x12EC0] =	vst v34  }
0x2e8: {  	v34 =	vld.idx.msk [tilespmem:v40+s23+$0x0], $0xffff;
	_ =	sdelay $0x4  }
0x2e9: {  	[tilespmem:$0x12ED0] =	vst v34  }
0x2ea: {  	v34 =	vld.idx.msk [tilespmem:v41+s23+$0x0], $0xffff;
	_ =	sdelay $0x4  }
0x2eb: {  	[tilespmem:$0x12EE0] =	vst v34  }
0x2ec: {  	v34 =	vld.idx.msk [tilespmem:v42+s23+$0x0], $0xffff;
	_ =	sdelay $0x4  }
0x2ed: {  	[tilespmem:$0x12EF0] =	vst v34  }
0x2ee: {  	[tilespmem:s5], [sflag:$0x2] =	stream.indirect.gather [hbm4b:s3+s26], $0x40, s4, s26, $0xb8;
	[tilespmem:$0x13C80] =	vst v63  }
0x2ef: {  	_ = 	snop  }
0x2f0: {  	[tilespmem:s7], [sflag:$0x2] =	stream.indirect.gather [hbm4b:s3+s26], $0x40, s6, s26, $0xb8;
	[tilespmem:$0x13C80] =	vst v63  }
0x2f1: {  	_ = 	snop  }
0x2f2: {  	[tilespmem:s9], [sflag:$0x2] =	stream.indirect.gather [hbm4b:s3+s26], $0x40, s8, s26, $0xb8;
	[tilespmem:$0x13C80] =	vst v63  }
0x2f3: {  	_ =	swait.ge [sflag:s25], $0x2000  }
0x2f4: {  	[sflag:s25] =	ssyncset.done $0x0  }
0x2f5: {  	v62 =	vmov s13;
	[sflag:s25] =	ssyncadd.s32 $0xFFFFE000  }
0x2f6: {  	v63 =	vand.u32 $0x3E, v62;
	_ =	swait.ge [sflag:s25], $0x2000  }
0x2f7: {  	v34 =	vor.u32 v5, v63;
	[sflag:s25] =	ssyncset.done $0x0  }
0x2f8: {  	v47 =	vor.u32 v26, v63;
	[sflag:s25] =	ssyncadd.s32 $0xFFFFE000  }
0x2f9: {  	v48 =	vor.u32 v27, v63;
	_ =	swait.ge [sflag:s25], $0x2000  }
0x2fa: {  	v49 =	vor.u32 v13, v63;
	[sflag:s25] =	ssyncset.done $0x0  }
0x2fb: {  	v50 =	vor.u32 v28, v63;
	[sflag:s25] =	ssyncadd.s32 $0xFFFFE000  }
0x2fc: {  	v51 =	vor.u32 v12, v63;
	v34 =	vld.idx.msk [tilespmem:v34+s29+$0x0], $0xffff  }
0x2fd: {  	v52 =	vor.u32 v19, v63;
	v36 =	vld.idx.msk [tilespmem:v47+s29+$0x0], $0xffff  }
0x2fe: {  	v53 =	vor.u32 v11, v63;
	v37 =	vld.idx.msk [tilespmem:v48+s29+$0x0], $0xffff  }
0x2ff: {  	v43 =	vor.u32 v17, v63;
	v38 =	vld.idx.msk [tilespmem:v49+s29+$0x0], $0xffff  }
0x300: {  	v44 =	vor.u32 v10, v63;
	v39 =	vld.idx.msk [tilespmem:v50+s29+$0x0], $0xffff  }
0x301: {  	v45 =	vor.u32 v25, v63;
	v40 =	vld.idx.msk [tilespmem:v51+s29+$0x0], $0xffff  }
0x302: {  	v46 =	vor.u32 v18, v63;
	v41 =	vld.idx.msk [tilespmem:v52+s29+$0x0], $0xffff  }
0x303: {  	v55 =	vor.u32 v31, v63;
	v42 =	vld.idx.msk [tilespmem:v53+s29+$0x0], $0xffff  }
0x304: {  	v35 =	vor.u32 v24, v63;
	v43 =	vld.idx.msk [tilespmem:v43+s29+$0x0], $0xffff  }
0x305: {  	v47 =	vor.u32 v20, v63;
	v44 =	vld.idx.msk [tilespmem:v44+s29+$0x0], $0xffff  }
0x306: {  	v48 =	vor.u32 v29, v63;
	v45 =	vld.idx.msk [tilespmem:v45+s29+$0x0], $0xffff  }
0x307: {  	v49 =	vor.u32 v14, v63;
	v46 =	vld.idx.msk [tilespmem:v46+s29+$0x0], $0xffff  }
0x308: {  	v50 =	vor.u32 v21, v63;
	v62 =	vld.idx.msk [tilespmem:v55+s29+$0x0], $0xffff  }
0x309: {  	v51 =	vor.u32 v30, v63;
	v35 =	vld.idx.msk [tilespmem:v35+s29+$0x0], $0xffff  }
0x30a: {  	v52 =	vor.u32 v22, v63;
	v47 =	vld.idx.msk [tilespmem:v47+s29+$0x0], $0xffff  }
0x30b: {  	v54 =	vmov s15;
	v53 =	vor.u32 v15, v63;
	v48 =	vld.idx.msk [tilespmem:v48+s29+$0x0], $0xffff;
	v44 =	vadd.f32 v44, v34  }
0x30c: {  	v54 =	vshll.u32 v54, $0x6;
	v56 =	vor.u32 v16, v63;
	v49 =	vld.idx.msk [tilespmem:v49+s29+$0x0], $0xffff;
	v36 =	vadd.f32 v36, v45  }
0x30d: {  	v57 =	vor.u32 v23, v63;
	v50 =	vld.idx.msk [tilespmem:v50+s29+$0x0], $0xffff;
	v43 =	vadd.f32 v46, v43;
	v42 =	vadd.f32 v42, v44  }
0x30e: {  	v45 =	vld.idx.msk [tilespmem:v51+s29+$0x0], $0xffff;
	v34 =	vor.u32 v5, v54;
	v54 =	vor.u32 v32, v63;
	v36 =	vadd.f32 v37, v36  }
0x30f: {  	v58 =	vld.idx.msk [tilespmem:v52+s29+$0x0], $0xffff;
	v61 =	vor.u32 s13, v34;
	v60 =	vadd.f32 v41, v43;
	v40 =	vadd.f32 v40, v42  }
0x310: {  	v59 =	vld.idx.msk [tilespmem:v53+s29+$0x0], $0xffff;
	v36 =	vadd.f32 v39, v36  }
0x311: {  	v63 =	vld.idx.msk [tilespmem:v56+s29+$0x0], $0xffff;
	v37 =	vadd.f32 v47, v60;
	v38 =	vadd.f32 v38, v40  }
0x312: {  	v52 =	vld.idx.msk [tilespmem:v57+s29+$0x0], $0xffff;
	v36 =	vadd.f32 v48, v36  }
0x313: {  	v53 =	vld.idx.msk [tilespmem:v54+s29+$0x0], $0xffff;
	v37 =	vadd.f32 v50, v37;
	v38 =	vadd.f32 v49, v38  }
0x314: {  	v46 =	vld.idx.msk [tilespmem:v61+s2+$0x0], $0xffff;
	v36 =	vadd.f32 v45, v36  }
0x315: {  	v54 =	vld.idx.msk [tilespmem:v61+s20+$0x0], $0xffff;
	v37 =	vadd.f32 v58, v37;
	v38 =	vadd.f32 v59, v38  }
0x316: {  	v41 =	vld.idx.msk [tilespmem:v61+s21+$0x0], $0xffff;
	v36 =	vadd.f32 v62, v36  }
0x317: {  	s19 =	simm.s32 $0x1;
	v37 =	vadd.f32 v52, v37;
	v38 =	vadd.f32 v63, v38  }
0x318: {  	v56 =	vmov s19;
	v55 =	vadd.f32 v53, v36;
	v36 =	vor.u32 s19, v34  }
0x319: {  	v35 =	vadd.f32 v35, v37;
	v57 =	vmul.f32 v46, v38;
	v38 =	vand.u32 $0x3F, v56  }
0x31a: {  	s17 =	simm.s32 $0x13310;
	v39 =	vmul.f32 v54, v55;
	v58 =	vor.u32 v17, v38  }
0x31b: {  	v35 =	vmul.f32 v41, v35;
	v59 =	vor.u32 v18, v38;
	[tilespmem:s17+$0xFFFFFBF0] =	vst v57  }
0x31c: {  	v60 =	vor.u32 v27, v38;
	[tilespmem:s17+$0x3F0] =	vst v39  }
0x31d: {  	v61 =	vor.u32 v11, v38;
	[tilespmem:s17+$0xFFFFFFF0] =	vst v35  }
0x31e: {  	v62 =	vor.u32 v10, v38;
	v37 =	vld.idx.msk [tilespmem:v36+s20+$0x0], $0xffff  }
0x31f: {  	v63 =	vor.u32 v31, v38;
	v40 =	vld.idx.msk [tilespmem:v58+s29+$0x0], $0xffff  }
0x320: {  	v49 =	vor.u32 v26, v38;
	v48 =	vld.idx.msk [tilespmem:v59+s29+$0x0], $0xffff  }
0x321: {  	v57 =	vor.u32 v25, v38;
	v44 =	vld.idx.msk [tilespmem:v60+s29+$0x0], $0xffff  }
0x322: {  	v43 =	vld.idx.msk [tilespmem:v61+s29+$0x0], $0xffff;
	v59 =	vor.u32 v32, v38  }
0x323: {  	v58 =	vmul.f32 v54, v54;
	v61 =	vmul.f32 v46, v46;
	v46 =	vld.idx.msk [tilespmem:v62+s29+$0x0], $0xffff  }
0x324: {  	v42 =	vor.u32 v20, v38;
	v53 =	vor.u32 v5, v38;
	v60 =	vimm.f32 $0.0e+00;
	v39 =	vld.idx.msk [tilespmem:v63+s29+$0x0], $0xffff  }
0x325: {  	v52 =	vor.u32 v30, v38;
	v47 =	vld.idx.msk [tilespmem:v49+s29+$0x0], $0xffff;
	v62 =	vadd.f32 v58, v60;
	v63 =	vmul.f32 v37, v37  }
0x326: {  	v50 =	vor.u32 v28, v38;
	v51 =	vor.u32 v19, v38;
	v49 =	vld.idx.msk [tilespmem:v57+s29+$0x0], $0xffff;
	v41 =	vadd.f32 v61, v60  }
0x327: {  	s18 =	simm.s32 $0x2;
	s16 =	simm.s32 $0x13310;
	v45 =	vadd.f32 v48, v40;
	v35 =	vadd.f32 v63, v62;
	v48 =	vor.u32 v29, v38;
	v40 =	vld.idx.msk [tilespmem:v59+s29+$0x0], $0xffff  }
.LBB2_15:
0x328: {  	p0 =	sne.s32 s18, $0x3E  }
0x329: {  	v53 =	vld.idx.msk [tilespmem:v53+s29+$0x0], $0xffff;
	s17 =	sadd.s32 $0x20, s17;
	s19 =	smov.u32 s18;
	s18 =	sadd.s32 $0x2, s18  }
0x32a: {  	v54 =	vor.u32 v12, v38;
	v52 =	vld.idx.msk [tilespmem:v52+s29+$0x0], $0xffff  }
0x32b: {  	v55 =	vor.u32 v21, v38;
	v50 =	vld.idx.msk [tilespmem:v50+s29+$0x0], $0xffff  }
0x32c: {  	v56 =	vor.u32 v13, v38;
	v51 =	vld.idx.msk [tilespmem:v51+s29+$0x0], $0xffff  }
0x32d: {  	v57 =	vor.u32 v22, v38;
	v47 =	vadd.f32 v47, v49;
	v48 =	vld.idx.msk [tilespmem:v48+s29+$0x0], $0xffff  }
0x32e: {  	v49 =	vor.u32 v14, v38;
	v42 =	vld.idx.msk [tilespmem:v42+s29+$0x0], $0xffff  }
0x32f: {  	v46 =	vadd.f32 v46, v53;
	v44 =	vadd.f32 v44, v47;
	v53 =	vld.idx.msk [tilespmem:v54+s29+$0x0], $0xffff;
	v54 =	vor.u32 v23, v38  }
0x330: {  	v47 =	vor.u32 v15, v38;
	v55 =	vld.idx.msk [tilespmem:v55+s29+$0x0], $0xffff  }
0x331: {  	v43 =	vadd.f32 v43, v46;
	v44 =	vadd.f32 v50, v44;
	v46 =	vld.idx.msk [tilespmem:v56+s29+$0x0], $0xffff;
	v56 =	vor.u32 v24, v38  }
0x332: {  	v38 =	vor.u32 v16, v38;
	v45 =	vadd.f32 v51, v45;
	v50 =	vld.idx.msk [tilespmem:v57+s29+$0x0], $0xffff  }
0x333: {  	v44 =	vadd.f32 v48, v44;
	v49 =	vld.idx.msk [tilespmem:v49+s29+$0x0], $0xffff  }
0x334: {  	v42 =	vadd.f32 v42, v45;
	v45 =	vld.idx.msk [tilespmem:v54+s29+$0x0], $0xffff  }
0x335: {  	v43 =	vadd.f32 v53, v43;
	v44 =	vadd.f32 v52, v44;
	v47 =	vld.idx.msk [tilespmem:v47+s29+$0x0], $0xffff  }
0x336: {  	v42 =	vadd.f32 v55, v42;
	v48 =	vld.idx.msk [tilespmem:v56+s29+$0x0], $0xffff  }
0x337: {  	v43 =	vadd.f32 v46, v43;
	v39 =	vadd.f32 v39, v44;
	v38 =	vld.idx.msk [tilespmem:v38+s29+$0x0], $0xffff  }
0x338: {  	v42 =	vadd.f32 v50, v42;
	v44 =	vld.idx.msk [tilespmem:v36+s21+$0x0], $0xffff  }
0x339: {  	v43 =	vadd.f32 v49, v43;
	v39 =	vadd.f32 v40, v39;
	v36 =	vld.idx.msk [tilespmem:v36+s2+$0x0], $0xffff  }
0x33a: {  	v40 =	vadd.f32 v45, v42  }
0x33b: {  	v42 =	vadd.f32 v47, v43;
	v37 =	vmul.f32 v37, v39  }
0x33c: {  	v39 =	vadd.f32 v48, v40  }
0x33d: {  	v38 =	vadd.f32 v38, v42;
	[tilespmem:s16+$0x400] =	vst v37  }
0x33e: {  	v37 =	vmul.f32 v44, v39  }
0x33f: {  	v39 =	vmov s19;
	v38 =	vmul.f32 v36, v38;
	v36 =	vmul.f32 v36, v36  }
0x340: {  	v42 =	vor.u32 s19, v34;
	v40 =	vand.u32 $0x3E, v39;
	[tilespmem:s16+$0x0] =	vst v37  }
0x341: {  	v43 =	vor.u32 v10, v40;
	v37 =	vor.u32 v5, v40;
	v39 =	vadd.f32 v36, v41;
	[tilespmem:s16+$0xFFFFFC00] =	vst v38;
	s16 =	smov.u32 s17  }
0x342: {  	v36 =	vor.u32 v17, v40;
	v41 =	vor.u32 v26, v40;
	v38 =	vor.u32 v18, v40  }
0x343: {  	v44 =	vor.u32 v11, v40;
	v45 =	vor.u32 v12, v40;
	v46 =	vor.u32 v27, v40  }
0x344: {  	v47 =	vor.u32 v13, v40;
	v48 =	vor.u32 v19, v40;
	v49 =	vor.u32 v28, v40  }
0x345: {  	v50 =	vor.u32 v14, v40;
	v51 =	vor.u32 v20, v40;
	v52 =	vor.u32 v29, v40;
	v53 =	vld.idx.msk [tilespmem:v42+s2+$0x0], $0xffff  }
0x346: {  	v54 =	vor.u32 v15, v40;
	v55 =	vor.u32 v21, v40;
	v56 =	vor.u32 v30, v40;
	v37 =	vld.idx.msk [tilespmem:v37+s29+$0x0], $0xffff  }
0x347: {  	v57 =	vor.u32 v16, v40;
	v58 =	vor.u32 v22, v40;
	v59 =	vor.u32 v31, v40;
	v41 =	vld.idx.msk [tilespmem:v41+s29+$0x0], $0xffff  }
0x348: {  	v60 =	vor.u32 v23, v40;
	v61 =	vor.u32 v24, v40;
	v62 =	vor.u32 v32, v40;
	v46 =	vld.idx.msk [tilespmem:v46+s29+$0x0], $0xffff  }
0x349: {  	v47 =	vld.idx.msk [tilespmem:v47+s29+$0x0], $0xffff  }
0x34a: {  	v49 =	vld.idx.msk [tilespmem:v49+s29+$0x0], $0xffff  }
0x34b: {  	v40 =	vor.u32 v25, v40;
	v45 =	vld.idx.msk [tilespmem:v45+s29+$0x0], $0xffff  }
0x34c: {  	v48 =	vld.idx.msk [tilespmem:v48+s29+$0x0], $0xffff  }
0x34d: {  	v44 =	vld.idx.msk [tilespmem:v44+s29+$0x0], $0xffff  }
0x34e: {  	v36 =	vld.idx.msk [tilespmem:v36+s29+$0x0], $0xffff  }
0x34f: {  	v43 =	vld.idx.msk [tilespmem:v43+s29+$0x0], $0xffff  }
0x350: {  	v40 =	vld.idx.msk [tilespmem:v40+s29+$0x0], $0xffff  }
0x351: {  	v38 =	vld.idx.msk [tilespmem:v38+s29+$0x0], $0xffff  }
0x352: {  	v51 =	vld.idx.msk [tilespmem:v51+s29+$0x0], $0xffff  }
0x353: {  	v52 =	vld.idx.msk [tilespmem:v52+s29+$0x0], $0xffff  }
0x354: {  	v50 =	vld.idx.msk [tilespmem:v50+s29+$0x0], $0xffff  }
0x355: {  	v37 =	vadd.f32 v43, v37;
	v43 =	vld.idx.msk [tilespmem:v55+s29+$0x0], $0xffff  }
0x356: {  	v40 =	vadd.f32 v41, v40;
	v41 =	vld.idx.msk [tilespmem:v56+s29+$0x0], $0xffff  }
0x357: {  	v37 =	vadd.f32 v44, v37;
	v36 =	vadd.f32 v38, v36;
	v38 =	vld.idx.msk [tilespmem:v58+s29+$0x0], $0xffff  }
0x358: {  	v40 =	vadd.f32 v46, v40;
	v44 =	vld.idx.msk [tilespmem:v54+s29+$0x0], $0xffff  }
0x359: {  	v37 =	vadd.f32 v45, v37;
	v36 =	vadd.f32 v48, v36;
	v45 =	vld.idx.msk [tilespmem:v59+s29+$0x0], $0xffff  }
0x35a: {  	v40 =	vadd.f32 v49, v40;
	v46 =	vld.idx.msk [tilespmem:v57+s29+$0x0], $0xffff  }
0x35b: {  	v37 =	vadd.f32 v47, v37;
	v36 =	vadd.f32 v51, v36;
	v47 =	vld.idx.msk [tilespmem:v60+s29+$0x0], $0xffff  }
0x35c: {  	v40 =	vadd.f32 v52, v40;
	v48 =	vld.idx.msk [tilespmem:v62+s29+$0x0], $0xffff  }
0x35d: {  	v37 =	vadd.f32 v50, v37;
	v36 =	vadd.f32 v43, v36;
	v43 =	vld.idx.msk [tilespmem:v61+s29+$0x0], $0xffff  }
0x35e: {  	v40 =	vadd.f32 v41, v40;
	v41 =	vld.idx.msk [tilespmem:v42+s20+$0x0], $0xffff  }
0x35f: {  	v37 =	vadd.f32 v44, v37;
	v36 =	vadd.f32 v38, v36;
	v42 =	vld.idx.msk [tilespmem:v42+s21+$0x0], $0xffff  }
0x360: {  	v38 =	vadd.f32 v45, v40  }
0x361: {  	v37 =	vadd.f32 v46, v37;
	v36 =	vadd.f32 v47, v36  }
0x362: {  	s19 =	sadd.s32 $0x1, s19;
	v38 =	vadd.f32 v48, v38  }
0x363: {  	v40 =	vadd.f32 v43, v36;
	v37 =	vmul.f32 v53, v37;
	v36 =	vmov s19  }
0x364: {  	v43 =	vmul.f32 v41, v38;
	v38 =	vand.u32 $0x3F, v36;
	v36 =	vor.u32 s19, v34  }
0x365: {  	[tilespmem:s17+$0xFFFFFBF0] =	vst v37;
	v37 =	vmul.f32 v42, v40;
	v40 =	vor.u32 v17, v38;
	v42 =	vor.u32 v20, v38  }
0x366: {  	[tilespmem:s17+$0x3F0] =	vst v43;
	v43 =	vor.u32 v18, v38  }
0x367: {  	v44 =	vor.u32 v27, v38;
	[tilespmem:s17+$0xFFFFFFF0] =	vst v37  }
0x368: {  	v45 =	vor.u32 v11, v38  }
0x369: {  	v46 =	vor.u32 v10, v38;
	v37 =	vld.idx.msk [tilespmem:v36+s20+$0x0], $0xffff  }
0x36a: {  	v47 =	vor.u32 v31, v38;
	v40 =	vld.idx.msk [tilespmem:v40+s29+$0x0], $0xffff  }
0x36b: {  	v49 =	vor.u32 v26, v38;
	v48 =	vld.idx.msk [tilespmem:v43+s29+$0x0], $0xffff  }
0x36c: {  	v41 =	vmul.f32 v41, v41;
	v54 =	vor.u32 v25, v38;
	v44 =	vld.idx.msk [tilespmem:v44+s29+$0x0], $0xffff  }
0x36d: {  	v50 =	vmul.f32 v53, v53;
	v55 =	vor.u32 v32, v38;
	v43 =	vld.idx.msk [tilespmem:v45+s29+$0x0], $0xffff  }
.Ltmp6:
0x36e: {  	v53 =	vor.u32 v5, v38;
	v35 =	vadd.f32 v41, v35;
	v46 =	vld.idx.msk [tilespmem:v46+s29+$0x0], $0xffff;
	(pc) =	sbr.rel @p0 .LBB2_15-.Ltmp6, $4  }
0x36f: {  	v52 =	vor.u32 v30, v38;
	v41 =	vadd.f32 v50, v39;
	v56 =	vmul.f32 v37, v37;
	v39 =	vld.idx.msk [tilespmem:v47+s29+$0x0], $0xffff  }
0x370: {  	v50 =	vor.u32 v28, v38;
	v47 =	vld.idx.msk [tilespmem:v49+s29+$0x0], $0xffff  }
0x371: {  	v51 =	vor.u32 v19, v38;
	v45 =	vadd.f32 v48, v40;
	v35 =	vadd.f32 v56, v35;
	v49 =	vld.idx.msk [tilespmem:v54+s29+$0x0], $0xffff  }
0x372: {  	v48 =	vor.u32 v29, v38;
	v40 =	vld.idx.msk [tilespmem:v55+s29+$0x0], $0xffff  }
0x373: {  	_ =	sdelay $0x3  }
0x374: {  	v34 =	vld.idx.msk [tilespmem:v36+s2+$0x0], $0xffff;
	_ =	sdelay $0x4  }
0x375: {  	v54 =	vmul.f32 v34, v34  }
0x376: {  	v53 =	vld.idx.msk [tilespmem:v53+s29+$0x0], $0xffff  }
0x377: {  	v55 =	vor.u32 v12, v38;
	v41 =	vadd.f32 v54, v41  }
0x378: {  	v52 =	vld.idx.msk [tilespmem:v52+s29+$0x0], $0xffff;
	v56 =	vor.u32 v13, v38;
	v57 =	vor.u32 v22, v38;
	v58 =	vshra.s32 v35, $0x1  }
0x379: {  	v50 =	vld.idx.msk [tilespmem:v50+s29+$0x0], $0xffff;
	v54 =	vor.u32 v21, v38;
	v61 =	vshra.s32 v41, $0x1;
	v41 =	vmul.f32 $5.000000000e-01, v41  }
0x37a: {  	v51 =	vld.idx.msk [tilespmem:v51+s29+$0x0], $0xffff;
	v35 =	vmul.f32 $5.000000000e-01, v35;
	v47 =	vadd.f32 v47, v49;
	v49 =	vsub.s32 $0x5F3759DF, v61  }
0x37b: {  	v48 =	vld.idx.msk [tilespmem:v48+s29+$0x0], $0xffff;
	v58 =	vsub.s32 $0x5F3759DF, v58;
	v46 =	vadd.f32 v46, v53;
	v62 =	vmul.f32 v49, v41  }
0x37c: {  	v59 =	vor.u32 v14, v38;
	v42 =	vld.idx.msk [tilespmem:v42+s29+$0x0], $0xffff;
	v63 =	vmul.f32 v58, v35;
	v44 =	vadd.f32 v44, v47  }
0x37d: {  	v55 =	vld.idx.msk [tilespmem:v55+s29+$0x0], $0xffff;
	v43 =	vadd.f32 v43, v46;
	v46 =	vor.u32 v23, v38;
	v53 =	vmul.f32 v49, v62  }
0x37e: {  	v60 =	vor.u32 v15, v38;
	v47 =	vmul.f32 v58, v63;
	v44 =	vadd.f32 v50, v44;
	v54 =	vld.idx.msk [tilespmem:v54+s29+$0x0], $0xffff  }
0x37f: {  	v56 =	vld.idx.msk [tilespmem:v56+s29+$0x0], $0xffff;
	v45 =	vadd.f32 v51, v45;
	v61 =	vor.u32 v24, v38;
	v53 =	vsub.f32 $1.500000000e+00, v53  }
0x380: {  	v63 =	vld.idx.msk [tilespmem:v57+s29+$0x0], $0xffff;
	v47 =	vsub.f32 $1.500000000e+00, v47;
	v44 =	vadd.f32 v48, v44;
	v62 =	vor.u32 v16, v38  }
0x381: {  	v59 =	vld.idx.msk [tilespmem:v59+s29+$0x0], $0xffff;
	v42 =	vadd.f32 v42, v45;
	v57 =	vmul.f32 v49, v53  }
0x382: {  	v47 =	vmul.f32 v58, v47;
	v43 =	vadd.f32 v55, v43;
	v44 =	vadd.f32 v52, v44;
	v46 =	vld.idx.msk [tilespmem:v46+s29+$0x0], $0xffff  }
0x383: {  	v50 =	vld.idx.msk [tilespmem:v60+s29+$0x0], $0xffff;
	v42 =	vadd.f32 v54, v42;
	v60 =	vmul.f32 v57, v41  }
0x384: {  	v43 =	vadd.f32 v56, v43;
	v39 =	vadd.f32 v39, v44;
	v51 =	vld.idx.msk [tilespmem:v61+s29+$0x0], $0xffff;
	v61 =	vmul.f32 v47, v35  }
0x385: {  	v38 =	vld.idx.msk [tilespmem:v62+s29+$0x0], $0xffff;
	v42 =	vadd.f32 v63, v42;
	v62 =	vmul.f32 v60, v57  }
0x386: {  	v43 =	vadd.f32 v59, v43;
	v39 =	vadd.f32 v40, v39;
	v52 =	vmul.f32 v61, v47;
	v63 =	vld.idx.msk [tilespmem:v36+s21+$0x0], $0xffff  }
0x387: {  	v42 =	vadd.f32 v46, v42;
	v53 =	vsub.f32 $1.500000000e+00, v62  }
0x388: {  	v43 =	vadd.f32 v50, v43;
	v40 =	vsub.f32 $1.500000000e+00, v52  }
0x389: {  	v42 =	vadd.f32 v51, v42;
	v44 =	vmul.f32 v53, v57  }
0x38a: {  	v37 =	vmul.f32 v37, v39;
	v54 =	vmul.f32 v40, v47;
	v38 =	vadd.f32 v38, v43  }
0x38b: {  	v36 =	vmul.f32 v63, v42;
	v55 =	vmul.f32 v44, v41  }
0x38c: {  	[tilespmem:s16+$0x400] =	vst v37;
	v35 =	vmul.f32 v54, v35;
	v34 =	vmul.f32 v34, v38  }
0x38d: {  	[tilespmem:s16+$0x0] =	vst v36;
	v56 =	vmul.f32 v55, v44  }
0x38e: {  	s19 =	simm.s32 $0x0;
	v57 =	vmul.f32 v35, v54;
	[tilespmem:s16+$0xFFFFFC00] =	vst v34  }
0x38f: {  	v59 =	vld [tilespmem:s19+$0x12F00];
	v58 =	vsub.f32 $1.500000000e+00, v56  }
0x390: {  	v34 =	vsub.f32 $1.500000000e+00, v57;
	v37 =	vld [tilespmem:s19+$0x13300]  }
0x391: {  	v35 =	vmul.f32 v58, v44  }
0x392: {  	v60 =	vld [tilespmem:s19+$0x13700];
	v34 =	vmul.f32 v34, v54  }
0x393: {  	v35 =	vmul.f32 $1.250000000e-01, v35  }
0x394: {  	s17 =	simm.s32 $0x10;
	v34 =	vmul.f32 $1.250000000e-01, v34  }
0x395: {  	v38 =	vld [tilespmem:s17+$0x13300];
	v61 =	vmul.f32 $1.250000000e-01, v37;
	v36 =	vmul.f32 v59, v35  }
0x396: {  	v37 =	vld [tilespmem:s17+$0x12F00]  }
0x397: {  	v63 =	vmul.f32 v60, v34;
	v62 =	vadd.f32 v61, v36  }
0x398: {  	v39 =	vld [tilespmem:s17+$0x13700]  }
0x399: {  	s16 =	simm.s32 $0x80;
	v36 =	vimm.f32 $0.0e+00;
	v40 =	vsub.f32 v62, v63  }
.LBB2_17:
0x39a: {  	s17 =	sshra.s32 s16, $0x2;
	p0 =	sne.s32 s16, $0xFC0  }
.Ltmp7:
0x39b: {  	s16 =	sadd.s32 $0x40, s16;
	v41 =	vmul.f32 v37, v35;
	v37 =	vld [tilespmem:s17+$0x12F00];
	v42 =	vmul.f32 $1.250000000e-01, v38;
	v40 =	vand.u32 $0x7FFFFFFF, v40;
	(pc) =	sbr.rel @p0 .LBB2_17-.Ltmp7, $4  }
0x39c: {  	v38 =	vld [tilespmem:s17+$0x13300];
	v36 =	vadd.f32 v40, v36  }
0x39d: {  	v40 =	vadd.f32 v42, v41;
	v41 =	vmul.f32 v39, v34  }
0x39e: {  	v39 =	vld [tilespmem:s17+$0x13700]  }
0x39f: {  	v40 =	vsub.f32 v40, v41  }
0x3a0: {  	_ = 	snop  }
0x3a1: {  	v35 =	vmul.f32 v37, v35;
	v61 =	vmul.f32 $1.250000000e-01, v38;
	_ =	sdelay $0x1  }
0x3a2: {  	v35 =	vadd.f32 v61, v35;
	v34 =	vmul.f32 v39, v34;
	_ =	sdelay $0x1  }
0x3a3: {  	p0 =	seq.s32 s14, $0x3;
	v62 =	vand.u32 $0x7FFFFFFF, v40;
	v34 =	vsub.f32 v35, v34  }
.Ltmp8:
0x3a4: {  	v63 =	vadd.f32 v62, v36;
	(pc) =	sbr.rel @p0 .LBB2_20-.Ltmp8, $3  }
0x3a5: {  	v34 =	vand.u32 $0x7FFFFFFF, v34  }
0x3a6: {  	v34 =	vadd.f32 v34, v63;
	_ =	sdelay $0x1  }
0x3a7: {  	[tilespmem:s15+$0x13B80] =	vst v34  }
0x3a8: {  	s16 =	sadd.s32 $0x20, s15  }
0x3a9: {  	v34 =	vmov s16  }
0x3aa: {  	v34 =	vshll.u32 v34, $0x3  }
0x3ab: {  	v34 =	vor.u32 v1, v34;
	_ =	sdelay $0x4  }
0x3ac: {  	v35 =	vld.idx.msk [tilespmem:v34+s22+$0x0], $0xffff  }
0x3ad: {  	v36 =	vor.u32 $0x1, v34;
	_ =	sdelay $0x3  }
0x3ae: {  	[tilespmem:$0x12C00] =	vst v35  }
0x3af: {  	v35 =	vld.idx.msk [tilespmem:v36+s22+$0x0], $0xffff  }
0x3b0: {  	v37 =	vor.u32 $0x2, v34;
	_ =	sdelay $0x3  }
0x3b1: {  	[tilespmem:$0x12C10] =	vst v35  }
0x3b2: {  	v35 =	vld.idx.msk [tilespmem:v37+s22+$0x0], $0xffff  }
0x3b3: {  	v38 =	vor.u32 $0x3, v34;
	_ =	sdelay $0x3  }
0x3b4: {  	[tilespmem:$0x12C20] =	vst v35  }
0x3b5: {  	v35 =	vld.idx.msk [tilespmem:v38+s22+$0x0], $0xffff  }
0x3b6: {  	v39 =	vor.u32 $0x4, v34;
	_ =	sdelay $0x3  }
0x3b7: {  	[tilespmem:$0x12C30] =	vst v35  }
0x3b8: {  	v35 =	vld.idx.msk [tilespmem:v39+s22+$0x0], $0xffff  }
0x3b9: {  	v40 =	vor.u32 $0x5, v34;
	_ =	sdelay $0x3  }
0x3ba: {  	[tilespmem:$0x12C40] =	vst v35  }
0x3bb: {  	v35 =	vld.idx.msk [tilespmem:v40+s22+$0x0], $0xffff  }
0x3bc: {  	v41 =	vor.u32 $0x6, v34;
	_ =	sdelay $0x3  }
0x3bd: {  	[tilespmem:$0x12C50] =	vst v35  }
0x3be: {  	v35 =	vld.idx.msk [tilespmem:v41+s22+$0x0], $0xffff  }
0x3bf: {  	v42 =	vor.u32 $0x7, v34;
	_ =	sdelay $0x3  }
0x3c0: {  	[tilespmem:$0x12C60] =	vst v35  }
0x3c1: {  	v35 =	vld.idx.msk [tilespmem:v42+s22+$0x0], $0xffff;
	_ =	sdelay $0x4  }
0x3c2: {  	[tilespmem:$0x12C70] =	vst v35  }
0x3c3: {  	v35 =	vld.idx.msk [tilespmem:v34+s24+$0x0], $0xffff;
	_ =	sdelay $0x4  }
0x3c4: {  	[tilespmem:$0x12C80] =	vst v35  }
0x3c5: {  	v35 =	vld.idx.msk [tilespmem:v36+s24+$0x0], $0xffff;
	_ =	sdelay $0x4  }
0x3c6: {  	[tilespmem:$0x12C90] =	vst v35  }
0x3c7: {  	v35 =	vld.idx.msk [tilespmem:v37+s24+$0x0], $0xffff;
	_ =	sdelay $0x4  }
0x3c8: {  	[tilespmem:$0x12CA0] =	vst v35  }
0x3c9: {  	v35 =	vld.idx.msk [tilespmem:v38+s24+$0x0], $0xffff;
	_ =	sdelay $0x4  }
0x3ca: {  	[tilespmem:$0x12CB0] =	vst v35  }
0x3cb: {  	v35 =	vld.idx.msk [tilespmem:v39+s24+$0x0], $0xffff;
	_ =	sdelay $0x4  }
0x3cc: {  	[tilespmem:$0x12CC0] =	vst v35  }
0x3cd: {  	v35 =	vld.idx.msk [tilespmem:v40+s24+$0x0], $0xffff;
	_ =	sdelay $0x4  }
0x3ce: {  	[tilespmem:$0x12CD0] =	vst v35  }
0x3cf: {  	v35 =	vld.idx.msk [tilespmem:v41+s24+$0x0], $0xffff;
	_ =	sdelay $0x4  }
0x3d0: {  	[tilespmem:$0x12CE0] =	vst v35  }
0x3d1: {  	v35 =	vld.idx.msk [tilespmem:v42+s24+$0x0], $0xffff;
	_ =	sdelay $0x4  }
0x3d2: {  	[tilespmem:$0x12CF0] =	vst v35  }
0x3d3: {  	v34 =	vld.idx.msk [tilespmem:v34+s23+$0x0], $0xffff;
	_ =	sdelay $0x4  }
0x3d4: {  	[tilespmem:$0x12D00] =	vst v34  }
0x3d5: {  	v34 =	vld.idx.msk [tilespmem:v36+s23+$0x0], $0xffff;
	_ =	sdelay $0x4  }
0x3d6: {  	[tilespmem:$0x12D10] =	vst v34  }
0x3d7: {  	v34 =	vld.idx.msk [tilespmem:v37+s23+$0x0], $0xffff;
	_ =	sdelay $0x4  }
0x3d8: {  	[tilespmem:$0x12D20] =	vst v34  }
0x3d9: {  	v34 =	vld.idx.msk [tilespmem:v38+s23+$0x0], $0xffff;
	_ =	sdelay $0x4  }
0x3da: {  	[tilespmem:$0x12D30] =	vst v34  }
0x3db: {  	v34 =	vld.idx.msk [tilespmem:v39+s23+$0x0], $0xffff;
	_ =	sdelay $0x4  }
0x3dc: {  	[tilespmem:$0x12D40] =	vst v34  }
0x3dd: {  	v34 =	vld.idx.msk [tilespmem:v40+s23+$0x0], $0xffff;
	_ =	sdelay $0x4  }
0x3de: {  	[tilespmem:$0x12D50] =	vst v34  }
0x3df: {  	v34 =	vld.idx.msk [tilespmem:v41+s23+$0x0], $0xffff;
	_ =	sdelay $0x4  }
0x3e0: {  	[tilespmem:$0x12D60] =	vst v34  }
0x3e1: {  	v34 =	vld.idx.msk [tilespmem:v42+s23+$0x0], $0xffff;
	_ =	sdelay $0x4  }
0x3e2: {  	[tilespmem:$0x12D70] =	vst v34  }
0x3e3: {  	[tilespmem:s29], [sflag:$0x1] =	stream.indirect.gather [hbm4b:s3+s26], $0x40, s28, s26, $0xb8;
	[tilespmem:$0x13C80] =	vst v63  }
0x3e4: {  	_ = 	snop  }
0x3e5: {  	[tilespmem:s31], [sflag:$0x1] =	stream.indirect.gather [hbm4b:s3+s26], $0x40, s30, s26, $0xb8;
	[tilespmem:$0x13C80] =	vst v63  }
0x3e6: {  	_ = 	snop  }
0x3e7: {  	[tilespmem:s1], [sflag:$0x1] =	stream.indirect.gather [hbm4b:s3+s26], $0x40, s0, s26, $0xb8;
	[tilespmem:$0x13C80] =	vst v63  }
.LBB2_20:
0x3e8: {  	_ =	swait.ge [sflag:s10], $0x2000  }
0x3e9: {  	s16 =	simm.s32 $0x0;
	[sflag:s10] =	ssyncset.done $0x0  }
0x3ea: {  	v34 =	vmov s16;
	[sflag:s10] =	ssyncadd.s32 $0xFFFFE000  }
0x3eb: {  	v34 =	vand.u32 $0x3E, v34;
	_ =	swait.ge [sflag:s10], $0x2000  }
0x3ec: {  	v35 =	vor.u32 v5, v34;
	[sflag:s10] =	ssyncset.done $0x0  }
0x3ed: {  	v36 =	vor.u32 v26, v34;
	[sflag:s10] =	ssyncadd.s32 $0xFFFFE000  }
0x3ee: {  	v37 =	vor.u32 v27, v34;
	_ =	swait.ge [sflag:s10], $0x2000  }
0x3ef: {  	v38 =	vor.u32 v13, v34;
	[sflag:s10] =	ssyncset.done $0x0  }
0x3f0: {  	v39 =	vor.u32 v28, v34;
	[sflag:s10] =	ssyncadd.s32 $0xFFFFE000  }
0x3f1: {  	v40 =	vor.u32 v12, v34;
	v35 =	vld.idx.msk [tilespmem:v35+s5+$0x0], $0xffff  }
0x3f2: {  	v41 =	vor.u32 v19, v34;
	v36 =	vld.idx.msk [tilespmem:v36+s5+$0x0], $0xffff  }
0x3f3: {  	v42 =	vor.u32 v11, v34;
	v37 =	vld.idx.msk [tilespmem:v37+s5+$0x0], $0xffff  }
0x3f4: {  	v43 =	vor.u32 v17, v34;
	v38 =	vld.idx.msk [tilespmem:v38+s5+$0x0], $0xffff  }
0x3f5: {  	v44 =	vor.u32 v10, v34;
	v39 =	vld.idx.msk [tilespmem:v39+s5+$0x0], $0xffff  }
0x3f6: {  	v45 =	vor.u32 v25, v34;
	v40 =	vld.idx.msk [tilespmem:v40+s5+$0x0], $0xffff  }
0x3f7: {  	v46 =	vor.u32 v18, v34;
	v41 =	vld.idx.msk [tilespmem:v41+s5+$0x0], $0xffff  }
0x3f8: {  	v47 =	vor.u32 v20, v34;
	v42 =	vld.idx.msk [tilespmem:v42+s5+$0x0], $0xffff  }
0x3f9: {  	v48 =	vor.u32 v29, v34;
	v43 =	vld.idx.msk [tilespmem:v43+s5+$0x0], $0xffff  }
0x3fa: {  	v49 =	vor.u32 v14, v34;
	v44 =	vld.idx.msk [tilespmem:v44+s5+$0x0], $0xffff  }
0x3fb: {  	v51 =	vor.u32 v30, v34;
	v45 =	vld.idx.msk [tilespmem:v45+s5+$0x0], $0xffff  }
0x3fc: {  	v52 =	vor.u32 v22, v34;
	v46 =	vld.idx.msk [tilespmem:v46+s5+$0x0], $0xffff  }
0x3fd: {  	v50 =	vor.u32 v21, v34;
	v47 =	vld.idx.msk [tilespmem:v47+s5+$0x0], $0xffff  }
0x3fe: {  	v53 =	vor.u32 v15, v34;
	v48 =	vld.idx.msk [tilespmem:v48+s5+$0x0], $0xffff  }
0x3ff: {  	v54 =	vor.u32 v31, v34;
	v49 =	vld.idx.msk [tilespmem:v49+s5+$0x0], $0xffff  }
0x400: {  	v55 =	vor.u32 v16, v34;
	v57 =	vld.idx.msk [tilespmem:v51+s5+$0x0], $0xffff;
	v35 =	vadd.f32 v44, v35  }
0x401: {  	v56 =	vor.u32 v23, v34;
	v59 =	vld.idx.msk [tilespmem:v52+s5+$0x0], $0xffff;
	v36 =	vadd.f32 v36, v45;
	v43 =	vadd.f32 v46, v43  }
0x402: {  	v33 =	vshll.u32 v33, $0x6;
	v58 =	vor.u32 v32, v34;
	v44 =	vld.idx.msk [tilespmem:v50+s5+$0x0], $0xffff;
	v35 =	vadd.f32 v42, v35  }
0x403: {  	v34 =	vor.u32 v24, v34;
	v60 =	vld.idx.msk [tilespmem:v53+s5+$0x0], $0xffff;
	v36 =	vadd.f32 v37, v36;
	v61 =	vadd.f32 v41, v43  }
0x404: {  	v62 =	vor.u32 s16, v33;
	v63 =	vld.idx.msk [tilespmem:v54+s5+$0x0], $0xffff;
	v35 =	vadd.f32 v40, v35  }
0x405: {  	v52 =	vld.idx.msk [tilespmem:v55+s5+$0x0], $0xffff;
	v36 =	vadd.f32 v39, v36;
	v37 =	vadd.f32 v47, v61  }
0x406: {  	v53 =	vld.idx.msk [tilespmem:v56+s5+$0x0], $0xffff;
	v35 =	vadd.f32 v38, v35  }
0x407: {  	v54 =	vld.idx.msk [tilespmem:v58+s5+$0x0], $0xffff;
	v36 =	vadd.f32 v48, v36;
	v37 =	vadd.f32 v44, v37  }
0x408: {  	v34 =	vld.idx.msk [tilespmem:v34+s5+$0x0], $0xffff;
	v35 =	vadd.f32 v49, v35  }
0x409: {  	v44 =	vld.idx.msk [tilespmem:v62+s2+$0x0], $0xffff;
	v36 =	vadd.f32 v57, v36;
	v37 =	vadd.f32 v59, v37  }
0x40a: {  	v55 =	vld.idx.msk [tilespmem:v62+s20+$0x0], $0xffff;
	v35 =	vadd.f32 v60, v35  }
0x40b: {  	s19 =	simm.s32 $0x1;
	v41 =	vld.idx.msk [tilespmem:v62+s21+$0x0], $0xffff;
	v36 =	vadd.f32 v63, v36;
	v37 =	vadd.f32 v53, v37  }
0x40c: {  	v56 =	vmov s19;
	v35 =	vadd.f32 v52, v35  }
0x40d: {  	v36 =	vadd.f32 v54, v36;
	v34 =	vadd.f32 v34, v37;
	v37 =	vand.u32 $0x3F, v56  }
0x40e: {  	v58 =	vor.u32 v17, v37;
	v57 =	vmul.f32 v44, v35  }
0x40f: {  	s17 =	simm.s32 $0x13310;
	v59 =	vor.u32 v18, v37;
	v36 =	vmul.f32 v55, v36  }
0x410: {  	v35 =	vor.u32 s19, v33;
	v34 =	vmul.f32 v41, v34;
	[tilespmem:s17+$0xFFFFFBF0] =	vst v57  }
0x411: {  	v60 =	vor.u32 v27, v37;
	[tilespmem:s17+$0x3F0] =	vst v36  }
0x412: {  	v61 =	vor.u32 v11, v37;
	[tilespmem:s17+$0xFFFFFFF0] =	vst v34  }
0x413: {  	v62 =	vor.u32 v10, v37;
	v39 =	vld.idx.msk [tilespmem:v58+s5+$0x0], $0xffff  }
0x414: {  	v63 =	vor.u32 v31, v37;
	v47 =	vld.idx.msk [tilespmem:v59+s5+$0x0], $0xffff  }
0x415: {  	v48 =	vor.u32 v26, v37;
	v36 =	vld.idx.msk [tilespmem:v35+s20+$0x0], $0xffff  }
0x416: {  	v57 =	vor.u32 v25, v37;
	v43 =	vld.idx.msk [tilespmem:v60+s5+$0x0], $0xffff  }
0x417: {  	v42 =	vld.idx.msk [tilespmem:v61+s5+$0x0], $0xffff;
	v59 =	vor.u32 v32, v37  }
0x418: {  	v52 =	vor.u32 v5, v37;
	v58 =	vmul.f32 v55, v55;
	v45 =	vld.idx.msk [tilespmem:v62+s5+$0x0], $0xffff  }
0x419: {  	v51 =	vor.u32 v30, v37;
	v60 =	vimm.f32 $0.0e+00;
	v61 =	vmul.f32 v44, v44;
	v38 =	vld.idx.msk [tilespmem:v63+s5+$0x0], $0xffff  }
0x41a: {  	v49 =	vor.u32 v28, v37;
	v46 =	vld.idx.msk [tilespmem:v48+s5+$0x0], $0xffff;
	v62 =	vadd.f32 v58, v60;
	v63 =	vmul.f32 v36, v36  }
0x41b: {  	v50 =	vor.u32 v19, v37;
	v41 =	vor.u32 v20, v37;
	v40 =	vadd.f32 v61, v60;
	v48 =	vld.idx.msk [tilespmem:v57+s5+$0x0], $0xffff  }
0x41c: {  	s18 =	simm.s32 $0x2;
	s16 =	simm.s32 $0x13310;
	v44 =	vadd.f32 v47, v39;
	v47 =	vor.u32 v29, v37;
	v39 =	vld.idx.msk [tilespmem:v59+s5+$0x0], $0xffff;
	v34 =	vadd.f32 v63, v62  }
.LBB2_21:
0x41d: {  	p0 =	sne.s32 s18, $0x3E  }
0x41e: {  	v52 =	vld.idx.msk [tilespmem:v52+s5+$0x0], $0xffff;
	s17 =	sadd.s32 $0x20, s17;
	s19 =	smov.u32 s18;
	s18 =	sadd.s32 $0x2, s18  }
0x41f: {  	v53 =	vor.u32 v12, v37;
	v51 =	vld.idx.msk [tilespmem:v51+s5+$0x0], $0xffff  }
0x420: {  	v54 =	vor.u32 v21, v37;
	v49 =	vld.idx.msk [tilespmem:v49+s5+$0x0], $0xffff  }
0x421: {  	v55 =	vor.u32 v13, v37;
	v50 =	vld.idx.msk [tilespmem:v50+s5+$0x0], $0xffff  }
0x422: {  	v56 =	vor.u32 v22, v37;
	v46 =	vadd.f32 v46, v48;
	v47 =	vld.idx.msk [tilespmem:v47+s5+$0x0], $0xffff  }
0x423: {  	v48 =	vor.u32 v14, v37;
	v41 =	vld.idx.msk [tilespmem:v41+s5+$0x0], $0xffff  }
0x424: {  	v45 =	vadd.f32 v45, v52;
	v43 =	vadd.f32 v43, v46;
	v52 =	vld.idx.msk [tilespmem:v53+s5+$0x0], $0xffff;
	v53 =	vor.u32 v23, v37  }
0x425: {  	v46 =	vor.u32 v15, v37;
	v54 =	vld.idx.msk [tilespmem:v54+s5+$0x0], $0xffff  }
0x426: {  	v42 =	vadd.f32 v42, v45;
	v43 =	vadd.f32 v49, v43;
	v45 =	vld.idx.msk [tilespmem:v55+s5+$0x0], $0xffff;
	v55 =	vor.u32 v24, v37  }
0x427: {  	v37 =	vor.u32 v16, v37;
	v44 =	vadd.f32 v50, v44;
	v49 =	vld.idx.msk [tilespmem:v56+s5+$0x0], $0xffff  }
0x428: {  	v43 =	vadd.f32 v47, v43;
	v48 =	vld.idx.msk [tilespmem:v48+s5+$0x0], $0xffff  }
0x429: {  	v41 =	vadd.f32 v41, v44;
	v44 =	vld.idx.msk [tilespmem:v53+s5+$0x0], $0xffff  }
0x42a: {  	v42 =	vadd.f32 v52, v42;
	v43 =	vadd.f32 v51, v43;
	v46 =	vld.idx.msk [tilespmem:v46+s5+$0x0], $0xffff  }
0x42b: {  	v41 =	vadd.f32 v54, v41;
	v47 =	vld.idx.msk [tilespmem:v55+s5+$0x0], $0xffff  }
0x42c: {  	v42 =	vadd.f32 v45, v42;
	v38 =	vadd.f32 v38, v43;
	v37 =	vld.idx.msk [tilespmem:v37+s5+$0x0], $0xffff  }
0x42d: {  	v41 =	vadd.f32 v49, v41;
	v43 =	vld.idx.msk [tilespmem:v35+s21+$0x0], $0xffff  }
0x42e: {  	v42 =	vadd.f32 v48, v42;
	v38 =	vadd.f32 v39, v38;
	v35 =	vld.idx.msk [tilespmem:v35+s2+$0x0], $0xffff  }
0x42f: {  	v39 =	vadd.f32 v44, v41  }
0x430: {  	v41 =	vadd.f32 v46, v42;
	v36 =	vmul.f32 v36, v38  }
0x431: {  	v38 =	vadd.f32 v47, v39  }
0x432: {  	v37 =	vadd.f32 v37, v41;
	[tilespmem:s16+$0x400] =	vst v36  }
0x433: {  	v36 =	vmul.f32 v43, v38  }
0x434: {  	v38 =	vmov s19;
	v37 =	vmul.f32 v35, v37;
	v35 =	vmul.f32 v35, v35  }
0x435: {  	v41 =	vor.u32 s19, v33;
	v39 =	vand.u32 $0x3E, v38;
	[tilespmem:s16+$0x0] =	vst v36  }
0x436: {  	v42 =	vor.u32 v10, v39;
	v36 =	vor.u32 v5, v39;
	v38 =	vadd.f32 v35, v40;
	[tilespmem:s16+$0xFFFFFC00] =	vst v37;
	s16 =	smov.u32 s17  }
0x437: {  	v35 =	vor.u32 v17, v39;
	v40 =	vor.u32 v26, v39;
	v37 =	vor.u32 v18, v39  }
0x438: {  	v43 =	vor.u32 v11, v39;
	v44 =	vor.u32 v12, v39;
	v45 =	vor.u32 v27, v39  }
0x439: {  	v46 =	vor.u32 v13, v39;
	v47 =	vor.u32 v19, v39;
	v48 =	vor.u32 v28, v39  }
0x43a: {  	v49 =	vor.u32 v14, v39;
	v50 =	vor.u32 v20, v39;
	v51 =	vor.u32 v29, v39;
	v52 =	vld.idx.msk [tilespmem:v41+s2+$0x0], $0xffff  }
0x43b: {  	v53 =	vor.u32 v15, v39;
	v54 =	vor.u32 v21, v39;
	v55 =	vor.u32 v30, v39;
	v36 =	vld.idx.msk [tilespmem:v36+s5+$0x0], $0xffff  }
0x43c: {  	v56 =	vor.u32 v16, v39;
	v57 =	vor.u32 v22, v39;
	v58 =	vor.u32 v31, v39;
	v40 =	vld.idx.msk [tilespmem:v40+s5+$0x0], $0xffff  }
0x43d: {  	v59 =	vor.u32 v23, v39;
	v60 =	vor.u32 v24, v39;
	v61 =	vor.u32 v32, v39;
	v45 =	vld.idx.msk [tilespmem:v45+s5+$0x0], $0xffff  }
0x43e: {  	v46 =	vld.idx.msk [tilespmem:v46+s5+$0x0], $0xffff  }
0x43f: {  	v48 =	vld.idx.msk [tilespmem:v48+s5+$0x0], $0xffff  }
0x440: {  	v39 =	vor.u32 v25, v39;
	v44 =	vld.idx.msk [tilespmem:v44+s5+$0x0], $0xffff  }
0x441: {  	v47 =	vld.idx.msk [tilespmem:v47+s5+$0x0], $0xffff  }
0x442: {  	v43 =	vld.idx.msk [tilespmem:v43+s5+$0x0], $0xffff  }
0x443: {  	v35 =	vld.idx.msk [tilespmem:v35+s5+$0x0], $0xffff  }
0x444: {  	v42 =	vld.idx.msk [tilespmem:v42+s5+$0x0], $0xffff  }
0x445: {  	v39 =	vld.idx.msk [tilespmem:v39+s5+$0x0], $0xffff  }
0x446: {  	v37 =	vld.idx.msk [tilespmem:v37+s5+$0x0], $0xffff  }
0x447: {  	v50 =	vld.idx.msk [tilespmem:v50+s5+$0x0], $0xffff  }
0x448: {  	v51 =	vld.idx.msk [tilespmem:v51+s5+$0x0], $0xffff  }
0x449: {  	v49 =	vld.idx.msk [tilespmem:v49+s5+$0x0], $0xffff  }
0x44a: {  	v36 =	vadd.f32 v42, v36;
	v42 =	vld.idx.msk [tilespmem:v54+s5+$0x0], $0xffff  }
0x44b: {  	v39 =	vadd.f32 v40, v39;
	v40 =	vld.idx.msk [tilespmem:v55+s5+$0x0], $0xffff  }
0x44c: {  	v36 =	vadd.f32 v43, v36;
	v35 =	vadd.f32 v37, v35;
	v37 =	vld.idx.msk [tilespmem:v57+s5+$0x0], $0xffff  }
0x44d: {  	v39 =	vadd.f32 v45, v39;
	v43 =	vld.idx.msk [tilespmem:v53+s5+$0x0], $0xffff  }
0x44e: {  	v36 =	vadd.f32 v44, v36;
	v35 =	vadd.f32 v47, v35;
	v44 =	vld.idx.msk [tilespmem:v58+s5+$0x0], $0xffff  }
0x44f: {  	v39 =	vadd.f32 v48, v39;
	v45 =	vld.idx.msk [tilespmem:v56+s5+$0x0], $0xffff  }
0x450: {  	v36 =	vadd.f32 v46, v36;
	v35 =	vadd.f32 v50, v35;
	v46 =	vld.idx.msk [tilespmem:v59+s5+$0x0], $0xffff  }
0x451: {  	v39 =	vadd.f32 v51, v39;
	v47 =	vld.idx.msk [tilespmem:v61+s5+$0x0], $0xffff  }
0x452: {  	v36 =	vadd.f32 v49, v36;
	v35 =	vadd.f32 v42, v35;
	v42 =	vld.idx.msk [tilespmem:v60+s5+$0x0], $0xffff  }
0x453: {  	v39 =	vadd.f32 v40, v39;
	v40 =	vld.idx.msk [tilespmem:v41+s20+$0x0], $0xffff  }
0x454: {  	v36 =	vadd.f32 v43, v36;
	v35 =	vadd.f32 v37, v35;
	v41 =	vld.idx.msk [tilespmem:v41+s21+$0x0], $0xffff  }
0x455: {  	v37 =	vadd.f32 v44, v39  }
0x456: {  	v36 =	vadd.f32 v45, v36;
	v35 =	vadd.f32 v46, v35  }
0x457: {  	s19 =	sadd.s32 $0x1, s19;
	v37 =	vadd.f32 v47, v37  }
0x458: {  	v39 =	vadd.f32 v42, v35;
	v36 =	vmul.f32 v52, v36;
	v35 =	vmov s19  }
0x459: {  	v42 =	vmul.f32 v40, v37;
	v37 =	vand.u32 $0x3F, v35;
	v35 =	vor.u32 s19, v33  }
0x45a: {  	[tilespmem:s17+$0xFFFFFBF0] =	vst v36;
	v36 =	vmul.f32 v41, v39;
	v39 =	vor.u32 v17, v37;
	v41 =	vor.u32 v20, v37  }
0x45b: {  	[tilespmem:s17+$0x3F0] =	vst v42;
	v42 =	vor.u32 v18, v37  }
0x45c: {  	v43 =	vor.u32 v27, v37;
	[tilespmem:s17+$0xFFFFFFF0] =	vst v36  }
0x45d: {  	v44 =	vor.u32 v11, v37  }
0x45e: {  	v45 =	vor.u32 v10, v37;
	v36 =	vld.idx.msk [tilespmem:v35+s20+$0x0], $0xffff  }
0x45f: {  	v46 =	vor.u32 v31, v37;
	v39 =	vld.idx.msk [tilespmem:v39+s5+$0x0], $0xffff  }
0x460: {  	v48 =	vor.u32 v26, v37;
	v47 =	vld.idx.msk [tilespmem:v42+s5+$0x0], $0xffff  }
0x461: {  	v40 =	vmul.f32 v40, v40;
	v53 =	vor.u32 v25, v37;
	v43 =	vld.idx.msk [tilespmem:v43+s5+$0x0], $0xffff  }
0x462: {  	v49 =	vmul.f32 v52, v52;
	v54 =	vor.u32 v32, v37;
	v42 =	vld.idx.msk [tilespmem:v44+s5+$0x0], $0xffff  }
.Ltmp9:
0x463: {  	v52 =	vor.u32 v5, v37;
	v34 =	vadd.f32 v40, v34;
	v45 =	vld.idx.msk [tilespmem:v45+s5+$0x0], $0xffff;
	(pc) =	sbr.rel @p0 .LBB2_21-.Ltmp9, $4  }
0x464: {  	v51 =	vor.u32 v30, v37;
	v40 =	vadd.f32 v49, v38;
	v55 =	vmul.f32 v36, v36;
	v38 =	vld.idx.msk [tilespmem:v46+s5+$0x0], $0xffff  }
0x465: {  	v49 =	vor.u32 v28, v37;
	v46 =	vld.idx.msk [tilespmem:v48+s5+$0x0], $0xffff  }
0x466: {  	v50 =	vor.u32 v19, v37;
	v44 =	vadd.f32 v47, v39;
	v34 =	vadd.f32 v55, v34;
	v48 =	vld.idx.msk [tilespmem:v53+s5+$0x0], $0xffff  }
0x467: {  	v47 =	vor.u32 v29, v37;
	v39 =	vld.idx.msk [tilespmem:v54+s5+$0x0], $0xffff  }
0x468: {  	_ =	sdelay $0x3  }
0x469: {  	v33 =	vld.idx.msk [tilespmem:v35+s2+$0x0], $0xffff;
	_ =	sdelay $0x4  }
0x46a: {  	v53 =	vmul.f32 v33, v33  }
0x46b: {  	v52 =	vld.idx.msk [tilespmem:v52+s5+$0x0], $0xffff  }
0x46c: {  	v54 =	vor.u32 v12, v37;
	v40 =	vadd.f32 v53, v40  }
0x46d: {  	v51 =	vld.idx.msk [tilespmem:v51+s5+$0x0], $0xffff;
	v55 =	vor.u32 v13, v37;
	v56 =	vor.u32 v22, v37;
	v57 =	vshra.s32 v34, $0x1  }
0x46e: {  	v49 =	vld.idx.msk [tilespmem:v49+s5+$0x0], $0xffff;
	v53 =	vor.u32 v21, v37;
	v62 =	vshra.s32 v40, $0x1;
	v40 =	vmul.f32 $5.000000000e-01, v40  }
0x46f: {  	v50 =	vld.idx.msk [tilespmem:v50+s5+$0x0], $0xffff;
	v34 =	vmul.f32 $5.000000000e-01, v34;
	v46 =	vadd.f32 v46, v48;
	v48 =	vsub.s32 $0x5F3759DF, v62  }
0x470: {  	v47 =	vld.idx.msk [tilespmem:v47+s5+$0x0], $0xffff;
	v57 =	vsub.s32 $0x5F3759DF, v57;
	v45 =	vadd.f32 v45, v52;
	v63 =	vmul.f32 v48, v40  }
0x471: {  	v58 =	vor.u32 v14, v37;
	v41 =	vld.idx.msk [tilespmem:v41+s5+$0x0], $0xffff;
	v60 =	vmul.f32 v57, v34;
	v43 =	vadd.f32 v43, v46  }
0x472: {  	v54 =	vld.idx.msk [tilespmem:v54+s5+$0x0], $0xffff;
	v42 =	vadd.f32 v42, v45;
	v45 =	vor.u32 v23, v37;
	v52 =	vmul.f32 v48, v63  }
0x473: {  	v61 =	vor.u32 v15, v37;
	v46 =	vmul.f32 v57, v60;
	v43 =	vadd.f32 v49, v43;
	v53 =	vld.idx.msk [tilespmem:v53+s5+$0x0], $0xffff  }
0x474: {  	v55 =	vld.idx.msk [tilespmem:v55+s5+$0x0], $0xffff;
	v44 =	vadd.f32 v50, v44;
	v62 =	vor.u32 v24, v37;
	v52 =	vsub.f32 $1.500000000e+00, v52  }
0x475: {  	v56 =	vld.idx.msk [tilespmem:v56+s5+$0x0], $0xffff;
	v46 =	vsub.f32 $1.500000000e+00, v46;
	v43 =	vadd.f32 v47, v43;
	v63 =	vor.u32 v16, v37  }
0x476: {  	v60 =	vld.idx.msk [tilespmem:v58+s5+$0x0], $0xffff;
	v41 =	vadd.f32 v41, v44;
	v59 =	vmul.f32 v48, v52  }
0x477: {  	v46 =	vmul.f32 v57, v46;
	v42 =	vadd.f32 v54, v42;
	v43 =	vadd.f32 v51, v43;
	v45 =	vld.idx.msk [tilespmem:v45+s5+$0x0], $0xffff  }
0x478: {  	v49 =	vld.idx.msk [tilespmem:v61+s5+$0x0], $0xffff;
	v41 =	vadd.f32 v53, v41;
	v61 =	vmul.f32 v59, v40  }
0x479: {  	v42 =	vadd.f32 v55, v42;
	v38 =	vadd.f32 v38, v43;
	v50 =	vld.idx.msk [tilespmem:v62+s5+$0x0], $0xffff;
	v62 =	vmul.f32 v46, v34  }
0x47a: {  	v37 =	vld.idx.msk [tilespmem:v63+s5+$0x0], $0xffff;
	v41 =	vadd.f32 v56, v41;
	v63 =	vmul.f32 v61, v59  }
0x47b: {  	v51 =	vld.idx.msk [tilespmem:v35+s21+$0x0], $0xffff;
	v42 =	vadd.f32 v60, v42;
	v38 =	vadd.f32 v39, v38;
	v52 =	vmul.f32 v62, v46  }
0x47c: {  	v41 =	vadd.f32 v45, v41;
	v53 =	vsub.f32 $1.500000000e+00, v63  }
0x47d: {  	v42 =	vadd.f32 v49, v42;
	v39 =	vsub.f32 $1.500000000e+00, v52  }
0x47e: {  	v41 =	vadd.f32 v50, v41;
	v43 =	vmul.f32 v53, v59  }
0x47f: {  	v36 =	vmul.f32 v36, v38;
	v54 =	vmul.f32 v39, v46;
	v37 =	vadd.f32 v37, v42  }
0x480: {  	v35 =	vmul.f32 v51, v41;
	v55 =	vmul.f32 v43, v40  }
0x481: {  	[tilespmem:s16+$0x400] =	vst v36;
	v34 =	vmul.f32 v54, v34;
	v33 =	vmul.f32 v33, v37  }
0x482: {  	[tilespmem:s16+$0x0] =	vst v35;
	v56 =	vmul.f32 v55, v43  }
0x483: {  	s19 =	simm.s32 $0x0;
	v57 =	vmul.f32 v34, v54;
	[tilespmem:s16+$0xFFFFFC00] =	vst v33  }
0x484: {  	v59 =	vld [tilespmem:s19+$0x12F00];
	v58 =	vsub.f32 $1.500000000e+00, v56  }
0x485: {  	v33 =	vsub.f32 $1.500000000e+00, v57;
	v36 =	vld [tilespmem:s19+$0x13300]  }
0x486: {  	v34 =	vmul.f32 v58, v43  }
0x487: {  	v60 =	vld [tilespmem:s19+$0x13700];
	v33 =	vmul.f32 v33, v54  }
0x488: {  	v34 =	vmul.f32 $1.250000000e-01, v34  }
0x489: {  	s17 =	simm.s32 $0x10;
	v33 =	vmul.f32 $1.250000000e-01, v33  }
0x48a: {  	v37 =	vld [tilespmem:s17+$0x13300];
	v61 =	vmul.f32 $1.250000000e-01, v36;
	v35 =	vmul.f32 v59, v34  }
0x48b: {  	v36 =	vld [tilespmem:s17+$0x12F00]  }
0x48c: {  	v63 =	vmul.f32 v60, v33;
	v62 =	vadd.f32 v61, v35  }
0x48d: {  	v38 =	vld [tilespmem:s17+$0x13700]  }
0x48e: {  	s16 =	simm.s32 $0x80;
	v35 =	vimm.f32 $0.0e+00;
	v39 =	vsub.f32 v62, v63  }
.LBB2_23:
0x48f: {  	s17 =	sshra.s32 s16, $0x2;
	p0 =	sne.s32 s16, $0xFC0  }
.Ltmp10:
0x490: {  	s16 =	sadd.s32 $0x40, s16;
	v40 =	vmul.f32 v36, v34;
	v36 =	vld [tilespmem:s17+$0x12F00];
	v41 =	vmul.f32 $1.250000000e-01, v37;
	v39 =	vand.u32 $0x7FFFFFFF, v39;
	(pc) =	sbr.rel @p0 .LBB2_23-.Ltmp10, $4  }
0x491: {  	v37 =	vld [tilespmem:s17+$0x13300];
	v35 =	vadd.f32 v39, v35  }
0x492: {  	v39 =	vadd.f32 v41, v40;
	v40 =	vmul.f32 v38, v33  }
0x493: {  	v38 =	vld [tilespmem:s17+$0x13700]  }
0x494: {  	v39 =	vsub.f32 v39, v40  }
0x495: {  	_ = 	snop  }
0x496: {  	v34 =	vmul.f32 v36, v34;
	v61 =	vmul.f32 $1.250000000e-01, v37;
	_ =	sdelay $0x1  }
0x497: {  	v34 =	vadd.f32 v61, v34;
	v33 =	vmul.f32 v38, v33  }
0x498: {  	s14 =	sadd.s32 $0x1, s14  }
0x499: {  	v62 =	vand.u32 $0x7FFFFFFF, v39;
	p0 =	sne.s32 s14, $0x4;
	v33 =	vsub.f32 v34, v33  }
.Ltmp11:
0x49a: {  	v63 =	vadd.f32 v62, v35;
	(pc) =	sbr.rel @p0 .LBB2_14-.Ltmp11, $3  }
0x49b: {  	v33 =	vand.u32 $0x7FFFFFFF, v33  }
0x49c: {  	v33 =	vadd.f32 v33, v63;
	_ =	sdelay $0x1  }
0x49d: {  	[tilespmem:s15+$0x13B90] =	vst v33  }
0x49e: {  	v33 =	vld [tilespmem:$0x13B00]  }
0x49f: {  	v34 =	vld [tilespmem:$0x13B80]  }
0x4a0: {  	v35 =	vld [tilespmem:$0x13B10]  }
0x4a1: {  	v36 =	vld [tilespmem:$0x13B90]  }
0x4a2: {  	v37 =	vld [tilespmem:$0x13B20]  }
0x4a3: {  	v38 =	vld [tilespmem:$0x13BA0]  }
0x4a4: {  	v39 =	vld [tilespmem:$0x13B30]  }
0x4a5: {  	v40 =	vld [tilespmem:$0x13BB0]  }
0x4a6: {  	v41 =	vld [tilespmem:$0x13B40]  }
0x4a7: {  	v42 =	vld [tilespmem:$0x13BC0]  }
0x4a8: {  	v43 =	vld [tilespmem:$0x13B50]  }
0x4a9: {  	v44 =	vld [tilespmem:$0x13BD0]  }
0x4aa: {  	v45 =	vld [tilespmem:$0x13B60]  }
0x4ab: {  	v52 =	vld [tilespmem:$0x13BE0];
	v33 =	vsub.f32 v33, v34  }
0x4ac: {  	v53 =	vld [tilespmem:$0x13B70];
	v35 =	vsub.f32 v35, v36  }
0x4ad: {  	v54 =	vld [tilespmem:$0x13BF0];
	v37 =	vsub.f32 v37, v38;
	v33 =	vadd.f32 $1.000000000e+00, v33  }
0x4ae: {  	v39 =	vsub.f32 v39, v40;
	v35 =	vadd.f32 $1.000000000e+00, v35  }
0x4af: {  	v55 =	vsub.f32 v41, v42;
	v37 =	vadd.f32 $1.000000000e+00, v37;
	v33 =	vmax.f32 v33, $0.0e+00  }
0x4b0: {  	v34 =	vsub.f32 v45, v52;
	v39 =	vadd.f32 $1.000000000e+00, v39;
	v35 =	vmax.f32 v35, $0.0e+00;
	[tilespmem:$0x13C00] =	vst v33  }
0x4b1: {  	v56 =	vsub.f32 v43, v44;
	v58 =	vadd.f32 $1.000000000e+00, v55;
	v57 =	vmax.f32 v37, $0.0e+00;
	[tilespmem:$0x13C10] =	vst v35  }
0x4b2: {  	v59 =	vsub.f32 v53, v54;
	v34 =	vadd.f32 $1.000000000e+00, v34;
	v60 =	vmax.f32 v39, $0.0e+00;
	[tilespmem:$0x13C20] =	vst v57  }
0x4b3: {  	v61 =	vmax.f32 v58, $0.0e+00;
	v33 =	vadd.f32 $1.000000000e+00, v56;
	[tilespmem:$0x13C30] =	vst v60  }
0x4b4: {  	v62 =	vmax.f32 v34, $0.0e+00;
	[tilespmem:$0x13C40] =	vst v61;
	v35 =	vadd.f32 $1.000000000e+00, v59  }
0x4b5: {  	[tilespmem:$0x13C60] =	vst v62;
	v33 =	vmax.f32 v33, $0.0e+00  }
0x4b6: {  	v63 =	vmax.f32 v35, $0.0e+00;
	[tilespmem:$0x13C50] =	vst v33  }
0x4b7: {  	s13 =	rddreg [dreg:$0x17];
	s14 =	simm.s32 $0x13C00;
	[tilespmem:$0x13C70] =	vst v63  }
0x4b8: {  	[hbm4b:s13+s2] =	stream.linear.scatter [tilespmem:s14], [sflag:$0x3], $0x80, $0x38;
	[tilespmem:$0x13C80] =	vst v63  }
0x4b9: {  	_ =	swait.ge [sflag:s11], $0x80  }
0x4ba: {  	[sflag:s11] =	ssyncset.done $0x0  }
0x4bb: {  	s16 =	simm.s32 $0x13B00;
	s15 =	rddreg [dreg:$0x18];
	[sflag:s11] =	ssyncadd.s32 $0xFFFFFF80  }
0x4bc: {  	[hbm4b:s15+s2] =	stream.linear.scatter [tilespmem:s16], [sflag:$0x3], $0x80, $0x38;
	[tilespmem:$0x13C80] =	vst v63  }
0x4bd: {  	_ =	swait.ge [sflag:s11], $0x80  }
0x4be: {  	[sflag:s11] =	ssyncset.done $0x0  }
0x4bf: {  	s18 =	simm.s32 $0x13B80;
	s17 =	rddreg [dreg:$0x19];
	[sflag:s11] =	ssyncadd.s32 $0xFFFFFF80  }
0x4c0: {  	[hbm4b:s17+s2] =	stream.linear.scatter [tilespmem:s18], [sflag:$0x3], $0x80, $0x38;
	[tilespmem:$0x13C80] =	vst v63  }
0x4c1: {  	_ =	swait.ge [sflag:s11], $0x80  }
0x4c2: {  	s12 =	sadd.s32 $0x1, s12;
	s19 =	rddreg [dreg:$0x1a]  }
0x4c3: {  	p0 =	sne.s32 s12, s19  }
.Ltmp12:
0x4c4: {  	_ = 	snop;
	(pc) =	sbr.rel @p0 .LBB2_1-.Ltmp12, $3  }
0x4c5: {  	_ =	sdelay $0x1  }
0x4c6: {  	[sflag:s11] =	ssyncset.done $0x0  }
0x4c7: {  	[sflag:s11] =	ssyncadd.s32 $0xFFFFFF80  }
0x4c8: {  	_ =	sfence.sel $0x180000  }
0x4c9: {  	[bflag:$0x0] =	sbarrier.arrive $0xFFFF  }
0x4ca: {  	_ =	strace $0x90000047  }
0x4cb: {  	s0 =	stileid.u32;
	[bflag:$0x2] =	sbarrier.arrive $0xFFFF  }
0x4cc: {  	p0 =	sne.s32 s0, $0x0;
	s0 =	rddreg [dreg:$0xa]  }
0x4cd: {  	s0 =	sadd.s32 @!p0 $0x100000, s0  }
0x4ce: {  	[sflag:s0] =	ssyncadd.tile.s32 @!p0 $0x1;
	_ =	shalt  }
.Lfunc_end2:
_tile_overlayer_lowered:
.L_overlay_start_2:
0x4cf: {  	(tag) =	ssettag $0x2  }
0x4d0: {  	s0 =	rddreg [dreg:$0x0];
	s2 =	stileid.u32  }
0x4d1: {  	s1 =	rddreg [dreg:$0x1];
	p0 =	sne.s32 s2, $0x0  }
0x4d2: {  	s3 =	rddreg [dreg:$0x2];
	[bflag:$0x3] =	sbarrier.arrive $0xFFFF;
	s2 =	simm.s32 @!p0 $0x1C03  }
0x4d3: {  	[timem:s3], [sflag:s2] =	dma.local @!p0 [hbm:s0], s1  }
0x4d4: {  	s0 =	simm.s32 @!p0 $0x3  }
0x4d5: {  	_ =	swait.ge @!p0 [sflag:s0], s1  }
0x4d6: {  	s1 =	ssub.s32 @!p0 $0x0, s1;
	[sflag:s0] =	ssyncset.done @!p0 $0x0  }
0x4d7: {  	[sflag:s0] =	ssyncadd.s32 @!p0 s1  }
0x4d8: {  	[bflag:$0x3] =	sbarrier.arrive $0xFFFF  }
0x4d9: {  	_ =	shalt  }

</sc_bundles>
